<compile_context>
chip_gen: v7x
topology: tpu7x:2x2x1
jax: 0.10.2.dev20260603
libtpu: 0.0.44.dev20260713+nightly
codegen_flags: <defaults>
</compile_context>

<pallas_src>
import functools

import jax
import jax.numpy as jnp
import numpy as np
from jax import lax
from jax.experimental import pallas as pl
from jax.experimental.pallas import tpu as pltpu
from jax.experimental.pallas import tpu_sc as plsc

NB_HEADS = 8
HEAD_SIZE = 16
OUT_SIZE = NB_HEADS * HEAD_SIZE
LANES = 16
NC = 2
NS = 16
NW = NC * NS
ROW_W = 16 + OUT_SIZE


def _dot(a, b):
    return jax.lax.dot(a, b, precision=jax.lax.Precision.HIGHEST,
                       preferred_element_type=jnp.float32)


def _dense1_body(nf, hid, wa_nf, wa_h, ba, wm_nf, wm_h, bm, ws_nf, ws_h, bs,
                 att_o, v_o, sk_o):
    a = nf[...]
    h = hid[...]
    att_o[...] = _dot(a, wa_nf[...]) + _dot(h, wa_h[...]) + ba[...]
    v_o[...] = _dot(a, wm_nf[...]) + _dot(h, wm_h[...]) + bm[...]
    sk_o[...] = _dot(a, ws_nf[...]) + _dot(h, ws_h[...]) + bs[...]


def _dense1(node_fts, hidden, wa_nf, wa_h, ba, wm_nf, wm_h, bm, ws_nf, ws_h, bs):
    n, d = node_fts.shape
    r = _row_block(n)
    grid = (n // r,)
    full = lambda shape: pl.BlockSpec(shape, lambda i: (0,) * len(shape))
    rows = lambda w: pl.BlockSpec((r, w), lambda i: (i, 0))
    return pl.pallas_call(
        _dense1_body,
        grid=grid,
        in_specs=[rows(128), rows(128), full((128, 16)), full((128, 16)),
                  full((1, 16)), full((128, 128)), full((128, 128)),
                  full((1, 128)), full((128, 128)), full((128, 128)),
                  full((1, 128))],
        out_specs=[rows(16), rows(128), rows(128)],
        out_shape=[jax.ShapeDtypeStruct((n, 16), jnp.float32),
                   jax.ShapeDtypeStruct((n, 128), jnp.float32),
                   jax.ShapeDtypeStruct((n, 128), jnp.float32)],
    )(node_fts, hidden, wa_nf, wa_h, ba, wm_nf, wm_h, bm, ws_nf, ws_h, bs)


def _row_block(n):
    for cand in (2000, 1000, 500, 250, 200, 100, 50, 25, 10, 8, 5, 4, 2):
        if n % cand == 0:
            return cand
    return n


def _ae_body(ef, w, b, o):
    o[...] = _dot(ef[...], w[...]) + b[...]


def _edge_att(gkt_edge_fts, wbig, b128):
    e = gkt_edge_fts.shape[0]
    assert e % 8 == 0
    ep = e // 8
    ef_packed = gkt_edge_fts.reshape(ep, 128)
    r = 5000 if ep % 5000 == 0 else _row_block(ep)
    out = pl.pallas_call(
        _ae_body,
        grid=(ep // r,),
        in_specs=[pl.BlockSpec((r, 128), lambda i: (i, 0)),
                  pl.BlockSpec((128, 128), lambda i: (0, 0)),
                  pl.BlockSpec((1, 128), lambda i: (0, 0))],
        out_specs=pl.BlockSpec((r, 128), lambda i: (i, 0)),
        out_shape=jax.ShapeDtypeStruct((ep, 128), jnp.float32),
    )(ef_packed, wbig, b128)
    return out.reshape(e, 16)


def _combine2_body(sc, nf, sk1, ksel, kacc, wa_nf, wa_h, ba, wm_nf, wm_h, bm,
                   ws_nf, ws_h, bs, att_o, v_o, sk_o):
    both = sc[0] + sc[1]
    s_rep = _dot(both, ksel[...])
    acc = _dot(both, kacc[...])
    ch = jnp.maximum(acc / jnp.maximum(s_rep, 1e-30) + sk1[...], 0.0)
    a = nf[...]
    att_o[...] = _dot(a, wa_nf[...]) + _dot(ch, wa_h[...]) + ba[...]
    v_o[...] = _dot(a, wm_nf[...]) + _dot(ch, wm_h[...]) + bm[...]
    sk_o[...] = _dot(a, ws_nf[...]) + _dot(ch, ws_h[...]) + bs[...]


def _combine2(sc_out, node_fts, sk1, ksel, kacc, wa_nf, wa_h, ba, wm_nf, wm_h,
              bm, ws_nf, ws_h, bs):
    n = node_fts.shape[0]
    r = _row_block(n)
    grid = (n // r,)
    full = lambda shape: pl.BlockSpec(shape, lambda i: (0,) * len(shape))
    rows = lambda w: pl.BlockSpec((r, w), lambda i: (i, 0))
    scs = pl.BlockSpec((2, r, ROW_W), lambda i: (0, i, 0))
    return pl.pallas_call(
        _combine2_body,
        grid=grid,
        in_specs=[scs, rows(128), rows(128), full((ROW_W, 128)),
                  full((ROW_W, 128)), full((128, 16)), full((128, 16)),
                  full((1, 16)), full((128, 128)), full((128, 128)),
                  full((1, 128)), full((128, 128)), full((128, 128)),
                  full((1, 128))],
        out_specs=[rows(16), rows(128), rows(128)],
        out_shape=[jax.ShapeDtypeStruct((n, 16), jnp.float32),
                   jax.ShapeDtypeStruct((n, 128), jnp.float32),
                   jax.ShapeDtypeStruct((n, 128), jnp.float32)],
    )(sc_out, node_fts, sk1, ksel, kacc, wa_nf, wa_h, ba, wm_nf, wm_h, bm,
      ws_nf, ws_h, bs)


def _final_body(sc, sk2, ksel, kacc, o):
    both = sc[0] + sc[1]
    s_rep = _dot(both, ksel[...])
    acc = _dot(both, kacc[...])
    o[...] = jnp.maximum(acc / jnp.maximum(s_rep, 1e-30) + sk2[...], 0.0)


def _final(sc_out, sk2, ksel, kacc):
    n = sk2.shape[0]
    r = _row_block(n)
    return pl.pallas_call(
        _final_body,
        grid=(n // r,),
        in_specs=[pl.BlockSpec((2, r, ROW_W), lambda i: (0, i, 0)),
                  pl.BlockSpec((r, 128), lambda i: (i, 0)),
                  pl.BlockSpec((ROW_W, 128), lambda i: (0, 0)),
                  pl.BlockSpec((ROW_W, 128), lambda i: (0, 0))],
        out_specs=pl.BlockSpec((r, 128), lambda i: (i, 0)),
        out_shape=jax.ShapeDtypeStruct((n, 128), jnp.float32),
    )(sc_out, sk2, ksel, kacc)


def _pick_chunk(per_w, cap=128):
    for cand in (128, 120, 112, 104, 96, 88, 80, 72, 64, 56, 48, 40, 32, 24, 16, 8):
        if cand <= cap and per_w % cand == 0:
            return cand
    return per_w


def _dyn_gather(x, idx):
    dnums = jax.lax.GatherDimensionNumbers(
        offset_dims=(), collapsed_slice_dims=(0,), start_index_map=(0,))
    return jax.lax.gather(x, idx[:, None], dnums, slice_sizes=(1,),
                          mode=jax.lax.GatherScatterMode.PROMISE_IN_BOUNDS)


def _edge_layer_sc(att, vals, rows, cols, ae):
    e_total = rows.shape[0]
    n = att.shape[0]
    assert e_total % NW == 0
    per_w = e_total // NW
    c = _pick_chunk(per_w, cap=40)
    n_chunks = per_w // c
    zc = _pick_chunk(n, cap=c)
    n_zchunks = n // zc
    has_ae = ae is not None

    mesh = plsc.VectorSubcoreMesh(core_axis_name="c", subcore_axis_name="s")
    nbuf = 2
    assert n_chunks >= 4 and n_chunks % nbuf == 0

    scratch = [
        [pltpu.VMEM((c,), jnp.int32)] * nbuf,
        [pltpu.VMEM((c,), jnp.int32)] * nbuf,
        [pltpu.VMEM((c, 16), jnp.float32)] * nbuf,
        [pltpu.VMEM((c, 16), jnp.float32)] * nbuf,
        [pltpu.VMEM((c, 128), jnp.float32)] * nbuf,
        [pltpu.VMEM((c, ROW_W), jnp.float32)] * nbuf,
        [pltpu.VMEM((c, 16), jnp.float32)] * nbuf,
        pltpu.VMEM_SHARED((n, ROW_W), jnp.float32),
        [pltpu.SemaphoreType.DMA] * nbuf,
        [pltpu.SemaphoreType.DMA] * nbuf,
        [pltpu.SemaphoreType.DMA] * nbuf,
        [pltpu.SemaphoreType.DMA] * nbuf,
        [pltpu.SemaphoreType.DMA] * nbuf,
    ]

    def body(*refs):
        if has_ae:
            (att_h, v_h, rows_h, cols_h, ae_h, out_h, rowv, colv, attr, attc,
             vbuf, pv, aebuf, sh, gsem1, gsem2, gsem3, aesem, ssem) = refs
        else:
            (att_h, v_h, rows_h, cols_h, out_h, rowv, colv, attr, attc,
             vbuf, pv, aebuf, sh, gsem1, gsem2, gsem3, aesem, ssem) = refs
        cid = lax.axis_index("c")
        sid = lax.axis_index("s")
        wid = cid * NS + sid
        base_e = wid * per_w

        zeros16 = jnp.zeros((LANES,), jnp.float32)

        @pl.loop(0, min(c, zc))
        def _zrow(i):
            for b in range(nbuf):
                for hsub in range(ROW_W // LANES):
                    pv[b][i, pl.ds(hsub * LANES, LANES)] = zeros16

        @pl.loop(sid, n_zchunks, step=NS)
        def _zfill(k):
            pltpu.sync_copy(pv[0].at[pl.ds(0, zc)], sh.at[pl.ds(k * zc, zc)])

        plsc.subcore_barrier()

        rot8 = jax.lax.iota(jnp.int32, LANES) ^ 8

        def load_idx(j, b):
            eoff = base_e + j * c
            pltpu.sync_copy(rows_h.at[pl.ds(eoff, c)], rowv[b])
            pltpu.sync_copy(cols_h.at[pl.ds(eoff, c)], colv[b])

        def start_gathers(j, b):
            pltpu.async_copy(att_h.at[rowv[b]], attr[b], gsem1[b])
            pltpu.async_copy(att_h.at[colv[b]], attc[b], gsem2[b])
            pltpu.async_copy(v_h.at[colv[b]], vbuf[b], gsem3[b])
            if has_ae:
                eoff = base_e + j * c
                pltpu.async_copy(ae_h.at[pl.ds(eoff, c)], aebuf[b], aesem[b])

        def wait_gathers(b):
            pltpu.make_async_copy(att_h.at[rowv[b]], attr[b], gsem1[b]).wait()
            pltpu.make_async_copy(att_h.at[colv[b]], attc[b], gsem2[b]).wait()
            pltpu.make_async_copy(v_h.at[colv[b]], vbuf[b], gsem3[b]).wait()
            if has_ae:
                pltpu.make_async_copy(ae_h.at[pl.ds(0, c)], aebuf[b],
                                      aesem[b]).wait()

        def start_scatter(b):
            pltpu.async_copy(pv[b], sh.at[rowv[b]], ssem[b], add=True)

        def wait_scatter(b):
            pltpu.make_async_copy(pv[b], sh.at[rowv[b]], ssem[b]).wait()

        def compute(b):
            @pl.loop(0, c)
            def _edge(ei):
                a1 = attr[b][ei, :]
                a2 = attc[b][ei, :]
                logit = a1 + _dyn_gather(a2, rot8)
                if has_ae:
                    logit = logit + aebuf[b][ei, :]
                p = jnp.exp(jnp.maximum(logit, logit * 0.01))
                pv[b][ei, pl.ds(0, LANES)] = p
                for h in range(NB_HEADS):
                    mult = _dyn_gather(p, jnp.full((LANES,), h, jnp.int32))
                    vv = vbuf[b][ei, pl.ds(h * LANES, LANES)]
                    pv[b][ei, pl.ds(16 + h * LANES, LANES)] = vv * mult

        load_idx(0, 0)
        load_idx(0, 1)
        start_gathers(0, 0)
        start_scatter(1)

        def step(j, b):
            nb = 1 - b
            wait_gathers(b)
            wait_scatter(nb)
            load_idx(j + 1, nb)
            start_gathers(j + 1, nb)
            compute(b)
            start_scatter(b)

        @pl.loop(0, (n_chunks - 2) // nbuf)
        def _chunk(ci):
            step(ci * nbuf, 0)
            step(ci * nbuf + 1, 1)

        step(n_chunks - 2, 0)
        wait_gathers(1)
        compute(1)
        start_scatter(1)
        wait_scatter(0)
        wait_scatter(1)

        plsc.subcore_barrier()

        @pl.loop(sid, n_zchunks, step=NS)
        def _dump(k):
            pltpu.sync_copy(sh.at[pl.ds(k * zc, zc)],
                            out_h.at[cid, pl.ds(k * zc, zc)])

    fn = pl.kernel(
        body,
        out_type=jax.ShapeDtypeStruct((NC, n, ROW_W), jnp.float32),
        mesh=mesh,
        scratch_types=scratch,
        compiler_params=pltpu.CompilerParams(use_tc_tiling_on_sc=False),
    )
    args = (att, vals, rows, cols) + ((ae,) if has_ae else ())
    return fn(*args)


def kernel(node_fts, gkt_edge_fts, hidden, cfg_indices_padded,
           gkt_indices_padded, W_m, b_m, W_skip, b_skip, W_a1, b_a1, W_a2,
           b_a2, W_ae, b_ae):
    n, d_feat = node_fts.shape

    w_att = jnp.concatenate([W_a1, W_a2], axis=1)
    wa_nf, wa_h = w_att[:d_feat], w_att[d_feat:]
    ba = jnp.concatenate([b_a1, b_a2])[None, :]
    wm_nf, wm_h = W_m[:d_feat], W_m[d_feat:]
    bm = b_m[None, :]
    ws_nf, ws_h = W_skip[:d_feat], W_skip[d_feat:]
    bs = b_skip[None, :]
    wae16 = jnp.pad(W_ae, ((0, 0), (0, 8)))
    bae16 = jnp.pad(b_ae, (0, 8))
    wbig = jnp.kron(jnp.eye(8, dtype=jnp.float32), wae16)
    bae128 = jnp.tile(bae16, 8)[None, :]

    ksel_np = np.zeros((ROW_W, 128), np.float32)
    for h in range(NB_HEADS):
        ksel_np[h, h * HEAD_SIZE:(h + 1) * HEAD_SIZE] = 1.0
    kacc_np = np.zeros((ROW_W, 128), np.float32)
    kacc_np[16:, :] = np.eye(128, dtype=np.float32)
    ksel = jnp.asarray(ksel_np)
    kacc = jnp.asarray(kacc_np)

    cfg_rows = cfg_indices_padded[:, 0]
    cfg_cols = cfg_indices_padded[:, 1]
    gkt_rows = gkt_indices_padded[:, 0]
    gkt_cols = gkt_indices_padded[:, 1]

    att1, v1, sk1 = _dense1(node_fts, hidden, wa_nf, wa_h, ba, wm_nf, wm_h,
                            bm, ws_nf, ws_h, bs)
    sc1 = _edge_layer_sc(att1, v1, cfg_rows, cfg_cols, None)

    ae = _edge_att(gkt_edge_fts, wbig, bae128)
    att2, v2, sk2 = _combine2(sc1, node_fts, sk1, ksel, kacc, wa_nf, wa_h, ba,
                              wm_nf, wm_h, bm, ws_nf, ws_h, bs)
    sc2 = _edge_layer_sc(att2, v2, gkt_rows, gkt_cols, ae)
    return _final(sc2, sk2, ksel, kacc)

# --- scband reference (transcript-rebuilt; emitter-appended) ---
"""Pipeline reference for scband-gatsparse-60129542144440 (READ-ONLY COPY).

The authoritative reference and input builder live on the scoring server;
editing this copy changes nothing except your own understanding.
"""

import jax, jax.numpy as jnp
import numpy as np

N = 10000
E = 320000
D_FEAT = 128
D_EDGE = 16
OUT_SIZE = 128
NB_HEADS = 8
HEAD_SIZE = OUT_SIZE // NB_HEADS
D_Z = D_FEAT + OUT_SIZE  # concat(node_fts, hidden) and concat(node_fts, cfg_hidden)


def unsorted_segment_softmax(logits, segment_ids, num_segments):
    segment_max_ = jax.ops.segment_max(logits, segment_ids, num_segments)
    broadcast_segment_max = segment_max_[segment_ids]
    shifted_logits = logits - broadcast_segment_max
    exp_logits = jnp.exp(shifted_logits)
    exp_sum = jax.ops.segment_sum(exp_logits, segment_ids, num_segments)
    broadcast_exp_sum = exp_sum[segment_ids]
    return exp_logits / broadcast_exp_sum


def setup_inputs(seed: int = 0) -> dict:
    key = jax.random.key(seed)
    ks = jax.random.split(key, 16)
    node_fts = jax.random.normal(ks[0], (N, D_FEAT), dtype=jnp.float32)
    gkt_edge_fts = jax.random.normal(ks[1], (E, D_EDGE), dtype=jnp.float32)
    hidden = jax.random.normal(ks[2], (N, OUT_SIZE), dtype=jnp.float32)
    cfg_indices_padded = jax.random.randint(ks[3], (E, 2), 0, N, dtype=jnp.int32)
    gkt_indices_padded = jax.random.randint(ks[4], (E, 2), 0, N, dtype=jnp.int32)
    s_z = 1.0 / np.sqrt(D_Z)
    s_e = 1.0 / np.sqrt(D_EDGE)
    W_m = jax.random.normal(ks[5], (D_Z, OUT_SIZE), dtype=jnp.float32) * s_z
    b_m = jnp.zeros((OUT_SIZE,), dtype=jnp.float32)
    W_skip = jax.random.normal(ks[6], (D_Z, OUT_SIZE), dtype=jnp.float32) * s_z
    b_skip = jnp.zeros((OUT_SIZE,), dtype=jnp.float32)
    W_a1 = jax.random.normal(ks[7], (D_Z, NB_HEADS), dtype=jnp.float32) * s_z
    b_a1 = jnp.zeros((NB_HEADS,), dtype=jnp.float32)
    W_a2 = jax.random.normal(ks[8], (D_Z, NB_HEADS), dtype=jnp.float32) * s_z
    b_a2 = jnp.zeros((NB_HEADS,), dtype=jnp.float32)
    W_ae = jax.random.normal(ks[9], (D_EDGE, NB_HEADS), dtype=jnp.float32) * s_e
    b_ae = jnp.zeros((NB_HEADS,), dtype=jnp.float32)
    return {
        'node_fts': node_fts, 'gkt_edge_fts': gkt_edge_fts, 'hidden': hidden,
        'cfg_indices_padded': cfg_indices_padded, 'gkt_indices_padded': gkt_indices_padded,
        'W_m': W_m, 'b_m': b_m, 'W_skip': W_skip, 'b_skip': b_skip,
        'W_a1': W_a1, 'b_a1': b_a1, 'W_a2': W_a2, 'b_a2': b_a2,
        'W_ae': W_ae, 'b_ae': b_ae,
    }


def reference(node_fts, gkt_edge_fts, hidden, cfg_indices_padded, gkt_indices_padded,
              W_m, b_m, W_skip, b_skip, W_a1, b_a1, W_a2, b_a2, W_ae, b_ae):
    nb_nodes = node_fts.shape[0]
    nb_cfg_edges = cfg_indices_padded.shape[0]
    nb_gkt_edges = gkt_indices_padded.shape[0]
    cfg_row = cfg_indices_padded[:, 0]
    cfg_col = cfg_indices_padded[:, 1]
    gkt_row = gkt_indices_padded[:, 0]
    gkt_col = gkt_indices_padded[:, 1]

    cfg_z = jnp.concatenate([node_fts, hidden], axis=-1)
    cfg_att_1 = cfg_z @ W_a1 + b_a1
    cfg_att_2 = cfg_z @ W_a2 + b_a2
    cfg_logits = cfg_att_1[cfg_row] + cfg_att_2[cfg_col]
    cfg_coefs = unsorted_segment_softmax(jax.nn.leaky_relu(cfg_logits), cfg_row, nb_cfg_edges)
    cfg_values = cfg_z @ W_m + b_m
    cfg_values = jnp.reshape(cfg_values, cfg_values.shape[:-1] + (NB_HEADS, HEAD_SIZE))
    cfg_values_source = cfg_values[cfg_col]
    cfg_hidden = jnp.expand_dims(cfg_coefs, axis=-1) * cfg_values_source
    cfg_hidden = jax.ops.segment_sum(cfg_hidden, cfg_row, nb_nodes)
    cfg_hidden = jnp.reshape(cfg_hidden, cfg_hidden.shape[:-2] + (OUT_SIZE,))
    cfg_hidden = cfg_hidden + (cfg_z @ W_skip + b_skip)
    cfg_hidden = jax.nn.relu(cfg_hidden)

    gkt_z = jnp.concatenate([node_fts, cfg_hidden], axis=-1)
    gkt_att_1 = gkt_z @ W_a1 + b_a1
    gkt_att_2 = gkt_z @ W_a2 + b_a2
    gkt_att_e = gkt_edge_fts @ W_ae + b_ae
    gkt_logits = gkt_att_1[gkt_row] + gkt_att_2[gkt_col] + gkt_att_e
    gkt_coefs = unsorted_segment_softmax(jax.nn.leaky_relu(gkt_logits), gkt_row, nb_gkt_edges)
    gkt_values = gkt_z @ W_m + b_m
    gkt_values = jnp.reshape(gkt_values, gkt_values.shape[:-1] + (NB_HEADS, HEAD_SIZE))
    gkt_values_source = gkt_values[gkt_col]
    ret = jnp.expand_dims(gkt_coefs, axis=-1) * gkt_values_source
    ret = jax.ops.segment_sum(ret, gkt_row, nb_nodes)
    ret = jnp.reshape(ret, ret.shape[:-2] + (OUT_SIZE,))
    ret = ret + (gkt_z @ W_skip + b_skip)
    ret = jax.nn.relu(ret)
    return ret

if __name__ == "__main__":
    import jax
    _d = setup_inputs()
    print(jax.jit(kernel)(*tuple(_d.values())))

</pallas_src>

<mosaic_0001>
#map = affine_map<(d0, d1) -> (0, 0)>
#map1 = affine_map<(d0, d1) -> (0)>
#map2 = affine_map<(d0, d1) -> (0, 0, 0)>
module attributes {stable_mosaic.version = 14 : i64} {
  func.func @body(%arg0: i32, %arg1: i32, %arg2: memref<10000x16xf32, #tpu.memory_space<hbm>>, %arg3: memref<10000x128xf32, #tpu.memory_space<hbm>>, %arg4: memref<320000xi32, #tpu.memory_space<hbm>>, %arg5: memref<320000xi32, #tpu.memory_space<hbm>>, %arg6: memref<320000x16xf32, #tpu.memory_space<hbm>>, %arg7: memref<2x10000x144xf32, #tpu.memory_space<hbm>>, %arg8: memref<40xi32, #tpu.memory_space<vmem>>, %arg9: memref<40xi32, #tpu.memory_space<vmem>>, %arg10: memref<40xi32, #tpu.memory_space<vmem>>, %arg11: memref<40xi32, #tpu.memory_space<vmem>>, %arg12: memref<40x16xf32, #tpu.memory_space<vmem>>, %arg13: memref<40x16xf32, #tpu.memory_space<vmem>>, %arg14: memref<40x16xf32, #tpu.memory_space<vmem>>, %arg15: memref<40x16xf32, #tpu.memory_space<vmem>>, %arg16: memref<40x128xf32, #tpu.memory_space<vmem>>, %arg17: memref<40x128xf32, #tpu.memory_space<vmem>>, %arg18: memref<40x144xf32, #tpu.memory_space<vmem>>, %arg19: memref<40x144xf32, #tpu.memory_space<vmem>>, %arg20: memref<40x16xf32, #tpu.memory_space<vmem>>, %arg21: memref<40x16xf32, #tpu.memory_space<vmem>>, %arg22: memref<10000x144xf32, #tpu.memory_space<vmem_shared>>, %arg23: memref<!tpu.dma_semaphore, #tpu.memory_space<semaphore_mem>>, %arg24: memref<!tpu.dma_semaphore, #tpu.memory_space<semaphore_mem>>, %arg25: memref<!tpu.dma_semaphore, #tpu.memory_space<semaphore_mem>>, %arg26: memref<!tpu.dma_semaphore, #tpu.memory_space<semaphore_mem>>, %arg27: memref<!tpu.dma_semaphore, #tpu.memory_space<semaphore_mem>>, %arg28: memref<!tpu.dma_semaphore, #tpu.memory_space<semaphore_mem>>, %arg29: memref<!tpu.dma_semaphore, #tpu.memory_space<semaphore_mem>>, %arg30: memref<!tpu.dma_semaphore, #tpu.memory_space<semaphore_mem>>, %arg31: memref<!tpu.dma_semaphore, #tpu.memory_space<semaphore_mem>>, %arg32: memref<!tpu.dma_semaphore, #tpu.memory_space<semaphore_mem>>) attributes {dimension_semantics = [#tpu.dimension_semantics<core_parallel>, #tpu.dimension_semantics<subcore_parallel>], iteration_bounds = array<i64: 2, 16>, scalar_prefetch = 0 : i64, scratch_operands = 25 : i64, tpu.core_type = #tpu.core_type<sc_vector_subcore>, window_params = [{transform_indices = #map}, {transform_indices = #map}, {transform_indices = #map1}, {transform_indices = #map1}, {transform_indices = #map}, {transform_indices = #map2}]} {
    %mul3A = arith.constant 16 : i32
    %mul3A_0 = arith.muli %arg0, %mul3A : i32
    %add3A = arith.addi %mul3A_0, %arg1 : i32
    %mul3A_1 = arith.constant 10000 : i32
    %mul3A_2 = arith.muli %add3A, %mul3A_1 : i32
    %broadcast_in_dim3A = arith.constant 0.000000e+00 : f32
    %broadcast_in_dim3A_3 = vector.broadcast %broadcast_in_dim3A : f32 to vector<16xf32>
    %scan3A = arith.constant 0 : i32
    %scan3A_4 = arith.constant 40 : i32
    %scan3A_5 = arith.addi %scan3A, %scan3A_4 : i32
    %scan3A_6 = arith.constant 1 : i32
    scf.for %scan3A_141 = %scan3A to %scan3A_5 step %scan3A_6  : i32 {
      %mul3A_142 = arith.constant 1 : i32
      %mul3A_143 = arith.muli %scan3A_141, %mul3A_142 : i32
      %add3A_144 = arith.constant 0 : i32
      %add3A_145 = arith.addi %add3A_144, %mul3A_143 : i32
      %swap3A = arith.index_cast %add3A_145 : i32 to index
      %swap3A_146 = arith.constant 0 : index
      %swap3A_147 = tpu.vector_load %arg18[%swap3A, %swap3A_146] {strides = array<i32>} : memref<40x144xf32, #tpu.memory_space<vmem>>, vector<1x16xf32>,
      %swap3A_148 = vector.shape_cast %swap3A_147 : vector<1x16xf32> to vector<16xf32>
      %swap3A_149 = vector.shape_cast %broadcast_in_dim3A_3 : vector<16xf32> to vector<1x16xf32>
      tpu.vector_store %arg18[%swap3A, %swap3A_146], %swap3A_149 {strides = array<i32>} : memref<40x144xf32, #tpu.memory_space<vmem>>, vector<1x16xf32>,
      %swap3A_150 = arith.index_cast %add3A_145 : i32 to index
      %swap3A_151 = arith.constant 16 : index
      %swap3A_152 = tpu.vector_load %arg18[%swap3A_150, %swap3A_151] {strides = array<i32>} : memref<40x144xf32, #tpu.memory_space<vmem>>, vector<1x16xf32>,
      %swap3A_153 = vector.shape_cast %swap3A_152 : vector<1x16xf32> to vector<16xf32>
      %swap3A_154 = vector.shape_cast %broadcast_in_dim3A_3 : vector<16xf32> to vector<1x16xf32>
      tpu.vector_store %arg18[%swap3A_150, %swap3A_151], %swap3A_154 {strides = array<i32>} : memref<40x144xf32, #tpu.memory_space<vmem>>, vector<1x16xf32>,
      %swap3A_155 = arith.index_cast %add3A_145 : i32 to index
      %swap3A_156 = arith.constant 32 : index
      %swap3A_157 = tpu.vector_load %arg18[%swap3A_155, %swap3A_156] {strides = array<i32>} : memref<40x144xf32, #tpu.memory_space<vmem>>, vector<1x16xf32>,
      %swap3A_158 = vector.shape_cast %swap3A_157 : vector<1x16xf32> to vector<16xf32>
      %swap3A_159 = vector.shape_cast %broadcast_in_dim3A_3 : vector<16xf32> to vector<1x16xf32>
      tpu.vector_store %arg18[%swap3A_155, %swap3A_156], %swap3A_159 {strides = array<i32>} : memref<40x144xf32, #tpu.memory_space<vmem>>, vector<1x16xf32>,
      %swap3A_160 = arith.index_cast %add3A_145 : i32 to index
      %swap3A_161 = arith.constant 48 : index
      %swap3A_162 = tpu.vector_load %arg18[%swap3A_160, %swap3A_161] {strides = array<i32>} : memref<40x144xf32, #tpu.memory_space<vmem>>, vector<1x16xf32>,
      %swap3A_163 = vector.shape_cast %swap3A_162 : vector<1x16xf32> to vector<16xf32>
      %swap3A_164 = vector.shape_cast %broadcast_in_dim3A_3 : vector<16xf32> to vector<1x16xf32>
      tpu.vector_store %arg18[%swap3A_160, %swap3A_161], %swap3A_164 {strides = array<i32>} : memref<40x144xf32, #tpu.memory_space<vmem>>, vector<1x16xf32>,
      %swap3A_165 = arith.index_cast %add3A_145 : i32 to index
      %swap3A_166 = arith.constant 64 : index
      %swap3A_167 = tpu.vector_load %arg18[%swap3A_165, %swap3A_166] {strides = array<i32>} : memref<40x144xf32, #tpu.memory_space<vmem>>, vector<1x16xf32>,
      %swap3A_168 = vector.shape_cast %swap3A_167 : vector<1x16xf32> to vector<16xf32>
      %swap3A_169 = vector.shape_cast %broadcast_in_dim3A_3 : vector<16xf32> to vector<1x16xf32>
      tpu.vector_store %arg18[%swap3A_165, %swap3A_166], %swap3A_169 {strides = array<i32>} : memref<40x144xf32, #tpu.memory_space<vmem>>, vector<1x16xf32>,
      %swap3A_170 = arith.index_cast %add3A_145 : i32 to index
      %swap3A_171 = arith.constant 80 : index
      %swap3A_172 = tpu.vector_load %arg18[%swap3A_170, %swap3A_171] {strides = array<i32>} : memref<40x144xf32, #tpu.memory_space<vmem>>, vector<1x16xf32>,
      %swap3A_173 = vector.shape_cast %swap3A_172 : vector<1x16xf32> to vector<16xf32>
      %swap3A_174 = vector.shape_cast %broadcast_in_dim3A_3 : vector<16xf32> to vector<1x16xf32>
      tpu.vector_store %arg18[%swap3A_170, %swap3A_171], %swap3A_174 {strides = array<i32>} : memref<40x144xf32, #tpu.memory_space<vmem>>, vector<1x16xf32>,
      %swap3A_175 = arith.index_cast %add3A_145 : i32 to index
      %swap3A_176 = arith.constant 96 : index
      %swap3A_177 = tpu.vector_load %arg18[%swap3A_175, %swap3A_176] {strides = array<i32>} : memref<40x144xf32, #tpu.memory_space<vmem>>, vector<1x16xf32>,
      %swap3A_178 = vector.shape_cast %swap3A_177 : vector<1x16xf32> to vector<16xf32>
      %swap3A_179 = vector.shape_cast %broadcast_in_dim3A_3 : vector<16xf32> to vector<1x16xf32>
      tpu.vector_store %arg18[%swap3A_175, %swap3A_176], %swap3A_179 {strides = array<i32>} : memref<40x144xf32, #tpu.memory_space<vmem>>, vector<1x16xf32>,
      %swap3A_180 = arith.index_cast %add3A_145 : i32 to index
      %swap3A_181 = arith.constant 112 : index
      %swap3A_182 = tpu.vector_load %arg18[%swap3A_180, %swap3A_181] {strides = array<i32>} : memref<40x144xf32, #tpu.memory_space<vmem>>, vector<1x16xf32>,
      %swap3A_183 = vector.shape_cast %swap3A_182 : vector<1x16xf32> to vector<16xf32>
      %swap3A_184 = vector.shape_cast %broadcast_in_dim3A_3 : vector<16xf32> to vector<1x16xf32>
      tpu.vector_store %arg18[%swap3A_180, %swap3A_181], %swap3A_184 {strides = array<i32>} : memref<40x144xf32, #tpu.memory_space<vmem>>, vector<1x16xf32>,
      %swap3A_185 = arith.index_cast %add3A_145 : i32 to index
      %swap3A_186 = arith.constant 128 : index
      %swap3A_187 = tpu.vector_load %arg18[%swap3A_185, %swap3A_186] {strides = array<i32>} : memref<40x144xf32, #tpu.memory_space<vmem>>, vector<1x16xf32>,
      %swap3A_188 = vector.shape_cast %swap3A_187 : vector<1x16xf32> to vector<16xf32>
      %swap3A_189 = vector.shape_cast %broadcast_in_dim3A_3 : vector<16xf32> to vector<1x16xf32>
      tpu.vector_store %arg18[%swap3A_185, %swap3A_186], %swap3A_189 {strides = array<i32>} : memref<40x144xf32, #tpu.memory_space<vmem>>, vector<1x16xf32>,
      %swap3A_190 = arith.index_cast %add3A_145 : i32 to index
      %swap3A_191 = arith.constant 0 : index
      %swap3A_192 = tpu.vector_load %arg19[%swap3A_190, %swap3A_191] {strides = array<i32>} : memref<40x144xf32, #tpu.memory_space<vmem>>, vector<1x16xf32>,
      %swap3A_193 = vector.shape_cast %swap3A_192 : vector<1x16xf32> to vector<16xf32>
      %swap3A_194 = vector.shape_cast %broadcast_in_dim3A_3 : vector<16xf32> to vector<1x16xf32>
      tpu.vector_store %arg19[%swap3A_190, %swap3A_191], %swap3A_194 {strides = array<i32>} : memref<40x144xf32, #tpu.memory_space<vmem>>, vector<1x16xf32>,
      %swap3A_195 = arith.index_cast %add3A_145 : i32 to index
      %swap3A_196 = arith.constant 16 : index
      %swap3A_197 = tpu.vector_load %arg19[%swap3A_195, %swap3A_196] {strides = array<i32>} : memref<40x144xf32, #tpu.memory_space<vmem>>, vector<1x16xf32>,
      %swap3A_198 = vector.shape_cast %swap3A_197 : vector<1x16xf32> to vector<16xf32>
      %swap3A_199 = vector.shape_cast %broadcast_in_dim3A_3 : vector<16xf32> to vector<1x16xf32>
      tpu.vector_store %arg19[%swap3A_195, %swap3A_196], %swap3A_199 {strides = array<i32>} : memref<40x144xf32, #tpu.memory_space<vmem>>, vector<1x16xf32>,
      %swap3A_200 = arith.index_cast %add3A_145 : i32 to index
      %swap3A_201 = arith.constant 32 : index
      %swap3A_202 = tpu.vector_load %arg19[%swap3A_200, %swap3A_201] {strides = array<i32>} : memref<40x144xf32, #tpu.memory_space<vmem>>, vector<1x16xf32>,
      %swap3A_203 = vector.shape_cast %swap3A_202 : vector<1x16xf32> to vector<16xf32>
      %swap3A_204 = vector.shape_cast %broadcast_in_dim3A_3 : vector<16xf32> to vector<1x16xf32>
      tpu.vector_store %arg19[%swap3A_200, %swap3A_201], %swap3A_204 {strides = array<i32>} : memref<40x144xf32, #tpu.memory_space<vmem>>, vector<1x16xf32>,
      %swap3A_205 = arith.index_cast %add3A_145 : i32 to index
      %swap3A_206 = arith.constant 48 : index
      %swap3A_207 = tpu.vector_load %arg19[%swap3A_205, %swap3A_206] {strides = array<i32>} : memref<40x144xf32, #tpu.memory_space<vmem>>, vector<1x16xf32>,
      %swap3A_208 = vector.shape_cast %swap3A_207 : vector<1x16xf32> to vector<16xf32>
      %swap3A_209 = vector.shape_cast %broadcast_in_dim3A_3 : vector<16xf32> to vector<1x16xf32>
      tpu.vector_store %arg19[%swap3A_205, %swap3A_206], %swap3A_209 {strides = array<i32>} : memref<40x144xf32, #tpu.memory_space<vmem>>, vector<1x16xf32>,
      %swap3A_210 = arith.index_cast %add3A_145 : i32 to index
      %swap3A_211 = arith.constant 64 : index
      %swap3A_212 = tpu.vector_load %arg19[%swap3A_210, %swap3A_211] {strides = array<i32>} : memref<40x144xf32, #tpu.memory_space<vmem>>, vector<1x16xf32>,
      %swap3A_213 = vector.shape_cast %swap3A_212 : vector<1x16xf32> to vector<16xf32>
      %swap3A_214 = vector.shape_cast %broadcast_in_dim3A_3 : vector<16xf32> to vector<1x16xf32>
      tpu.vector_store %arg19[%swap3A_210, %swap3A_211], %swap3A_214 {strides = array<i32>} : memref<40x144xf32, #tpu.memory_space<vmem>>, vector<1x16xf32>,
      %swap3A_215 = arith.index_cast %add3A_145 : i32 to index
      %swap3A_216 = arith.constant 80 : index
      %swap3A_217 = tpu.vector_load %arg19[%swap3A_215, %swap3A_216] {strides = array<i32>} : memref<40x144xf32, #tpu.memory_space<vmem>>, vector<1x16xf32>,
      %swap3A_218 = vector.shape_cast %swap3A_217 : vector<1x16xf32> to vector<16xf32>
      %swap3A_219 = vector.shape_cast %broadcast_in_dim3A_3 : vector<16xf32> to vector<1x16xf32>
      tpu.vector_store %arg19[%swap3A_215, %swap3A_216], %swap3A_219 {strides = array<i32>} : memref<40x144xf32, #tpu.memory_space<vmem>>, vector<1x16xf32>,
      %swap3A_220 = arith.index_cast %add3A_145 : i32 to index
      %swap3A_221 = arith.constant 96 : index
      %swap3A_222 = tpu.vector_load %arg19[%swap3A_220, %swap3A_221] {strides = array<i32>} : memref<40x144xf32, #tpu.memory_space<vmem>>, vector<1x16xf32>,
      %swap3A_223 = vector.shape_cast %swap3A_222 : vector<1x16xf32> to vector<16xf32>
      %swap3A_224 = vector.shape_cast %broadcast_in_dim3A_3 : vector<16xf32> to vector<1x16xf32>
      tpu.vector_store %arg19[%swap3A_220, %swap3A_221], %swap3A_224 {strides = array<i32>} : memref<40x144xf32, #tpu.memory_space<vmem>>, vector<1x16xf32>,
      %swap3A_225 = arith.index_cast %add3A_145 : i32 to index
      %swap3A_226 = arith.constant 112 : index
      %swap3A_227 = tpu.vector_load %arg19[%swap3A_225, %swap3A_226] {strides = array<i32>} : memref<40x144xf32, #tpu.memory_space<vmem>>, vector<1x16xf32>,
      %swap3A_228 = vector.shape_cast %swap3A_227 : vector<1x16xf32> to vector<16xf32>
      %swap3A_229 = vector.shape_cast %broadcast_in_dim3A_3 : vector<16xf32> to vector<1x16xf32>
      tpu.vector_store %arg19[%swap3A_225, %swap3A_226], %swap3A_229 {strides = array<i32>} : memref<40x144xf32, #tpu.memory_space<vmem>>, vector<1x16xf32>,
      %swap3A_230 = arith.index_cast %add3A_145 : i32 to index
      %swap3A_231 = arith.constant 128 : index
      %swap3A_232 = tpu.vector_load %arg19[%swap3A_230, %swap3A_231] {strides = array<i32>} : memref<40x144xf32, #tpu.memory_space<vmem>>, vector<1x16xf32>,
      %swap3A_233 = vector.shape_cast %swap3A_232 : vector<1x16xf32> to vector<16xf32>
      %swap3A_234 = vector.shape_cast %broadcast_in_dim3A_3 : vector<16xf32> to vector<1x16xf32>
      tpu.vector_store %arg19[%swap3A_230, %swap3A_231], %swap3A_234 {strides = array<i32>} : memref<40x144xf32, #tpu.memory_space<vmem>>, vector<1x16xf32>,
    }
    %scan3A_7 = arith.constant 40 : i32
    %sub3A = arith.constant 250 : i32
    %sub3A_8 = arith.subi %sub3A, %arg1 : i32
    %sub3A_9 = arith.constant 16 : i32
    %sub3A_10 = arith.constant 1 : i32
    %sub3A_11 = arith.subi %sub3A_9, %sub3A_10 : i32
    %add3A_12 = arith.addi %sub3A_8, %sub3A_11 : i32
    %div3A = arith.constant 16 : i32
    %div3A_13 = arith.divsi %add3A_12, %div3A : i32
    %while3A = arith.constant 16 : i32
    %while3A_14 = arith.constant 0 : i32
    %while3A_15 = arith.subi %div3A_13, %while3A_14 : i32
    %while3A_16 = arith.addi %while3A_14, %while3A_15 : i32
    %while3A_17 = arith.constant 1 : i32
    %while3A_18 = arith.divsi %while3A_15, %while3A_17 : i32
    %while3A_19 = arith.muli %while3A_18, %while3A_17 : i32
    %while3A_20 = arith.addi %while3A_14, %while3A_19 : i32
    %while3A_21 = arith.constant 1 : i32
    scf.for %while3A_141 = %while3A_14 to %while3A_20 step %while3A_21  : i32 {
      %mul3A_142 = arith.muli %while3A_141, %while3A : i32
      %add3A_143 = arith.addi %arg1, %mul3A_142 : i32
      %mul3A_144 = arith.constant 40 : i32
      %mul3A_145 = arith.muli %add3A_143, %mul3A_144 : i32
      "tpu.region"() ({
        %run_scoped3A = tpu.sem_alloc : memref<!tpu.dma_semaphore, #tpu.memory_space<semaphore_mem>>
        %dma_start3A_146 = arith.constant 0 : i32
        %dma_start3A_147 = arith.constant 0 : i32
        %dma_start3A_148 = tpu.memref_slice %arg18[%dma_start3A_146, %dma_start3A_147] : memref<40x144xf32, #tpu.memory_space<vmem>> -> memref<40x144xf32, #tpu.memory_space<vmem>>
        %dma_start3A_149 = arith.constant 0 : i32
        %dma_start3A_150 = tpu.memref_slice %arg22[%mul3A_145, %dma_start3A_149] : memref<10000x144xf32, #tpu.memory_space<vmem_shared>> -> memref<40x144xf32, #tpu.memory_space<vmem_shared>>
        %dma_start3A_151 = arith.constant 0 : i32
        %dma_start3A_152 = tpu.memref_slice %arg22[%mul3A_145, %dma_start3A_151] : memref<10000x144xf32, #tpu.memory_space<vmem_shared>> -> memref<40x144xf32, #tpu.memory_space<vmem_shared>>
        %dma_start3A_153 = arith.constant 0 : i32
        %dma_start3A_154 = arith.constant 0 : i32
        %dma_start3A_155 = tpu.memref_slice %arg18[%dma_start3A_153, %dma_start3A_154] : memref<40x144xf32, #tpu.memory_space<vmem>> -> memref<40x144xf32, #tpu.memory_space<vmem>>
        tpu.enqueue_dma source(%dma_start3A_155 : memref<40x144xf32, #tpu.memory_space<vmem>>) target(%dma_start3A_152 : memref<40x144xf32, #tpu.memory_space<vmem_shared>>) target_semaphore(%run_scoped3A : memref<!tpu.dma_semaphore, #tpu.memory_space<semaphore_mem>>)
        %dma_wait3A_156 = arith.constant 0 : i32
        %dma_wait3A_157 = arith.constant 0 : i32
        %dma_wait3A_158 = tpu.memref_slice %arg18[%dma_wait3A_156, %dma_wait3A_157] : memref<40x144xf32, #tpu.memory_space<vmem>> -> memref<40x144xf32, #tpu.memory_space<vmem>>
        %dma_wait3A_159 = arith.constant 0 : i32
        %dma_wait3A_160 = tpu.memref_slice %arg22[%mul3A_145, %dma_wait3A_159] : memref<10000x144xf32, #tpu.memory_space<vmem_shared>> -> memref<40x144xf32, #tpu.memory_space<vmem_shared>>
        %dma_wait3A_161 = arith.constant 0 : i32
        %dma_wait3A_162 = tpu.memref_slice %arg22[%mul3A_145, %dma_wait3A_161] : memref<10000x144xf32, #tpu.memory_space<vmem_shared>> -> memref<40x144xf32, #tpu.memory_space<vmem_shared>>
        %dma_wait3A_163 = arith.constant 0 : i32
        %dma_wait3A_164 = arith.constant 0 : i32
        %dma_wait3A_165 = tpu.memref_slice %arg18[%dma_wait3A_163, %dma_wait3A_164] : memref<40x144xf32, #tpu.memory_space<vmem>> -> memref<40x144xf32, #tpu.memory_space<vmem>>
        tpu.wait_dma2 semaphore(%run_scoped3A : memref<!tpu.dma_semaphore, #tpu.memory_space<semaphore_mem>>) src(%dma_wait3A_165 : memref<40x144xf32, #tpu.memory_space<vmem>>) dst(%dma_wait3A_162 : memref<40x144xf32, #tpu.memory_space<vmem_shared>>)
        tpu.yield
      }) : () -> ()
    }
    %while3A_22 = arith.constant 1 : i32
    scf.for %while3A_141 = %while3A_20 to %while3A_16 step %while3A_22  : i32 {
      %mul3A_142 = arith.muli %while3A_141, %while3A : i32
      %add3A_143 = arith.addi %arg1, %mul3A_142 : i32
      %mul3A_144 = arith.constant 40 : i32
      %mul3A_145 = arith.muli %add3A_143, %mul3A_144 : i32
      "tpu.region"() ({
        %run_scoped3A = tpu.sem_alloc : memref<!tpu.dma_semaphore, #tpu.memory_space<semaphore_mem>>
        %dma_start3A_146 = arith.constant 0 : i32
        %dma_start3A_147 = arith.constant 0 : i32
        %dma_start3A_148 = tpu.memref_slice %arg18[%dma_start3A_146, %dma_start3A_147] : memref<40x144xf32, #tpu.memory_space<vmem>> -> memref<40x144xf32, #tpu.memory_space<vmem>>
        %dma_start3A_149 = arith.constant 0 : i32
        %dma_start3A_150 = tpu.memref_slice %arg22[%mul3A_145, %dma_start3A_149] : memref<10000x144xf32, #tpu.memory_space<vmem_shared>> -> memref<40x144xf32, #tpu.memory_space<vmem_shared>>
        %dma_start3A_151 = arith.constant 0 : i32
        %dma_start3A_152 = tpu.memref_slice %arg22[%mul3A_145, %dma_start3A_151] : memref<10000x144xf32, #tpu.memory_space<vmem_shared>> -> memref<40x144xf32, #tpu.memory_space<vmem_shared>>
        %dma_start3A_153 = arith.constant 0 : i32
        %dma_start3A_154 = arith.constant 0 : i32
        %dma_start3A_155 = tpu.memref_slice %arg18[%dma_start3A_153, %dma_start3A_154] : memref<40x144xf32, #tpu.memory_space<vmem>> -> memref<40x144xf32, #tpu.memory_space<vmem>>
        tpu.enqueue_dma source(%dma_start3A_155 : memref<40x144xf32, #tpu.memory_space<vmem>>) target(%dma_start3A_152 : memref<40x144xf32, #tpu.memory_space<vmem_shared>>) target_semaphore(%run_scoped3A : memref<!tpu.dma_semaphore, #tpu.memory_space<semaphore_mem>>)
        %dma_wait3A_156 = arith.constant 0 : i32
        %dma_wait3A_157 = arith.constant 0 : i32
        %dma_wait3A_158 = tpu.memref_slice %arg18[%dma_wait3A_156, %dma_wait3A_157] : memref<40x144xf32, #tpu.memory_space<vmem>> -> memref<40x144xf32, #tpu.memory_space<vmem>>
        %dma_wait3A_159 = arith.constant 0 : i32
        %dma_wait3A_160 = tpu.memref_slice %arg22[%mul3A_145, %dma_wait3A_159] : memref<10000x144xf32, #tpu.memory_space<vmem_shared>> -> memref<40x144xf32, #tpu.memory_space<vmem_shared>>
        %dma_wait3A_161 = arith.constant 0 : i32
        %dma_wait3A_162 = tpu.memref_slice %arg22[%mul3A_145, %dma_wait3A_161] : memref<10000x144xf32, #tpu.memory_space<vmem_shared>> -> memref<40x144xf32, #tpu.memory_space<vmem_shared>>
        %dma_wait3A_163 = arith.constant 0 : i32
        %dma_wait3A_164 = arith.constant 0 : i32
        %dma_wait3A_165 = tpu.memref_slice %arg18[%dma_wait3A_163, %dma_wait3A_164] : memref<40x144xf32, #tpu.memory_space<vmem>> -> memref<40x144xf32, #tpu.memory_space<vmem>>
        tpu.wait_dma2 semaphore(%run_scoped3A : memref<!tpu.dma_semaphore, #tpu.memory_space<semaphore_mem>>) src(%dma_wait3A_165 : memref<40x144xf32, #tpu.memory_space<vmem>>) dst(%dma_wait3A_162 : memref<40x144xf32, #tpu.memory_space<vmem_shared>>)
        tpu.yield
      }) : () -> ()
    }
    %barrier3A = arith.constant 0 : index
    tpu.barrier barrier_id(%barrier3A)
    %iota3A = tpu.iota {dimensions = array<i32: 0>} : vector<16xi32>
    %xor3A = arith.constant 8 : i32
    %xor3A_23 = vector.broadcast %xor3A : i32 to vector<16xi32>
    %xor3A_24 = arith.xori %iota3A, %xor3A_23 : vector<16xi32>
    %add3A_25 = arith.constant 0 : i32
    %add3A_26 = arith.addi %mul3A_2, %add3A_25 : i32
    "tpu.region"() ({
      %run_scoped3A = tpu.sem_alloc : memref<!tpu.dma_semaphore, #tpu.memory_space<semaphore_mem>>
      %dma_start3A_141 = tpu.memref_slice %arg4[%add3A_26] : memref<320000xi32, #tpu.memory_space<hbm>> -> memref<40xi32, #tpu.memory_space<hbm>>
      %dma_start3A_142 = tpu.memref_slice %arg4[%add3A_26] : memref<320000xi32, #tpu.memory_space<hbm>> -> memref<40xi32, #tpu.memory_space<hbm>>
      tpu.enqueue_dma source(%dma_start3A_142 : memref<40xi32, #tpu.memory_space<hbm>>) target(%arg8 : memref<40xi32, #tpu.memory_space<vmem>>) target_semaphore(%run_scoped3A : memref<!tpu.dma_semaphore, #tpu.memory_space<semaphore_mem>>)
      %dma_wait3A_143 = tpu.memref_slice %arg4[%add3A_26] : memref<320000xi32, #tpu.memory_space<hbm>> -> memref<40xi32, #tpu.memory_space<hbm>>
      %dma_wait3A_144 = tpu.memref_slice %arg4[%add3A_26] : memref<320000xi32, #tpu.memory_space<hbm>> -> memref<40xi32, #tpu.memory_space<hbm>>
      tpu.wait_dma2 semaphore(%run_scoped3A : memref<!tpu.dma_semaphore, #tpu.memory_space<semaphore_mem>>) src(%dma_wait3A_144 : memref<40xi32, #tpu.memory_space<hbm>>) dst(%arg8 : memref<40xi32, #tpu.memory_space<vmem>>)
      tpu.yield
    }) : () -> ()
    "tpu.region"() ({
      %run_scoped3A = tpu.sem_alloc : memref<!tpu.dma_semaphore, #tpu.memory_space<semaphore_mem>>
      %dma_start3A_141 = tpu.memref_slice %arg5[%add3A_26] : memref<320000xi32, #tpu.memory_space<hbm>> -> memref<40xi32, #tpu.memory_space<hbm>>
      %dma_start3A_142 = tpu.memref_slice %arg5[%add3A_26] : memref<320000xi32, #tpu.memory_space<hbm>> -> memref<40xi32, #tpu.memory_space<hbm>>
      tpu.enqueue_dma source(%dma_start3A_142 : memref<40xi32, #tpu.memory_space<hbm>>) target(%arg10 : memref<40xi32, #tpu.memory_space<vmem>>) target_semaphore(%run_scoped3A : memref<!tpu.dma_semaphore, #tpu.memory_space<semaphore_mem>>)
      %dma_wait3A_143 = tpu.memref_slice %arg5[%add3A_26] : memref<320000xi32, #tpu.memory_space<hbm>> -> memref<40xi32, #tpu.memory_space<hbm>>
      %dma_wait3A_144 = tpu.memref_slice %arg5[%add3A_26] : memref<320000xi32, #tpu.memory_space<hbm>> -> memref<40xi32, #tpu.memory_space<hbm>>
      tpu.wait_dma2 semaphore(%run_scoped3A : memref<!tpu.dma_semaphore, #tpu.memory_space<semaphore_mem>>) src(%dma_wait3A_144 : memref<40xi32, #tpu.memory_space<hbm>>) dst(%arg10 : memref<40xi32, #tpu.memory_space<vmem>>)
      tpu.yield
    }) : () -> ()
    %add3A_27 = arith.constant 0 : i32
    %add3A_28 = arith.addi %mul3A_2, %add3A_27 : i32
    "tpu.region"() ({
      %run_scoped3A = tpu.sem_alloc : memref<!tpu.dma_semaphore, #tpu.memory_space<semaphore_mem>>
      %dma_start3A_141 = tpu.memref_slice %arg4[%add3A_28] : memref<320000xi32, #tpu.memory_space<hbm>> -> memref<40xi32, #tpu.memory_space<hbm>>
      %dma_start3A_142 = tpu.memref_slice %arg4[%add3A_28] : memref<320000xi32, #tpu.memory_space<hbm>> -> memref<40xi32, #tpu.memory_space<hbm>>
      tpu.enqueue_dma source(%dma_start3A_142 : memref<40xi32, #tpu.memory_space<hbm>>) target(%arg9 : memref<40xi32, #tpu.memory_space<vmem>>) target_semaphore(%run_scoped3A : memref<!tpu.dma_semaphore, #tpu.memory_space<semaphore_mem>>)
      %dma_wait3A_143 = tpu.memref_slice %arg4[%add3A_28] : memref<320000xi32, #tpu.memory_space<hbm>> -> memref<40xi32, #tpu.memory_space<hbm>>
      %dma_wait3A_144 = tpu.memref_slice %arg4[%add3A_28] : memref<320000xi32, #tpu.memory_space<hbm>> -> memref<40xi32, #tpu.memory_space<hbm>>
      tpu.wait_dma2 semaphore(%run_scoped3A : memref<!tpu.dma_semaphore, #tpu.memory_space<semaphore_mem>>) src(%dma_wait3A_144 : memref<40xi32, #tpu.memory_space<hbm>>) dst(%arg9 : memref<40xi32, #tpu.memory_space<vmem>>)
      tpu.yield
    }) : () -> ()
    "tpu.region"() ({
      %run_scoped3A = tpu.sem_alloc : memref<!tpu.dma_semaphore, #tpu.memory_space<semaphore_mem>>
      %dma_start3A_141 = tpu.memref_slice %arg5[%add3A_28] : memref<320000xi32, #tpu.memory_space<hbm>> -> memref<40xi32, #tpu.memory_space<hbm>>
      %dma_start3A_142 = tpu.memref_slice %arg5[%add3A_28] : memref<320000xi32, #tpu.memory_space<hbm>> -> memref<40xi32, #tpu.memory_space<hbm>>
      tpu.enqueue_dma source(%dma_start3A_142 : memref<40xi32, #tpu.memory_space<hbm>>) target(%arg11 : memref<40xi32, #tpu.memory_space<vmem>>) target_semaphore(%run_scoped3A : memref<!tpu.dma_semaphore, #tpu.memory_space<semaphore_mem>>)
      %dma_wait3A_143 = tpu.memref_slice %arg5[%add3A_28] : memref<320000xi32, #tpu.memory_space<hbm>> -> memref<40xi32, #tpu.memory_space<hbm>>
      %dma_wait3A_144 = tpu.memref_slice %arg5[%add3A_28] : memref<320000xi32, #tpu.memory_space<hbm>> -> memref<40xi32, #tpu.memory_space<hbm>>
      tpu.wait_dma2 semaphore(%run_scoped3A : memref<!tpu.dma_semaphore, #tpu.memory_space<semaphore_mem>>) src(%dma_wait3A_144 : memref<40xi32, #tpu.memory_space<hbm>>) dst(%arg11 : memref<40xi32, #tpu.memory_space<vmem>>)
      tpu.yield
    }) : () -> ()
    %dma_start3A = arith.constant 0 : i32
    %dma_start3A_29 = arith.constant 0 : i32
    %dma_start3A_30 = tpu.memref_slice %arg2[%dma_start3A, %dma_start3A_29] : memref<10000x16xf32, #tpu.memory_space<hbm>> -> memref<10000x16xf32, #tpu.memory_space<hbm>>
    tpu.enqueue_indirect_dma source(%dma_start3A_30 : memref<10000x16xf32, #tpu.memory_space<hbm>>) target(%arg12 : memref<40x16xf32, #tpu.memory_space<vmem>>) offsets(%arg8 : memref<40xi32, #tpu.memory_space<vmem>>) semaphore(%arg23 : memref<!tpu.dma_semaphore, #tpu.memory_space<semaphore_mem>>)
    %dma_start3A_31 = arith.constant 0 : i32
    %dma_start3A_32 = arith.constant 0 : i32
    %dma_start3A_33 = tpu.memref_slice %arg2[%dma_start3A_31, %dma_start3A_32] : memref<10000x16xf32, #tpu.memory_space<hbm>> -> memref<10000x16xf32, #tpu.memory_space<hbm>>
    tpu.enqueue_indirect_dma source(%dma_start3A_33 : memref<10000x16xf32, #tpu.memory_space<hbm>>) target(%arg14 : memref<40x16xf32, #tpu.memory_space<vmem>>) offsets(%arg10 : memref<40xi32, #tpu.memory_space<vmem>>) semaphore(%arg25 : memref<!tpu.dma_semaphore, #tpu.memory_space<semaphore_mem>>)
    %dma_start3A_34 = arith.constant 0 : i32
    %dma_start3A_35 = arith.constant 0 : i32
    %dma_start3A_36 = tpu.memref_slice %arg3[%dma_start3A_34, %dma_start3A_35] : memref<10000x128xf32, #tpu.memory_space<hbm>> -> memref<10000x128xf32, #tpu.memory_space<hbm>>
    tpu.enqueue_indirect_dma source(%dma_start3A_36 : memref<10000x128xf32, #tpu.memory_space<hbm>>) target(%arg16 : memref<40x128xf32, #tpu.memory_space<vmem>>) offsets(%arg10 : memref<40xi32, #tpu.memory_space<vmem>>) semaphore(%arg27 : memref<!tpu.dma_semaphore, #tpu.memory_space<semaphore_mem>>)
    %add3A_37 = arith.constant 0 : i32
    %add3A_38 = arith.addi %mul3A_2, %add3A_37 : i32
    %dma_start3A_39 = arith.constant 0 : i32
    %dma_start3A_40 = tpu.memref_slice %arg6[%add3A_38, %dma_start3A_39] : memref<320000x16xf32, #tpu.memory_space<hbm>> -> memref<40x16xf32, #tpu.memory_space<hbm>>
    %dma_start3A_41 = arith.constant 0 : i32
    %dma_start3A_42 = tpu.memref_slice %arg6[%add3A_38, %dma_start3A_41] : memref<320000x16xf32, #tpu.memory_space<hbm>> -> memref<40x16xf32, #tpu.memory_space<hbm>>
    tpu.enqueue_dma source(%dma_start3A_42 : memref<40x16xf32, #tpu.memory_space<hbm>>) target(%arg20 : memref<40x16xf32, #tpu.memory_space<vmem>>) target_semaphore(%arg29 : memref<!tpu.dma_semaphore, #tpu.memory_space<semaphore_mem>>)
    %dma_start3A_43 = arith.constant 0 : i32
    %dma_start3A_44 = arith.constant 0 : i32
    %dma_start3A_45 = tpu.memref_slice %arg22[%dma_start3A_43, %dma_start3A_44] : memref<10000x144xf32, #tpu.memory_space<vmem_shared>> -> memref<10000x144xf32, #tpu.memory_space<vmem_shared>>
    tpu.enqueue_indirect_dma source(%arg19 : memref<40x144xf32, #tpu.memory_space<vmem>>) target(%dma_start3A_45 : memref<10000x144xf32, #tpu.memory_space<vmem_shared>>) offsets(%arg9 : memref<40xi32, #tpu.memory_space<vmem>>) semaphore(%arg32 : memref<!tpu.dma_semaphore, #tpu.memory_space<semaphore_mem>>) {add = true}
    %scan3A_46 = arith.constant 0 : i32
    %scan3A_47 = arith.constant 124 : i32
    %scan3A_48 = arith.addi %scan3A_46, %scan3A_47 : i32
    %scan3A_49 = arith.constant 1 : i32
    scf.for %scan3A_141 = %scan3A_46 to %scan3A_48 step %scan3A_49  : i32 {
      %mul3A_142 = arith.constant 1 : i32
      %mul3A_143 = arith.muli %scan3A_141, %mul3A_142 : i32
      %add3A_144 = arith.constant 0 : i32
      %add3A_145 = arith.addi %add3A_144, %mul3A_143 : i32
      %mul3A_146 = arith.constant 2 : i32
      %mul3A_147 = arith.muli %add3A_145, %mul3A_146 : i32
      %dma_wait3A_148 = arith.constant 0 : i32
      %dma_wait3A_149 = arith.constant 0 : i32
      %dma_wait3A_150 = tpu.memref_slice %arg2[%dma_wait3A_148, %dma_wait3A_149] : memref<10000x16xf32, #tpu.memory_space<hbm>> -> memref<10000x16xf32, #tpu.memory_space<hbm>>
      tpu.wait_indirect_dma semaphore(%arg23 : memref<!tpu.dma_semaphore, #tpu.memory_space<semaphore_mem>>) src(%dma_wait3A_150 : memref<10000x16xf32, #tpu.memory_space<hbm>>) dst(%arg12 : memref<40x16xf32, #tpu.memory_space<vmem>>)
      %dma_wait3A_151 = arith.constant 0 : i32
      %dma_wait3A_152 = arith.constant 0 : i32
      %dma_wait3A_153 = tpu.memref_slice %arg2[%dma_wait3A_151, %dma_wait3A_152] : memref<10000x16xf32, #tpu.memory_space<hbm>> -> memref<10000x16xf32, #tpu.memory_space<hbm>>
      tpu.wait_indirect_dma semaphore(%arg25 : memref<!tpu.dma_semaphore, #tpu.memory_space<semaphore_mem>>) src(%dma_wait3A_153 : memref<10000x16xf32, #tpu.memory_space<hbm>>) dst(%arg14 : memref<40x16xf32, #tpu.memory_space<vmem>>)
      %dma_wait3A_154 = arith.constant 0 : i32
      %dma_wait3A_155 = arith.constant 0 : i32
      %dma_wait3A_156 = tpu.memref_slice %arg3[%dma_wait3A_154, %dma_wait3A_155] : memref<10000x128xf32, #tpu.memory_space<hbm>> -> memref<10000x128xf32, #tpu.memory_space<hbm>>
      tpu.wait_indirect_dma semaphore(%arg27 : memref<!tpu.dma_semaphore, #tpu.memory_space<semaphore_mem>>) src(%dma_wait3A_156 : memref<10000x128xf32, #tpu.memory_space<hbm>>) dst(%arg16 : memref<40x128xf32, #tpu.memory_space<vmem>>)
      %dma_wait3A_157 = arith.constant 0 : i32
      %dma_wait3A_158 = arith.constant 0 : i32
      %dma_wait3A_159 = tpu.memref_slice %arg6[%dma_wait3A_157, %dma_wait3A_158] : memref<320000x16xf32, #tpu.memory_space<hbm>> -> memref<40x16xf32, #tpu.memory_space<hbm>>
      %dma_wait3A_160 = arith.constant 0 : i32
      %dma_wait3A_161 = arith.constant 0 : i32
      %dma_wait3A_162 = tpu.memref_slice %arg6[%dma_wait3A_160, %dma_wait3A_161] : memref<320000x16xf32, #tpu.memory_space<hbm>> -> memref<40x16xf32, #tpu.memory_space<hbm>>
      tpu.wait_dma2 semaphore(%arg29 : memref<!tpu.dma_semaphore, #tpu.memory_space<semaphore_mem>>) src(%dma_wait3A_162 : memref<40x16xf32, #tpu.memory_space<hbm>>) dst(%arg20 : memref<40x16xf32, #tpu.memory_space<vmem>>)
      %dma_wait3A_163 = arith.constant 0 : i32
      %dma_wait3A_164 = arith.constant 0 : i32
      %dma_wait3A_165 = tpu.memref_slice %arg22[%dma_wait3A_163, %dma_wait3A_164] : memref<10000x144xf32, #tpu.memory_space<vmem_shared>> -> memref<10000x144xf32, #tpu.memory_space<vmem_shared>>
      tpu.wait_indirect_dma semaphore(%arg32 : memref<!tpu.dma_semaphore, #tpu.memory_space<semaphore_mem>>) src(%arg19 : memref<40x144xf32, #tpu.memory_space<vmem>>) dst(%dma_wait3A_165 : memref<10000x144xf32, #tpu.memory_space<vmem_shared>>)
      %add3A_166 = arith.constant 1 : i32
      %add3A_167 = arith.addi %mul3A_147, %add3A_166 : i32
      %mul3A_168 = arith.constant 40 : i32
      %mul3A_169 = arith.muli %add3A_167, %mul3A_168 : i32
      %add3A_170 = arith.addi %mul3A_2, %mul3A_169 : i32
      "tpu.region"() ({
        %run_scoped3A = tpu.sem_alloc : memref<!tpu.dma_semaphore, #tpu.memory_space<semaphore_mem>>
        %dma_start3A_250 = tpu.memref_slice %arg4[%add3A_170] : memref<320000xi32, #tpu.memory_space<hbm>> -> memref<40xi32, #tpu.memory_space<hbm>>
        %dma_start3A_251 = tpu.memref_slice %arg4[%add3A_170] : memref<320000xi32, #tpu.memory_space<hbm>> -> memref<40xi32, #tpu.memory_space<hbm>>
        tpu.enqueue_dma source(%dma_start3A_251 : memref<40xi32, #tpu.memory_space<hbm>>) target(%arg9 : memref<40xi32, #tpu.memory_space<vmem>>) target_semaphore(%run_scoped3A : memref<!tpu.dma_semaphore, #tpu.memory_space<semaphore_mem>>)
        %dma_wait3A_252 = tpu.memref_slice %arg4[%add3A_170] : memref<320000xi32, #tpu.memory_space<hbm>> -> memref<40xi32, #tpu.memory_space<hbm>>
        %dma_wait3A_253 = tpu.memref_slice %arg4[%add3A_170] : memref<320000xi32, #tpu.memory_space<hbm>> -> memref<40xi32, #tpu.memory_space<hbm>>
        tpu.wait_dma2 semaphore(%run_scoped3A : memref<!tpu.dma_semaphore, #tpu.memory_space<semaphore_mem>>) src(%dma_wait3A_253 : memref<40xi32, #tpu.memory_space<hbm>>) dst(%arg9 : memref<40xi32, #tpu.memory_space<vmem>>)
        tpu.yield
      }) : () -> ()
      "tpu.region"() ({
        %run_scoped3A = tpu.sem_alloc : memref<!tpu.dma_semaphore, #tpu.memory_space<semaphore_mem>>
        %dma_start3A_250 = tpu.memref_slice %arg5[%add3A_170] : memref<320000xi32, #tpu.memory_space<hbm>> -> memref<40xi32, #tpu.memory_space<hbm>>
        %dma_start3A_251 = tpu.memref_slice %arg5[%add3A_170] : memref<320000xi32, #tpu.memory_space<hbm>> -> memref<40xi32, #tpu.memory_space<hbm>>
        tpu.enqueue_dma source(%dma_start3A_251 : memref<40xi32, #tpu.memory_space<hbm>>) target(%arg11 : memref<40xi32, #tpu.memory_space<vmem>>) target_semaphore(%run_scoped3A : memref<!tpu.dma_semaphore, #tpu.memory_space<semaphore_mem>>)
        %dma_wait3A_252 = tpu.memref_slice %arg5[%add3A_170] : memref<320000xi32, #tpu.memory_space<hbm>> -> memref<40xi32, #tpu.memory_space<hbm>>
        %dma_wait3A_253 = tpu.memref_slice %arg5[%add3A_170] : memref<320000xi32, #tpu.memory_space<hbm>> -> memref<40xi32, #tpu.memory_space<hbm>>
        tpu.wait_dma2 semaphore(%run_scoped3A : memref<!tpu.dma_semaphore, #tpu.memory_space<semaphore_mem>>) src(%dma_wait3A_253 : memref<40xi32, #tpu.memory_space<hbm>>) dst(%arg11 : memref<40xi32, #tpu.memory_space<vmem>>)
        tpu.yield
      }) : () -> ()
      %add3A_171 = arith.constant 1 : i32
      %add3A_172 = arith.addi %mul3A_147, %add3A_171 : i32
      %dma_start3A_173 = arith.constant 0 : i32
      %dma_start3A_174 = arith.constant 0 : i32
      %dma_start3A_175 = tpu.memref_slice %arg2[%dma_start3A_173, %dma_start3A_174] : memref<10000x16xf32, #tpu.memory_space<hbm>> -> memref<10000x16xf32, #tpu.memory_space<hbm>>
      tpu.enqueue_indirect_dma source(%dma_start3A_175 : memref<10000x16xf32, #tpu.memory_space<hbm>>) target(%arg13 : memref<40x16xf32, #tpu.memory_space<vmem>>) offsets(%arg9 : memref<40xi32, #tpu.memory_space<vmem>>) semaphore(%arg24 : memref<!tpu.dma_semaphore, #tpu.memory_space<semaphore_mem>>)
      %dma_start3A_176 = arith.constant 0 : i32
      %dma_start3A_177 = arith.constant 0 : i32
      %dma_start3A_178 = tpu.memref_slice %arg2[%dma_start3A_176, %dma_start3A_177] : memref<10000x16xf32, #tpu.memory_space<hbm>> -> memref<10000x16xf32, #tpu.memory_space<hbm>>
      tpu.enqueue_indirect_dma source(%dma_start3A_178 : memref<10000x16xf32, #tpu.memory_space<hbm>>) target(%arg15 : memref<40x16xf32, #tpu.memory_space<vmem>>) offsets(%arg11 : memref<40xi32, #tpu.memory_space<vmem>>) semaphore(%arg26 : memref<!tpu.dma_semaphore, #tpu.memory_space<semaphore_mem>>)
      %dma_start3A_179 = arith.constant 0 : i32
      %dma_start3A_180 = arith.constant 0 : i32
      %dma_start3A_181 = tpu.memref_slice %arg3[%dma_start3A_179, %dma_start3A_180] : memref<10000x128xf32, #tpu.memory_space<hbm>> -> memref<10000x128xf32, #tpu.memory_space<hbm>>
      tpu.enqueue_indirect_dma source(%dma_start3A_181 : memref<10000x128xf32, #tpu.memory_space<hbm>>) target(%arg17 : memref<40x128xf32, #tpu.memory_space<vmem>>) offsets(%arg11 : memref<40xi32, #tpu.memory_space<vmem>>) semaphore(%arg28 : memref<!tpu.dma_semaphore, #tpu.memory_space<semaphore_mem>>)
      %mul3A_182 = arith.constant 40 : i32
      %mul3A_183 = arith.muli %add3A_172, %mul3A_182 : i32
      %add3A_184 = arith.addi %mul3A_2, %mul3A_183 : i32
      %dma_start3A_185 = arith.constant 0 : i32
      %dma_start3A_186 = tpu.memref_slice %arg6[%add3A_184, %dma_start3A_185] : memref<320000x16xf32, #tpu.memory_space<hbm>> -> memref<40x16xf32, #tpu.memory_space<hbm>>
      %dma_start3A_187 = arith.constant 0 : i32
      %dma_start3A_188 = tpu.memref_slice %arg6[%add3A_184, %dma_start3A_187] : memref<320000x16xf32, #tpu.memory_space<hbm>> -> memref<40x16xf32, #tpu.memory_space<hbm>>
      tpu.enqueue_dma source(%dma_start3A_188 : memref<40x16xf32, #tpu.memory_space<hbm>>) target(%arg21 : memref<40x16xf32, #tpu.memory_space<vmem>>) target_semaphore(%arg30 : memref<!tpu.dma_semaphore, #tpu.memory_space<semaphore_mem>>)
      %scan3A_189 = arith.constant 0 : i32
      %scan3A_190 = arith.constant 40 : i32
      %scan3A_191 = arith.addi %scan3A_189, %scan3A_190 : i32
      %scan3A_192 = arith.constant 1 : i32
      scf.for %scan3A_250 = %scan3A_189 to %scan3A_191 step %scan3A_192  : i32 {
        %mul3A_251 = arith.constant 1 : i32
        %mul3A_252 = arith.muli %scan3A_250, %mul3A_251 : i32
        %add3A_253 = arith.constant 0 : i32
        %add3A_254 = arith.addi %add3A_253, %mul3A_252 : i32
        %get3A = arith.index_cast %add3A_254 : i32 to index
        %get3A_255 = arith.constant 0 : index
        %get3A_256 = tpu.vector_load %arg12[%get3A, %get3A_255] {strides = array<i32>} : memref<40x16xf32, #tpu.memory_space<vmem>>, vector<1x16xf32>,
        %get3A_257 = vector.shape_cast %get3A_256 : vector<1x16xf32> to vector<16xf32>
        %get3A_258 = arith.index_cast %add3A_254 : i32 to index
        %get3A_259 = arith.constant 0 : index
        %get3A_260 = tpu.vector_load %arg14[%get3A_258, %get3A_259] {strides = array<i32>} : memref<40x16xf32, #tpu.memory_space<vmem>>, vector<1x16xf32>,
        %get3A_261 = vector.shape_cast %get3A_260 : vector<1x16xf32> to vector<16xf32>
        %broadcast_in_dim3A_262 = vector.shape_cast %xor3A_24 : vector<16xi32> to vector<16x1xi32>
        %gather3A = vector.shape_cast %broadcast_in_dim3A_262 : vector<16x1xi32> to vector<16xi32>
        %gather3A_263 = tpu.dynamic_gather %get3A_261[%gather3A] in [0] : vector<16xf32>, vector<16xi32> -> vector<16xf32>
        %add3A_264 = arith.addf %get3A_257, %gather3A_263 : vector<16xf32>
        %get3A_265 = arith.index_cast %add3A_254 : i32 to index
        %get3A_266 = arith.constant 0 : index
        %get3A_267 = tpu.vector_load %arg20[%get3A_265, %get3A_266] {strides = array<i32>} : memref<40x16xf32, #tpu.memory_space<vmem>>, vector<1x16xf32>,
        %get3A_268 = vector.shape_cast %get3A_267 : vector<1x16xf32> to vector<16xf32>
        %add3A_269 = arith.addf %add3A_264, %get3A_268 : vector<16xf32>
        %mul3A_270 = arith.constant 0.00999999977 : f32
        %mul3A_271 = vector.broadcast %mul3A_270 : f32 to vector<16xf32>
        %mul3A_272 = arith.mulf %add3A_269, %mul3A_271 : vector<16xf32>
        %max3A = arith.maximumf %add3A_269, %mul3A_272 : vector<16xf32>
        %exp3A = math.exp %max3A : vector<16xf32>
        %swap3A = arith.index_cast %add3A_254 : i32 to index
        %swap3A_273 = arith.constant 0 : index
        %swap3A_274 = tpu.vector_load %arg18[%swap3A, %swap3A_273] {strides = array<i32>} : memref<40x144xf32, #tpu.memory_space<vmem>>, vector<1x16xf32>,
        %swap3A_275 = vector.shape_cast %swap3A_274 : vector<1x16xf32> to vector<16xf32>
        %swap3A_276 = vector.shape_cast %exp3A : vector<16xf32> to vector<1x16xf32>
        tpu.vector_store %arg18[%swap3A, %swap3A_273], %swap3A_276 {strides = array<i32>} : memref<40x144xf32, #tpu.memory_space<vmem>>, vector<1x16xf32>,
        %broadcast_in_dim3A_277 = arith.constant 0 : i32
        %broadcast_in_dim3A_278 = vector.broadcast %broadcast_in_dim3A_277 : i32 to vector<16xi32>
        %broadcast_in_dim3A_279 = vector.shape_cast %broadcast_in_dim3A_278 : vector<16xi32> to vector<16x1xi32>
        %gather3A_280 = vector.shape_cast %broadcast_in_dim3A_279 : vector<16x1xi32> to vector<16xi32>
        %gather3A_281 = tpu.dynamic_gather %exp3A[%gather3A_280] in [0] : vector<16xf32>, vector<16xi32> -> vector<16xf32>
        %get3A_282 = arith.index_cast %add3A_254 : i32 to index
        %get3A_283 = arith.constant 0 : index
        %get3A_284 = tpu.vector_load %arg16[%get3A_282, %get3A_283] {strides = array<i32>} : memref<40x128xf32, #tpu.memory_space<vmem>>, vector<1x16xf32>,
        %get3A_285 = vector.shape_cast %get3A_284 : vector<1x16xf32> to vector<16xf32>
        %mul3A_286 = arith.mulf %get3A_285, %gather3A_281 : vector<16xf32>
        %swap3A_287 = arith.index_cast %add3A_254 : i32 to index
        %swap3A_288 = arith.constant 16 : index
        %swap3A_289 = tpu.vector_load %arg18[%swap3A_287, %swap3A_288] {strides = array<i32>} : memref<40x144xf32, #tpu.memory_space<vmem>>, vector<1x16xf32>,
        %swap3A_290 = vector.shape_cast %swap3A_289 : vector<1x16xf32> to vector<16xf32>
        %swap3A_291 = vector.shape_cast %mul3A_286 : vector<16xf32> to vector<1x16xf32>
        tpu.vector_store %arg18[%swap3A_287, %swap3A_288], %swap3A_291 {strides = array<i32>} : memref<40x144xf32, #tpu.memory_space<vmem>>, vector<1x16xf32>,
        %broadcast_in_dim3A_292 = arith.constant 1 : i32
        %broadcast_in_dim3A_293 = vector.broadcast %broadcast_in_dim3A_292 : i32 to vector<16xi32>
        %broadcast_in_dim3A_294 = vector.shape_cast %broadcast_in_dim3A_293 : vector<16xi32> to vector<16x1xi32>
        %gather3A_295 = vector.shape_cast %broadcast_in_dim3A_294 : vector<16x1xi32> to vector<16xi32>
        %gather3A_296 = tpu.dynamic_gather %exp3A[%gather3A_295] in [0] : vector<16xf32>, vector<16xi32> -> vector<16xf32>
        %get3A_297 = arith.index_cast %add3A_254 : i32 to index
        %get3A_298 = arith.constant 16 : index
        %get3A_299 = tpu.vector_load %arg16[%get3A_297, %get3A_298] {strides = array<i32>} : memref<40x128xf32, #tpu.memory_space<vmem>>, vector<1x16xf32>,
        %get3A_300 = vector.shape_cast %get3A_299 : vector<1x16xf32> to vector<16xf32>
        %mul3A_301 = arith.mulf %get3A_300, %gather3A_296 : vector<16xf32>
        %swap3A_302 = arith.index_cast %add3A_254 : i32 to index
        %swap3A_303 = arith.constant 32 : index
        %swap3A_304 = tpu.vector_load %arg18[%swap3A_302, %swap3A_303] {strides = array<i32>} : memref<40x144xf32, #tpu.memory_space<vmem>>, vector<1x16xf32>,
        %swap3A_305 = vector.shape_cast %swap3A_304 : vector<1x16xf32> to vector<16xf32>
        %swap3A_306 = vector.shape_cast %mul3A_301 : vector<16xf32> to vector<1x16xf32>
        tpu.vector_store %arg18[%swap3A_302, %swap3A_303], %swap3A_306 {strides = array<i32>} : memref<40x144xf32, #tpu.memory_space<vmem>>, vector<1x16xf32>,
        %broadcast_in_dim3A_307 = arith.constant 2 : i32
        %broadcast_in_dim3A_308 = vector.broadcast %broadcast_in_dim3A_307 : i32 to vector<16xi32>
        %broadcast_in_dim3A_309 = vector.shape_cast %broadcast_in_dim3A_308 : vector<16xi32> to vector<16x1xi32>
        %gather3A_310 = vector.shape_cast %broadcast_in_dim3A_309 : vector<16x1xi32> to vector<16xi32>
        %gather3A_311 = tpu.dynamic_gather %exp3A[%gather3A_310] in [0] : vector<16xf32>, vector<16xi32> -> vector<16xf32>
        %get3A_312 = arith.index_cast %add3A_254 : i32 to index
        %get3A_313 = arith.constant 32 : index
        %get3A_314 = tpu.vector_load %arg16[%get3A_312, %get3A_313] {strides = array<i32>} : memref<40x128xf32, #tpu.memory_space<vmem>>, vector<1x16xf32>,
        %get3A_315 = vector.shape_cast %get3A_314 : vector<1x16xf32> to vector<16xf32>
        %mul3A_316 = arith.mulf %get3A_315, %gather3A_311 : vector<16xf32>
        %swap3A_317 = arith.index_cast %add3A_254 : i32 to index
        %swap3A_318 = arith.constant 48 : index
        %swap3A_319 = tpu.vector_load %arg18[%swap3A_317, %swap3A_318] {strides = array<i32>} : memref<40x144xf32, #tpu.memory_space<vmem>>, vector<1x16xf32>,
        %swap3A_320 = vector.shape_cast %swap3A_319 : vector<1x16xf32> to vector<16xf32>
        %swap3A_321 = vector.shape_cast %mul3A_316 : vector<16xf32> to vector<1x16xf32>
        tpu.vector_store %arg18[%swap3A_317, %swap3A_318], %swap3A_321 {strides = array<i32>} : memref<40x144xf32, #tpu.memory_space<vmem>>, vector<1x16xf32>,
        %broadcast_in_dim3A_322 = arith.constant 3 : i32
        %broadcast_in_dim3A_323 = vector.broadcast %broadcast_in_dim3A_322 : i32 to vector<16xi32>
        %broadcast_in_dim3A_324 = vector.shape_cast %broadcast_in_dim3A_323 : vector<16xi32> to vector<16x1xi32>
        %gather3A_325 = vector.shape_cast %broadcast_in_dim3A_324 : vector<16x1xi32> to vector<16xi32>
        %gather3A_326 = tpu.dynamic_gather %exp3A[%gather3A_325] in [0] : vector<16xf32>, vector<16xi32> -> vector<16xf32>
        %get3A_327 = arith.index_cast %add3A_254 : i32 to index
        %get3A_328 = arith.constant 48 : index
        %get3A_329 = tpu.vector_load %arg16[%get3A_327, %get3A_328] {strides = array<i32>} : memref<40x128xf32, #tpu.memory_space<vmem>>, vector<1x16xf32>,
        %get3A_330 = vector.shape_cast %get3A_329 : vector<1x16xf32> to vector<16xf32>
        %mul3A_331 = arith.mulf %get3A_330, %gather3A_326 : vector<16xf32>
        %swap3A_332 = arith.index_cast %add3A_254 : i32 to index
        %swap3A_333 = arith.constant 64 : index
        %swap3A_334 = tpu.vector_load %arg18[%swap3A_332, %swap3A_333] {strides = array<i32>} : memref<40x144xf32, #tpu.memory_space<vmem>>, vector<1x16xf32>,
        %swap3A_335 = vector.shape_cast %swap3A_334 : vector<1x16xf32> to vector<16xf32>
        %swap3A_336 = vector.shape_cast %mul3A_331 : vector<16xf32> to vector<1x16xf32>
        tpu.vector_store %arg18[%swap3A_332, %swap3A_333], %swap3A_336 {strides = array<i32>} : memref<40x144xf32, #tpu.memory_space<vmem>>, vector<1x16xf32>,
        %broadcast_in_dim3A_337 = arith.constant 4 : i32
        %broadcast_in_dim3A_338 = vector.broadcast %broadcast_in_dim3A_337 : i32 to vector<16xi32>
        %broadcast_in_dim3A_339 = vector.shape_cast %broadcast_in_dim3A_338 : vector<16xi32> to vector<16x1xi32>
        %gather3A_340 = vector.shape_cast %broadcast_in_dim3A_339 : vector<16x1xi32> to vector<16xi32>
        %gather3A_341 = tpu.dynamic_gather %exp3A[%gather3A_340] in [0] : vector<16xf32>, vector<16xi32> -> vector<16xf32>
        %get3A_342 = arith.index_cast %add3A_254 : i32 to index
        %get3A_343 = arith.constant 64 : index
        %get3A_344 = tpu.vector_load %arg16[%get3A_342, %get3A_343] {strides = array<i32>} : memref<40x128xf32, #tpu.memory_space<vmem>>, vector<1x16xf32>,
        %get3A_345 = vector.shape_cast %get3A_344 : vector<1x16xf32> to vector<16xf32>
        %mul3A_346 = arith.mulf %get3A_345, %gather3A_341 : vector<16xf32>
        %swap3A_347 = arith.index_cast %add3A_254 : i32 to index
        %swap3A_348 = arith.constant 80 : index
        %swap3A_349 = tpu.vector_load %arg18[%swap3A_347, %swap3A_348] {strides = array<i32>} : memref<40x144xf32, #tpu.memory_space<vmem>>, vector<1x16xf32>,
        %swap3A_350 = vector.shape_cast %swap3A_349 : vector<1x16xf32> to vector<16xf32>
        %swap3A_351 = vector.shape_cast %mul3A_346 : vector<16xf32> to vector<1x16xf32>
        tpu.vector_store %arg18[%swap3A_347, %swap3A_348], %swap3A_351 {strides = array<i32>} : memref<40x144xf32, #tpu.memory_space<vmem>>, vector<1x16xf32>,
        %broadcast_in_dim3A_352 = arith.constant 5 : i32
        %broadcast_in_dim3A_353 = vector.broadcast %broadcast_in_dim3A_352 : i32 to vector<16xi32>
        %broadcast_in_dim3A_354 = vector.shape_cast %broadcast_in_dim3A_353 : vector<16xi32> to vector<16x1xi32>
        %gather3A_355 = vector.shape_cast %broadcast_in_dim3A_354 : vector<16x1xi32> to vector<16xi32>
        %gather3A_356 = tpu.dynamic_gather %exp3A[%gather3A_355] in [0] : vector<16xf32>, vector<16xi32> -> vector<16xf32>
        %get3A_357 = arith.index_cast %add3A_254 : i32 to index
        %get3A_358 = arith.constant 80 : index
        %get3A_359 = tpu.vector_load %arg16[%get3A_357, %get3A_358] {strides = array<i32>} : memref<40x128xf32, #tpu.memory_space<vmem>>, vector<1x16xf32>,
        %get3A_360 = vector.shape_cast %get3A_359 : vector<1x16xf32> to vector<16xf32>
        %mul3A_361 = arith.mulf %get3A_360, %gather3A_356 : vector<16xf32>
        %swap3A_362 = arith.index_cast %add3A_254 : i32 to index
        %swap3A_363 = arith.constant 96 : index
        %swap3A_364 = tpu.vector_load %arg18[%swap3A_362, %swap3A_363] {strides = array<i32>} : memref<40x144xf32, #tpu.memory_space<vmem>>, vector<1x16xf32>,
        %swap3A_365 = vector.shape_cast %swap3A_364 : vector<1x16xf32> to vector<16xf32>
        %swap3A_366 = vector.shape_cast %mul3A_361 : vector<16xf32> to vector<1x16xf32>
        tpu.vector_store %arg18[%swap3A_362, %swap3A_363], %swap3A_366 {strides = array<i32>} : memref<40x144xf32, #tpu.memory_space<vmem>>, vector<1x16xf32>,
        %broadcast_in_dim3A_367 = arith.constant 6 : i32
        %broadcast_in_dim3A_368 = vector.broadcast %broadcast_in_dim3A_367 : i32 to vector<16xi32>
        %broadcast_in_dim3A_369 = vector.shape_cast %broadcast_in_dim3A_368 : vector<16xi32> to vector<16x1xi32>
        %gather3A_370 = vector.shape_cast %broadcast_in_dim3A_369 : vector<16x1xi32> to vector<16xi32>
        %gather3A_371 = tpu.dynamic_gather %exp3A[%gather3A_370] in [0] : vector<16xf32>, vector<16xi32> -> vector<16xf32>
        %get3A_372 = arith.index_cast %add3A_254 : i32 to index
        %get3A_373 = arith.constant 96 : index
        %get3A_374 = tpu.vector_load %arg16[%get3A_372, %get3A_373] {strides = array<i32>} : memref<40x128xf32, #tpu.memory_space<vmem>>, vector<1x16xf32>,
        %get3A_375 = vector.shape_cast %get3A_374 : vector<1x16xf32> to vector<16xf32>
        %mul3A_376 = arith.mulf %get3A_375, %gather3A_371 : vector<16xf32>
        %swap3A_377 = arith.index_cast %add3A_254 : i32 to index
        %swap3A_378 = arith.constant 112 : index
        %swap3A_379 = tpu.vector_load %arg18[%swap3A_377, %swap3A_378] {strides = array<i32>} : memref<40x144xf32, #tpu.memory_space<vmem>>, vector<1x16xf32>,
        %swap3A_380 = vector.shape_cast %swap3A_379 : vector<1x16xf32> to vector<16xf32>
        %swap3A_381 = vector.shape_cast %mul3A_376 : vector<16xf32> to vector<1x16xf32>
        tpu.vector_store %arg18[%swap3A_377, %swap3A_378], %swap3A_381 {strides = array<i32>} : memref<40x144xf32, #tpu.memory_space<vmem>>, vector<1x16xf32>,
        %broadcast_in_dim3A_382 = arith.constant 7 : i32
        %broadcast_in_dim3A_383 = vector.broadcast %broadcast_in_dim3A_382 : i32 to vector<16xi32>
        %broadcast_in_dim3A_384 = vector.shape_cast %broadcast_in_dim3A_383 : vector<16xi32> to vector<16x1xi32>
        %gather3A_385 = vector.shape_cast %broadcast_in_dim3A_384 : vector<16x1xi32> to vector<16xi32>
        %gather3A_386 = tpu.dynamic_gather %exp3A[%gather3A_385] in [0] : vector<16xf32>, vector<16xi32> -> vector<16xf32>
        %get3A_387 = arith.index_cast %add3A_254 : i32 to index
        %get3A_388 = arith.constant 112 : index
        %get3A_389 = tpu.vector_load %arg16[%get3A_387, %get3A_388] {strides = array<i32>} : memref<40x128xf32, #tpu.memory_space<vmem>>, vector<1x16xf32>,
        %get3A_390 = vector.shape_cast %get3A_389 : vector<1x16xf32> to vector<16xf32>
        %mul3A_391 = arith.mulf %get3A_390, %gather3A_386 : vector<16xf32>
        %swap3A_392 = arith.index_cast %add3A_254 : i32 to index
        %swap3A_393 = arith.constant 128 : index
        %swap3A_394 = tpu.vector_load %arg18[%swap3A_392, %swap3A_393] {strides = array<i32>} : memref<40x144xf32, #tpu.memory_space<vmem>>, vector<1x16xf32>,
        %swap3A_395 = vector.shape_cast %swap3A_394 : vector<1x16xf32> to vector<16xf32>
        %swap3A_396 = vector.shape_cast %mul3A_391 : vector<16xf32> to vector<1x16xf32>
        tpu.vector_store %arg18[%swap3A_392, %swap3A_393], %swap3A_396 {strides = array<i32>} : memref<40x144xf32, #tpu.memory_space<vmem>>, vector<1x16xf32>,
      }
      %scan3A_193 = arith.constant 40 : i32
      %dma_start3A_194 = arith.constant 0 : i32
      %dma_start3A_195 = arith.constant 0 : i32
      %dma_start3A_196 = tpu.memref_slice %arg22[%dma_start3A_194, %dma_start3A_195] : memref<10000x144xf32, #tpu.memory_space<vmem_shared>> -> memref<10000x144xf32, #tpu.memory_space<vmem_shared>>
      tpu.enqueue_indirect_dma source(%arg18 : memref<40x144xf32, #tpu.memory_space<vmem>>) target(%dma_start3A_196 : memref<10000x144xf32, #tpu.memory_space<vmem_shared>>) offsets(%arg8 : memref<40xi32, #tpu.memory_space<vmem>>) semaphore(%arg31 : memref<!tpu.dma_semaphore, #tpu.memory_space<semaphore_mem>>) {add = true}
      %mul3A_197 = arith.constant 2 : i32
      %mul3A_198 = arith.muli %add3A_145, %mul3A_197 : i32
      %add3A_199 = arith.constant 1 : i32
      %add3A_200 = arith.addi %mul3A_198, %add3A_199 : i32
      %dma_wait3A_201 = arith.constant 0 : i32
      %dma_wait3A_202 = arith.constant 0 : i32
      %dma_wait3A_203 = tpu.memref_slice %arg2[%dma_wait3A_201, %dma_wait3A_202] : memref<10000x16xf32, #tpu.memory_space<hbm>> -> memref<10000x16xf32, #tpu.memory_space<hbm>>
      tpu.wait_indirect_dma semaphore(%arg24 : memref<!tpu.dma_semaphore, #tpu.memory_space<semaphore_mem>>) src(%dma_wait3A_203 : memref<10000x16xf32, #tpu.memory_space<hbm>>) dst(%arg13 : memref<40x16xf32, #tpu.memory_space<vmem>>)
      %dma_wait3A_204 = arith.constant 0 : i32
      %dma_wait3A_205 = arith.constant 0 : i32
      %dma_wait3A_206 = tpu.memref_slice %arg2[%dma_wait3A_204, %dma_wait3A_205] : memref<10000x16xf32, #tpu.memory_space<hbm>> -> memref<10000x16xf32, #tpu.memory_space<hbm>>
      tpu.wait_indirect_dma semaphore(%arg26 : memref<!tpu.dma_semaphore, #tpu.memory_space<semaphore_mem>>) src(%dma_wait3A_206 : memref<10000x16xf32, #tpu.memory_space<hbm>>) dst(%arg15 : memref<40x16xf32, #tpu.memory_space<vmem>>)
      %dma_wait3A_207 = arith.constant 0 : i32
      %dma_wait3A_208 = arith.constant 0 : i32
      %dma_wait3A_209 = tpu.memref_slice %arg3[%dma_wait3A_207, %dma_wait3A_208] : memref<10000x128xf32, #tpu.memory_space<hbm>> -> memref<10000x128xf32, #tpu.memory_space<hbm>>
      tpu.wait_indirect_dma semaphore(%arg28 : memref<!tpu.dma_semaphore, #tpu.memory_space<semaphore_mem>>) src(%dma_wait3A_209 : memref<10000x128xf32, #tpu.memory_space<hbm>>) dst(%arg17 : memref<40x128xf32, #tpu.memory_space<vmem>>)
      %dma_wait3A_210 = arith.constant 0 : i32
      %dma_wait3A_211 = arith.constant 0 : i32
      %dma_wait3A_212 = tpu.memref_slice %arg6[%dma_wait3A_210, %dma_wait3A_211] : memref<320000x16xf32, #tpu.memory_space<hbm>> -> memref<40x16xf32, #tpu.memory_space<hbm>>
      %dma_wait3A_213 = arith.constant 0 : i32
      %dma_wait3A_214 = arith.constant 0 : i32
      %dma_wait3A_215 = tpu.memref_slice %arg6[%dma_wait3A_213, %dma_wait3A_214] : memref<320000x16xf32, #tpu.memory_space<hbm>> -> memref<40x16xf32, #tpu.memory_space<hbm>>
      tpu.wait_dma2 semaphore(%arg30 : memref<!tpu.dma_semaphore, #tpu.memory_space<semaphore_mem>>) src(%dma_wait3A_215 : memref<40x16xf32, #tpu.memory_space<hbm>>) dst(%arg21 : memref<40x16xf32, #tpu.memory_space<vmem>>)
      %dma_wait3A_216 = arith.constant 0 : i32
      %dma_wait3A_217 = arith.constant 0 : i32
      %dma_wait3A_218 = tpu.memref_slice %arg22[%dma_wait3A_216, %dma_wait3A_217] : memref<10000x144xf32, #tpu.memory_space<vmem_shared>> -> memref<10000x144xf32, #tpu.memory_space<vmem_shared>>
      tpu.wait_indirect_dma semaphore(%arg31 : memref<!tpu.dma_semaphore, #tpu.memory_space<semaphore_mem>>) src(%arg18 : memref<40x144xf32, #tpu.memory_space<vmem>>) dst(%dma_wait3A_218 : memref<10000x144xf32, #tpu.memory_space<vmem_shared>>)
      %add3A_219 = arith.constant 1 : i32
      %add3A_220 = arith.addi %add3A_200, %add3A_219 : i32
      %mul3A_221 = arith.constant 40 : i32
      %mul3A_222 = arith.muli %add3A_220, %mul3A_221 : i32
      %add3A_223 = arith.addi %mul3A_2, %mul3A_222 : i32
      "tpu.region"() ({
        %run_scoped3A = tpu.sem_alloc : memref<!tpu.dma_semaphore, #tpu.memory_space<semaphore_mem>>
        %dma_start3A_250 = tpu.memref_slice %arg4[%add3A_223] : memref<320000xi32, #tpu.memory_space<hbm>> -> memref<40xi32, #tpu.memory_space<hbm>>
        %dma_start3A_251 = tpu.memref_slice %arg4[%add3A_223] : memref<320000xi32, #tpu.memory_space<hbm>> -> memref<40xi32, #tpu.memory_space<hbm>>
        tpu.enqueue_dma source(%dma_start3A_251 : memref<40xi32, #tpu.memory_space<hbm>>) target(%arg8 : memref<40xi32, #tpu.memory_space<vmem>>) target_semaphore(%run_scoped3A : memref<!tpu.dma_semaphore, #tpu.memory_space<semaphore_mem>>)
        %dma_wait3A_252 = tpu.memref_slice %arg4[%add3A_223] : memref<320000xi32, #tpu.memory_space<hbm>> -> memref<40xi32, #tpu.memory_space<hbm>>
        %dma_wait3A_253 = tpu.memref_slice %arg4[%add3A_223] : memref<320000xi32, #tpu.memory_space<hbm>> -> memref<40xi32, #tpu.memory_space<hbm>>
        tpu.wait_dma2 semaphore(%run_scoped3A : memref<!tpu.dma_semaphore, #tpu.memory_space<semaphore_mem>>) src(%dma_wait3A_253 : memref<40xi32, #tpu.memory_space<hbm>>) dst(%arg8 : memref<40xi32, #tpu.memory_space<vmem>>)
        tpu.yield
      }) : () -> ()
      "tpu.region"() ({
        %run_scoped3A = tpu.sem_alloc : memref<!tpu.dma_semaphore, #tpu.memory_space<semaphore_mem>>
        %dma_start3A_250 = tpu.memref_slice %arg5[%add3A_223] : memref<320000xi32, #tpu.memory_space<hbm>> -> memref<40xi32, #tpu.memory_space<hbm>>
        %dma_start3A_251 = tpu.memref_slice %arg5[%add3A_223] : memref<320000xi32, #tpu.memory_space<hbm>> -> memref<40xi32, #tpu.memory_space<hbm>>
        tpu.enqueue_dma source(%dma_start3A_251 : memref<40xi32, #tpu.memory_space<hbm>>) target(%arg10 : memref<40xi32, #tpu.memory_space<vmem>>) target_semaphore(%run_scoped3A : memref<!tpu.dma_semaphore, #tpu.memory_space<semaphore_mem>>)
        %dma_wait3A_252 = tpu.memref_slice %arg5[%add3A_223] : memref<320000xi32, #tpu.memory_space<hbm>> -> memref<40xi32, #tpu.memory_space<hbm>>
        %dma_wait3A_253 = tpu.memref_slice %arg5[%add3A_223] : memref<320000xi32, #tpu.memory_space<hbm>> -> memref<40xi32, #tpu.memory_space<hbm>>
        tpu.wait_dma2 semaphore(%run_scoped3A : memref<!tpu.dma_semaphore, #tpu.memory_space<semaphore_mem>>) src(%dma_wait3A_253 : memref<40xi32, #tpu.memory_space<hbm>>) dst(%arg10 : memref<40xi32, #tpu.memory_space<vmem>>)
        tpu.yield
      }) : () -> ()
      %add3A_224 = arith.constant 1 : i32
      %add3A_225 = arith.addi %add3A_200, %add3A_224 : i32
      %dma_start3A_226 = arith.constant 0 : i32
      %dma_start3A_227 = arith.constant 0 : i32
      %dma_start3A_228 = tpu.memref_slice %arg2[%dma_start3A_226, %dma_start3A_227] : memref<10000x16xf32, #tpu.memory_space<hbm>> -> memref<10000x16xf32, #tpu.memory_space<hbm>>
      tpu.enqueue_indirect_dma source(%dma_start3A_228 : memref<10000x16xf32, #tpu.memory_space<hbm>>) target(%arg12 : memref<40x16xf32, #tpu.memory_space<vmem>>) offsets(%arg8 : memref<40xi32, #tpu.memory_space<vmem>>) semaphore(%arg23 : memref<!tpu.dma_semaphore, #tpu.memory_space<semaphore_mem>>)
      %dma_start3A_229 = arith.constant 0 : i32
      %dma_start3A_230 = arith.constant 0 : i32
      %dma_start3A_231 = tpu.memref_slice %arg2[%dma_start3A_229, %dma_start3A_230] : memref<10000x16xf32, #tpu.memory_space<hbm>> -> memref<10000x16xf32, #tpu.memory_space<hbm>>
      tpu.enqueue_indirect_dma source(%dma_start3A_231 : memref<10000x16xf32, #tpu.memory_space<hbm>>) target(%arg14 : memref<40x16xf32, #tpu.memory_space<vmem>>) offsets(%arg10 : memref<40xi32, #tpu.memory_space<vmem>>) semaphore(%arg25 : memref<!tpu.dma_semaphore, #tpu.memory_space<semaphore_mem>>)
      %dma_start3A_232 = arith.constant 0 : i32
      %dma_start3A_233 = arith.constant 0 : i32
      %dma_start3A_234 = tpu.memref_slice %arg3[%dma_start3A_232, %dma_start3A_233] : memref<10000x128xf32, #tpu.memory_space<hbm>> -> memref<10000x128xf32, #tpu.memory_space<hbm>>
      tpu.enqueue_indirect_dma source(%dma_start3A_234 : memref<10000x128xf32, #tpu.memory_space<hbm>>) target(%arg16 : memref<40x128xf32, #tpu.memory_space<vmem>>) offsets(%arg10 : memref<40xi32, #tpu.memory_space<vmem>>) semaphore(%arg27 : memref<!tpu.dma_semaphore, #tpu.memory_space<semaphore_mem>>)
      %mul3A_235 = arith.constant 40 : i32
      %mul3A_236 = arith.muli %add3A_225, %mul3A_235 : i32
      %add3A_237 = arith.addi %mul3A_2, %mul3A_236 : i32
      %dma_start3A_238 = arith.constant 0 : i32
      %dma_start3A_239 = tpu.memref_slice %arg6[%add3A_237, %dma_start3A_238] : memref<320000x16xf32, #tpu.memory_space<hbm>> -> memref<40x16xf32, #tpu.memory_space<hbm>>
      %dma_start3A_240 = arith.constant 0 : i32
      %dma_start3A_241 = tpu.memref_slice %arg6[%add3A_237, %dma_start3A_240] : memref<320000x16xf32, #tpu.memory_space<hbm>> -> memref<40x16xf32, #tpu.memory_space<hbm>>
      tpu.enqueue_dma source(%dma_start3A_241 : memref<40x16xf32, #tpu.memory_space<hbm>>) target(%arg20 : memref<40x16xf32, #tpu.memory_space<vmem>>) target_semaphore(%arg29 : memref<!tpu.dma_semaphore, #tpu.memory_space<semaphore_mem>>)
      %scan3A_242 = arith.constant 0 : i32
      %scan3A_243 = arith.constant 40 : i32
      %scan3A_244 = arith.addi %scan3A_242, %scan3A_243 : i32
      %scan3A_245 = arith.constant 1 : i32
      scf.for %scan3A_250 = %scan3A_242 to %scan3A_244 step %scan3A_245  : i32 {
        %mul3A_251 = arith.constant 1 : i32
        %mul3A_252 = arith.muli %scan3A_250, %mul3A_251 : i32
        %add3A_253 = arith.constant 0 : i32
        %add3A_254 = arith.addi %add3A_253, %mul3A_252 : i32
        %get3A = arith.index_cast %add3A_254 : i32 to index
        %get3A_255 = arith.constant 0 : index
        %get3A_256 = tpu.vector_load %arg13[%get3A, %get3A_255] {strides = array<i32>} : memref<40x16xf32, #tpu.memory_space<vmem>>, vector<1x16xf32>,
        %get3A_257 = vector.shape_cast %get3A_256 : vector<1x16xf32> to vector<16xf32>
        %get3A_258 = arith.index_cast %add3A_254 : i32 to index
        %get3A_259 = arith.constant 0 : index
        %get3A_260 = tpu.vector_load %arg15[%get3A_258, %get3A_259] {strides = array<i32>} : memref<40x16xf32, #tpu.memory_space<vmem>>, vector<1x16xf32>,
        %get3A_261 = vector.shape_cast %get3A_260 : vector<1x16xf32> to vector<16xf32>
        %broadcast_in_dim3A_262 = vector.shape_cast %xor3A_24 : vector<16xi32> to vector<16x1xi32>
        %gather3A = vector.shape_cast %broadcast_in_dim3A_262 : vector<16x1xi32> to vector<16xi32>
        %gather3A_263 = tpu.dynamic_gather %get3A_261[%gather3A] in [0] : vector<16xf32>, vector<16xi32> -> vector<16xf32>
        %add3A_264 = arith.addf %get3A_257, %gather3A_263 : vector<16xf32>
        %get3A_265 = arith.index_cast %add3A_254 : i32 to index
        %get3A_266 = arith.constant 0 : index
        %get3A_267 = tpu.vector_load %arg21[%get3A_265, %get3A_266] {strides = array<i32>} : memref<40x16xf32, #tpu.memory_space<vmem>>, vector<1x16xf32>,
        %get3A_268 = vector.shape_cast %get3A_267 : vector<1x16xf32> to vector<16xf32>
        %add3A_269 = arith.addf %add3A_264, %get3A_268 : vector<16xf32>
        %mul3A_270 = arith.constant 0.00999999977 : f32
        %mul3A_271 = vector.broadcast %mul3A_270 : f32 to vector<16xf32>
        %mul3A_272 = arith.mulf %add3A_269, %mul3A_271 : vector<16xf32>
        %max3A = arith.maximumf %add3A_269, %mul3A_272 : vector<16xf32>
        %exp3A = math.exp %max3A : vector<16xf32>
        %swap3A = arith.index_cast %add3A_254 : i32 to index
        %swap3A_273 = arith.constant 0 : index
        %swap3A_274 = tpu.vector_load %arg19[%swap3A, %swap3A_273] {strides = array<i32>} : memref<40x144xf32, #tpu.memory_space<vmem>>, vector<1x16xf32>,
        %swap3A_275 = vector.shape_cast %swap3A_274 : vector<1x16xf32> to vector<16xf32>
        %swap3A_276 = vector.shape_cast %exp3A : vector<16xf32> to vector<1x16xf32>
        tpu.vector_store %arg19[%swap3A, %swap3A_273], %swap3A_276 {strides = array<i32>} : memref<40x144xf32, #tpu.memory_space<vmem>>, vector<1x16xf32>,
        %broadcast_in_dim3A_277 = arith.constant 0 : i32
        %broadcast_in_dim3A_278 = vector.broadcast %broadcast_in_dim3A_277 : i32 to vector<16xi32>
        %broadcast_in_dim3A_279 = vector.shape_cast %broadcast_in_dim3A_278 : vector<16xi32> to vector<16x1xi32>
        %gather3A_280 = vector.shape_cast %broadcast_in_dim3A_279 : vector<16x1xi32> to vector<16xi32>
        %gather3A_281 = tpu.dynamic_gather %exp3A[%gather3A_280] in [0] : vector<16xf32>, vector<16xi32> -> vector<16xf32>
        %get3A_282 = arith.index_cast %add3A_254 : i32 to index
        %get3A_283 = arith.constant 0 : index
        %get3A_284 = tpu.vector_load %arg17[%get3A_282, %get3A_283] {strides = array<i32>} : memref<40x128xf32, #tpu.memory_space<vmem>>, vector<1x16xf32>,
        %get3A_285 = vector.shape_cast %get3A_284 : vector<1x16xf32> to vector<16xf32>
        %mul3A_286 = arith.mulf %get3A_285, %gather3A_281 : vector<16xf32>
        %swap3A_287 = arith.index_cast %add3A_254 : i32 to index
        %swap3A_288 = arith.constant 16 : index
        %swap3A_289 = tpu.vector_load %arg19[%swap3A_287, %swap3A_288] {strides = array<i32>} : memref<40x144xf32, #tpu.memory_space<vmem>>, vector<1x16xf32>,
        %swap3A_290 = vector.shape_cast %swap3A_289 : vector<1x16xf32> to vector<16xf32>
        %swap3A_291 = vector.shape_cast %mul3A_286 : vector<16xf32> to vector<1x16xf32>
        tpu.vector_store %arg19[%swap3A_287, %swap3A_288], %swap3A_291 {strides = array<i32>} : memref<40x144xf32, #tpu.memory_space<vmem>>, vector<1x16xf32>,
        %broadcast_in_dim3A_292 = arith.constant 1 : i32
        %broadcast_in_dim3A_293 = vector.broadcast %broadcast_in_dim3A_292 : i32 to vector<16xi32>
        %broadcast_in_dim3A_294 = vector.shape_cast %broadcast_in_dim3A_293 : vector<16xi32> to vector<16x1xi32>
        %gather3A_295 = vector.shape_cast %broadcast_in_dim3A_294 : vector<16x1xi32> to vector<16xi32>
        %gather3A_296 = tpu.dynamic_gather %exp3A[%gather3A_295] in [0] : vector<16xf32>, vector<16xi32> -> vector<16xf32>
        %get3A_297 = arith.index_cast %add3A_254 : i32 to index
        %get3A_298 = arith.constant 16 : index
        %get3A_299 = tpu.vector_load %arg17[%get3A_297, %get3A_298] {strides = array<i32>} : memref<40x128xf32, #tpu.memory_space<vmem>>, vector<1x16xf32>,
        %get3A_300 = vector.shape_cast %get3A_299 : vector<1x16xf32> to vector<16xf32>
        %mul3A_301 = arith.mulf %get3A_300, %gather3A_296 : vector<16xf32>
        %swap3A_302 = arith.index_cast %add3A_254 : i32 to index
        %swap3A_303 = arith.constant 32 : index
        %swap3A_304 = tpu.vector_load %arg19[%swap3A_302, %swap3A_303] {strides = array<i32>} : memref<40x144xf32, #tpu.memory_space<vmem>>, vector<1x16xf32>,
        %swap3A_305 = vector.shape_cast %swap3A_304 : vector<1x16xf32> to vector<16xf32>
        %swap3A_306 = vector.shape_cast %mul3A_301 : vector<16xf32> to vector<1x16xf32>
        tpu.vector_store %arg19[%swap3A_302, %swap3A_303], %swap3A_306 {strides = array<i32>} : memref<40x144xf32, #tpu.memory_space<vmem>>, vector<1x16xf32>,
        %broadcast_in_dim3A_307 = arith.constant 2 : i32
        %broadcast_in_dim3A_308 = vector.broadcast %broadcast_in_dim3A_307 : i32 to vector<16xi32>
        %broadcast_in_dim3A_309 = vector.shape_cast %broadcast_in_dim3A_308 : vector<16xi32> to vector<16x1xi32>
        %gather3A_310 = vector.shape_cast %broadcast_in_dim3A_309 : vector<16x1xi32> to vector<16xi32>
        %gather3A_311 = tpu.dynamic_gather %exp3A[%gather3A_310] in [0] : vector<16xf32>, vector<16xi32> -> vector<16xf32>
        %get3A_312 = arith.index_cast %add3A_254 : i32 to index
        %get3A_313 = arith.constant 32 : index
        %get3A_314 = tpu.vector_load %arg17[%get3A_312, %get3A_313] {strides = array<i32>} : memref<40x128xf32, #tpu.memory_space<vmem>>, vector<1x16xf32>,
        %get3A_315 = vector.shape_cast %get3A_314 : vector<1x16xf32> to vector<16xf32>
        %mul3A_316 = arith.mulf %get3A_315, %gather3A_311 : vector<16xf32>
        %swap3A_317 = arith.index_cast %add3A_254 : i32 to index
        %swap3A_318 = arith.constant 48 : index
        %swap3A_319 = tpu.vector_load %arg19[%swap3A_317, %swap3A_318] {strides = array<i32>} : memref<40x144xf32, #tpu.memory_space<vmem>>, vector<1x16xf32>,
        %swap3A_320 = vector.shape_cast %swap3A_319 : vector<1x16xf32> to vector<16xf32>
        %swap3A_321 = vector.shape_cast %mul3A_316 : vector<16xf32> to vector<1x16xf32>
        tpu.vector_store %arg19[%swap3A_317, %swap3A_318], %swap3A_321 {strides = array<i32>} : memref<40x144xf32, #tpu.memory_space<vmem>>, vector<1x16xf32>,
        %broadcast_in_dim3A_322 = arith.constant 3 : i32
        %broadcast_in_dim3A_323 = vector.broadcast %broadcast_in_dim3A_322 : i32 to vector<16xi32>
        %broadcast_in_dim3A_324 = vector.shape_cast %broadcast_in_dim3A_323 : vector<16xi32> to vector<16x1xi32>
        %gather3A_325 = vector.shape_cast %broadcast_in_dim3A_324 : vector<16x1xi32> to vector<16xi32>
        %gather3A_326 = tpu.dynamic_gather %exp3A[%gather3A_325] in [0] : vector<16xf32>, vector<16xi32> -> vector<16xf32>
        %get3A_327 = arith.index_cast %add3A_254 : i32 to index
        %get3A_328 = arith.constant 48 : index
        %get3A_329 = tpu.vector_load %arg17[%get3A_327, %get3A_328] {strides = array<i32>} : memref<40x128xf32, #tpu.memory_space<vmem>>, vector<1x16xf32>,
        %get3A_330 = vector.shape_cast %get3A_329 : vector<1x16xf32> to vector<16xf32>
        %mul3A_331 = arith.mulf %get3A_330, %gather3A_326 : vector<16xf32>
        %swap3A_332 = arith.index_cast %add3A_254 : i32 to index
        %swap3A_333 = arith.constant 64 : index
        %swap3A_334 = tpu.vector_load %arg19[%swap3A_332, %swap3A_333] {strides = array<i32>} : memref<40x144xf32, #tpu.memory_space<vmem>>, vector<1x16xf32>,
        %swap3A_335 = vector.shape_cast %swap3A_334 : vector<1x16xf32> to vector<16xf32>
        %swap3A_336 = vector.shape_cast %mul3A_331 : vector<16xf32> to vector<1x16xf32>
        tpu.vector_store %arg19[%swap3A_332, %swap3A_333], %swap3A_336 {strides = array<i32>} : memref<40x144xf32, #tpu.memory_space<vmem>>, vector<1x16xf32>,
        %broadcast_in_dim3A_337 = arith.constant 4 : i32
        %broadcast_in_dim3A_338 = vector.broadcast %broadcast_in_dim3A_337 : i32 to vector<16xi32>
        %broadcast_in_dim3A_339 = vector.shape_cast %broadcast_in_dim3A_338 : vector<16xi32> to vector<16x1xi32>
        %gather3A_340 = vector.shape_cast %broadcast_in_dim3A_339 : vector<16x1xi32> to vector<16xi32>
        %gather3A_341 = tpu.dynamic_gather %exp3A[%gather3A_340] in [0] : vector<16xf32>, vector<16xi32> -> vector<16xf32>
        %get3A_342 = arith.index_cast %add3A_254 : i32 to index
        %get3A_343 = arith.constant 64 : index
        %get3A_344 = tpu.vector_load %arg17[%get3A_342, %get3A_343] {strides = array<i32>} : memref<40x128xf32, #tpu.memory_space<vmem>>, vector<1x16xf32>,
        %get3A_345 = vector.shape_cast %get3A_344 : vector<1x16xf32> to vector<16xf32>
        %mul3A_346 = arith.mulf %get3A_345, %gather3A_341 : vector<16xf32>
        %swap3A_347 = arith.index_cast %add3A_254 : i32 to index
        %swap3A_348 = arith.constant 80 : index
        %swap3A_349 = tpu.vector_load %arg19[%swap3A_347, %swap3A_348] {strides = array<i32>} : memref<40x144xf32, #tpu.memory_space<vmem>>, vector<1x16xf32>,
        %swap3A_350 = vector.shape_cast %swap3A_349 : vector<1x16xf32> to vector<16xf32>
        %swap3A_351 = vector.shape_cast %mul3A_346 : vector<16xf32> to vector<1x16xf32>
        tpu.vector_store %arg19[%swap3A_347, %swap3A_348], %swap3A_351 {strides = array<i32>} : memref<40x144xf32, #tpu.memory_space<vmem>>, vector<1x16xf32>,
        %broadcast_in_dim3A_352 = arith.constant 5 : i32
        %broadcast_in_dim3A_353 = vector.broadcast %broadcast_in_dim3A_352 : i32 to vector<16xi32>
        %broadcast_in_dim3A_354 = vector.shape_cast %broadcast_in_dim3A_353 : vector<16xi32> to vector<16x1xi32>
        %gather3A_355 = vector.shape_cast %broadcast_in_dim3A_354 : vector<16x1xi32> to vector<16xi32>
        %gather3A_356 = tpu.dynamic_gather %exp3A[%gather3A_355] in [0] : vector<16xf32>, vector<16xi32> -> vector<16xf32>
        %get3A_357 = arith.index_cast %add3A_254 : i32 to index
        %get3A_358 = arith.constant 80 : index
        %get3A_359 = tpu.vector_load %arg17[%get3A_357, %get3A_358] {strides = array<i32>} : memref<40x128xf32, #tpu.memory_space<vmem>>, vector<1x16xf32>,
        %get3A_360 = vector.shape_cast %get3A_359 : vector<1x16xf32> to vector<16xf32>
        %mul3A_361 = arith.mulf %get3A_360, %gather3A_356 : vector<16xf32>
        %swap3A_362 = arith.index_cast %add3A_254 : i32 to index
        %swap3A_363 = arith.constant 96 : index
        %swap3A_364 = tpu.vector_load %arg19[%swap3A_362, %swap3A_363] {strides = array<i32>} : memref<40x144xf32, #tpu.memory_space<vmem>>, vector<1x16xf32>,
        %swap3A_365 = vector.shape_cast %swap3A_364 : vector<1x16xf32> to vector<16xf32>
        %swap3A_366 = vector.shape_cast %mul3A_361 : vector<16xf32> to vector<1x16xf32>
        tpu.vector_store %arg19[%swap3A_362, %swap3A_363], %swap3A_366 {strides = array<i32>} : memref<40x144xf32, #tpu.memory_space<vmem>>, vector<1x16xf32>,
        %broadcast_in_dim3A_367 = arith.constant 6 : i32
        %broadcast_in_dim3A_368 = vector.broadcast %broadcast_in_dim3A_367 : i32 to vector<16xi32>
        %broadcast_in_dim3A_369 = vector.shape_cast %broadcast_in_dim3A_368 : vector<16xi32> to vector<16x1xi32>
        %gather3A_370 = vector.shape_cast %broadcast_in_dim3A_369 : vector<16x1xi32> to vector<16xi32>
        %gather3A_371 = tpu.dynamic_gather %exp3A[%gather3A_370] in [0] : vector<16xf32>, vector<16xi32> -> vector<16xf32>
        %get3A_372 = arith.index_cast %add3A_254 : i32 to index
        %get3A_373 = arith.constant 96 : index
        %get3A_374 = tpu.vector_load %arg17[%get3A_372, %get3A_373] {strides = array<i32>} : memref<40x128xf32, #tpu.memory_space<vmem>>, vector<1x16xf32>,
        %get3A_375 = vector.shape_cast %get3A_374 : vector<1x16xf32> to vector<16xf32>
        %mul3A_376 = arith.mulf %get3A_375, %gather3A_371 : vector<16xf32>
        %swap3A_377 = arith.index_cast %add3A_254 : i32 to index
        %swap3A_378 = arith.constant 112 : index
        %swap3A_379 = tpu.vector_load %arg19[%swap3A_377, %swap3A_378] {strides = array<i32>} : memref<40x144xf32, #tpu.memory_space<vmem>>, vector<1x16xf32>,
        %swap3A_380 = vector.shape_cast %swap3A_379 : vector<1x16xf32> to vector<16xf32>
        %swap3A_381 = vector.shape_cast %mul3A_376 : vector<16xf32> to vector<1x16xf32>
        tpu.vector_store %arg19[%swap3A_377, %swap3A_378], %swap3A_381 {strides = array<i32>} : memref<40x144xf32, #tpu.memory_space<vmem>>, vector<1x16xf32>,
        %broadcast_in_dim3A_382 = arith.constant 7 : i32
        %broadcast_in_dim3A_383 = vector.broadcast %broadcast_in_dim3A_382 : i32 to vector<16xi32>
        %broadcast_in_dim3A_384 = vector.shape_cast %broadcast_in_dim3A_383 : vector<16xi32> to vector<16x1xi32>
        %gather3A_385 = vector.shape_cast %broadcast_in_dim3A_384 : vector<16x1xi32> to vector<16xi32>
        %gather3A_386 = tpu.dynamic_gather %exp3A[%gather3A_385] in [0] : vector<16xf32>, vector<16xi32> -> vector<16xf32>
        %get3A_387 = arith.index_cast %add3A_254 : i32 to index
        %get3A_388 = arith.constant 112 : index
        %get3A_389 = tpu.vector_load %arg17[%get3A_387, %get3A_388] {strides = array<i32>} : memref<40x128xf32, #tpu.memory_space<vmem>>, vector<1x16xf32>,
        %get3A_390 = vector.shape_cast %get3A_389 : vector<1x16xf32> to vector<16xf32>
        %mul3A_391 = arith.mulf %get3A_390, %gather3A_386 : vector<16xf32>
        %swap3A_392 = arith.index_cast %add3A_254 : i32 to index
        %swap3A_393 = arith.constant 128 : index
        %swap3A_394 = tpu.vector_load %arg19[%swap3A_392, %swap3A_393] {strides = array<i32>} : memref<40x144xf32, #tpu.memory_space<vmem>>, vector<1x16xf32>,
        %swap3A_395 = vector.shape_cast %swap3A_394 : vector<1x16xf32> to vector<16xf32>
        %swap3A_396 = vector.shape_cast %mul3A_391 : vector<16xf32> to vector<1x16xf32>
        tpu.vector_store %arg19[%swap3A_392, %swap3A_393], %swap3A_396 {strides = array<i32>} : memref<40x144xf32, #tpu.memory_space<vmem>>, vector<1x16xf32>,
      }
      %scan3A_246 = arith.constant 40 : i32
      %dma_start3A_247 = arith.constant 0 : i32
      %dma_start3A_248 = arith.constant 0 : i32
      %dma_start3A_249 = tpu.memref_slice %arg22[%dma_start3A_247, %dma_start3A_248] : memref<10000x144xf32, #tpu.memory_space<vmem_shared>> -> memref<10000x144xf32, #tpu.memory_space<vmem_shared>>
      tpu.enqueue_indirect_dma source(%arg19 : memref<40x144xf32, #tpu.memory_space<vmem>>) target(%dma_start3A_249 : memref<10000x144xf32, #tpu.memory_space<vmem_shared>>) offsets(%arg9 : memref<40xi32, #tpu.memory_space<vmem>>) semaphore(%arg32 : memref<!tpu.dma_semaphore, #tpu.memory_space<semaphore_mem>>) {add = true}
    }
    %scan3A_50 = arith.constant 124 : i32
    %dma_wait3A = arith.constant 0 : i32
    %dma_wait3A_51 = arith.constant 0 : i32
    %dma_wait3A_52 = tpu.memref_slice %arg2[%dma_wait3A, %dma_wait3A_51] : memref<10000x16xf32, #tpu.memory_space<hbm>> -> memref<10000x16xf32, #tpu.memory_space<hbm>>
    tpu.wait_indirect_dma semaphore(%arg23 : memref<!tpu.dma_semaphore, #tpu.memory_space<semaphore_mem>>) src(%dma_wait3A_52 : memref<10000x16xf32, #tpu.memory_space<hbm>>) dst(%arg12 : memref<40x16xf32, #tpu.memory_space<vmem>>)
    %dma_wait3A_53 = arith.constant 0 : i32
    %dma_wait3A_54 = arith.constant 0 : i32
    %dma_wait3A_55 = tpu.memref_slice %arg2[%dma_wait3A_53, %dma_wait3A_54] : memref<10000x16xf32, #tpu.memory_space<hbm>> -> memref<10000x16xf32, #tpu.memory_space<hbm>>
    tpu.wait_indirect_dma semaphore(%arg25 : memref<!tpu.dma_semaphore, #tpu.memory_space<semaphore_mem>>) src(%dma_wait3A_55 : memref<10000x16xf32, #tpu.memory_space<hbm>>) dst(%arg14 : memref<40x16xf32, #tpu.memory_space<vmem>>)
    %dma_wait3A_56 = arith.constant 0 : i32
    %dma_wait3A_57 = arith.constant 0 : i32
    %dma_wait3A_58 = tpu.memref_slice %arg3[%dma_wait3A_56, %dma_wait3A_57] : memref<10000x128xf32, #tpu.memory_space<hbm>> -> memref<10000x128xf32, #tpu.memory_space<hbm>>
    tpu.wait_indirect_dma semaphore(%arg27 : memref<!tpu.dma_semaphore, #tpu.memory_space<semaphore_mem>>) src(%dma_wait3A_58 : memref<10000x128xf32, #tpu.memory_space<hbm>>) dst(%arg16 : memref<40x128xf32, #tpu.memory_space<vmem>>)
    %dma_wait3A_59 = arith.constant 0 : i32
    %dma_wait3A_60 = arith.constant 0 : i32
    %dma_wait3A_61 = tpu.memref_slice %arg6[%dma_wait3A_59, %dma_wait3A_60] : memref<320000x16xf32, #tpu.memory_space<hbm>> -> memref<40x16xf32, #tpu.memory_space<hbm>>
    %dma_wait3A_62 = arith.constant 0 : i32
    %dma_wait3A_63 = arith.constant 0 : i32
    %dma_wait3A_64 = tpu.memref_slice %arg6[%dma_wait3A_62, %dma_wait3A_63] : memref<320000x16xf32, #tpu.memory_space<hbm>> -> memref<40x16xf32, #tpu.memory_space<hbm>>
    tpu.wait_dma2 semaphore(%arg29 : memref<!tpu.dma_semaphore, #tpu.memory_space<semaphore_mem>>) src(%dma_wait3A_64 : memref<40x16xf32, #tpu.memory_space<hbm>>) dst(%arg20 : memref<40x16xf32, #tpu.memory_space<vmem>>)
    %dma_wait3A_65 = arith.constant 0 : i32
    %dma_wait3A_66 = arith.constant 0 : i32
    %dma_wait3A_67 = tpu.memref_slice %arg22[%dma_wait3A_65, %dma_wait3A_66] : memref<10000x144xf32, #tpu.memory_space<vmem_shared>> -> memref<10000x144xf32, #tpu.memory_space<vmem_shared>>
    tpu.wait_indirect_dma semaphore(%arg32 : memref<!tpu.dma_semaphore, #tpu.memory_space<semaphore_mem>>) src(%arg19 : memref<40x144xf32, #tpu.memory_space<vmem>>) dst(%dma_wait3A_67 : memref<10000x144xf32, #tpu.memory_space<vmem_shared>>)
    %add3A_68 = arith.constant 9960 : i32
    %add3A_69 = arith.addi %mul3A_2, %add3A_68 : i32
    "tpu.region"() ({
      %run_scoped3A = tpu.sem_alloc : memref<!tpu.dma_semaphore, #tpu.memory_space<semaphore_mem>>
      %dma_start3A_141 = tpu.memref_slice %arg4[%add3A_69] : memref<320000xi32, #tpu.memory_space<hbm>> -> memref<40xi32, #tpu.memory_space<hbm>>
      %dma_start3A_142 = tpu.memref_slice %arg4[%add3A_69] : memref<320000xi32, #tpu.memory_space<hbm>> -> memref<40xi32, #tpu.memory_space<hbm>>
      tpu.enqueue_dma source(%dma_start3A_142 : memref<40xi32, #tpu.memory_space<hbm>>) target(%arg9 : memref<40xi32, #tpu.memory_space<vmem>>) target_semaphore(%run_scoped3A : memref<!tpu.dma_semaphore, #tpu.memory_space<semaphore_mem>>)
      %dma_wait3A_143 = tpu.memref_slice %arg4[%add3A_69] : memref<320000xi32, #tpu.memory_space<hbm>> -> memref<40xi32, #tpu.memory_space<hbm>>
      %dma_wait3A_144 = tpu.memref_slice %arg4[%add3A_69] : memref<320000xi32, #tpu.memory_space<hbm>> -> memref<40xi32, #tpu.memory_space<hbm>>
      tpu.wait_dma2 semaphore(%run_scoped3A : memref<!tpu.dma_semaphore, #tpu.memory_space<semaphore_mem>>) src(%dma_wait3A_144 : memref<40xi32, #tpu.memory_space<hbm>>) dst(%arg9 : memref<40xi32, #tpu.memory_space<vmem>>)
      tpu.yield
    }) : () -> ()
    "tpu.region"() ({
      %run_scoped3A = tpu.sem_alloc : memref<!tpu.dma_semaphore, #tpu.memory_space<semaphore_mem>>
      %dma_start3A_141 = tpu.memref_slice %arg5[%add3A_69] : memref<320000xi32, #tpu.memory_space<hbm>> -> memref<40xi32, #tpu.memory_space<hbm>>
      %dma_start3A_142 = tpu.memref_slice %arg5[%add3A_69] : memref<320000xi32, #tpu.memory_space<hbm>> -> memref<40xi32, #tpu.memory_space<hbm>>
      tpu.enqueue_dma source(%dma_start3A_142 : memref<40xi32, #tpu.memory_space<hbm>>) target(%arg11 : memref<40xi32, #tpu.memory_space<vmem>>) target_semaphore(%run_scoped3A : memref<!tpu.dma_semaphore, #tpu.memory_space<semaphore_mem>>)
      %dma_wait3A_143 = tpu.memref_slice %arg5[%add3A_69] : memref<320000xi32, #tpu.memory_space<hbm>> -> memref<40xi32, #tpu.memory_space<hbm>>
      %dma_wait3A_144 = tpu.memref_slice %arg5[%add3A_69] : memref<320000xi32, #tpu.memory_space<hbm>> -> memref<40xi32, #tpu.memory_space<hbm>>
      tpu.wait_dma2 semaphore(%run_scoped3A : memref<!tpu.dma_semaphore, #tpu.memory_space<semaphore_mem>>) src(%dma_wait3A_144 : memref<40xi32, #tpu.memory_space<hbm>>) dst(%arg11 : memref<40xi32, #tpu.memory_space<vmem>>)
      tpu.yield
    }) : () -> ()
    %dma_start3A_70 = arith.constant 0 : i32
    %dma_start3A_71 = arith.constant 0 : i32
    %dma_start3A_72 = tpu.memref_slice %arg2[%dma_start3A_70, %dma_start3A_71] : memref<10000x16xf32, #tpu.memory_space<hbm>> -> memref<10000x16xf32, #tpu.memory_space<hbm>>
    tpu.enqueue_indirect_dma source(%dma_start3A_72 : memref<10000x16xf32, #tpu.memory_space<hbm>>) target(%arg13 : memref<40x16xf32, #tpu.memory_space<vmem>>) offsets(%arg9 : memref<40xi32, #tpu.memory_space<vmem>>) semaphore(%arg24 : memref<!tpu.dma_semaphore, #tpu.memory_space<semaphore_mem>>)
    %dma_start3A_73 = arith.constant 0 : i32
    %dma_start3A_74 = arith.constant 0 : i32
    %dma_start3A_75 = tpu.memref_slice %arg2[%dma_start3A_73, %dma_start3A_74] : memref<10000x16xf32, #tpu.memory_space<hbm>> -> memref<10000x16xf32, #tpu.memory_space<hbm>>
    tpu.enqueue_indirect_dma source(%dma_start3A_75 : memref<10000x16xf32, #tpu.memory_space<hbm>>) target(%arg15 : memref<40x16xf32, #tpu.memory_space<vmem>>) offsets(%arg11 : memref<40xi32, #tpu.memory_space<vmem>>) semaphore(%arg26 : memref<!tpu.dma_semaphore, #tpu.memory_space<semaphore_mem>>)
    %dma_start3A_76 = arith.constant 0 : i32
    %dma_start3A_77 = arith.constant 0 : i32
    %dma_start3A_78 = tpu.memref_slice %arg3[%dma_start3A_76, %dma_start3A_77] : memref<10000x128xf32, #tpu.memory_space<hbm>> -> memref<10000x128xf32, #tpu.memory_space<hbm>>
    tpu.enqueue_indirect_dma source(%dma_start3A_78 : memref<10000x128xf32, #tpu.memory_space<hbm>>) target(%arg17 : memref<40x128xf32, #tpu.memory_space<vmem>>) offsets(%arg11 : memref<40xi32, #tpu.memory_space<vmem>>) semaphore(%arg28 : memref<!tpu.dma_semaphore, #tpu.memory_space<semaphore_mem>>)
    %add3A_79 = arith.constant 9960 : i32
    %add3A_80 = arith.addi %mul3A_2, %add3A_79 : i32
    %dma_start3A_81 = arith.constant 0 : i32
    %dma_start3A_82 = tpu.memref_slice %arg6[%add3A_80, %dma_start3A_81] : memref<320000x16xf32, #tpu.memory_space<hbm>> -> memref<40x16xf32, #tpu.memory_space<hbm>>
    %dma_start3A_83 = arith.constant 0 : i32
    %dma_start3A_84 = tpu.memref_slice %arg6[%add3A_80, %dma_start3A_83] : memref<320000x16xf32, #tpu.memory_space<hbm>> -> memref<40x16xf32, #tpu.memory_space<hbm>>
    tpu.enqueue_dma source(%dma_start3A_84 : memref<40x16xf32, #tpu.memory_space<hbm>>) target(%arg21 : memref<40x16xf32, #tpu.memory_space<vmem>>) target_semaphore(%arg30 : memref<!tpu.dma_semaphore, #tpu.memory_space<semaphore_mem>>)
    %scan3A_85 = arith.constant 0 : i32
    %scan3A_86 = arith.constant 40 : i32
    %scan3A_87 = arith.addi %scan3A_85, %scan3A_86 : i32
    %scan3A_88 = arith.constant 1 : i32
    scf.for %scan3A_141 = %scan3A_85 to %scan3A_87 step %scan3A_88  : i32 {
      %mul3A_142 = arith.constant 1 : i32
      %mul3A_143 = arith.muli %scan3A_141, %mul3A_142 : i32
      %add3A_144 = arith.constant 0 : i32
      %add3A_145 = arith.addi %add3A_144, %mul3A_143 : i32
      %get3A = arith.index_cast %add3A_145 : i32 to index
      %get3A_146 = arith.constant 0 : index
      %get3A_147 = tpu.vector_load %arg12[%get3A, %get3A_146] {strides = array<i32>} : memref<40x16xf32, #tpu.memory_space<vmem>>, vector<1x16xf32>,
      %get3A_148 = vector.shape_cast %get3A_147 : vector<1x16xf32> to vector<16xf32>
      %get3A_149 = arith.index_cast %add3A_145 : i32 to index
      %get3A_150 = arith.constant 0 : index
      %get3A_151 = tpu.vector_load %arg14[%get3A_149, %get3A_150] {strides = array<i32>} : memref<40x16xf32, #tpu.memory_space<vmem>>, vector<1x16xf32>,
      %get3A_152 = vector.shape_cast %get3A_151 : vector<1x16xf32> to vector<16xf32>
      %broadcast_in_dim3A_153 = vector.shape_cast %xor3A_24 : vector<16xi32> to vector<16x1xi32>
      %gather3A = vector.shape_cast %broadcast_in_dim3A_153 : vector<16x1xi32> to vector<16xi32>
      %gather3A_154 = tpu.dynamic_gather %get3A_152[%gather3A] in [0] : vector<16xf32>, vector<16xi32> -> vector<16xf32>
      %add3A_155 = arith.addf %get3A_148, %gather3A_154 : vector<16xf32>
      %get3A_156 = arith.index_cast %add3A_145 : i32 to index
      %get3A_157 = arith.constant 0 : index
      %get3A_158 = tpu.vector_load %arg20[%get3A_156, %get3A_157] {strides = array<i32>} : memref<40x16xf32, #tpu.memory_space<vmem>>, vector<1x16xf32>,
      %get3A_159 = vector.shape_cast %get3A_158 : vector<1x16xf32> to vector<16xf32>
      %add3A_160 = arith.addf %add3A_155, %get3A_159 : vector<16xf32>
      %mul3A_161 = arith.constant 0.00999999977 : f32
      %mul3A_162 = vector.broadcast %mul3A_161 : f32 to vector<16xf32>
      %mul3A_163 = arith.mulf %add3A_160, %mul3A_162 : vector<16xf32>
      %max3A = arith.maximumf %add3A_160, %mul3A_163 : vector<16xf32>
      %exp3A = math.exp %max3A : vector<16xf32>
      %swap3A = arith.index_cast %add3A_145 : i32 to index
      %swap3A_164 = arith.constant 0 : index
      %swap3A_165 = tpu.vector_load %arg18[%swap3A, %swap3A_164] {strides = array<i32>} : memref<40x144xf32, #tpu.memory_space<vmem>>, vector<1x16xf32>,
      %swap3A_166 = vector.shape_cast %swap3A_165 : vector<1x16xf32> to vector<16xf32>
      %swap3A_167 = vector.shape_cast %exp3A : vector<16xf32> to vector<1x16xf32>
      tpu.vector_store %arg18[%swap3A, %swap3A_164], %swap3A_167 {strides = array<i32>} : memref<40x144xf32, #tpu.memory_space<vmem>>, vector<1x16xf32>,
      %broadcast_in_dim3A_168 = arith.constant 0 : i32
      %broadcast_in_dim3A_169 = vector.broadcast %broadcast_in_dim3A_168 : i32 to vector<16xi32>
      %broadcast_in_dim3A_170 = vector.shape_cast %broadcast_in_dim3A_169 : vector<16xi32> to vector<16x1xi32>
      %gather3A_171 = vector.shape_cast %broadcast_in_dim3A_170 : vector<16x1xi32> to vector<16xi32>
      %gather3A_172 = tpu.dynamic_gather %exp3A[%gather3A_171] in [0] : vector<16xf32>, vector<16xi32> -> vector<16xf32>
      %get3A_173 = arith.index_cast %add3A_145 : i32 to index
      %get3A_174 = arith.constant 0 : index
      %get3A_175 = tpu.vector_load %arg16[%get3A_173, %get3A_174] {strides = array<i32>} : memref<40x128xf32, #tpu.memory_space<vmem>>, vector<1x16xf32>,
      %get3A_176 = vector.shape_cast %get3A_175 : vector<1x16xf32> to vector<16xf32>
      %mul3A_177 = arith.mulf %get3A_176, %gather3A_172 : vector<16xf32>
      %swap3A_178 = arith.index_cast %add3A_145 : i32 to index
      %swap3A_179 = arith.constant 16 : index
      %swap3A_180 = tpu.vector_load %arg18[%swap3A_178, %swap3A_179] {strides = array<i32>} : memref<40x144xf32, #tpu.memory_space<vmem>>, vector<1x16xf32>,
      %swap3A_181 = vector.shape_cast %swap3A_180 : vector<1x16xf32> to vector<16xf32>
      %swap3A_182 = vector.shape_cast %mul3A_177 : vector<16xf32> to vector<1x16xf32>
      tpu.vector_store %arg18[%swap3A_178, %swap3A_179], %swap3A_182 {strides = array<i32>} : memref<40x144xf32, #tpu.memory_space<vmem>>, vector<1x16xf32>,
      %broadcast_in_dim3A_183 = arith.constant 1 : i32
      %broadcast_in_dim3A_184 = vector.broadcast %broadcast_in_dim3A_183 : i32 to vector<16xi32>
      %broadcast_in_dim3A_185 = vector.shape_cast %broadcast_in_dim3A_184 : vector<16xi32> to vector<16x1xi32>
      %gather3A_186 = vector.shape_cast %broadcast_in_dim3A_185 : vector<16x1xi32> to vector<16xi32>
      %gather3A_187 = tpu.dynamic_gather %exp3A[%gather3A_186] in [0] : vector<16xf32>, vector<16xi32> -> vector<16xf32>
      %get3A_188 = arith.index_cast %add3A_145 : i32 to index
      %get3A_189 = arith.constant 16 : index
      %get3A_190 = tpu.vector_load %arg16[%get3A_188, %get3A_189] {strides = array<i32>} : memref<40x128xf32, #tpu.memory_space<vmem>>, vector<1x16xf32>,
      %get3A_191 = vector.shape_cast %get3A_190 : vector<1x16xf32> to vector<16xf32>
      %mul3A_192 = arith.mulf %get3A_191, %gather3A_187 : vector<16xf32>
      %swap3A_193 = arith.index_cast %add3A_145 : i32 to index
      %swap3A_194 = arith.constant 32 : index
      %swap3A_195 = tpu.vector_load %arg18[%swap3A_193, %swap3A_194] {strides = array<i32>} : memref<40x144xf32, #tpu.memory_space<vmem>>, vector<1x16xf32>,
      %swap3A_196 = vector.shape_cast %swap3A_195 : vector<1x16xf32> to vector<16xf32>
      %swap3A_197 = vector.shape_cast %mul3A_192 : vector<16xf32> to vector<1x16xf32>
      tpu.vector_store %arg18[%swap3A_193, %swap3A_194], %swap3A_197 {strides = array<i32>} : memref<40x144xf32, #tpu.memory_space<vmem>>, vector<1x16xf32>,
      %broadcast_in_dim3A_198 = arith.constant 2 : i32
      %broadcast_in_dim3A_199 = vector.broadcast %broadcast_in_dim3A_198 : i32 to vector<16xi32>
      %broadcast_in_dim3A_200 = vector.shape_cast %broadcast_in_dim3A_199 : vector<16xi32> to vector<16x1xi32>
      %gather3A_201 = vector.shape_cast %broadcast_in_dim3A_200 : vector<16x1xi32> to vector<16xi32>
      %gather3A_202 = tpu.dynamic_gather %exp3A[%gather3A_201] in [0] : vector<16xf32>, vector<16xi32> -> vector<16xf32>
      %get3A_203 = arith.index_cast %add3A_145 : i32 to index
      %get3A_204 = arith.constant 32 : index
      %get3A_205 = tpu.vector_load %arg16[%get3A_203, %get3A_204] {strides = array<i32>} : memref<40x128xf32, #tpu.memory_space<vmem>>, vector<1x16xf32>,
      %get3A_206 = vector.shape_cast %get3A_205 : vector<1x16xf32> to vector<16xf32>
      %mul3A_207 = arith.mulf %get3A_206, %gather3A_202 : vector<16xf32>
      %swap3A_208 = arith.index_cast %add3A_145 : i32 to index
      %swap3A_209 = arith.constant 48 : index
      %swap3A_210 = tpu.vector_load %arg18[%swap3A_208, %swap3A_209] {strides = array<i32>} : memref<40x144xf32, #tpu.memory_space<vmem>>, vector<1x16xf32>,
      %swap3A_211 = vector.shape_cast %swap3A_210 : vector<1x16xf32> to vector<16xf32>
      %swap3A_212 = vector.shape_cast %mul3A_207 : vector<16xf32> to vector<1x16xf32>
      tpu.vector_store %arg18[%swap3A_208, %swap3A_209], %swap3A_212 {strides = array<i32>} : memref<40x144xf32, #tpu.memory_space<vmem>>, vector<1x16xf32>,
      %broadcast_in_dim3A_213 = arith.constant 3 : i32
      %broadcast_in_dim3A_214 = vector.broadcast %broadcast_in_dim3A_213 : i32 to vector<16xi32>
      %broadcast_in_dim3A_215 = vector.shape_cast %broadcast_in_dim3A_214 : vector<16xi32> to vector<16x1xi32>
      %gather3A_216 = vector.shape_cast %broadcast_in_dim3A_215 : vector<16x1xi32> to vector<16xi32>
      %gather3A_217 = tpu.dynamic_gather %exp3A[%gather3A_216] in [0] : vector<16xf32>, vector<16xi32> -> vector<16xf32>
      %get3A_218 = arith.index_cast %add3A_145 : i32 to index
      %get3A_219 = arith.constant 48 : index
      %get3A_220 = tpu.vector_load %arg16[%get3A_218, %get3A_219] {strides = array<i32>} : memref<40x128xf32, #tpu.memory_space<vmem>>, vector<1x16xf32>,
      %get3A_221 = vector.shape_cast %get3A_220 : vector<1x16xf32> to vector<16xf32>
      %mul3A_222 = arith.mulf %get3A_221, %gather3A_217 : vector<16xf32>
      %swap3A_223 = arith.index_cast %add3A_145 : i32 to index
      %swap3A_224 = arith.constant 64 : index
      %swap3A_225 = tpu.vector_load %arg18[%swap3A_223, %swap3A_224] {strides = array<i32>} : memref<40x144xf32, #tpu.memory_space<vmem>>, vector<1x16xf32>,
      %swap3A_226 = vector.shape_cast %swap3A_225 : vector<1x16xf32> to vector<16xf32>
      %swap3A_227 = vector.shape_cast %mul3A_222 : vector<16xf32> to vector<1x16xf32>
      tpu.vector_store %arg18[%swap3A_223, %swap3A_224], %swap3A_227 {strides = array<i32>} : memref<40x144xf32, #tpu.memory_space<vmem>>, vector<1x16xf32>,
      %broadcast_in_dim3A_228 = arith.constant 4 : i32
      %broadcast_in_dim3A_229 = vector.broadcast %broadcast_in_dim3A_228 : i32 to vector<16xi32>
      %broadcast_in_dim3A_230 = vector.shape_cast %broadcast_in_dim3A_229 : vector<16xi32> to vector<16x1xi32>
      %gather3A_231 = vector.shape_cast %broadcast_in_dim3A_230 : vector<16x1xi32> to vector<16xi32>
      %gather3A_232 = tpu.dynamic_gather %exp3A[%gather3A_231] in [0] : vector<16xf32>, vector<16xi32> -> vector<16xf32>
      %get3A_233 = arith.index_cast %add3A_145 : i32 to index
      %get3A_234 = arith.constant 64 : index
      %get3A_235 = tpu.vector_load %arg16[%get3A_233, %get3A_234] {strides = array<i32>} : memref<40x128xf32, #tpu.memory_space<vmem>>, vector<1x16xf32>,
      %get3A_236 = vector.shape_cast %get3A_235 : vector<1x16xf32> to vector<16xf32>
      %mul3A_237 = arith.mulf %get3A_236, %gather3A_232 : vector<16xf32>
      %swap3A_238 = arith.index_cast %add3A_145 : i32 to index
      %swap3A_239 = arith.constant 80 : index
      %swap3A_240 = tpu.vector_load %arg18[%swap3A_238, %swap3A_239] {strides = array<i32>} : memref<40x144xf32, #tpu.memory_space<vmem>>, vector<1x16xf32>,
      %swap3A_241 = vector.shape_cast %swap3A_240 : vector<1x16xf32> to vector<16xf32>
      %swap3A_242 = vector.shape_cast %mul3A_237 : vector<16xf32> to vector<1x16xf32>
      tpu.vector_store %arg18[%swap3A_238, %swap3A_239], %swap3A_242 {strides = array<i32>} : memref<40x144xf32, #tpu.memory_space<vmem>>, vector<1x16xf32>,
      %broadcast_in_dim3A_243 = arith.constant 5 : i32
      %broadcast_in_dim3A_244 = vector.broadcast %broadcast_in_dim3A_243 : i32 to vector<16xi32>
      %broadcast_in_dim3A_245 = vector.shape_cast %broadcast_in_dim3A_244 : vector<16xi32> to vector<16x1xi32>
      %gather3A_246 = vector.shape_cast %broadcast_in_dim3A_245 : vector<16x1xi32> to vector<16xi32>
      %gather3A_247 = tpu.dynamic_gather %exp3A[%gather3A_246] in [0] : vector<16xf32>, vector<16xi32> -> vector<16xf32>
      %get3A_248 = arith.index_cast %add3A_145 : i32 to index
      %get3A_249 = arith.constant 80 : index
      %get3A_250 = tpu.vector_load %arg16[%get3A_248, %get3A_249] {strides = array<i32>} : memref<40x128xf32, #tpu.memory_space<vmem>>, vector<1x16xf32>,
      %get3A_251 = vector.shape_cast %get3A_250 : vector<1x16xf32> to vector<16xf32>
      %mul3A_252 = arith.mulf %get3A_251, %gather3A_247 : vector<16xf32>
      %swap3A_253 = arith.index_cast %add3A_145 : i32 to index
      %swap3A_254 = arith.constant 96 : index
      %swap3A_255 = tpu.vector_load %arg18[%swap3A_253, %swap3A_254] {strides = array<i32>} : memref<40x144xf32, #tpu.memory_space<vmem>>, vector<1x16xf32>,
      %swap3A_256 = vector.shape_cast %swap3A_255 : vector<1x16xf32> to vector<16xf32>
      %swap3A_257 = vector.shape_cast %mul3A_252 : vector<16xf32> to vector<1x16xf32>
      tpu.vector_store %arg18[%swap3A_253, %swap3A_254], %swap3A_257 {strides = array<i32>} : memref<40x144xf32, #tpu.memory_space<vmem>>, vector<1x16xf32>,
      %broadcast_in_dim3A_258 = arith.constant 6 : i32
      %broadcast_in_dim3A_259 = vector.broadcast %broadcast_in_dim3A_258 : i32 to vector<16xi32>
      %broadcast_in_dim3A_260 = vector.shape_cast %broadcast_in_dim3A_259 : vector<16xi32> to vector<16x1xi32>
      %gather3A_261 = vector.shape_cast %broadcast_in_dim3A_260 : vector<16x1xi32> to vector<16xi32>
      %gather3A_262 = tpu.dynamic_gather %exp3A[%gather3A_261] in [0] : vector<16xf32>, vector<16xi32> -> vector<16xf32>
      %get3A_263 = arith.index_cast %add3A_145 : i32 to index
      %get3A_264 = arith.constant 96 : index
      %get3A_265 = tpu.vector_load %arg16[%get3A_263, %get3A_264] {strides = array<i32>} : memref<40x128xf32, #tpu.memory_space<vmem>>, vector<1x16xf32>,
      %get3A_266 = vector.shape_cast %get3A_265 : vector<1x16xf32> to vector<16xf32>
      %mul3A_267 = arith.mulf %get3A_266, %gather3A_262 : vector<16xf32>
      %swap3A_268 = arith.index_cast %add3A_145 : i32 to index
      %swap3A_269 = arith.constant 112 : index
      %swap3A_270 = tpu.vector_load %arg18[%swap3A_268, %swap3A_269] {strides = array<i32>} : memref<40x144xf32, #tpu.memory_space<vmem>>, vector<1x16xf32>,
      %swap3A_271 = vector.shape_cast %swap3A_270 : vector<1x16xf32> to vector<16xf32>
      %swap3A_272 = vector.shape_cast %mul3A_267 : vector<16xf32> to vector<1x16xf32>
      tpu.vector_store %arg18[%swap3A_268, %swap3A_269], %swap3A_272 {strides = array<i32>} : memref<40x144xf32, #tpu.memory_space<vmem>>, vector<1x16xf32>,
      %broadcast_in_dim3A_273 = arith.constant 7 : i32
      %broadcast_in_dim3A_274 = vector.broadcast %broadcast_in_dim3A_273 : i32 to vector<16xi32>
      %broadcast_in_dim3A_275 = vector.shape_cast %broadcast_in_dim3A_274 : vector<16xi32> to vector<16x1xi32>
      %gather3A_276 = vector.shape_cast %broadcast_in_dim3A_275 : vector<16x1xi32> to vector<16xi32>
      %gather3A_277 = tpu.dynamic_gather %exp3A[%gather3A_276] in [0] : vector<16xf32>, vector<16xi32> -> vector<16xf32>
      %get3A_278 = arith.index_cast %add3A_145 : i32 to index
      %get3A_279 = arith.constant 112 : index
      %get3A_280 = tpu.vector_load %arg16[%get3A_278, %get3A_279] {strides = array<i32>} : memref<40x128xf32, #tpu.memory_space<vmem>>, vector<1x16xf32>,
      %get3A_281 = vector.shape_cast %get3A_280 : vector<1x16xf32> to vector<16xf32>
      %mul3A_282 = arith.mulf %get3A_281, %gather3A_277 : vector<16xf32>
      %swap3A_283 = arith.index_cast %add3A_145 : i32 to index
      %swap3A_284 = arith.constant 128 : index
      %swap3A_285 = tpu.vector_load %arg18[%swap3A_283, %swap3A_284] {strides = array<i32>} : memref<40x144xf32, #tpu.memory_space<vmem>>, vector<1x16xf32>,
      %swap3A_286 = vector.shape_cast %swap3A_285 : vector<1x16xf32> to vector<16xf32>
      %swap3A_287 = vector.shape_cast %mul3A_282 : vector<16xf32> to vector<1x16xf32>
      tpu.vector_store %arg18[%swap3A_283, %swap3A_284], %swap3A_287 {strides = array<i32>} : memref<40x144xf32, #tpu.memory_space<vmem>>, vector<1x16xf32>,
    }
    %scan3A_89 = arith.constant 40 : i32
    %dma_start3A_90 = arith.constant 0 : i32
    %dma_start3A_91 = arith.constant 0 : i32
    %dma_start3A_92 = tpu.memref_slice %arg22[%dma_start3A_90, %dma_start3A_91] : memref<10000x144xf32, #tpu.memory_space<vmem_shared>> -> memref<10000x144xf32, #tpu.memory_space<vmem_shared>>
    tpu.enqueue_indirect_dma source(%arg18 : memref<40x144xf32, #tpu.memory_space<vmem>>) target(%dma_start3A_92 : memref<10000x144xf32, #tpu.memory_space<vmem_shared>>) offsets(%arg8 : memref<40xi32, #tpu.memory_space<vmem>>) semaphore(%arg31 : memref<!tpu.dma_semaphore, #tpu.memory_space<semaphore_mem>>) {add = true}
    %dma_wait3A_93 = arith.constant 0 : i32
    %dma_wait3A_94 = arith.constant 0 : i32
    %dma_wait3A_95 = tpu.memref_slice %arg2[%dma_wait3A_93, %dma_wait3A_94] : memref<10000x16xf32, #tpu.memory_space<hbm>> -> memref<10000x16xf32, #tpu.memory_space<hbm>>
    tpu.wait_indirect_dma semaphore(%arg24 : memref<!tpu.dma_semaphore, #tpu.memory_space<semaphore_mem>>) src(%dma_wait3A_95 : memref<10000x16xf32, #tpu.memory_space<hbm>>) dst(%arg13 : memref<40x16xf32, #tpu.memory_space<vmem>>)
    %dma_wait3A_96 = arith.constant 0 : i32
    %dma_wait3A_97 = arith.constant 0 : i32
    %dma_wait3A_98 = tpu.memref_slice %arg2[%dma_wait3A_96, %dma_wait3A_97] : memref<10000x16xf32, #tpu.memory_space<hbm>> -> memref<10000x16xf32, #tpu.memory_space<hbm>>
    tpu.wait_indirect_dma semaphore(%arg26 : memref<!tpu.dma_semaphore, #tpu.memory_space<semaphore_mem>>) src(%dma_wait3A_98 : memref<10000x16xf32, #tpu.memory_space<hbm>>) dst(%arg15 : memref<40x16xf32, #tpu.memory_space<vmem>>)
    %dma_wait3A_99 = arith.constant 0 : i32
    %dma_wait3A_100 = arith.constant 0 : i32
    %dma_wait3A_101 = tpu.memref_slice %arg3[%dma_wait3A_99, %dma_wait3A_100] : memref<10000x128xf32, #tpu.memory_space<hbm>> -> memref<10000x128xf32, #tpu.memory_space<hbm>>
    tpu.wait_indirect_dma semaphore(%arg28 : memref<!tpu.dma_semaphore, #tpu.memory_space<semaphore_mem>>) src(%dma_wait3A_101 : memref<10000x128xf32, #tpu.memory_space<hbm>>) dst(%arg17 : memref<40x128xf32, #tpu.memory_space<vmem>>)
    %dma_wait3A_102 = arith.constant 0 : i32
    %dma_wait3A_103 = arith.constant 0 : i32
    %dma_wait3A_104 = tpu.memref_slice %arg6[%dma_wait3A_102, %dma_wait3A_103] : memref<320000x16xf32, #tpu.memory_space<hbm>> -> memref<40x16xf32, #tpu.memory_space<hbm>>
    %dma_wait3A_105 = arith.constant 0 : i32
    %dma_wait3A_106 = arith.constant 0 : i32
    %dma_wait3A_107 = tpu.memref_slice %arg6[%dma_wait3A_105, %dma_wait3A_106] : memref<320000x16xf32, #tpu.memory_space<hbm>> -> memref<40x16xf32, #tpu.memory_space<hbm>>
    tpu.wait_dma2 semaphore(%arg30 : memref<!tpu.dma_semaphore, #tpu.memory_space<semaphore_mem>>) src(%dma_wait3A_107 : memref<40x16xf32, #tpu.memory_space<hbm>>) dst(%arg21 : memref<40x16xf32, #tpu.memory_space<vmem>>)
    %scan3A_108 = arith.constant 0 : i32
    %scan3A_109 = arith.constant 40 : i32
    %scan3A_110 = arith.addi %scan3A_108, %scan3A_109 : i32
    %scan3A_111 = arith.constant 1 : i32
    scf.for %scan3A_141 = %scan3A_108 to %scan3A_110 step %scan3A_111  : i32 {
      %mul3A_142 = arith.constant 1 : i32
      %mul3A_143 = arith.muli %scan3A_141, %mul3A_142 : i32
      %add3A_144 = arith.constant 0 : i32
      %add3A_145 = arith.addi %add3A_144, %mul3A_143 : i32
      %get3A = arith.index_cast %add3A_145 : i32 to index
      %get3A_146 = arith.constant 0 : index
      %get3A_147 = tpu.vector_load %arg13[%get3A, %get3A_146] {strides = array<i32>} : memref<40x16xf32, #tpu.memory_space<vmem>>, vector<1x16xf32>,
      %get3A_148 = vector.shape_cast %get3A_147 : vector<1x16xf32> to vector<16xf32>
      %get3A_149 = arith.index_cast %add3A_145 : i32 to index
      %get3A_150 = arith.constant 0 : index
      %get3A_151 = tpu.vector_load %arg15[%get3A_149, %get3A_150] {strides = array<i32>} : memref<40x16xf32, #tpu.memory_space<vmem>>, vector<1x16xf32>,
      %get3A_152 = vector.shape_cast %get3A_151 : vector<1x16xf32> to vector<16xf32>
      %broadcast_in_dim3A_153 = vector.shape_cast %xor3A_24 : vector<16xi32> to vector<16x1xi32>
      %gather3A = vector.shape_cast %broadcast_in_dim3A_153 : vector<16x1xi32> to vector<16xi32>
      %gather3A_154 = tpu.dynamic_gather %get3A_152[%gather3A] in [0] : vector<16xf32>, vector<16xi32> -> vector<16xf32>
      %add3A_155 = arith.addf %get3A_148, %gather3A_154 : vector<16xf32>
      %get3A_156 = arith.index_cast %add3A_145 : i32 to index
      %get3A_157 = arith.constant 0 : index
      %get3A_158 = tpu.vector_load %arg21[%get3A_156, %get3A_157] {strides = array<i32>} : memref<40x16xf32, #tpu.memory_space<vmem>>, vector<1x16xf32>,
      %get3A_159 = vector.shape_cast %get3A_158 : vector<1x16xf32> to vector<16xf32>
      %add3A_160 = arith.addf %add3A_155, %get3A_159 : vector<16xf32>
      %mul3A_161 = arith.constant 0.00999999977 : f32
      %mul3A_162 = vector.broadcast %mul3A_161 : f32 to vector<16xf32>
      %mul3A_163 = arith.mulf %add3A_160, %mul3A_162 : vector<16xf32>
      %max3A = arith.maximumf %add3A_160, %mul3A_163 : vector<16xf32>
      %exp3A = math.exp %max3A : vector<16xf32>
      %swap3A = arith.index_cast %add3A_145 : i32 to index
      %swap3A_164 = arith.constant 0 : index
      %swap3A_165 = tpu.vector_load %arg19[%swap3A, %swap3A_164] {strides = array<i32>} : memref<40x144xf32, #tpu.memory_space<vmem>>, vector<1x16xf32>,
      %swap3A_166 = vector.shape_cast %swap3A_165 : vector<1x16xf32> to vector<16xf32>
      %swap3A_167 = vector.shape_cast %exp3A : vector<16xf32> to vector<1x16xf32>
      tpu.vector_store %arg19[%swap3A, %swap3A_164], %swap3A_167 {strides = array<i32>} : memref<40x144xf32, #tpu.memory_space<vmem>>, vector<1x16xf32>,
      %broadcast_in_dim3A_168 = arith.constant 0 : i32
      %broadcast_in_dim3A_169 = vector.broadcast %broadcast_in_dim3A_168 : i32 to vector<16xi32>
      %broadcast_in_dim3A_170 = vector.shape_cast %broadcast_in_dim3A_169 : vector<16xi32> to vector<16x1xi32>
      %gather3A_171 = vector.shape_cast %broadcast_in_dim3A_170 : vector<16x1xi32> to vector<16xi32>
      %gather3A_172 = tpu.dynamic_gather %exp3A[%gather3A_171] in [0] : vector<16xf32>, vector<16xi32> -> vector<16xf32>
      %get3A_173 = arith.index_cast %add3A_145 : i32 to index
      %get3A_174 = arith.constant 0 : index
      %get3A_175 = tpu.vector_load %arg17[%get3A_173, %get3A_174] {strides = array<i32>} : memref<40x128xf32, #tpu.memory_space<vmem>>, vector<1x16xf32>,
      %get3A_176 = vector.shape_cast %get3A_175 : vector<1x16xf32> to vector<16xf32>
      %mul3A_177 = arith.mulf %get3A_176, %gather3A_172 : vector<16xf32>
      %swap3A_178 = arith.index_cast %add3A_145 : i32 to index
      %swap3A_179 = arith.constant 16 : index
      %swap3A_180 = tpu.vector_load %arg19[%swap3A_178, %swap3A_179] {strides = array<i32>} : memref<40x144xf32, #tpu.memory_space<vmem>>, vector<1x16xf32>,
      %swap3A_181 = vector.shape_cast %swap3A_180 : vector<1x16xf32> to vector<16xf32>
      %swap3A_182 = vector.shape_cast %mul3A_177 : vector<16xf32> to vector<1x16xf32>
      tpu.vector_store %arg19[%swap3A_178, %swap3A_179], %swap3A_182 {strides = array<i32>} : memref<40x144xf32, #tpu.memory_space<vmem>>, vector<1x16xf32>,
      %broadcast_in_dim3A_183 = arith.constant 1 : i32
      %broadcast_in_dim3A_184 = vector.broadcast %broadcast_in_dim3A_183 : i32 to vector<16xi32>
      %broadcast_in_dim3A_185 = vector.shape_cast %broadcast_in_dim3A_184 : vector<16xi32> to vector<16x1xi32>
      %gather3A_186 = vector.shape_cast %broadcast_in_dim3A_185 : vector<16x1xi32> to vector<16xi32>
      %gather3A_187 = tpu.dynamic_gather %exp3A[%gather3A_186] in [0] : vector<16xf32>, vector<16xi32> -> vector<16xf32>
      %get3A_188 = arith.index_cast %add3A_145 : i32 to index
      %get3A_189 = arith.constant 16 : index
      %get3A_190 = tpu.vector_load %arg17[%get3A_188, %get3A_189] {strides = array<i32>} : memref<40x128xf32, #tpu.memory_space<vmem>>, vector<1x16xf32>,
      %get3A_191 = vector.shape_cast %get3A_190 : vector<1x16xf32> to vector<16xf32>
      %mul3A_192 = arith.mulf %get3A_191, %gather3A_187 : vector<16xf32>
      %swap3A_193 = arith.index_cast %add3A_145 : i32 to index
      %swap3A_194 = arith.constant 32 : index
      %swap3A_195 = tpu.vector_load %arg19[%swap3A_193, %swap3A_194] {strides = array<i32>} : memref<40x144xf32, #tpu.memory_space<vmem>>, vector<1x16xf32>,
      %swap3A_196 = vector.shape_cast %swap3A_195 : vector<1x16xf32> to vector<16xf32>
      %swap3A_197 = vector.shape_cast %mul3A_192 : vector<16xf32> to vector<1x16xf32>
      tpu.vector_store %arg19[%swap3A_193, %swap3A_194], %swap3A_197 {strides = array<i32>} : memref<40x144xf32, #tpu.memory_space<vmem>>, vector<1x16xf32>,
      %broadcast_in_dim3A_198 = arith.constant 2 : i32
      %broadcast_in_dim3A_199 = vector.broadcast %broadcast_in_dim3A_198 : i32 to vector<16xi32>
      %broadcast_in_dim3A_200 = vector.shape_cast %broadcast_in_dim3A_199 : vector<16xi32> to vector<16x1xi32>
      %gather3A_201 = vector.shape_cast %broadcast_in_dim3A_200 : vector<16x1xi32> to vector<16xi32>
      %gather3A_202 = tpu.dynamic_gather %exp3A[%gather3A_201] in [0] : vector<16xf32>, vector<16xi32> -> vector<16xf32>
      %get3A_203 = arith.index_cast %add3A_145 : i32 to index
      %get3A_204 = arith.constant 32 : index
      %get3A_205 = tpu.vector_load %arg17[%get3A_203, %get3A_204] {strides = array<i32>} : memref<40x128xf32, #tpu.memory_space<vmem>>, vector<1x16xf32>,
      %get3A_206 = vector.shape_cast %get3A_205 : vector<1x16xf32> to vector<16xf32>
      %mul3A_207 = arith.mulf %get3A_206, %gather3A_202 : vector<16xf32>
      %swap3A_208 = arith.index_cast %add3A_145 : i32 to index
      %swap3A_209 = arith.constant 48 : index
      %swap3A_210 = tpu.vector_load %arg19[%swap3A_208, %swap3A_209] {strides = array<i32>} : memref<40x144xf32, #tpu.memory_space<vmem>>, vector<1x16xf32>,
      %swap3A_211 = vector.shape_cast %swap3A_210 : vector<1x16xf32> to vector<16xf32>
      %swap3A_212 = vector.shape_cast %mul3A_207 : vector<16xf32> to vector<1x16xf32>
      tpu.vector_store %arg19[%swap3A_208, %swap3A_209], %swap3A_212 {strides = array<i32>} : memref<40x144xf32, #tpu.memory_space<vmem>>, vector<1x16xf32>,
      %broadcast_in_dim3A_213 = arith.constant 3 : i32
      %broadcast_in_dim3A_214 = vector.broadcast %broadcast_in_dim3A_213 : i32 to vector<16xi32>
      %broadcast_in_dim3A_215 = vector.shape_cast %broadcast_in_dim3A_214 : vector<16xi32> to vector<16x1xi32>
      %gather3A_216 = vector.shape_cast %broadcast_in_dim3A_215 : vector<16x1xi32> to vector<16xi32>
      %gather3A_217 = tpu.dynamic_gather %exp3A[%gather3A_216] in [0] : vector<16xf32>, vector<16xi32> -> vector<16xf32>
      %get3A_218 = arith.index_cast %add3A_145 : i32 to index
      %get3A_219 = arith.constant 48 : index
      %get3A_220 = tpu.vector_load %arg17[%get3A_218, %get3A_219] {strides = array<i32>} : memref<40x128xf32, #tpu.memory_space<vmem>>, vector<1x16xf32>,
      %get3A_221 = vector.shape_cast %get3A_220 : vector<1x16xf32> to vector<16xf32>
      %mul3A_222 = arith.mulf %get3A_221, %gather3A_217 : vector<16xf32>
      %swap3A_223 = arith.index_cast %add3A_145 : i32 to index
      %swap3A_224 = arith.constant 64 : index
      %swap3A_225 = tpu.vector_load %arg19[%swap3A_223, %swap3A_224] {strides = array<i32>} : memref<40x144xf32, #tpu.memory_space<vmem>>, vector<1x16xf32>,
      %swap3A_226 = vector.shape_cast %swap3A_225 : vector<1x16xf32> to vector<16xf32>
      %swap3A_227 = vector.shape_cast %mul3A_222 : vector<16xf32> to vector<1x16xf32>
      tpu.vector_store %arg19[%swap3A_223, %swap3A_224], %swap3A_227 {strides = array<i32>} : memref<40x144xf32, #tpu.memory_space<vmem>>, vector<1x16xf32>,
      %broadcast_in_dim3A_228 = arith.constant 4 : i32
      %broadcast_in_dim3A_229 = vector.broadcast %broadcast_in_dim3A_228 : i32 to vector<16xi32>
      %broadcast_in_dim3A_230 = vector.shape_cast %broadcast_in_dim3A_229 : vector<16xi32> to vector<16x1xi32>
      %gather3A_231 = vector.shape_cast %broadcast_in_dim3A_230 : vector<16x1xi32> to vector<16xi32>
      %gather3A_232 = tpu.dynamic_gather %exp3A[%gather3A_231] in [0] : vector<16xf32>, vector<16xi32> -> vector<16xf32>
      %get3A_233 = arith.index_cast %add3A_145 : i32 to index
      %get3A_234 = arith.constant 64 : index
      %get3A_235 = tpu.vector_load %arg17[%get3A_233, %get3A_234] {strides = array<i32>} : memref<40x128xf32, #tpu.memory_space<vmem>>, vector<1x16xf32>,
      %get3A_236 = vector.shape_cast %get3A_235 : vector<1x16xf32> to vector<16xf32>
      %mul3A_237 = arith.mulf %get3A_236, %gather3A_232 : vector<16xf32>
      %swap3A_238 = arith.index_cast %add3A_145 : i32 to index
      %swap3A_239 = arith.constant 80 : index
      %swap3A_240 = tpu.vector_load %arg19[%swap3A_238, %swap3A_239] {strides = array<i32>} : memref<40x144xf32, #tpu.memory_space<vmem>>, vector<1x16xf32>,
      %swap3A_241 = vector.shape_cast %swap3A_240 : vector<1x16xf32> to vector<16xf32>
      %swap3A_242 = vector.shape_cast %mul3A_237 : vector<16xf32> to vector<1x16xf32>
      tpu.vector_store %arg19[%swap3A_238, %swap3A_239], %swap3A_242 {strides = array<i32>} : memref<40x144xf32, #tpu.memory_space<vmem>>, vector<1x16xf32>,
      %broadcast_in_dim3A_243 = arith.constant 5 : i32
      %broadcast_in_dim3A_244 = vector.broadcast %broadcast_in_dim3A_243 : i32 to vector<16xi32>
      %broadcast_in_dim3A_245 = vector.shape_cast %broadcast_in_dim3A_244 : vector<16xi32> to vector<16x1xi32>
      %gather3A_246 = vector.shape_cast %broadcast_in_dim3A_245 : vector<16x1xi32> to vector<16xi32>
      %gather3A_247 = tpu.dynamic_gather %exp3A[%gather3A_246] in [0] : vector<16xf32>, vector<16xi32> -> vector<16xf32>
      %get3A_248 = arith.index_cast %add3A_145 : i32 to index
      %get3A_249 = arith.constant 80 : index
      %get3A_250 = tpu.vector_load %arg17[%get3A_248, %get3A_249] {strides = array<i32>} : memref<40x128xf32, #tpu.memory_space<vmem>>, vector<1x16xf32>,
      %get3A_251 = vector.shape_cast %get3A_250 : vector<1x16xf32> to vector<16xf32>
      %mul3A_252 = arith.mulf %get3A_251, %gather3A_247 : vector<16xf32>
      %swap3A_253 = arith.index_cast %add3A_145 : i32 to index
      %swap3A_254 = arith.constant 96 : index
      %swap3A_255 = tpu.vector_load %arg19[%swap3A_253, %swap3A_254] {strides = array<i32>} : memref<40x144xf32, #tpu.memory_space<vmem>>, vector<1x16xf32>,
      %swap3A_256 = vector.shape_cast %swap3A_255 : vector<1x16xf32> to vector<16xf32>
      %swap3A_257 = vector.shape_cast %mul3A_252 : vector<16xf32> to vector<1x16xf32>
      tpu.vector_store %arg19[%swap3A_253, %swap3A_254], %swap3A_257 {strides = array<i32>} : memref<40x144xf32, #tpu.memory_space<vmem>>, vector<1x16xf32>,
      %broadcast_in_dim3A_258 = arith.constant 6 : i32
      %broadcast_in_dim3A_259 = vector.broadcast %broadcast_in_dim3A_258 : i32 to vector<16xi32>
      %broadcast_in_dim3A_260 = vector.shape_cast %broadcast_in_dim3A_259 : vector<16xi32> to vector<16x1xi32>
      %gather3A_261 = vector.shape_cast %broadcast_in_dim3A_260 : vector<16x1xi32> to vector<16xi32>
      %gather3A_262 = tpu.dynamic_gather %exp3A[%gather3A_261] in [0] : vector<16xf32>, vector<16xi32> -> vector<16xf32>
      %get3A_263 = arith.index_cast %add3A_145 : i32 to index
      %get3A_264 = arith.constant 96 : index
      %get3A_265 = tpu.vector_load %arg17[%get3A_263, %get3A_264] {strides = array<i32>} : memref<40x128xf32, #tpu.memory_space<vmem>>, vector<1x16xf32>,
      %get3A_266 = vector.shape_cast %get3A_265 : vector<1x16xf32> to vector<16xf32>
      %mul3A_267 = arith.mulf %get3A_266, %gather3A_262 : vector<16xf32>
      %swap3A_268 = arith.index_cast %add3A_145 : i32 to index
      %swap3A_269 = arith.constant 112 : index
      %swap3A_270 = tpu.vector_load %arg19[%swap3A_268, %swap3A_269] {strides = array<i32>} : memref<40x144xf32, #tpu.memory_space<vmem>>, vector<1x16xf32>,
      %swap3A_271 = vector.shape_cast %swap3A_270 : vector<1x16xf32> to vector<16xf32>
      %swap3A_272 = vector.shape_cast %mul3A_267 : vector<16xf32> to vector<1x16xf32>
      tpu.vector_store %arg19[%swap3A_268, %swap3A_269], %swap3A_272 {strides = array<i32>} : memref<40x144xf32, #tpu.memory_space<vmem>>, vector<1x16xf32>,
      %broadcast_in_dim3A_273 = arith.constant 7 : i32
      %broadcast_in_dim3A_274 = vector.broadcast %broadcast_in_dim3A_273 : i32 to vector<16xi32>
      %broadcast_in_dim3A_275 = vector.shape_cast %broadcast_in_dim3A_274 : vector<16xi32> to vector<16x1xi32>
      %gather3A_276 = vector.shape_cast %broadcast_in_dim3A_275 : vector<16x1xi32> to vector<16xi32>
      %gather3A_277 = tpu.dynamic_gather %exp3A[%gather3A_276] in [0] : vector<16xf32>, vector<16xi32> -> vector<16xf32>
      %get3A_278 = arith.index_cast %add3A_145 : i32 to index
      %get3A_279 = arith.constant 112 : index
      %get3A_280 = tpu.vector_load %arg17[%get3A_278, %get3A_279] {strides = array<i32>} : memref<40x128xf32, #tpu.memory_space<vmem>>, vector<1x16xf32>,
      %get3A_281 = vector.shape_cast %get3A_280 : vector<1x16xf32> to vector<16xf32>
      %mul3A_282 = arith.mulf %get3A_281, %gather3A_277 : vector<16xf32>
      %swap3A_283 = arith.index_cast %add3A_145 : i32 to index
      %swap3A_284 = arith.constant 128 : index
      %swap3A_285 = tpu.vector_load %arg19[%swap3A_283, %swap3A_284] {strides = array<i32>} : memref<40x144xf32, #tpu.memory_space<vmem>>, vector<1x16xf32>,
      %swap3A_286 = vector.shape_cast %swap3A_285 : vector<1x16xf32> to vector<16xf32>
      %swap3A_287 = vector.shape_cast %mul3A_282 : vector<16xf32> to vector<1x16xf32>
      tpu.vector_store %arg19[%swap3A_283, %swap3A_284], %swap3A_287 {strides = array<i32>} : memref<40x144xf32, #tpu.memory_space<vmem>>, vector<1x16xf32>,
    }
    %scan3A_112 = arith.constant 40 : i32
    %dma_start3A_113 = arith.constant 0 : i32
    %dma_start3A_114 = arith.constant 0 : i32
    %dma_start3A_115 = tpu.memref_slice %arg22[%dma_start3A_113, %dma_start3A_114] : memref<10000x144xf32, #tpu.memory_space<vmem_shared>> -> memref<10000x144xf32, #tpu.memory_space<vmem_shared>>
    tpu.enqueue_indirect_dma source(%arg19 : memref<40x144xf32, #tpu.memory_space<vmem>>) target(%dma_start3A_115 : memref<10000x144xf32, #tpu.memory_space<vmem_shared>>) offsets(%arg9 : memref<40xi32, #tpu.memory_space<vmem>>) semaphore(%arg32 : memref<!tpu.dma_semaphore, #tpu.memory_space<semaphore_mem>>) {add = true}
    %dma_wait3A_116 = arith.constant 0 : i32
    %dma_wait3A_117 = arith.constant 0 : i32
    %dma_wait3A_118 = tpu.memref_slice %arg22[%dma_wait3A_116, %dma_wait3A_117] : memref<10000x144xf32, #tpu.memory_space<vmem_shared>> -> memref<10000x144xf32, #tpu.memory_space<vmem_shared>>
    tpu.wait_indirect_dma semaphore(%arg31 : memref<!tpu.dma_semaphore, #tpu.memory_space<semaphore_mem>>) src(%arg18 : memref<40x144xf32, #tpu.memory_space<vmem>>) dst(%dma_wait3A_118 : memref<10000x144xf32, #tpu.memory_space<vmem_shared>>)
    %dma_wait3A_119 = arith.constant 0 : i32
    %dma_wait3A_120 = arith.constant 0 : i32
    %dma_wait3A_121 = tpu.memref_slice %arg22[%dma_wait3A_119, %dma_wait3A_120] : memref<10000x144xf32, #tpu.memory_space<vmem_shared>> -> memref<10000x144xf32, #tpu.memory_space<vmem_shared>>
    tpu.wait_indirect_dma semaphore(%arg32 : memref<!tpu.dma_semaphore, #tpu.memory_space<semaphore_mem>>) src(%arg19 : memref<40x144xf32, #tpu.memory_space<vmem>>) dst(%dma_wait3A_121 : memref<10000x144xf32, #tpu.memory_space<vmem_shared>>)
    %barrier3A_122 = arith.constant 0 : index
    tpu.barrier barrier_id(%barrier3A_122)
    %sub3A_123 = arith.constant 250 : i32
    %sub3A_124 = arith.subi %sub3A_123, %arg1 : i32
    %sub3A_125 = arith.constant 16 : i32
    %sub3A_126 = arith.constant 1 : i32
    %sub3A_127 = arith.subi %sub3A_125, %sub3A_126 : i32
    %add3A_128 = arith.addi %sub3A_124, %sub3A_127 : i32
    %div3A_129 = arith.constant 16 : i32
    %div3A_130 = arith.divsi %add3A_128, %div3A_129 : i32
    %while3A_131 = arith.constant 16 : i32
    %while3A_132 = arith.constant 0 : i32
    %while3A_133 = arith.subi %div3A_130, %while3A_132 : i32
    %while3A_134 = arith.addi %while3A_132, %while3A_133 : i32
    %while3A_135 = arith.constant 1 : i32
    %while3A_136 = arith.divsi %while3A_133, %while3A_135 : i32
    %while3A_137 = arith.muli %while3A_136, %while3A_135 : i32
    %while3A_138 = arith.addi %while3A_132, %while3A_137 : i32
    %while3A_139 = arith.constant 1 : i32
    scf.for %while3A_141 = %while3A_132 to %while3A_138 step %while3A_139  : i32 {
      %mul3A_142 = arith.muli %while3A_141, %while3A_131 : i32
      %add3A_143 = arith.addi %arg1, %mul3A_142 : i32
      %mul3A_144 = arith.constant 40 : i32
      %mul3A_145 = arith.muli %add3A_143, %mul3A_144 : i32
      %mul3A_146 = arith.constant 40 : i32
      %mul3A_147 = arith.muli %add3A_143, %mul3A_146 : i32
      "tpu.region"() ({
        %run_scoped3A = tpu.sem_alloc : memref<!tpu.dma_semaphore, #tpu.memory_space<semaphore_mem>>
        %dma_start3A_148 = arith.constant 0 : i32
        %dma_start3A_149 = tpu.memref_slice %arg7[%arg0, %mul3A_147, %dma_start3A_148] : memref<2x10000x144xf32, #tpu.memory_space<hbm>> -> memref<1x40x144xf32, #tpu.memory_space<hbm>>
        %dma_start3A_150 = tpu.memref_squeeze %dma_start3A_149 : memref<1x40x144xf32, #tpu.memory_space<hbm>> -> memref<40x144xf32, #tpu.memory_space<hbm>>
        %dma_start3A_151 = arith.constant 0 : i32
        %dma_start3A_152 = tpu.memref_slice %arg22[%mul3A_145, %dma_start3A_151] : memref<10000x144xf32, #tpu.memory_space<vmem_shared>> -> memref<40x144xf32, #tpu.memory_space<vmem_shared>>
        tpu.enqueue_dma source(%dma_start3A_152 : memref<40x144xf32, #tpu.memory_space<vmem_shared>>) target(%dma_start3A_150 : memref<40x144xf32, #tpu.memory_space<hbm>>) target_semaphore(%run_scoped3A : memref<!tpu.dma_semaphore, #tpu.memory_space<semaphore_mem>>)
        %dma_wait3A_153 = arith.constant 0 : i32
        %dma_wait3A_154 = tpu.memref_slice %arg7[%arg0, %mul3A_147, %dma_wait3A_153] : memref<2x10000x144xf32, #tpu.memory_space<hbm>> -> memref<1x40x144xf32, #tpu.memory_space<hbm>>
        %dma_wait3A_155 = tpu.memref_squeeze %dma_wait3A_154 : memref<1x40x144xf32, #tpu.memory_space<hbm>> -> memref<40x144xf32, #tpu.memory_space<hbm>>
        %dma_wait3A_156 = arith.constant 0 : i32
        %dma_wait3A_157 = tpu.memref_slice %arg22[%mul3A_145, %dma_wait3A_156] : memref<10000x144xf32, #tpu.memory_space<vmem_shared>> -> memref<40x144xf32, #tpu.memory_space<vmem_shared>>
        tpu.wait_dma2 semaphore(%run_scoped3A : memref<!tpu.dma_semaphore, #tpu.memory_space<semaphore_mem>>) src(%dma_wait3A_157 : memref<40x144xf32, #tpu.memory_space<vmem_shared>>) dst(%dma_wait3A_155 : memref<40x144xf32, #tpu.memory_space<hbm>>)
        tpu.yield
      }) : () -> ()
    }
    %while3A_140 = arith.constant 1 : i32
    scf.for %while3A_141 = %while3A_138 to %while3A_134 step %while3A_140  : i32 {
      %mul3A_142 = arith.muli %while3A_141, %while3A_131 : i32
      %add3A_143 = arith.addi %arg1, %mul3A_142 : i32
      %mul3A_144 = arith.constant 40 : i32
      %mul3A_145 = arith.muli %add3A_143, %mul3A_144 : i32
      %mul3A_146 = arith.constant 40 : i32
      %mul3A_147 = arith.muli %add3A_143, %mul3A_146 : i32
      "tpu.region"() ({
        %run_scoped3A = tpu.sem_alloc : memref<!tpu.dma_semaphore, #tpu.memory_space<semaphore_mem>>
        %dma_start3A_148 = arith.constant 0 : i32
        %dma_start3A_149 = tpu.memref_slice %arg7[%arg0, %mul3A_147, %dma_start3A_148] : memref<2x10000x144xf32, #tpu.memory_space<hbm>> -> memref<1x40x144xf32, #tpu.memory_space<hbm>>
        %dma_start3A_150 = tpu.memref_squeeze %dma_start3A_149 : memref<1x40x144xf32, #tpu.memory_space<hbm>> -> memref<40x144xf32, #tpu.memory_space<hbm>>
        %dma_start3A_151 = arith.constant 0 : i32
        %dma_start3A_152 = tpu.memref_slice %arg22[%mul3A_145, %dma_start3A_151] : memref<10000x144xf32, #tpu.memory_space<vmem_shared>> -> memref<40x144xf32, #tpu.memory_space<vmem_shared>>
        tpu.enqueue_dma source(%dma_start3A_152 : memref<40x144xf32, #tpu.memory_space<vmem_shared>>) target(%dma_start3A_150 : memref<40x144xf32, #tpu.memory_space<hbm>>) target_semaphore(%run_scoped3A : memref<!tpu.dma_semaphore, #tpu.memory_space<semaphore_mem>>)
        %dma_wait3A_153 = arith.constant 0 : i32
        %dma_wait3A_154 = tpu.memref_slice %arg7[%arg0, %mul3A_147, %dma_wait3A_153] : memref<2x10000x144xf32, #tpu.memory_space<hbm>> -> memref<1x40x144xf32, #tpu.memory_space<hbm>>
        %dma_wait3A_155 = tpu.memref_squeeze %dma_wait3A_154 : memref<1x40x144xf32, #tpu.memory_space<hbm>> -> memref<40x144xf32, #tpu.memory_space<hbm>>
        %dma_wait3A_156 = arith.constant 0 : i32
        %dma_wait3A_157 = tpu.memref_slice %arg22[%mul3A_145, %dma_wait3A_156] : memref<10000x144xf32, #tpu.memory_space<vmem_shared>> -> memref<40x144xf32, #tpu.memory_space<vmem_shared>>
        tpu.wait_dma2 semaphore(%run_scoped3A : memref<!tpu.dma_semaphore, #tpu.memory_space<semaphore_mem>>) src(%dma_wait3A_157 : memref<40x144xf32, #tpu.memory_space<vmem_shared>>) dst(%dma_wait3A_155 : memref<40x144xf32, #tpu.memory_space<hbm>>)
        tpu.yield
      }) : () -> ()
    }
    return
  }
}

#map = affine_map<(d0, d1) -> (0, 0)>
#map1 = affine_map<(d0, d1) -> (0)>
#map2 = affine_map<(d0, d1) -> (0, 0, 0)>
module attributes {stable_mosaic.version = 14 : i64} {
  func.func @body(%arg0: i32, %arg1: i32, %arg2: memref<10000x16xf32, #tpu.memory_space<hbm>>, %arg3: memref<10000x128xf32, #tpu.memory_space<hbm>>, %arg4: memref<320000xi32, #tpu.memory_space<hbm>>, %arg5: memref<320000xi32, #tpu.memory_space<hbm>>, %arg6: memref<2x10000x144xf32, #tpu.memory_space<hbm>>, %arg7: memref<40xi32, #tpu.memory_space<vmem>>, %arg8: memref<40xi32, #tpu.memory_space<vmem>>, %arg9: memref<40xi32, #tpu.memory_space<vmem>>, %arg10: memref<40xi32, #tpu.memory_space<vmem>>, %arg11: memref<40x16xf32, #tpu.memory_space<vmem>>, %arg12: memref<40x16xf32, #tpu.memory_space<vmem>>, %arg13: memref<40x16xf32, #tpu.memory_space<vmem>>, %arg14: memref<40x16xf32, #tpu.memory_space<vmem>>, %arg15: memref<40x128xf32, #tpu.memory_space<vmem>>, %arg16: memref<40x128xf32, #tpu.memory_space<vmem>>, %arg17: memref<40x144xf32, #tpu.memory_space<vmem>>, %arg18: memref<40x144xf32, #tpu.memory_space<vmem>>, %arg19: memref<40x16xf32, #tpu.memory_space<vmem>>, %arg20: memref<40x16xf32, #tpu.memory_space<vmem>>, %arg21: memref<10000x144xf32, #tpu.memory_space<vmem_shared>>, %arg22: memref<!tpu.dma_semaphore, #tpu.memory_space<semaphore_mem>>, %arg23: memref<!tpu.dma_semaphore, #tpu.memory_space<semaphore_mem>>, %arg24: memref<!tpu.dma_semaphore, #tpu.memory_space<semaphore_mem>>, %arg25: memref<!tpu.dma_semaphore, #tpu.memory_space<semaphore_mem>>, %arg26: memref<!tpu.dma_semaphore, #tpu.memory_space<semaphore_mem>>, %arg27: memref<!tpu.dma_semaphore, #tpu.memory_space<semaphore_mem>>, %arg28: memref<!tpu.dma_semaphore, #tpu.memory_space<semaphore_mem>>, %arg29: memref<!tpu.dma_semaphore, #tpu.memory_space<semaphore_mem>>, %arg30: memref<!tpu.dma_semaphore, #tpu.memory_space<semaphore_mem>>, %arg31: memref<!tpu.dma_semaphore, #tpu.memory_space<semaphore_mem>>) attributes {dimension_semantics = [#tpu.dimension_semantics<core_parallel>, #tpu.dimension_semantics<subcore_parallel>], iteration_bounds = array<i64: 2, 16>, scalar_prefetch = 0 : i64, scratch_operands = 25 : i64, tpu.core_type = #tpu.core_type<sc_vector_subcore>, window_params = [{transform_indices = #map}, {transform_indices = #map}, {transform_indices = #map1}, {transform_indices = #map1}, {transform_indices = #map2}]} {
    %mul3A = arith.constant 16 : i32
    %mul3A_0 = arith.muli %arg0, %mul3A : i32
    %add3A = arith.addi %mul3A_0, %arg1 : i32
    %mul3A_1 = arith.constant 10000 : i32
    %mul3A_2 = arith.muli %add3A, %mul3A_1 : i32
    %broadcast_in_dim3A = arith.constant 0.000000e+00 : f32
    %broadcast_in_dim3A_3 = vector.broadcast %broadcast_in_dim3A : f32 to vector<16xf32>
    %scan3A = arith.constant 0 : i32
    %scan3A_4 = arith.constant 40 : i32
    %scan3A_5 = arith.addi %scan3A, %scan3A_4 : i32
    %scan3A_6 = arith.constant 1 : i32
    scf.for %scan3A_117 = %scan3A to %scan3A_5 step %scan3A_6  : i32 {
      %mul3A_118 = arith.constant 1 : i32
      %mul3A_119 = arith.muli %scan3A_117, %mul3A_118 : i32
      %add3A_120 = arith.constant 0 : i32
      %add3A_121 = arith.addi %add3A_120, %mul3A_119 : i32
      %swap3A = arith.index_cast %add3A_121 : i32 to index
      %swap3A_122 = arith.constant 0 : index
      %swap3A_123 = tpu.vector_load %arg17[%swap3A, %swap3A_122] {strides = array<i32>} : memref<40x144xf32, #tpu.memory_space<vmem>>, vector<1x16xf32>,
      %swap3A_124 = vector.shape_cast %swap3A_123 : vector<1x16xf32> to vector<16xf32>
      %swap3A_125 = vector.shape_cast %broadcast_in_dim3A_3 : vector<16xf32> to vector<1x16xf32>
      tpu.vector_store %arg17[%swap3A, %swap3A_122], %swap3A_125 {strides = array<i32>} : memref<40x144xf32, #tpu.memory_space<vmem>>, vector<1x16xf32>,
      %swap3A_126 = arith.index_cast %add3A_121 : i32 to index
      %swap3A_127 = arith.constant 16 : index
      %swap3A_128 = tpu.vector_load %arg17[%swap3A_126, %swap3A_127] {strides = array<i32>} : memref<40x144xf32, #tpu.memory_space<vmem>>, vector<1x16xf32>,
      %swap3A_129 = vector.shape_cast %swap3A_128 : vector<1x16xf32> to vector<16xf32>
      %swap3A_130 = vector.shape_cast %broadcast_in_dim3A_3 : vector<16xf32> to vector<1x16xf32>
      tpu.vector_store %arg17[%swap3A_126, %swap3A_127], %swap3A_130 {strides = array<i32>} : memref<40x144xf32, #tpu.memory_space<vmem>>, vector<1x16xf32>,
      %swap3A_131 = arith.index_cast %add3A_121 : i32 to index
      %swap3A_132 = arith.constant 32 : index
      %swap3A_133 = tpu.vector_load %arg17[%swap3A_131, %swap3A_132] {strides = array<i32>} : memref<40x144xf32, #tpu.memory_space<vmem>>, vector<1x16xf32>,
      %swap3A_134 = vector.shape_cast %swap3A_133 : vector<1x16xf32> to vector<16xf32>
      %swap3A_135 = vector.shape_cast %broadcast_in_dim3A_3 : vector<16xf32> to vector<1x16xf32>
      tpu.vector_store %arg17[%swap3A_131, %swap3A_132], %swap3A_135 {strides = array<i32>} : memref<40x144xf32, #tpu.memory_space<vmem>>, vector<1x16xf32>,
      %swap3A_136 = arith.index_cast %add3A_121 : i32 to index
      %swap3A_137 = arith.constant 48 : index
      %swap3A_138 = tpu.vector_load %arg17[%swap3A_136, %swap3A_137] {strides = array<i32>} : memref<40x144xf32, #tpu.memory_space<vmem>>, vector<1x16xf32>,
      %swap3A_139 = vector.shape_cast %swap3A_138 : vector<1x16xf32> to vector<16xf32>
      %swap3A_140 = vector.shape_cast %broadcast_in_dim3A_3 : vector<16xf32> to vector<1x16xf32>
      tpu.vector_store %arg17[%swap3A_136, %swap3A_137], %swap3A_140 {strides = array<i32>} : memref<40x144xf32, #tpu.memory_space<vmem>>, vector<1x16xf32>,
      %swap3A_141 = arith.index_cast %add3A_121 : i32 to index
      %swap3A_142 = arith.constant 64 : index
      %swap3A_143 = tpu.vector_load %arg17[%swap3A_141, %swap3A_142] {strides = array<i32>} : memref<40x144xf32, #tpu.memory_space<vmem>>, vector<1x16xf32>,
      %swap3A_144 = vector.shape_cast %swap3A_143 : vector<1x16xf32> to vector<16xf32>
      %swap3A_145 = vector.shape_cast %broadcast_in_dim3A_3 : vector<16xf32> to vector<1x16xf32>
      tpu.vector_store %arg17[%swap3A_141, %swap3A_142], %swap3A_145 {strides = array<i32>} : memref<40x144xf32, #tpu.memory_space<vmem>>, vector<1x16xf32>,
      %swap3A_146 = arith.index_cast %add3A_121 : i32 to index
      %swap3A_147 = arith.constant 80 : index
      %swap3A_148 = tpu.vector_load %arg17[%swap3A_146, %swap3A_147] {strides = array<i32>} : memref<40x144xf32, #tpu.memory_space<vmem>>, vector<1x16xf32>,
      %swap3A_149 = vector.shape_cast %swap3A_148 : vector<1x16xf32> to vector<16xf32>
      %swap3A_150 = vector.shape_cast %broadcast_in_dim3A_3 : vector<16xf32> to vector<1x16xf32>
      tpu.vector_store %arg17[%swap3A_146, %swap3A_147], %swap3A_150 {strides = array<i32>} : memref<40x144xf32, #tpu.memory_space<vmem>>, vector<1x16xf32>,
      %swap3A_151 = arith.index_cast %add3A_121 : i32 to index
      %swap3A_152 = arith.constant 96 : index
      %swap3A_153 = tpu.vector_load %arg17[%swap3A_151, %swap3A_152] {strides = array<i32>} : memref<40x144xf32, #tpu.memory_space<vmem>>, vector<1x16xf32>,
      %swap3A_154 = vector.shape_cast %swap3A_153 : vector<1x16xf32> to vector<16xf32>
      %swap3A_155 = vector.shape_cast %broadcast_in_dim3A_3 : vector<16xf32> to vector<1x16xf32>
      tpu.vector_store %arg17[%swap3A_151, %swap3A_152], %swap3A_155 {strides = array<i32>} : memref<40x144xf32, #tpu.memory_space<vmem>>, vector<1x16xf32>,
      %swap3A_156 = arith.index_cast %add3A_121 : i32 to index
      %swap3A_157 = arith.constant 112 : index
      %swap3A_158 = tpu.vector_load %arg17[%swap3A_156, %swap3A_157] {strides = array<i32>} : memref<40x144xf32, #tpu.memory_space<vmem>>, vector<1x16xf32>,
      %swap3A_159 = vector.shape_cast %swap3A_158 : vector<1x16xf32> to vector<16xf32>
      %swap3A_160 = vector.shape_cast %broadcast_in_dim3A_3 : vector<16xf32> to vector<1x16xf32>
      tpu.vector_store %arg17[%swap3A_156, %swap3A_157], %swap3A_160 {strides = array<i32>} : memref<40x144xf32, #tpu.memory_space<vmem>>, vector<1x16xf32>,
      %swap3A_161 = arith.index_cast %add3A_121 : i32 to index
      %swap3A_162 = arith.constant 128 : index
      %swap3A_163 = tpu.vector_load %arg17[%swap3A_161, %swap3A_162] {strides = array<i32>} : memref<40x144xf32, #tpu.memory_space<vmem>>, vector<1x16xf32>,
      %swap3A_164 = vector.shape_cast %swap3A_163 : vector<1x16xf32> to vector<16xf32>
      %swap3A_165 = vector.shape_cast %broadcast_in_dim3A_3 : vector<16xf32> to vector<1x16xf32>
      tpu.vector_store %arg17[%swap3A_161, %swap3A_162], %swap3A_165 {strides = array<i32>} : memref<40x144xf32, #tpu.memory_space<vmem>>, vector<1x16xf32>,
      %swap3A_166 = arith.index_cast %add3A_121 : i32 to index
      %swap3A_167 = arith.constant 0 : index
      %swap3A_168 = tpu.vector_load %arg18[%swap3A_166, %swap3A_167] {strides = array<i32>} : memref<40x144xf32, #tpu.memory_space<vmem>>, vector<1x16xf32>,
      %swap3A_169 = vector.shape_cast %swap3A_168 : vector<1x16xf32> to vector<16xf32>
      %swap3A_170 = vector.shape_cast %broadcast_in_dim3A_3 : vector<16xf32> to vector<1x16xf32>
      tpu.vector_store %arg18[%swap3A_166, %swap3A_167], %swap3A_170 {strides = array<i32>} : memref<40x144xf32, #tpu.memory_space<vmem>>, vector<1x16xf32>,
      %swap3A_171 = arith.index_cast %add3A_121 : i32 to index
      %swap3A_172 = arith.constant 16 : index
      %swap3A_173 = tpu.vector_load %arg18[%swap3A_171, %swap3A_172] {strides = array<i32>} : memref<40x144xf32, #tpu.memory_space<vmem>>, vector<1x16xf32>,
      %swap3A_174 = vector.shape_cast %swap3A_173 : vector<1x16xf32> to vector<16xf32>
      %swap3A_175 = vector.shape_cast %broadcast_in_dim3A_3 : vector<16xf32> to vector<1x16xf32>
      tpu.vector_store %arg18[%swap3A_171, %swap3A_172], %swap3A_175 {strides = array<i32>} : memref<40x144xf32, #tpu.memory_space<vmem>>, vector<1x16xf32>,
      %swap3A_176 = arith.index_cast %add3A_121 : i32 to index
      %swap3A_177 = arith.constant 32 : index
      %swap3A_178 = tpu.vector_load %arg18[%swap3A_176, %swap3A_177] {strides = array<i32>} : memref<40x144xf32, #tpu.memory_space<vmem>>, vector<1x16xf32>,
      %swap3A_179 = vector.shape_cast %swap3A_178 : vector<1x16xf32> to vector<16xf32>
      %swap3A_180 = vector.shape_cast %broadcast_in_dim3A_3 : vector<16xf32> to vector<1x16xf32>
      tpu.vector_store %arg18[%swap3A_176, %swap3A_177], %swap3A_180 {strides = array<i32>} : memref<40x144xf32, #tpu.memory_space<vmem>>, vector<1x16xf32>,
      %swap3A_181 = arith.index_cast %add3A_121 : i32 to index
      %swap3A_182 = arith.constant 48 : index
      %swap3A_183 = tpu.vector_load %arg18[%swap3A_181, %swap3A_182] {strides = array<i32>} : memref<40x144xf32, #tpu.memory_space<vmem>>, vector<1x16xf32>,
      %swap3A_184 = vector.shape_cast %swap3A_183 : vector<1x16xf32> to vector<16xf32>
      %swap3A_185 = vector.shape_cast %broadcast_in_dim3A_3 : vector<16xf32> to vector<1x16xf32>
      tpu.vector_store %arg18[%swap3A_181, %swap3A_182], %swap3A_185 {strides = array<i32>} : memref<40x144xf32, #tpu.memory_space<vmem>>, vector<1x16xf32>,
      %swap3A_186 = arith.index_cast %add3A_121 : i32 to index
      %swap3A_187 = arith.constant 64 : index
      %swap3A_188 = tpu.vector_load %arg18[%swap3A_186, %swap3A_187] {strides = array<i32>} : memref<40x144xf32, #tpu.memory_space<vmem>>, vector<1x16xf32>,
      %swap3A_189 = vector.shape_cast %swap3A_188 : vector<1x16xf32> to vector<16xf32>
      %swap3A_190 = vector.shape_cast %broadcast_in_dim3A_3 : vector<16xf32> to vector<1x16xf32>
      tpu.vector_store %arg18[%swap3A_186, %swap3A_187], %swap3A_190 {strides = array<i32>} : memref<40x144xf32, #tpu.memory_space<vmem>>, vector<1x16xf32>,
      %swap3A_191 = arith.index_cast %add3A_121 : i32 to index
      %swap3A_192 = arith.constant 80 : index
      %swap3A_193 = tpu.vector_load %arg18[%swap3A_191, %swap3A_192] {strides = array<i32>} : memref<40x144xf32, #tpu.memory_space<vmem>>, vector<1x16xf32>,
      %swap3A_194 = vector.shape_cast %swap3A_193 : vector<1x16xf32> to vector<16xf32>
      %swap3A_195 = vector.shape_cast %broadcast_in_dim3A_3 : vector<16xf32> to vector<1x16xf32>
      tpu.vector_store %arg18[%swap3A_191, %swap3A_192], %swap3A_195 {strides = array<i32>} : memref<40x144xf32, #tpu.memory_space<vmem>>, vector<1x16xf32>,
      %swap3A_196 = arith.index_cast %add3A_121 : i32 to index
      %swap3A_197 = arith.constant 96 : index
      %swap3A_198 = tpu.vector_load %arg18[%swap3A_196, %swap3A_197] {strides = array<i32>} : memref<40x144xf32, #tpu.memory_space<vmem>>, vector<1x16xf32>,
      %swap3A_199 = vector.shape_cast %swap3A_198 : vector<1x16xf32> to vector<16xf32>
      %swap3A_200 = vector.shape_cast %broadcast_in_dim3A_3 : vector<16xf32> to vector<1x16xf32>
      tpu.vector_store %arg18[%swap3A_196, %swap3A_197], %swap3A_200 {strides = array<i32>} : memref<40x144xf32, #tpu.memory_space<vmem>>, vector<1x16xf32>,
      %swap3A_201 = arith.index_cast %add3A_121 : i32 to index
      %swap3A_202 = arith.constant 112 : index
      %swap3A_203 = tpu.vector_load %arg18[%swap3A_201, %swap3A_202] {strides = array<i32>} : memref<40x144xf32, #tpu.memory_space<vmem>>, vector<1x16xf32>,
      %swap3A_204 = vector.shape_cast %swap3A_203 : vector<1x16xf32> to vector<16xf32>
      %swap3A_205 = vector.shape_cast %broadcast_in_dim3A_3 : vector<16xf32> to vector<1x16xf32>
      tpu.vector_store %arg18[%swap3A_201, %swap3A_202], %swap3A_205 {strides = array<i32>} : memref<40x144xf32, #tpu.memory_space<vmem>>, vector<1x16xf32>,
      %swap3A_206 = arith.index_cast %add3A_121 : i32 to index
      %swap3A_207 = arith.constant 128 : index
      %swap3A_208 = tpu.vector_load %arg18[%swap3A_206, %swap3A_207] {strides = array<i32>} : memref<40x144xf32, #tpu.memory_space<vmem>>, vector<1x16xf32>,
      %swap3A_209 = vector.shape_cast %swap3A_208 : vector<1x16xf32> to vector<16xf32>
      %swap3A_210 = vector.shape_cast %broadcast_in_dim3A_3 : vector<16xf32> to vector<1x16xf32>
      tpu.vector_store %arg18[%swap3A_206, %swap3A_207], %swap3A_210 {strides = array<i32>} : memref<40x144xf32, #tpu.memory_space<vmem>>, vector<1x16xf32>,
    }
    %scan3A_7 = arith.constant 40 : i32
    %sub3A = arith.constant 250 : i32
    %sub3A_8 = arith.subi %sub3A, %arg1 : i32
    %sub3A_9 = arith.constant 16 : i32
    %sub3A_10 = arith.constant 1 : i32
    %sub3A_11 = arith.subi %sub3A_9, %sub3A_10 : i32
    %add3A_12 = arith.addi %sub3A_8, %sub3A_11 : i32
    %div3A = arith.constant 16 : i32
    %div3A_13 = arith.divsi %add3A_12, %div3A : i32
    %while3A = arith.constant 16 : i32
    %while3A_14 = arith.constant 0 : i32
    %while3A_15 = arith.subi %div3A_13, %while3A_14 : i32
    %while3A_16 = arith.addi %while3A_14, %while3A_15 : i32
    %while3A_17 = arith.constant 1 : i32
    %while3A_18 = arith.divsi %while3A_15, %while3A_17 : i32
    %while3A_19 = arith.muli %while3A_18, %while3A_17 : i32
    %while3A_20 = arith.addi %while3A_14, %while3A_19 : i32
    %while3A_21 = arith.constant 1 : i32
    scf.for %while3A_117 = %while3A_14 to %while3A_20 step %while3A_21  : i32 {
      %mul3A_118 = arith.muli %while3A_117, %while3A : i32
      %add3A_119 = arith.addi %arg1, %mul3A_118 : i32
      %mul3A_120 = arith.constant 40 : i32
      %mul3A_121 = arith.muli %add3A_119, %mul3A_120 : i32
      "tpu.region"() ({
        %run_scoped3A = tpu.sem_alloc : memref<!tpu.dma_semaphore, #tpu.memory_space<semaphore_mem>>
        %dma_start3A_122 = arith.constant 0 : i32
        %dma_start3A_123 = arith.constant 0 : i32
        %dma_start3A_124 = tpu.memref_slice %arg17[%dma_start3A_122, %dma_start3A_123] : memref<40x144xf32, #tpu.memory_space<vmem>> -> memref<40x144xf32, #tpu.memory_space<vmem>>
        %dma_start3A_125 = arith.constant 0 : i32
        %dma_start3A_126 = tpu.memref_slice %arg21[%mul3A_121, %dma_start3A_125] : memref<10000x144xf32, #tpu.memory_space<vmem_shared>> -> memref<40x144xf32, #tpu.memory_space<vmem_shared>>
        %dma_start3A_127 = arith.constant 0 : i32
        %dma_start3A_128 = tpu.memref_slice %arg21[%mul3A_121, %dma_start3A_127] : memref<10000x144xf32, #tpu.memory_space<vmem_shared>> -> memref<40x144xf32, #tpu.memory_space<vmem_shared>>
        %dma_start3A_129 = arith.constant 0 : i32
        %dma_start3A_130 = arith.constant 0 : i32
        %dma_start3A_131 = tpu.memref_slice %arg17[%dma_start3A_129, %dma_start3A_130] : memref<40x144xf32, #tpu.memory_space<vmem>> -> memref<40x144xf32, #tpu.memory_space<vmem>>
        tpu.enqueue_dma source(%dma_start3A_131 : memref<40x144xf32, #tpu.memory_space<vmem>>) target(%dma_start3A_128 : memref<40x144xf32, #tpu.memory_space<vmem_shared>>) target_semaphore(%run_scoped3A : memref<!tpu.dma_semaphore, #tpu.memory_space<semaphore_mem>>)
        %dma_wait3A_132 = arith.constant 0 : i32
        %dma_wait3A_133 = arith.constant 0 : i32
        %dma_wait3A_134 = tpu.memref_slice %arg17[%dma_wait3A_132, %dma_wait3A_133] : memref<40x144xf32, #tpu.memory_space<vmem>> -> memref<40x144xf32, #tpu.memory_space<vmem>>
        %dma_wait3A_135 = arith.constant 0 : i32
        %dma_wait3A_136 = tpu.memref_slice %arg21[%mul3A_121, %dma_wait3A_135] : memref<10000x144xf32, #tpu.memory_space<vmem_shared>> -> memref<40x144xf32, #tpu.memory_space<vmem_shared>>
        %dma_wait3A_137 = arith.constant 0 : i32
        %dma_wait3A_138 = tpu.memref_slice %arg21[%mul3A_121, %dma_wait3A_137] : memref<10000x144xf32, #tpu.memory_space<vmem_shared>> -> memref<40x144xf32, #tpu.memory_space<vmem_shared>>
        %dma_wait3A_139 = arith.constant 0 : i32
        %dma_wait3A_140 = arith.constant 0 : i32
        %dma_wait3A_141 = tpu.memref_slice %arg17[%dma_wait3A_139, %dma_wait3A_140] : memref<40x144xf32, #tpu.memory_space<vmem>> -> memref<40x144xf32, #tpu.memory_space<vmem>>
        tpu.wait_dma2 semaphore(%run_scoped3A : memref<!tpu.dma_semaphore, #tpu.memory_space<semaphore_mem>>) src(%dma_wait3A_141 : memref<40x144xf32, #tpu.memory_space<vmem>>) dst(%dma_wait3A_138 : memref<40x144xf32, #tpu.memory_space<vmem_shared>>)
        tpu.yield
      }) : () -> ()
    }
    %while3A_22 = arith.constant 1 : i32
    scf.for %while3A_117 = %while3A_20 to %while3A_16 step %while3A_22  : i32 {
      %mul3A_118 = arith.muli %while3A_117, %while3A : i32
      %add3A_119 = arith.addi %arg1, %mul3A_118 : i32
      %mul3A_120 = arith.constant 40 : i32
      %mul3A_121 = arith.muli %add3A_119, %mul3A_120 : i32
      "tpu.region"() ({
        %run_scoped3A = tpu.sem_alloc : memref<!tpu.dma_semaphore, #tpu.memory_space<semaphore_mem>>
        %dma_start3A_122 = arith.constant 0 : i32
        %dma_start3A_123 = arith.constant 0 : i32
        %dma_start3A_124 = tpu.memref_slice %arg17[%dma_start3A_122, %dma_start3A_123] : memref<40x144xf32, #tpu.memory_space<vmem>> -> memref<40x144xf32, #tpu.memory_space<vmem>>
        %dma_start3A_125 = arith.constant 0 : i32
        %dma_start3A_126 = tpu.memref_slice %arg21[%mul3A_121, %dma_start3A_125] : memref<10000x144xf32, #tpu.memory_space<vmem_shared>> -> memref<40x144xf32, #tpu.memory_space<vmem_shared>>
        %dma_start3A_127 = arith.constant 0 : i32
        %dma_start3A_128 = tpu.memref_slice %arg21[%mul3A_121, %dma_start3A_127] : memref<10000x144xf32, #tpu.memory_space<vmem_shared>> -> memref<40x144xf32, #tpu.memory_space<vmem_shared>>
        %dma_start3A_129 = arith.constant 0 : i32
        %dma_start3A_130 = arith.constant 0 : i32
        %dma_start3A_131 = tpu.memref_slice %arg17[%dma_start3A_129, %dma_start3A_130] : memref<40x144xf32, #tpu.memory_space<vmem>> -> memref<40x144xf32, #tpu.memory_space<vmem>>
        tpu.enqueue_dma source(%dma_start3A_131 : memref<40x144xf32, #tpu.memory_space<vmem>>) target(%dma_start3A_128 : memref<40x144xf32, #tpu.memory_space<vmem_shared>>) target_semaphore(%run_scoped3A : memref<!tpu.dma_semaphore, #tpu.memory_space<semaphore_mem>>)
        %dma_wait3A_132 = arith.constant 0 : i32
        %dma_wait3A_133 = arith.constant 0 : i32
        %dma_wait3A_134 = tpu.memref_slice %arg17[%dma_wait3A_132, %dma_wait3A_133] : memref<40x144xf32, #tpu.memory_space<vmem>> -> memref<40x144xf32, #tpu.memory_space<vmem>>
        %dma_wait3A_135 = arith.constant 0 : i32
        %dma_wait3A_136 = tpu.memref_slice %arg21[%mul3A_121, %dma_wait3A_135] : memref<10000x144xf32, #tpu.memory_space<vmem_shared>> -> memref<40x144xf32, #tpu.memory_space<vmem_shared>>
        %dma_wait3A_137 = arith.constant 0 : i32
        %dma_wait3A_138 = tpu.memref_slice %arg21[%mul3A_121, %dma_wait3A_137] : memref<10000x144xf32, #tpu.memory_space<vmem_shared>> -> memref<40x144xf32, #tpu.memory_space<vmem_shared>>
        %dma_wait3A_139 = arith.constant 0 : i32
        %dma_wait3A_140 = arith.constant 0 : i32
        %dma_wait3A_141 = tpu.memref_slice %arg17[%dma_wait3A_139, %dma_wait3A_140] : memref<40x144xf32, #tpu.memory_space<vmem>> -> memref<40x144xf32, #tpu.memory_space<vmem>>
        tpu.wait_dma2 semaphore(%run_scoped3A : memref<!tpu.dma_semaphore, #tpu.memory_space<semaphore_mem>>) src(%dma_wait3A_141 : memref<40x144xf32, #tpu.memory_space<vmem>>) dst(%dma_wait3A_138 : memref<40x144xf32, #tpu.memory_space<vmem_shared>>)
        tpu.yield
      }) : () -> ()
    }
    %barrier3A = arith.constant 0 : index
    tpu.barrier barrier_id(%barrier3A)
    %iota3A = tpu.iota {dimensions = array<i32: 0>} : vector<16xi32>
    %xor3A = arith.constant 8 : i32
    %xor3A_23 = vector.broadcast %xor3A : i32 to vector<16xi32>
    %xor3A_24 = arith.xori %iota3A, %xor3A_23 : vector<16xi32>
    %add3A_25 = arith.constant 0 : i32
    %add3A_26 = arith.addi %mul3A_2, %add3A_25 : i32
    "tpu.region"() ({
      %run_scoped3A = tpu.sem_alloc : memref<!tpu.dma_semaphore, #tpu.memory_space<semaphore_mem>>
      %dma_start3A_117 = tpu.memref_slice %arg4[%add3A_26] : memref<320000xi32, #tpu.memory_space<hbm>> -> memref<40xi32, #tpu.memory_space<hbm>>
      %dma_start3A_118 = tpu.memref_slice %arg4[%add3A_26] : memref<320000xi32, #tpu.memory_space<hbm>> -> memref<40xi32, #tpu.memory_space<hbm>>
      tpu.enqueue_dma source(%dma_start3A_118 : memref<40xi32, #tpu.memory_space<hbm>>) target(%arg7 : memref<40xi32, #tpu.memory_space<vmem>>) target_semaphore(%run_scoped3A : memref<!tpu.dma_semaphore, #tpu.memory_space<semaphore_mem>>)
      %dma_wait3A_119 = tpu.memref_slice %arg4[%add3A_26] : memref<320000xi32, #tpu.memory_space<hbm>> -> memref<40xi32, #tpu.memory_space<hbm>>
      %dma_wait3A_120 = tpu.memref_slice %arg4[%add3A_26] : memref<320000xi32, #tpu.memory_space<hbm>> -> memref<40xi32, #tpu.memory_space<hbm>>
      tpu.wait_dma2 semaphore(%run_scoped3A : memref<!tpu.dma_semaphore, #tpu.memory_space<semaphore_mem>>) src(%dma_wait3A_120 : memref<40xi32, #tpu.memory_space<hbm>>) dst(%arg7 : memref<40xi32, #tpu.memory_space<vmem>>)
      tpu.yield
    }) : () -> ()
    "tpu.region"() ({
      %run_scoped3A = tpu.sem_alloc : memref<!tpu.dma_semaphore, #tpu.memory_space<semaphore_mem>>
      %dma_start3A_117 = tpu.memref_slice %arg5[%add3A_26] : memref<320000xi32, #tpu.memory_space<hbm>> -> memref<40xi32, #tpu.memory_space<hbm>>
      %dma_start3A_118 = tpu.memref_slice %arg5[%add3A_26] : memref<320000xi32, #tpu.memory_space<hbm>> -> memref<40xi32, #tpu.memory_space<hbm>>
      tpu.enqueue_dma source(%dma_start3A_118 : memref<40xi32, #tpu.memory_space<hbm>>) target(%arg9 : memref<40xi32, #tpu.memory_space<vmem>>) target_semaphore(%run_scoped3A : memref<!tpu.dma_semaphore, #tpu.memory_space<semaphore_mem>>)
      %dma_wait3A_119 = tpu.memref_slice %arg5[%add3A_26] : memref<320000xi32, #tpu.memory_space<hbm>> -> memref<40xi32, #tpu.memory_space<hbm>>
      %dma_wait3A_120 = tpu.memref_slice %arg5[%add3A_26] : memref<320000xi32, #tpu.memory_space<hbm>> -> memref<40xi32, #tpu.memory_space<hbm>>
      tpu.wait_dma2 semaphore(%run_scoped3A : memref<!tpu.dma_semaphore, #tpu.memory_space<semaphore_mem>>) src(%dma_wait3A_120 : memref<40xi32, #tpu.memory_space<hbm>>) dst(%arg9 : memref<40xi32, #tpu.memory_space<vmem>>)
      tpu.yield
    }) : () -> ()
    %add3A_27 = arith.constant 0 : i32
    %add3A_28 = arith.addi %mul3A_2, %add3A_27 : i32
    "tpu.region"() ({
      %run_scoped3A = tpu.sem_alloc : memref<!tpu.dma_semaphore, #tpu.memory_space<semaphore_mem>>
      %dma_start3A_117 = tpu.memref_slice %arg4[%add3A_28] : memref<320000xi32, #tpu.memory_space<hbm>> -> memref<40xi32, #tpu.memory_space<hbm>>
      %dma_start3A_118 = tpu.memref_slice %arg4[%add3A_28] : memref<320000xi32, #tpu.memory_space<hbm>> -> memref<40xi32, #tpu.memory_space<hbm>>
      tpu.enqueue_dma source(%dma_start3A_118 : memref<40xi32, #tpu.memory_space<hbm>>) target(%arg8 : memref<40xi32, #tpu.memory_space<vmem>>) target_semaphore(%run_scoped3A : memref<!tpu.dma_semaphore, #tpu.memory_space<semaphore_mem>>)
      %dma_wait3A_119 = tpu.memref_slice %arg4[%add3A_28] : memref<320000xi32, #tpu.memory_space<hbm>> -> memref<40xi32, #tpu.memory_space<hbm>>
      %dma_wait3A_120 = tpu.memref_slice %arg4[%add3A_28] : memref<320000xi32, #tpu.memory_space<hbm>> -> memref<40xi32, #tpu.memory_space<hbm>>
      tpu.wait_dma2 semaphore(%run_scoped3A : memref<!tpu.dma_semaphore, #tpu.memory_space<semaphore_mem>>) src(%dma_wait3A_120 : memref<40xi32, #tpu.memory_space<hbm>>) dst(%arg8 : memref<40xi32, #tpu.memory_space<vmem>>)
      tpu.yield
    }) : () -> ()
    "tpu.region"() ({
      %run_scoped3A = tpu.sem_alloc : memref<!tpu.dma_semaphore, #tpu.memory_space<semaphore_mem>>
      %dma_start3A_117 = tpu.memref_slice %arg5[%add3A_28] : memref<320000xi32, #tpu.memory_space<hbm>> -> memref<40xi32, #tpu.memory_space<hbm>>
      %dma_start3A_118 = tpu.memref_slice %arg5[%add3A_28] : memref<320000xi32, #tpu.memory_space<hbm>> -> memref<40xi32, #tpu.memory_space<hbm>>
      tpu.enqueue_dma source(%dma_start3A_118 : memref<40xi32, #tpu.memory_space<hbm>>) target(%arg10 : memref<40xi32, #tpu.memory_space<vmem>>) target_semaphore(%run_scoped3A : memref<!tpu.dma_semaphore, #tpu.memory_space<semaphore_mem>>)
      %dma_wait3A_119 = tpu.memref_slice %arg5[%add3A_28] : memref<320000xi32, #tpu.memory_space<hbm>> -> memref<40xi32, #tpu.memory_space<hbm>>
      %dma_wait3A_120 = tpu.memref_slice %arg5[%add3A_28] : memref<320000xi32, #tpu.memory_space<hbm>> -> memref<40xi32, #tpu.memory_space<hbm>>
      tpu.wait_dma2 semaphore(%run_scoped3A : memref<!tpu.dma_semaphore, #tpu.memory_space<semaphore_mem>>) src(%dma_wait3A_120 : memref<40xi32, #tpu.memory_space<hbm>>) dst(%arg10 : memref<40xi32, #tpu.memory_space<vmem>>)
      tpu.yield
    }) : () -> ()
    %dma_start3A = arith.constant 0 : i32
    %dma_start3A_29 = arith.constant 0 : i32
    %dma_start3A_30 = tpu.memref_slice %arg2[%dma_start3A, %dma_start3A_29] : memref<10000x16xf32, #tpu.memory_space<hbm>> -> memref<10000x16xf32, #tpu.memory_space<hbm>>
    tpu.enqueue_indirect_dma source(%dma_start3A_30 : memref<10000x16xf32, #tpu.memory_space<hbm>>) target(%arg11 : memref<40x16xf32, #tpu.memory_space<vmem>>) offsets(%arg7 : memref<40xi32, #tpu.memory_space<vmem>>) semaphore(%arg22 : memref<!tpu.dma_semaphore, #tpu.memory_space<semaphore_mem>>)
    %dma_start3A_31 = arith.constant 0 : i32
    %dma_start3A_32 = arith.constant 0 : i32
    %dma_start3A_33 = tpu.memref_slice %arg2[%dma_start3A_31, %dma_start3A_32] : memref<10000x16xf32, #tpu.memory_space<hbm>> -> memref<10000x16xf32, #tpu.memory_space<hbm>>
    tpu.enqueue_indirect_dma source(%dma_start3A_33 : memref<10000x16xf32, #tpu.memory_space<hbm>>) target(%arg13 : memref<40x16xf32, #tpu.memory_space<vmem>>) offsets(%arg9 : memref<40xi32, #tpu.memory_space<vmem>>) semaphore(%arg24 : memref<!tpu.dma_semaphore, #tpu.memory_space<semaphore_mem>>)
    %dma_start3A_34 = arith.constant 0 : i32
    %dma_start3A_35 = arith.constant 0 : i32
    %dma_start3A_36 = tpu.memref_slice %arg3[%dma_start3A_34, %dma_start3A_35] : memref<10000x128xf32, #tpu.memory_space<hbm>> -> memref<10000x128xf32, #tpu.memory_space<hbm>>
    tpu.enqueue_indirect_dma source(%dma_start3A_36 : memref<10000x128xf32, #tpu.memory_space<hbm>>) target(%arg15 : memref<40x128xf32, #tpu.memory_space<vmem>>) offsets(%arg9 : memref<40xi32, #tpu.memory_space<vmem>>) semaphore(%arg26 : memref<!tpu.dma_semaphore, #tpu.memory_space<semaphore_mem>>)
    %dma_start3A_37 = arith.constant 0 : i32
    %dma_start3A_38 = arith.constant 0 : i32
    %dma_start3A_39 = tpu.memref_slice %arg21[%dma_start3A_37, %dma_start3A_38] : memref<10000x144xf32, #tpu.memory_space<vmem_shared>> -> memref<10000x144xf32, #tpu.memory_space<vmem_shared>>
    tpu.enqueue_indirect_dma source(%arg18 : memref<40x144xf32, #tpu.memory_space<vmem>>) target(%dma_start3A_39 : memref<10000x144xf32, #tpu.memory_space<vmem_shared>>) offsets(%arg8 : memref<40xi32, #tpu.memory_space<vmem>>) semaphore(%arg31 : memref<!tpu.dma_semaphore, #tpu.memory_space<semaphore_mem>>) {add = true}
    %scan3A_40 = arith.constant 0 : i32
    %scan3A_41 = arith.constant 124 : i32
    %scan3A_42 = arith.addi %scan3A_40, %scan3A_41 : i32
    %scan3A_43 = arith.constant 1 : i32
    scf.for %scan3A_117 = %scan3A_40 to %scan3A_42 step %scan3A_43  : i32 {
      %mul3A_118 = arith.constant 1 : i32
      %mul3A_119 = arith.muli %scan3A_117, %mul3A_118 : i32
      %add3A_120 = arith.constant 0 : i32
      %add3A_121 = arith.addi %add3A_120, %mul3A_119 : i32
      %mul3A_122 = arith.constant 2 : i32
      %mul3A_123 = arith.muli %add3A_121, %mul3A_122 : i32
      %dma_wait3A_124 = arith.constant 0 : i32
      %dma_wait3A_125 = arith.constant 0 : i32
      %dma_wait3A_126 = tpu.memref_slice %arg2[%dma_wait3A_124, %dma_wait3A_125] : memref<10000x16xf32, #tpu.memory_space<hbm>> -> memref<10000x16xf32, #tpu.memory_space<hbm>>
      tpu.wait_indirect_dma semaphore(%arg22 : memref<!tpu.dma_semaphore, #tpu.memory_space<semaphore_mem>>) src(%dma_wait3A_126 : memref<10000x16xf32, #tpu.memory_space<hbm>>) dst(%arg11 : memref<40x16xf32, #tpu.memory_space<vmem>>)
      %dma_wait3A_127 = arith.constant 0 : i32
      %dma_wait3A_128 = arith.constant 0 : i32
      %dma_wait3A_129 = tpu.memref_slice %arg2[%dma_wait3A_127, %dma_wait3A_128] : memref<10000x16xf32, #tpu.memory_space<hbm>> -> memref<10000x16xf32, #tpu.memory_space<hbm>>
      tpu.wait_indirect_dma semaphore(%arg24 : memref<!tpu.dma_semaphore, #tpu.memory_space<semaphore_mem>>) src(%dma_wait3A_129 : memref<10000x16xf32, #tpu.memory_space<hbm>>) dst(%arg13 : memref<40x16xf32, #tpu.memory_space<vmem>>)
      %dma_wait3A_130 = arith.constant 0 : i32
      %dma_wait3A_131 = arith.constant 0 : i32
      %dma_wait3A_132 = tpu.memref_slice %arg3[%dma_wait3A_130, %dma_wait3A_131] : memref<10000x128xf32, #tpu.memory_space<hbm>> -> memref<10000x128xf32, #tpu.memory_space<hbm>>
      tpu.wait_indirect_dma semaphore(%arg26 : memref<!tpu.dma_semaphore, #tpu.memory_space<semaphore_mem>>) src(%dma_wait3A_132 : memref<10000x128xf32, #tpu.memory_space<hbm>>) dst(%arg15 : memref<40x128xf32, #tpu.memory_space<vmem>>)
      %dma_wait3A_133 = arith.constant 0 : i32
      %dma_wait3A_134 = arith.constant 0 : i32
      %dma_wait3A_135 = tpu.memref_slice %arg21[%dma_wait3A_133, %dma_wait3A_134] : memref<10000x144xf32, #tpu.memory_space<vmem_shared>> -> memref<10000x144xf32, #tpu.memory_space<vmem_shared>>
      tpu.wait_indirect_dma semaphore(%arg31 : memref<!tpu.dma_semaphore, #tpu.memory_space<semaphore_mem>>) src(%arg18 : memref<40x144xf32, #tpu.memory_space<vmem>>) dst(%dma_wait3A_135 : memref<10000x144xf32, #tpu.memory_space<vmem_shared>>)
      %add3A_136 = arith.constant 1 : i32
      %add3A_137 = arith.addi %mul3A_123, %add3A_136 : i32
      %mul3A_138 = arith.constant 40 : i32
      %mul3A_139 = arith.muli %add3A_137, %mul3A_138 : i32
      %add3A_140 = arith.addi %mul3A_2, %mul3A_139 : i32
      "tpu.region"() ({
        %run_scoped3A = tpu.sem_alloc : memref<!tpu.dma_semaphore, #tpu.memory_space<semaphore_mem>>
        %dma_start3A_200 = tpu.memref_slice %arg4[%add3A_140] : memref<320000xi32, #tpu.memory_space<hbm>> -> memref<40xi32, #tpu.memory_space<hbm>>
        %dma_start3A_201 = tpu.memref_slice %arg4[%add3A_140] : memref<320000xi32, #tpu.memory_space<hbm>> -> memref<40xi32, #tpu.memory_space<hbm>>
        tpu.enqueue_dma source(%dma_start3A_201 : memref<40xi32, #tpu.memory_space<hbm>>) target(%arg8 : memref<40xi32, #tpu.memory_space<vmem>>) target_semaphore(%run_scoped3A : memref<!tpu.dma_semaphore, #tpu.memory_space<semaphore_mem>>)
        %dma_wait3A_202 = tpu.memref_slice %arg4[%add3A_140] : memref<320000xi32, #tpu.memory_space<hbm>> -> memref<40xi32, #tpu.memory_space<hbm>>
        %dma_wait3A_203 = tpu.memref_slice %arg4[%add3A_140] : memref<320000xi32, #tpu.memory_space<hbm>> -> memref<40xi32, #tpu.memory_space<hbm>>
        tpu.wait_dma2 semaphore(%run_scoped3A : memref<!tpu.dma_semaphore, #tpu.memory_space<semaphore_mem>>) src(%dma_wait3A_203 : memref<40xi32, #tpu.memory_space<hbm>>) dst(%arg8 : memref<40xi32, #tpu.memory_space<vmem>>)
        tpu.yield
      }) : () -> ()
      "tpu.region"() ({
        %run_scoped3A = tpu.sem_alloc : memref<!tpu.dma_semaphore, #tpu.memory_space<semaphore_mem>>
        %dma_start3A_200 = tpu.memref_slice %arg5[%add3A_140] : memref<320000xi32, #tpu.memory_space<hbm>> -> memref<40xi32, #tpu.memory_space<hbm>>
        %dma_start3A_201 = tpu.memref_slice %arg5[%add3A_140] : memref<320000xi32, #tpu.memory_space<hbm>> -> memref<40xi32, #tpu.memory_space<hbm>>
        tpu.enqueue_dma source(%dma_start3A_201 : memref<40xi32, #tpu.memory_space<hbm>>) target(%arg10 : memref<40xi32, #tpu.memory_space<vmem>>) target_semaphore(%run_scoped3A : memref<!tpu.dma_semaphore, #tpu.memory_space<semaphore_mem>>)
        %dma_wait3A_202 = tpu.memref_slice %arg5[%add3A_140] : memref<320000xi32, #tpu.memory_space<hbm>> -> memref<40xi32, #tpu.memory_space<hbm>>
        %dma_wait3A_203 = tpu.memref_slice %arg5[%add3A_140] : memref<320000xi32, #tpu.memory_space<hbm>> -> memref<40xi32, #tpu.memory_space<hbm>>
        tpu.wait_dma2 semaphore(%run_scoped3A : memref<!tpu.dma_semaphore, #tpu.memory_space<semaphore_mem>>) src(%dma_wait3A_203 : memref<40xi32, #tpu.memory_space<hbm>>) dst(%arg10 : memref<40xi32, #tpu.memory_space<vmem>>)
        tpu.yield
      }) : () -> ()
      %add3A_141 = arith.constant 1 : i32
      %add3A_142 = arith.addi %mul3A_123, %add3A_141 : i32
      %dma_start3A_143 = arith.constant 0 : i32
      %dma_start3A_144 = arith.constant 0 : i32
      %dma_start3A_145 = tpu.memref_slice %arg2[%dma_start3A_143, %dma_start3A_144] : memref<10000x16xf32, #tpu.memory_space<hbm>> -> memref<10000x16xf32, #tpu.memory_space<hbm>>
      tpu.enqueue_indirect_dma source(%dma_start3A_145 : memref<10000x16xf32, #tpu.memory_space<hbm>>) target(%arg12 : memref<40x16xf32, #tpu.memory_space<vmem>>) offsets(%arg8 : memref<40xi32, #tpu.memory_space<vmem>>) semaphore(%arg23 : memref<!tpu.dma_semaphore, #tpu.memory_space<semaphore_mem>>)
      %dma_start3A_146 = arith.constant 0 : i32
      %dma_start3A_147 = arith.constant 0 : i32
      %dma_start3A_148 = tpu.memref_slice %arg2[%dma_start3A_146, %dma_start3A_147] : memref<10000x16xf32, #tpu.memory_space<hbm>> -> memref<10000x16xf32, #tpu.memory_space<hbm>>
      tpu.enqueue_indirect_dma source(%dma_start3A_148 : memref<10000x16xf32, #tpu.memory_space<hbm>>) target(%arg14 : memref<40x16xf32, #tpu.memory_space<vmem>>) offsets(%arg10 : memref<40xi32, #tpu.memory_space<vmem>>) semaphore(%arg25 : memref<!tpu.dma_semaphore, #tpu.memory_space<semaphore_mem>>)
      %dma_start3A_149 = arith.constant 0 : i32
      %dma_start3A_150 = arith.constant 0 : i32
      %dma_start3A_151 = tpu.memref_slice %arg3[%dma_start3A_149, %dma_start3A_150] : memref<10000x128xf32, #tpu.memory_space<hbm>> -> memref<10000x128xf32, #tpu.memory_space<hbm>>
      tpu.enqueue_indirect_dma source(%dma_start3A_151 : memref<10000x128xf32, #tpu.memory_space<hbm>>) target(%arg16 : memref<40x128xf32, #tpu.memory_space<vmem>>) offsets(%arg10 : memref<40xi32, #tpu.memory_space<vmem>>) semaphore(%arg27 : memref<!tpu.dma_semaphore, #tpu.memory_space<semaphore_mem>>)
      %scan3A_152 = arith.constant 0 : i32
      %scan3A_153 = arith.constant 40 : i32
      %scan3A_154 = arith.addi %scan3A_152, %scan3A_153 : i32
      %scan3A_155 = arith.constant 1 : i32
      scf.for %scan3A_200 = %scan3A_152 to %scan3A_154 step %scan3A_155  : i32 {
        %mul3A_201 = arith.constant 1 : i32
        %mul3A_202 = arith.muli %scan3A_200, %mul3A_201 : i32
        %add3A_203 = arith.constant 0 : i32
        %add3A_204 = arith.addi %add3A_203, %mul3A_202 : i32
        %get3A = arith.index_cast %add3A_204 : i32 to index
        %get3A_205 = arith.constant 0 : index
        %get3A_206 = tpu.vector_load %arg11[%get3A, %get3A_205] {strides = array<i32>} : memref<40x16xf32, #tpu.memory_space<vmem>>, vector<1x16xf32>,
        %get3A_207 = vector.shape_cast %get3A_206 : vector<1x16xf32> to vector<16xf32>
        %get3A_208 = arith.index_cast %add3A_204 : i32 to index
        %get3A_209 = arith.constant 0 : index
        %get3A_210 = tpu.vector_load %arg13[%get3A_208, %get3A_209] {strides = array<i32>} : memref<40x16xf32, #tpu.memory_space<vmem>>, vector<1x16xf32>,
        %get3A_211 = vector.shape_cast %get3A_210 : vector<1x16xf32> to vector<16xf32>
        %broadcast_in_dim3A_212 = vector.shape_cast %xor3A_24 : vector<16xi32> to vector<16x1xi32>
        %gather3A = vector.shape_cast %broadcast_in_dim3A_212 : vector<16x1xi32> to vector<16xi32>
        %gather3A_213 = tpu.dynamic_gather %get3A_211[%gather3A] in [0] : vector<16xf32>, vector<16xi32> -> vector<16xf32>
        %add3A_214 = arith.addf %get3A_207, %gather3A_213 : vector<16xf32>
        %mul3A_215 = arith.constant 0.00999999977 : f32
        %mul3A_216 = vector.broadcast %mul3A_215 : f32 to vector<16xf32>
        %mul3A_217 = arith.mulf %add3A_214, %mul3A_216 : vector<16xf32>
        %max3A = arith.maximumf %add3A_214, %mul3A_217 : vector<16xf32>
        %exp3A = math.exp %max3A : vector<16xf32>
        %swap3A = arith.index_cast %add3A_204 : i32 to index
        %swap3A_218 = arith.constant 0 : index
        %swap3A_219 = tpu.vector_load %arg17[%swap3A, %swap3A_218] {strides = array<i32>} : memref<40x144xf32, #tpu.memory_space<vmem>>, vector<1x16xf32>,
        %swap3A_220 = vector.shape_cast %swap3A_219 : vector<1x16xf32> to vector<16xf32>
        %swap3A_221 = vector.shape_cast %exp3A : vector<16xf32> to vector<1x16xf32>
        tpu.vector_store %arg17[%swap3A, %swap3A_218], %swap3A_221 {strides = array<i32>} : memref<40x144xf32, #tpu.memory_space<vmem>>, vector<1x16xf32>,
        %broadcast_in_dim3A_222 = arith.constant 0 : i32
        %broadcast_in_dim3A_223 = vector.broadcast %broadcast_in_dim3A_222 : i32 to vector<16xi32>
        %broadcast_in_dim3A_224 = vector.shape_cast %broadcast_in_dim3A_223 : vector<16xi32> to vector<16x1xi32>
        %gather3A_225 = vector.shape_cast %broadcast_in_dim3A_224 : vector<16x1xi32> to vector<16xi32>
        %gather3A_226 = tpu.dynamic_gather %exp3A[%gather3A_225] in [0] : vector<16xf32>, vector<16xi32> -> vector<16xf32>
        %get3A_227 = arith.index_cast %add3A_204 : i32 to index
        %get3A_228 = arith.constant 0 : index
        %get3A_229 = tpu.vector_load %arg15[%get3A_227, %get3A_228] {strides = array<i32>} : memref<40x128xf32, #tpu.memory_space<vmem>>, vector<1x16xf32>,
        %get3A_230 = vector.shape_cast %get3A_229 : vector<1x16xf32> to vector<16xf32>
        %mul3A_231 = arith.mulf %get3A_230, %gather3A_226 : vector<16xf32>
        %swap3A_232 = arith.index_cast %add3A_204 : i32 to index
        %swap3A_233 = arith.constant 16 : index
        %swap3A_234 = tpu.vector_load %arg17[%swap3A_232, %swap3A_233] {strides = array<i32>} : memref<40x144xf32, #tpu.memory_space<vmem>>, vector<1x16xf32>,
        %swap3A_235 = vector.shape_cast %swap3A_234 : vector<1x16xf32> to vector<16xf32>
        %swap3A_236 = vector.shape_cast %mul3A_231 : vector<16xf32> to vector<1x16xf32>
        tpu.vector_store %arg17[%swap3A_232, %swap3A_233], %swap3A_236 {strides = array<i32>} : memref<40x144xf32, #tpu.memory_space<vmem>>, vector<1x16xf32>,
        %broadcast_in_dim3A_237 = arith.constant 1 : i32
        %broadcast_in_dim3A_238 = vector.broadcast %broadcast_in_dim3A_237 : i32 to vector<16xi32>
        %broadcast_in_dim3A_239 = vector.shape_cast %broadcast_in_dim3A_238 : vector<16xi32> to vector<16x1xi32>
        %gather3A_240 = vector.shape_cast %broadcast_in_dim3A_239 : vector<16x1xi32> to vector<16xi32>
        %gather3A_241 = tpu.dynamic_gather %exp3A[%gather3A_240] in [0] : vector<16xf32>, vector<16xi32> -> vector<16xf32>
        %get3A_242 = arith.index_cast %add3A_204 : i32 to index
        %get3A_243 = arith.constant 16 : index
        %get3A_244 = tpu.vector_load %arg15[%get3A_242, %get3A_243] {strides = array<i32>} : memref<40x128xf32, #tpu.memory_space<vmem>>, vector<1x16xf32>,
        %get3A_245 = vector.shape_cast %get3A_244 : vector<1x16xf32> to vector<16xf32>
        %mul3A_246 = arith.mulf %get3A_245, %gather3A_241 : vector<16xf32>
        %swap3A_247 = arith.index_cast %add3A_204 : i32 to index
        %swap3A_248 = arith.constant 32 : index
        %swap3A_249 = tpu.vector_load %arg17[%swap3A_247, %swap3A_248] {strides = array<i32>} : memref<40x144xf32, #tpu.memory_space<vmem>>, vector<1x16xf32>,
        %swap3A_250 = vector.shape_cast %swap3A_249 : vector<1x16xf32> to vector<16xf32>
        %swap3A_251 = vector.shape_cast %mul3A_246 : vector<16xf32> to vector<1x16xf32>
        tpu.vector_store %arg17[%swap3A_247, %swap3A_248], %swap3A_251 {strides = array<i32>} : memref<40x144xf32, #tpu.memory_space<vmem>>, vector<1x16xf32>,
        %broadcast_in_dim3A_252 = arith.constant 2 : i32
        %broadcast_in_dim3A_253 = vector.broadcast %broadcast_in_dim3A_252 : i32 to vector<16xi32>
        %broadcast_in_dim3A_254 = vector.shape_cast %broadcast_in_dim3A_253 : vector<16xi32> to vector<16x1xi32>
        %gather3A_255 = vector.shape_cast %broadcast_in_dim3A_254 : vector<16x1xi32> to vector<16xi32>
        %gather3A_256 = tpu.dynamic_gather %exp3A[%gather3A_255] in [0] : vector<16xf32>, vector<16xi32> -> vector<16xf32>
        %get3A_257 = arith.index_cast %add3A_204 : i32 to index
        %get3A_258 = arith.constant 32 : index
        %get3A_259 = tpu.vector_load %arg15[%get3A_257, %get3A_258] {strides = array<i32>} : memref<40x128xf32, #tpu.memory_space<vmem>>, vector<1x16xf32>,
        %get3A_260 = vector.shape_cast %get3A_259 : vector<1x16xf32> to vector<16xf32>
        %mul3A_261 = arith.mulf %get3A_260, %gather3A_256 : vector<16xf32>
        %swap3A_262 = arith.index_cast %add3A_204 : i32 to index
        %swap3A_263 = arith.constant 48 : index
        %swap3A_264 = tpu.vector_load %arg17[%swap3A_262, %swap3A_263] {strides = array<i32>} : memref<40x144xf32, #tpu.memory_space<vmem>>, vector<1x16xf32>,
        %swap3A_265 = vector.shape_cast %swap3A_264 : vector<1x16xf32> to vector<16xf32>
        %swap3A_266 = vector.shape_cast %mul3A_261 : vector<16xf32> to vector<1x16xf32>
        tpu.vector_store %arg17[%swap3A_262, %swap3A_263], %swap3A_266 {strides = array<i32>} : memref<40x144xf32, #tpu.memory_space<vmem>>, vector<1x16xf32>,
        %broadcast_in_dim3A_267 = arith.constant 3 : i32
        %broadcast_in_dim3A_268 = vector.broadcast %broadcast_in_dim3A_267 : i32 to vector<16xi32>
        %broadcast_in_dim3A_269 = vector.shape_cast %broadcast_in_dim3A_268 : vector<16xi32> to vector<16x1xi32>
        %gather3A_270 = vector.shape_cast %broadcast_in_dim3A_269 : vector<16x1xi32> to vector<16xi32>
        %gather3A_271 = tpu.dynamic_gather %exp3A[%gather3A_270] in [0] : vector<16xf32>, vector<16xi32> -> vector<16xf32>
        %get3A_272 = arith.index_cast %add3A_204 : i32 to index
        %get3A_273 = arith.constant 48 : index
        %get3A_274 = tpu.vector_load %arg15[%get3A_272, %get3A_273] {strides = array<i32>} : memref<40x128xf32, #tpu.memory_space<vmem>>, vector<1x16xf32>,
        %get3A_275 = vector.shape_cast %get3A_274 : vector<1x16xf32> to vector<16xf32>
        %mul3A_276 = arith.mulf %get3A_275, %gather3A_271 : vector<16xf32>
        %swap3A_277 = arith.index_cast %add3A_204 : i32 to index
        %swap3A_278 = arith.constant 64 : index
        %swap3A_279 = tpu.vector_load %arg17[%swap3A_277, %swap3A_278] {strides = array<i32>} : memref<40x144xf32, #tpu.memory_space<vmem>>, vector<1x16xf32>,
        %swap3A_280 = vector.shape_cast %swap3A_279 : vector<1x16xf32> to vector<16xf32>
        %swap3A_281 = vector.shape_cast %mul3A_276 : vector<16xf32> to vector<1x16xf32>
        tpu.vector_store %arg17[%swap3A_277, %swap3A_278], %swap3A_281 {strides = array<i32>} : memref<40x144xf32, #tpu.memory_space<vmem>>, vector<1x16xf32>,
        %broadcast_in_dim3A_282 = arith.constant 4 : i32
        %broadcast_in_dim3A_283 = vector.broadcast %broadcast_in_dim3A_282 : i32 to vector<16xi32>
        %broadcast_in_dim3A_284 = vector.shape_cast %broadcast_in_dim3A_283 : vector<16xi32> to vector<16x1xi32>
        %gather3A_285 = vector.shape_cast %broadcast_in_dim3A_284 : vector<16x1xi32> to vector<16xi32>
        %gather3A_286 = tpu.dynamic_gather %exp3A[%gather3A_285] in [0] : vector<16xf32>, vector<16xi32> -> vector<16xf32>
        %get3A_287 = arith.index_cast %add3A_204 : i32 to index
        %get3A_288 = arith.constant 64 : index
        %get3A_289 = tpu.vector_load %arg15[%get3A_287, %get3A_288] {strides = array<i32>} : memref<40x128xf32, #tpu.memory_space<vmem>>, vector<1x16xf32>,
        %get3A_290 = vector.shape_cast %get3A_289 : vector<1x16xf32> to vector<16xf32>
        %mul3A_291 = arith.mulf %get3A_290, %gather3A_286 : vector<16xf32>
        %swap3A_292 = arith.index_cast %add3A_204 : i32 to index
        %swap3A_293 = arith.constant 80 : index
        %swap3A_294 = tpu.vector_load %arg17[%swap3A_292, %swap3A_293] {strides = array<i32>} : memref<40x144xf32, #tpu.memory_space<vmem>>, vector<1x16xf32>,
        %swap3A_295 = vector.shape_cast %swap3A_294 : vector<1x16xf32> to vector<16xf32>
        %swap3A_296 = vector.shape_cast %mul3A_291 : vector<16xf32> to vector<1x16xf32>
        tpu.vector_store %arg17[%swap3A_292, %swap3A_293], %swap3A_296 {strides = array<i32>} : memref<40x144xf32, #tpu.memory_space<vmem>>, vector<1x16xf32>,
        %broadcast_in_dim3A_297 = arith.constant 5 : i32
        %broadcast_in_dim3A_298 = vector.broadcast %broadcast_in_dim3A_297 : i32 to vector<16xi32>
        %broadcast_in_dim3A_299 = vector.shape_cast %broadcast_in_dim3A_298 : vector<16xi32> to vector<16x1xi32>
        %gather3A_300 = vector.shape_cast %broadcast_in_dim3A_299 : vector<16x1xi32> to vector<16xi32>
        %gather3A_301 = tpu.dynamic_gather %exp3A[%gather3A_300] in [0] : vector<16xf32>, vector<16xi32> -> vector<16xf32>
        %get3A_302 = arith.index_cast %add3A_204 : i32 to index
        %get3A_303 = arith.constant 80 : index
        %get3A_304 = tpu.vector_load %arg15[%get3A_302, %get3A_303] {strides = array<i32>} : memref<40x128xf32, #tpu.memory_space<vmem>>, vector<1x16xf32>,
        %get3A_305 = vector.shape_cast %get3A_304 : vector<1x16xf32> to vector<16xf32>
        %mul3A_306 = arith.mulf %get3A_305, %gather3A_301 : vector<16xf32>
        %swap3A_307 = arith.index_cast %add3A_204 : i32 to index
        %swap3A_308 = arith.constant 96 : index
        %swap3A_309 = tpu.vector_load %arg17[%swap3A_307, %swap3A_308] {strides = array<i32>} : memref<40x144xf32, #tpu.memory_space<vmem>>, vector<1x16xf32>,
        %swap3A_310 = vector.shape_cast %swap3A_309 : vector<1x16xf32> to vector<16xf32>
        %swap3A_311 = vector.shape_cast %mul3A_306 : vector<16xf32> to vector<1x16xf32>
        tpu.vector_store %arg17[%swap3A_307, %swap3A_308], %swap3A_311 {strides = array<i32>} : memref<40x144xf32, #tpu.memory_space<vmem>>, vector<1x16xf32>,
        %broadcast_in_dim3A_312 = arith.constant 6 : i32
        %broadcast_in_dim3A_313 = vector.broadcast %broadcast_in_dim3A_312 : i32 to vector<16xi32>
        %broadcast_in_dim3A_314 = vector.shape_cast %broadcast_in_dim3A_313 : vector<16xi32> to vector<16x1xi32>
        %gather3A_315 = vector.shape_cast %broadcast_in_dim3A_314 : vector<16x1xi32> to vector<16xi32>
        %gather3A_316 = tpu.dynamic_gather %exp3A[%gather3A_315] in [0] : vector<16xf32>, vector<16xi32> -> vector<16xf32>
        %get3A_317 = arith.index_cast %add3A_204 : i32 to index
        %get3A_318 = arith.constant 96 : index
        %get3A_319 = tpu.vector_load %arg15[%get3A_317, %get3A_318] {strides = array<i32>} : memref<40x128xf32, #tpu.memory_space<vmem>>, vector<1x16xf32>,
        %get3A_320 = vector.shape_cast %get3A_319 : vector<1x16xf32> to vector<16xf32>
        %mul3A_321 = arith.mulf %get3A_320, %gather3A_316 : vector<16xf32>
        %swap3A_322 = arith.index_cast %add3A_204 : i32 to index
        %swap3A_323 = arith.constant 112 : index
        %swap3A_324 = tpu.vector_load %arg17[%swap3A_322, %swap3A_323] {strides = array<i32>} : memref<40x144xf32, #tpu.memory_space<vmem>>, vector<1x16xf32>,
        %swap3A_325 = vector.shape_cast %swap3A_324 : vector<1x16xf32> to vector<16xf32>
        %swap3A_326 = vector.shape_cast %mul3A_321 : vector<16xf32> to vector<1x16xf32>
        tpu.vector_store %arg17[%swap3A_322, %swap3A_323], %swap3A_326 {strides = array<i32>} : memref<40x144xf32, #tpu.memory_space<vmem>>, vector<1x16xf32>,
        %broadcast_in_dim3A_327 = arith.constant 7 : i32
        %broadcast_in_dim3A_328 = vector.broadcast %broadcast_in_dim3A_327 : i32 to vector<16xi32>
        %broadcast_in_dim3A_329 = vector.shape_cast %broadcast_in_dim3A_328 : vector<16xi32> to vector<16x1xi32>
        %gather3A_330 = vector.shape_cast %broadcast_in_dim3A_329 : vector<16x1xi32> to vector<16xi32>
        %gather3A_331 = tpu.dynamic_gather %exp3A[%gather3A_330] in [0] : vector<16xf32>, vector<16xi32> -> vector<16xf32>
        %get3A_332 = arith.index_cast %add3A_204 : i32 to index
        %get3A_333 = arith.constant 112 : index
        %get3A_334 = tpu.vector_load %arg15[%get3A_332, %get3A_333] {strides = array<i32>} : memref<40x128xf32, #tpu.memory_space<vmem>>, vector<1x16xf32>,
        %get3A_335 = vector.shape_cast %get3A_334 : vector<1x16xf32> to vector<16xf32>
        %mul3A_336 = arith.mulf %get3A_335, %gather3A_331 : vector<16xf32>
        %swap3A_337 = arith.index_cast %add3A_204 : i32 to index
        %swap3A_338 = arith.constant 128 : index
        %swap3A_339 = tpu.vector_load %arg17[%swap3A_337, %swap3A_338] {strides = array<i32>} : memref<40x144xf32, #tpu.memory_space<vmem>>, vector<1x16xf32>,
        %swap3A_340 = vector.shape_cast %swap3A_339 : vector<1x16xf32> to vector<16xf32>
        %swap3A_341 = vector.shape_cast %mul3A_336 : vector<16xf32> to vector<1x16xf32>
        tpu.vector_store %arg17[%swap3A_337, %swap3A_338], %swap3A_341 {strides = array<i32>} : memref<40x144xf32, #tpu.memory_space<vmem>>, vector<1x16xf32>,
      }
      %scan3A_156 = arith.constant 40 : i32
      %dma_start3A_157 = arith.constant 0 : i32
      %dma_start3A_158 = arith.constant 0 : i32
      %dma_start3A_159 = tpu.memref_slice %arg21[%dma_start3A_157, %dma_start3A_158] : memref<10000x144xf32, #tpu.memory_space<vmem_shared>> -> memref<10000x144xf32, #tpu.memory_space<vmem_shared>>
      tpu.enqueue_indirect_dma source(%arg17 : memref<40x144xf32, #tpu.memory_space<vmem>>) target(%dma_start3A_159 : memref<10000x144xf32, #tpu.memory_space<vmem_shared>>) offsets(%arg7 : memref<40xi32, #tpu.memory_space<vmem>>) semaphore(%arg30 : memref<!tpu.dma_semaphore, #tpu.memory_space<semaphore_mem>>) {add = true}
      %mul3A_160 = arith.constant 2 : i32
      %mul3A_161 = arith.muli %add3A_121, %mul3A_160 : i32
      %add3A_162 = arith.constant 1 : i32
      %add3A_163 = arith.addi %mul3A_161, %add3A_162 : i32
      %dma_wait3A_164 = arith.constant 0 : i32
      %dma_wait3A_165 = arith.constant 0 : i32
      %dma_wait3A_166 = tpu.memref_slice %arg2[%dma_wait3A_164, %dma_wait3A_165] : memref<10000x16xf32, #tpu.memory_space<hbm>> -> memref<10000x16xf32, #tpu.memory_space<hbm>>
      tpu.wait_indirect_dma semaphore(%arg23 : memref<!tpu.dma_semaphore, #tpu.memory_space<semaphore_mem>>) src(%dma_wait3A_166 : memref<10000x16xf32, #tpu.memory_space<hbm>>) dst(%arg12 : memref<40x16xf32, #tpu.memory_space<vmem>>)
      %dma_wait3A_167 = arith.constant 0 : i32
      %dma_wait3A_168 = arith.constant 0 : i32
      %dma_wait3A_169 = tpu.memref_slice %arg2[%dma_wait3A_167, %dma_wait3A_168] : memref<10000x16xf32, #tpu.memory_space<hbm>> -> memref<10000x16xf32, #tpu.memory_space<hbm>>
      tpu.wait_indirect_dma semaphore(%arg25 : memref<!tpu.dma_semaphore, #tpu.memory_space<semaphore_mem>>) src(%dma_wait3A_169 : memref<10000x16xf32, #tpu.memory_space<hbm>>) dst(%arg14 : memref<40x16xf32, #tpu.memory_space<vmem>>)
      %dma_wait3A_170 = arith.constant 0 : i32
      %dma_wait3A_171 = arith.constant 0 : i32
      %dma_wait3A_172 = tpu.memref_slice %arg3[%dma_wait3A_170, %dma_wait3A_171] : memref<10000x128xf32, #tpu.memory_space<hbm>> -> memref<10000x128xf32, #tpu.memory_space<hbm>>
      tpu.wait_indirect_dma semaphore(%arg27 : memref<!tpu.dma_semaphore, #tpu.memory_space<semaphore_mem>>) src(%dma_wait3A_172 : memref<10000x128xf32, #tpu.memory_space<hbm>>) dst(%arg16 : memref<40x128xf32, #tpu.memory_space<vmem>>)
      %dma_wait3A_173 = arith.constant 0 : i32
      %dma_wait3A_174 = arith.constant 0 : i32
      %dma_wait3A_175 = tpu.memref_slice %arg21[%dma_wait3A_173, %dma_wait3A_174] : memref<10000x144xf32, #tpu.memory_space<vmem_shared>> -> memref<10000x144xf32, #tpu.memory_space<vmem_shared>>
      tpu.wait_indirect_dma semaphore(%arg30 : memref<!tpu.dma_semaphore, #tpu.memory_space<semaphore_mem>>) src(%arg17 : memref<40x144xf32, #tpu.memory_space<vmem>>) dst(%dma_wait3A_175 : memref<10000x144xf32, #tpu.memory_space<vmem_shared>>)
      %add3A_176 = arith.constant 1 : i32
      %add3A_177 = arith.addi %add3A_163, %add3A_176 : i32
      %mul3A_178 = arith.constant 40 : i32
      %mul3A_179 = arith.muli %add3A_177, %mul3A_178 : i32
      %add3A_180 = arith.addi %mul3A_2, %mul3A_179 : i32
      "tpu.region"() ({
        %run_scoped3A = tpu.sem_alloc : memref<!tpu.dma_semaphore, #tpu.memory_space<semaphore_mem>>
        %dma_start3A_200 = tpu.memref_slice %arg4[%add3A_180] : memref<320000xi32, #tpu.memory_space<hbm>> -> memref<40xi32, #tpu.memory_space<hbm>>
        %dma_start3A_201 = tpu.memref_slice %arg4[%add3A_180] : memref<320000xi32, #tpu.memory_space<hbm>> -> memref<40xi32, #tpu.memory_space<hbm>>
        tpu.enqueue_dma source(%dma_start3A_201 : memref<40xi32, #tpu.memory_space<hbm>>) target(%arg7 : memref<40xi32, #tpu.memory_space<vmem>>) target_semaphore(%run_scoped3A : memref<!tpu.dma_semaphore, #tpu.memory_space<semaphore_mem>>)
        %dma_wait3A_202 = tpu.memref_slice %arg4[%add3A_180] : memref<320000xi32, #tpu.memory_space<hbm>> -> memref<40xi32, #tpu.memory_space<hbm>>
        %dma_wait3A_203 = tpu.memref_slice %arg4[%add3A_180] : memref<320000xi32, #tpu.memory_space<hbm>> -> memref<40xi32, #tpu.memory_space<hbm>>
        tpu.wait_dma2 semaphore(%run_scoped3A : memref<!tpu.dma_semaphore, #tpu.memory_space<semaphore_mem>>) src(%dma_wait3A_203 : memref<40xi32, #tpu.memory_space<hbm>>) dst(%arg7 : memref<40xi32, #tpu.memory_space<vmem>>)
        tpu.yield
      }) : () -> ()
      "tpu.region"() ({
        %run_scoped3A = tpu.sem_alloc : memref<!tpu.dma_semaphore, #tpu.memory_space<semaphore_mem>>
        %dma_start3A_200 = tpu.memref_slice %arg5[%add3A_180] : memref<320000xi32, #tpu.memory_space<hbm>> -> memref<40xi32, #tpu.memory_space<hbm>>
        %dma_start3A_201 = tpu.memref_slice %arg5[%add3A_180] : memref<320000xi32, #tpu.memory_space<hbm>> -> memref<40xi32, #tpu.memory_space<hbm>>
        tpu.enqueue_dma source(%dma_start3A_201 : memref<40xi32, #tpu.memory_space<hbm>>) target(%arg9 : memref<40xi32, #tpu.memory_space<vmem>>) target_semaphore(%run_scoped3A : memref<!tpu.dma_semaphore, #tpu.memory_space<semaphore_mem>>)
        %dma_wait3A_202 = tpu.memref_slice %arg5[%add3A_180] : memref<320000xi32, #tpu.memory_space<hbm>> -> memref<40xi32, #tpu.memory_space<hbm>>
        %dma_wait3A_203 = tpu.memref_slice %arg5[%add3A_180] : memref<320000xi32, #tpu.memory_space<hbm>> -> memref<40xi32, #tpu.memory_space<hbm>>
        tpu.wait_dma2 semaphore(%run_scoped3A : memref<!tpu.dma_semaphore, #tpu.memory_space<semaphore_mem>>) src(%dma_wait3A_203 : memref<40xi32, #tpu.memory_space<hbm>>) dst(%arg9 : memref<40xi32, #tpu.memory_space<vmem>>)
        tpu.yield
      }) : () -> ()
      %add3A_181 = arith.constant 1 : i32
      %add3A_182 = arith.addi %add3A_163, %add3A_181 : i32
      %dma_start3A_183 = arith.constant 0 : i32
      %dma_start3A_184 = arith.constant 0 : i32
      %dma_start3A_185 = tpu.memref_slice %arg2[%dma_start3A_183, %dma_start3A_184] : memref<10000x16xf32, #tpu.memory_space<hbm>> -> memref<10000x16xf32, #tpu.memory_space<hbm>>
      tpu.enqueue_indirect_dma source(%dma_start3A_185 : memref<10000x16xf32, #tpu.memory_space<hbm>>) target(%arg11 : memref<40x16xf32, #tpu.memory_space<vmem>>) offsets(%arg7 : memref<40xi32, #tpu.memory_space<vmem>>) semaphore(%arg22 : memref<!tpu.dma_semaphore, #tpu.memory_space<semaphore_mem>>)
      %dma_start3A_186 = arith.constant 0 : i32
      %dma_start3A_187 = arith.constant 0 : i32
      %dma_start3A_188 = tpu.memref_slice %arg2[%dma_start3A_186, %dma_start3A_187] : memref<10000x16xf32, #tpu.memory_space<hbm>> -> memref<10000x16xf32, #tpu.memory_space<hbm>>
      tpu.enqueue_indirect_dma source(%dma_start3A_188 : memref<10000x16xf32, #tpu.memory_space<hbm>>) target(%arg13 : memref<40x16xf32, #tpu.memory_space<vmem>>) offsets(%arg9 : memref<40xi32, #tpu.memory_space<vmem>>) semaphore(%arg24 : memref<!tpu.dma_semaphore, #tpu.memory_space<semaphore_mem>>)
      %dma_start3A_189 = arith.constant 0 : i32
      %dma_start3A_190 = arith.constant 0 : i32
      %dma_start3A_191 = tpu.memref_slice %arg3[%dma_start3A_189, %dma_start3A_190] : memref<10000x128xf32, #tpu.memory_space<hbm>> -> memref<10000x128xf32, #tpu.memory_space<hbm>>
      tpu.enqueue_indirect_dma source(%dma_start3A_191 : memref<10000x128xf32, #tpu.memory_space<hbm>>) target(%arg15 : memref<40x128xf32, #tpu.memory_space<vmem>>) offsets(%arg9 : memref<40xi32, #tpu.memory_space<vmem>>) semaphore(%arg26 : memref<!tpu.dma_semaphore, #tpu.memory_space<semaphore_mem>>)
      %scan3A_192 = arith.constant 0 : i32
      %scan3A_193 = arith.constant 40 : i32
      %scan3A_194 = arith.addi %scan3A_192, %scan3A_193 : i32
      %scan3A_195 = arith.constant 1 : i32
      scf.for %scan3A_200 = %scan3A_192 to %scan3A_194 step %scan3A_195  : i32 {
        %mul3A_201 = arith.constant 1 : i32
        %mul3A_202 = arith.muli %scan3A_200, %mul3A_201 : i32
        %add3A_203 = arith.constant 0 : i32
        %add3A_204 = arith.addi %add3A_203, %mul3A_202 : i32
        %get3A = arith.index_cast %add3A_204 : i32 to index
        %get3A_205 = arith.constant 0 : index
        %get3A_206 = tpu.vector_load %arg12[%get3A, %get3A_205] {strides = array<i32>} : memref<40x16xf32, #tpu.memory_space<vmem>>, vector<1x16xf32>,
        %get3A_207 = vector.shape_cast %get3A_206 : vector<1x16xf32> to vector<16xf32>
        %get3A_208 = arith.index_cast %add3A_204 : i32 to index
        %get3A_209 = arith.constant 0 : index
        %get3A_210 = tpu.vector_load %arg14[%get3A_208, %get3A_209] {strides = array<i32>} : memref<40x16xf32, #tpu.memory_space<vmem>>, vector<1x16xf32>,
        %get3A_211 = vector.shape_cast %get3A_210 : vector<1x16xf32> to vector<16xf32>
        %broadcast_in_dim3A_212 = vector.shape_cast %xor3A_24 : vector<16xi32> to vector<16x1xi32>
        %gather3A = vector.shape_cast %broadcast_in_dim3A_212 : vector<16x1xi32> to vector<16xi32>
        %gather3A_213 = tpu.dynamic_gather %get3A_211[%gather3A] in [0] : vector<16xf32>, vector<16xi32> -> vector<16xf32>
        %add3A_214 = arith.addf %get3A_207, %gather3A_213 : vector<16xf32>
        %mul3A_215 = arith.constant 0.00999999977 : f32
        %mul3A_216 = vector.broadcast %mul3A_215 : f32 to vector<16xf32>
        %mul3A_217 = arith.mulf %add3A_214, %mul3A_216 : vector<16xf32>
        %max3A = arith.maximumf %add3A_214, %mul3A_217 : vector<16xf32>
        %exp3A = math.exp %max3A : vector<16xf32>
        %swap3A = arith.index_cast %add3A_204 : i32 to index
        %swap3A_218 = arith.constant 0 : index
        %swap3A_219 = tpu.vector_load %arg18[%swap3A, %swap3A_218] {strides = array<i32>} : memref<40x144xf32, #tpu.memory_space<vmem>>, vector<1x16xf32>,
        %swap3A_220 = vector.shape_cast %swap3A_219 : vector<1x16xf32> to vector<16xf32>
        %swap3A_221 = vector.shape_cast %exp3A : vector<16xf32> to vector<1x16xf32>
        tpu.vector_store %arg18[%swap3A, %swap3A_218], %swap3A_221 {strides = array<i32>} : memref<40x144xf32, #tpu.memory_space<vmem>>, vector<1x16xf32>,
        %broadcast_in_dim3A_222 = arith.constant 0 : i32
        %broadcast_in_dim3A_223 = vector.broadcast %broadcast_in_dim3A_222 : i32 to vector<16xi32>
        %broadcast_in_dim3A_224 = vector.shape_cast %broadcast_in_dim3A_223 : vector<16xi32> to vector<16x1xi32>
        %gather3A_225 = vector.shape_cast %broadcast_in_dim3A_224 : vector<16x1xi32> to vector<16xi32>
        %gather3A_226 = tpu.dynamic_gather %exp3A[%gather3A_225] in [0] : vector<16xf32>, vector<16xi32> -> vector<16xf32>
        %get3A_227 = arith.index_cast %add3A_204 : i32 to index
        %get3A_228 = arith.constant 0 : index
        %get3A_229 = tpu.vector_load %arg16[%get3A_227, %get3A_228] {strides = array<i32>} : memref<40x128xf32, #tpu.memory_space<vmem>>, vector<1x16xf32>,
        %get3A_230 = vector.shape_cast %get3A_229 : vector<1x16xf32> to vector<16xf32>
        %mul3A_231 = arith.mulf %get3A_230, %gather3A_226 : vector<16xf32>
        %swap3A_232 = arith.index_cast %add3A_204 : i32 to index
        %swap3A_233 = arith.constant 16 : index
        %swap3A_234 = tpu.vector_load %arg18[%swap3A_232, %swap3A_233] {strides = array<i32>} : memref<40x144xf32, #tpu.memory_space<vmem>>, vector<1x16xf32>,
        %swap3A_235 = vector.shape_cast %swap3A_234 : vector<1x16xf32> to vector<16xf32>
        %swap3A_236 = vector.shape_cast %mul3A_231 : vector<16xf32> to vector<1x16xf32>
        tpu.vector_store %arg18[%swap3A_232, %swap3A_233], %swap3A_236 {strides = array<i32>} : memref<40x144xf32, #tpu.memory_space<vmem>>, vector<1x16xf32>,
        %broadcast_in_dim3A_237 = arith.constant 1 : i32
        %broadcast_in_dim3A_238 = vector.broadcast %broadcast_in_dim3A_237 : i32 to vector<16xi32>
        %broadcast_in_dim3A_239 = vector.shape_cast %broadcast_in_dim3A_238 : vector<16xi32> to vector<16x1xi32>
        %gather3A_240 = vector.shape_cast %broadcast_in_dim3A_239 : vector<16x1xi32> to vector<16xi32>
        %gather3A_241 = tpu.dynamic_gather %exp3A[%gather3A_240] in [0] : vector<16xf32>, vector<16xi32> -> vector<16xf32>
        %get3A_242 = arith.index_cast %add3A_204 : i32 to index
        %get3A_243 = arith.constant 16 : index
        %get3A_244 = tpu.vector_load %arg16[%get3A_242, %get3A_243] {strides = array<i32>} : memref<40x128xf32, #tpu.memory_space<vmem>>, vector<1x16xf32>,
        %get3A_245 = vector.shape_cast %get3A_244 : vector<1x16xf32> to vector<16xf32>
        %mul3A_246 = arith.mulf %get3A_245, %gather3A_241 : vector<16xf32>
        %swap3A_247 = arith.index_cast %add3A_204 : i32 to index
        %swap3A_248 = arith.constant 32 : index
        %swap3A_249 = tpu.vector_load %arg18[%swap3A_247, %swap3A_248] {strides = array<i32>} : memref<40x144xf32, #tpu.memory_space<vmem>>, vector<1x16xf32>,
        %swap3A_250 = vector.shape_cast %swap3A_249 : vector<1x16xf32> to vector<16xf32>
        %swap3A_251 = vector.shape_cast %mul3A_246 : vector<16xf32> to vector<1x16xf32>
        tpu.vector_store %arg18[%swap3A_247, %swap3A_248], %swap3A_251 {strides = array<i32>} : memref<40x144xf32, #tpu.memory_space<vmem>>, vector<1x16xf32>,
        %broadcast_in_dim3A_252 = arith.constant 2 : i32
        %broadcast_in_dim3A_253 = vector.broadcast %broadcast_in_dim3A_252 : i32 to vector<16xi32>
        %broadcast_in_dim3A_254 = vector.shape_cast %broadcast_in_dim3A_253 : vector<16xi32> to vector<16x1xi32>
        %gather3A_255 = vector.shape_cast %broadcast_in_dim3A_254 : vector<16x1xi32> to vector<16xi32>
        %gather3A_256 = tpu.dynamic_gather %exp3A[%gather3A_255] in [0] : vector<16xf32>, vector<16xi32> -> vector<16xf32>
        %get3A_257 = arith.index_cast %add3A_204 : i32 to index
        %get3A_258 = arith.constant 32 : index
        %get3A_259 = tpu.vector_load %arg16[%get3A_257, %get3A_258] {strides = array<i32>} : memref<40x128xf32, #tpu.memory_space<vmem>>, vector<1x16xf32>,
        %get3A_260 = vector.shape_cast %get3A_259 : vector<1x16xf32> to vector<16xf32>
        %mul3A_261 = arith.mulf %get3A_260, %gather3A_256 : vector<16xf32>
        %swap3A_262 = arith.index_cast %add3A_204 : i32 to index
        %swap3A_263 = arith.constant 48 : index
        %swap3A_264 = tpu.vector_load %arg18[%swap3A_262, %swap3A_263] {strides = array<i32>} : memref<40x144xf32, #tpu.memory_space<vmem>>, vector<1x16xf32>,
        %swap3A_265 = vector.shape_cast %swap3A_264 : vector<1x16xf32> to vector<16xf32>
        %swap3A_266 = vector.shape_cast %mul3A_261 : vector<16xf32> to vector<1x16xf32>
        tpu.vector_store %arg18[%swap3A_262, %swap3A_263], %swap3A_266 {strides = array<i32>} : memref<40x144xf32, #tpu.memory_space<vmem>>, vector<1x16xf32>,
        %broadcast_in_dim3A_267 = arith.constant 3 : i32
        %broadcast_in_dim3A_268 = vector.broadcast %broadcast_in_dim3A_267 : i32 to vector<16xi32>
        %broadcast_in_dim3A_269 = vector.shape_cast %broadcast_in_dim3A_268 : vector<16xi32> to vector<16x1xi32>
        %gather3A_270 = vector.shape_cast %broadcast_in_dim3A_269 : vector<16x1xi32> to vector<16xi32>
        %gather3A_271 = tpu.dynamic_gather %exp3A[%gather3A_270] in [0] : vector<16xf32>, vector<16xi32> -> vector<16xf32>
        %get3A_272 = arith.index_cast %add3A_204 : i32 to index
        %get3A_273 = arith.constant 48 : index
        %get3A_274 = tpu.vector_load %arg16[%get3A_272, %get3A_273] {strides = array<i32>} : memref<40x128xf32, #tpu.memory_space<vmem>>, vector<1x16xf32>,
        %get3A_275 = vector.shape_cast %get3A_274 : vector<1x16xf32> to vector<16xf32>
        %mul3A_276 = arith.mulf %get3A_275, %gather3A_271 : vector<16xf32>
        %swap3A_277 = arith.index_cast %add3A_204 : i32 to index
        %swap3A_278 = arith.constant 64 : index
        %swap3A_279 = tpu.vector_load %arg18[%swap3A_277, %swap3A_278] {strides = array<i32>} : memref<40x144xf32, #tpu.memory_space<vmem>>, vector<1x16xf32>,
        %swap3A_280 = vector.shape_cast %swap3A_279 : vector<1x16xf32> to vector<16xf32>
        %swap3A_281 = vector.shape_cast %mul3A_276 : vector<16xf32> to vector<1x16xf32>
        tpu.vector_store %arg18[%swap3A_277, %swap3A_278], %swap3A_281 {strides = array<i32>} : memref<40x144xf32, #tpu.memory_space<vmem>>, vector<1x16xf32>,
        %broadcast_in_dim3A_282 = arith.constant 4 : i32
        %broadcast_in_dim3A_283 = vector.broadcast %broadcast_in_dim3A_282 : i32 to vector<16xi32>
        %broadcast_in_dim3A_284 = vector.shape_cast %broadcast_in_dim3A_283 : vector<16xi32> to vector<16x1xi32>
        %gather3A_285 = vector.shape_cast %broadcast_in_dim3A_284 : vector<16x1xi32> to vector<16xi32>
        %gather3A_286 = tpu.dynamic_gather %exp3A[%gather3A_285] in [0] : vector<16xf32>, vector<16xi32> -> vector<16xf32>
        %get3A_287 = arith.index_cast %add3A_204 : i32 to index
        %get3A_288 = arith.constant 64 : index
        %get3A_289 = tpu.vector_load %arg16[%get3A_287, %get3A_288] {strides = array<i32>} : memref<40x128xf32, #tpu.memory_space<vmem>>, vector<1x16xf32>,
        %get3A_290 = vector.shape_cast %get3A_289 : vector<1x16xf32> to vector<16xf32>
        %mul3A_291 = arith.mulf %get3A_290, %gather3A_286 : vector<16xf32>
        %swap3A_292 = arith.index_cast %add3A_204 : i32 to index
        %swap3A_293 = arith.constant 80 : index
        %swap3A_294 = tpu.vector_load %arg18[%swap3A_292, %swap3A_293] {strides = array<i32>} : memref<40x144xf32, #tpu.memory_space<vmem>>, vector<1x16xf32>,
        %swap3A_295 = vector.shape_cast %swap3A_294 : vector<1x16xf32> to vector<16xf32>
        %swap3A_296 = vector.shape_cast %mul3A_291 : vector<16xf32> to vector<1x16xf32>
        tpu.vector_store %arg18[%swap3A_292, %swap3A_293], %swap3A_296 {strides = array<i32>} : memref<40x144xf32, #tpu.memory_space<vmem>>, vector<1x16xf32>,
        %broadcast_in_dim3A_297 = arith.constant 5 : i32
        %broadcast_in_dim3A_298 = vector.broadcast %broadcast_in_dim3A_297 : i32 to vector<16xi32>
        %broadcast_in_dim3A_299 = vector.shape_cast %broadcast_in_dim3A_298 : vector<16xi32> to vector<16x1xi32>
        %gather3A_300 = vector.shape_cast %broadcast_in_dim3A_299 : vector<16x1xi32> to vector<16xi32>
        %gather3A_301 = tpu.dynamic_gather %exp3A[%gather3A_300] in [0] : vector<16xf32>, vector<16xi32> -> vector<16xf32>
        %get3A_302 = arith.index_cast %add3A_204 : i32 to index
        %get3A_303 = arith.constant 80 : index
        %get3A_304 = tpu.vector_load %arg16[%get3A_302, %get3A_303] {strides = array<i32>} : memref<40x128xf32, #tpu.memory_space<vmem>>, vector<1x16xf32>,
        %get3A_305 = vector.shape_cast %get3A_304 : vector<1x16xf32> to vector<16xf32>
        %mul3A_306 = arith.mulf %get3A_305, %gather3A_301 : vector<16xf32>
        %swap3A_307 = arith.index_cast %add3A_204 : i32 to index
        %swap3A_308 = arith.constant 96 : index
        %swap3A_309 = tpu.vector_load %arg18[%swap3A_307, %swap3A_308] {strides = array<i32>} : memref<40x144xf32, #tpu.memory_space<vmem>>, vector<1x16xf32>,
        %swap3A_310 = vector.shape_cast %swap3A_309 : vector<1x16xf32> to vector<16xf32>
        %swap3A_311 = vector.shape_cast %mul3A_306 : vector<16xf32> to vector<1x16xf32>
        tpu.vector_store %arg18[%swap3A_307, %swap3A_308], %swap3A_311 {strides = array<i32>} : memref<40x144xf32, #tpu.memory_space<vmem>>, vector<1x16xf32>,
        %broadcast_in_dim3A_312 = arith.constant 6 : i32
        %broadcast_in_dim3A_313 = vector.broadcast %broadcast_in_dim3A_312 : i32 to vector<16xi32>
        %broadcast_in_dim3A_314 = vector.shape_cast %broadcast_in_dim3A_313 : vector<16xi32> to vector<16x1xi32>
        %gather3A_315 = vector.shape_cast %broadcast_in_dim3A_314 : vector<16x1xi32> to vector<16xi32>
        %gather3A_316 = tpu.dynamic_gather %exp3A[%gather3A_315] in [0] : vector<16xf32>, vector<16xi32> -> vector<16xf32>
        %get3A_317 = arith.index_cast %add3A_204 : i32 to index
        %get3A_318 = arith.constant 96 : index
        %get3A_319 = tpu.vector_load %arg16[%get3A_317, %get3A_318] {strides = array<i32>} : memref<40x128xf32, #tpu.memory_space<vmem>>, vector<1x16xf32>,
        %get3A_320 = vector.shape_cast %get3A_319 : vector<1x16xf32> to vector<16xf32>
        %mul3A_321 = arith.mulf %get3A_320, %gather3A_316 : vector<16xf32>
        %swap3A_322 = arith.index_cast %add3A_204 : i32 to index
        %swap3A_323 = arith.constant 112 : index
        %swap3A_324 = tpu.vector_load %arg18[%swap3A_322, %swap3A_323] {strides = array<i32>} : memref<40x144xf32, #tpu.memory_space<vmem>>, vector<1x16xf32>,
        %swap3A_325 = vector.shape_cast %swap3A_324 : vector<1x16xf32> to vector<16xf32>
        %swap3A_326 = vector.shape_cast %mul3A_321 : vector<16xf32> to vector<1x16xf32>
        tpu.vector_store %arg18[%swap3A_322, %swap3A_323], %swap3A_326 {strides = array<i32>} : memref<40x144xf32, #tpu.memory_space<vmem>>, vector<1x16xf32>,
        %broadcast_in_dim3A_327 = arith.constant 7 : i32
        %broadcast_in_dim3A_328 = vector.broadcast %broadcast_in_dim3A_327 : i32 to vector<16xi32>
        %broadcast_in_dim3A_329 = vector.shape_cast %broadcast_in_dim3A_328 : vector<16xi32> to vector<16x1xi32>
        %gather3A_330 = vector.shape_cast %broadcast_in_dim3A_329 : vector<16x1xi32> to vector<16xi32>
        %gather3A_331 = tpu.dynamic_gather %exp3A[%gather3A_330] in [0] : vector<16xf32>, vector<16xi32> -> vector<16xf32>
        %get3A_332 = arith.index_cast %add3A_204 : i32 to index
        %get3A_333 = arith.constant 112 : index
        %get3A_334 = tpu.vector_load %arg16[%get3A_332, %get3A_333] {strides = array<i32>} : memref<40x128xf32, #tpu.memory_space<vmem>>, vector<1x16xf32>,
        %get3A_335 = vector.shape_cast %get3A_334 : vector<1x16xf32> to vector<16xf32>
        %mul3A_336 = arith.mulf %get3A_335, %gather3A_331 : vector<16xf32>
        %swap3A_337 = arith.index_cast %add3A_204 : i32 to index
        %swap3A_338 = arith.constant 128 : index
        %swap3A_339 = tpu.vector_load %arg18[%swap3A_337, %swap3A_338] {strides = array<i32>} : memref<40x144xf32, #tpu.memory_space<vmem>>, vector<1x16xf32>,
        %swap3A_340 = vector.shape_cast %swap3A_339 : vector<1x16xf32> to vector<16xf32>
        %swap3A_341 = vector.shape_cast %mul3A_336 : vector<16xf32> to vector<1x16xf32>
        tpu.vector_store %arg18[%swap3A_337, %swap3A_338], %swap3A_341 {strides = array<i32>} : memref<40x144xf32, #tpu.memory_space<vmem>>, vector<1x16xf32>,
      }
      %scan3A_196 = arith.constant 40 : i32
      %dma_start3A_197 = arith.constant 0 : i32
      %dma_start3A_198 = arith.constant 0 : i32
      %dma_start3A_199 = tpu.memref_slice %arg21[%dma_start3A_197, %dma_start3A_198] : memref<10000x144xf32, #tpu.memory_space<vmem_shared>> -> memref<10000x144xf32, #tpu.memory_space<vmem_shared>>
      tpu.enqueue_indirect_dma source(%arg18 : memref<40x144xf32, #tpu.memory_space<vmem>>) target(%dma_start3A_199 : memref<10000x144xf32, #tpu.memory_space<vmem_shared>>) offsets(%arg8 : memref<40xi32, #tpu.memory_space<vmem>>) semaphore(%arg31 : memref<!tpu.dma_semaphore, #tpu.memory_space<semaphore_mem>>) {add = true}
    }
    %scan3A_44 = arith.constant 124 : i32
    %dma_wait3A = arith.constant 0 : i32
    %dma_wait3A_45 = arith.constant 0 : i32
    %dma_wait3A_46 = tpu.memref_slice %arg2[%dma_wait3A, %dma_wait3A_45] : memref<10000x16xf32, #tpu.memory_space<hbm>> -> memref<10000x16xf32, #tpu.memory_space<hbm>>
    tpu.wait_indirect_dma semaphore(%arg22 : memref<!tpu.dma_semaphore, #tpu.memory_space<semaphore_mem>>) src(%dma_wait3A_46 : memref<10000x16xf32, #tpu.memory_space<hbm>>) dst(%arg11 : memref<40x16xf32, #tpu.memory_space<vmem>>)
    %dma_wait3A_47 = arith.constant 0 : i32
    %dma_wait3A_48 = arith.constant 0 : i32
    %dma_wait3A_49 = tpu.memref_slice %arg2[%dma_wait3A_47, %dma_wait3A_48] : memref<10000x16xf32, #tpu.memory_space<hbm>> -> memref<10000x16xf32, #tpu.memory_space<hbm>>
    tpu.wait_indirect_dma semaphore(%arg24 : memref<!tpu.dma_semaphore, #tpu.memory_space<semaphore_mem>>) src(%dma_wait3A_49 : memref<10000x16xf32, #tpu.memory_space<hbm>>) dst(%arg13 : memref<40x16xf32, #tpu.memory_space<vmem>>)
    %dma_wait3A_50 = arith.constant 0 : i32
    %dma_wait3A_51 = arith.constant 0 : i32
    %dma_wait3A_52 = tpu.memref_slice %arg3[%dma_wait3A_50, %dma_wait3A_51] : memref<10000x128xf32, #tpu.memory_space<hbm>> -> memref<10000x128xf32, #tpu.memory_space<hbm>>
    tpu.wait_indirect_dma semaphore(%arg26 : memref<!tpu.dma_semaphore, #tpu.memory_space<semaphore_mem>>) src(%dma_wait3A_52 : memref<10000x128xf32, #tpu.memory_space<hbm>>) dst(%arg15 : memref<40x128xf32, #tpu.memory_space<vmem>>)
    %dma_wait3A_53 = arith.constant 0 : i32
    %dma_wait3A_54 = arith.constant 0 : i32
    %dma_wait3A_55 = tpu.memref_slice %arg21[%dma_wait3A_53, %dma_wait3A_54] : memref<10000x144xf32, #tpu.memory_space<vmem_shared>> -> memref<10000x144xf32, #tpu.memory_space<vmem_shared>>
    tpu.wait_indirect_dma semaphore(%arg31 : memref<!tpu.dma_semaphore, #tpu.memory_space<semaphore_mem>>) src(%arg18 : memref<40x144xf32, #tpu.memory_space<vmem>>) dst(%dma_wait3A_55 : memref<10000x144xf32, #tpu.memory_space<vmem_shared>>)
    %add3A_56 = arith.constant 9960 : i32
    %add3A_57 = arith.addi %mul3A_2, %add3A_56 : i32
    "tpu.region"() ({
      %run_scoped3A = tpu.sem_alloc : memref<!tpu.dma_semaphore, #tpu.memory_space<semaphore_mem>>
      %dma_start3A_117 = tpu.memref_slice %arg4[%add3A_57] : memref<320000xi32, #tpu.memory_space<hbm>> -> memref<40xi32, #tpu.memory_space<hbm>>
      %dma_start3A_118 = tpu.memref_slice %arg4[%add3A_57] : memref<320000xi32, #tpu.memory_space<hbm>> -> memref<40xi32, #tpu.memory_space<hbm>>
      tpu.enqueue_dma source(%dma_start3A_118 : memref<40xi32, #tpu.memory_space<hbm>>) target(%arg8 : memref<40xi32, #tpu.memory_space<vmem>>) target_semaphore(%run_scoped3A : memref<!tpu.dma_semaphore, #tpu.memory_space<semaphore_mem>>)
      %dma_wait3A_119 = tpu.memref_slice %arg4[%add3A_57] : memref<320000xi32, #tpu.memory_space<hbm>> -> memref<40xi32, #tpu.memory_space<hbm>>
      %dma_wait3A_120 = tpu.memref_slice %arg4[%add3A_57] : memref<320000xi32, #tpu.memory_space<hbm>> -> memref<40xi32, #tpu.memory_space<hbm>>
      tpu.wait_dma2 semaphore(%run_scoped3A : memref<!tpu.dma_semaphore, #tpu.memory_space<semaphore_mem>>) src(%dma_wait3A_120 : memref<40xi32, #tpu.memory_space<hbm>>) dst(%arg8 : memref<40xi32, #tpu.memory_space<vmem>>)
      tpu.yield
    }) : () -> ()
    "tpu.region"() ({
      %run_scoped3A = tpu.sem_alloc : memref<!tpu.dma_semaphore, #tpu.memory_space<semaphore_mem>>
      %dma_start3A_117 = tpu.memref_slice %arg5[%add3A_57] : memref<320000xi32, #tpu.memory_space<hbm>> -> memref<40xi32, #tpu.memory_space<hbm>>
      %dma_start3A_118 = tpu.memref_slice %arg5[%add3A_57] : memref<320000xi32, #tpu.memory_space<hbm>> -> memref<40xi32, #tpu.memory_space<hbm>>
      tpu.enqueue_dma source(%dma_start3A_118 : memref<40xi32, #tpu.memory_space<hbm>>) target(%arg10 : memref<40xi32, #tpu.memory_space<vmem>>) target_semaphore(%run_scoped3A : memref<!tpu.dma_semaphore, #tpu.memory_space<semaphore_mem>>)
      %dma_wait3A_119 = tpu.memref_slice %arg5[%add3A_57] : memref<320000xi32, #tpu.memory_space<hbm>> -> memref<40xi32, #tpu.memory_space<hbm>>
      %dma_wait3A_120 = tpu.memref_slice %arg5[%add3A_57] : memref<320000xi32, #tpu.memory_space<hbm>> -> memref<40xi32, #tpu.memory_space<hbm>>
      tpu.wait_dma2 semaphore(%run_scoped3A : memref<!tpu.dma_semaphore, #tpu.memory_space<semaphore_mem>>) src(%dma_wait3A_120 : memref<40xi32, #tpu.memory_space<hbm>>) dst(%arg10 : memref<40xi32, #tpu.memory_space<vmem>>)
      tpu.yield
    }) : () -> ()
    %dma_start3A_58 = arith.constant 0 : i32
    %dma_start3A_59 = arith.constant 0 : i32
    %dma_start3A_60 = tpu.memref_slice %arg2[%dma_start3A_58, %dma_start3A_59] : memref<10000x16xf32, #tpu.memory_space<hbm>> -> memref<10000x16xf32, #tpu.memory_space<hbm>>
    tpu.enqueue_indirect_dma source(%dma_start3A_60 : memref<10000x16xf32, #tpu.memory_space<hbm>>) target(%arg12 : memref<40x16xf32, #tpu.memory_space<vmem>>) offsets(%arg8 : memref<40xi32, #tpu.memory_space<vmem>>) semaphore(%arg23 : memref<!tpu.dma_semaphore, #tpu.memory_space<semaphore_mem>>)
    %dma_start3A_61 = arith.constant 0 : i32
    %dma_start3A_62 = arith.constant 0 : i32
    %dma_start3A_63 = tpu.memref_slice %arg2[%dma_start3A_61, %dma_start3A_62] : memref<10000x16xf32, #tpu.memory_space<hbm>> -> memref<10000x16xf32, #tpu.memory_space<hbm>>
    tpu.enqueue_indirect_dma source(%dma_start3A_63 : memref<10000x16xf32, #tpu.memory_space<hbm>>) target(%arg14 : memref<40x16xf32, #tpu.memory_space<vmem>>) offsets(%arg10 : memref<40xi32, #tpu.memory_space<vmem>>) semaphore(%arg25 : memref<!tpu.dma_semaphore, #tpu.memory_space<semaphore_mem>>)
    %dma_start3A_64 = arith.constant 0 : i32
    %dma_start3A_65 = arith.constant 0 : i32
    %dma_start3A_66 = tpu.memref_slice %arg3[%dma_start3A_64, %dma_start3A_65] : memref<10000x128xf32, #tpu.memory_space<hbm>> -> memref<10000x128xf32, #tpu.memory_space<hbm>>
    tpu.enqueue_indirect_dma source(%dma_start3A_66 : memref<10000x128xf32, #tpu.memory_space<hbm>>) target(%arg16 : memref<40x128xf32, #tpu.memory_space<vmem>>) offsets(%arg10 : memref<40xi32, #tpu.memory_space<vmem>>) semaphore(%arg27 : memref<!tpu.dma_semaphore, #tpu.memory_space<semaphore_mem>>)
    %scan3A_67 = arith.constant 0 : i32
    %scan3A_68 = arith.constant 40 : i32
    %scan3A_69 = arith.addi %scan3A_67, %scan3A_68 : i32
    %scan3A_70 = arith.constant 1 : i32
    scf.for %scan3A_117 = %scan3A_67 to %scan3A_69 step %scan3A_70  : i32 {
      %mul3A_118 = arith.constant 1 : i32
      %mul3A_119 = arith.muli %scan3A_117, %mul3A_118 : i32
      %add3A_120 = arith.constant 0 : i32
      %add3A_121 = arith.addi %add3A_120, %mul3A_119 : i32
      %get3A = arith.index_cast %add3A_121 : i32 to index
      %get3A_122 = arith.constant 0 : index
      %get3A_123 = tpu.vector_load %arg11[%get3A, %get3A_122] {strides = array<i32>} : memref<40x16xf32, #tpu.memory_space<vmem>>, vector<1x16xf32>,
      %get3A_124 = vector.shape_cast %get3A_123 : vector<1x16xf32> to vector<16xf32>
      %get3A_125 = arith.index_cast %add3A_121 : i32 to index
      %get3A_126 = arith.constant 0 : index
      %get3A_127 = tpu.vector_load %arg13[%get3A_125, %get3A_126] {strides = array<i32>} : memref<40x16xf32, #tpu.memory_space<vmem>>, vector<1x16xf32>,
      %get3A_128 = vector.shape_cast %get3A_127 : vector<1x16xf32> to vector<16xf32>
      %broadcast_in_dim3A_129 = vector.shape_cast %xor3A_24 : vector<16xi32> to vector<16x1xi32>
      %gather3A = vector.shape_cast %broadcast_in_dim3A_129 : vector<16x1xi32> to vector<16xi32>
      %gather3A_130 = tpu.dynamic_gather %get3A_128[%gather3A] in [0] : vector<16xf32>, vector<16xi32> -> vector<16xf32>
      %add3A_131 = arith.addf %get3A_124, %gather3A_130 : vector<16xf32>
      %mul3A_132 = arith.constant 0.00999999977 : f32
      %mul3A_133 = vector.broadcast %mul3A_132 : f32 to vector<16xf32>
      %mul3A_134 = arith.mulf %add3A_131, %mul3A_133 : vector<16xf32>
      %max3A = arith.maximumf %add3A_131, %mul3A_134 : vector<16xf32>
      %exp3A = math.exp %max3A : vector<16xf32>
      %swap3A = arith.index_cast %add3A_121 : i32 to index
      %swap3A_135 = arith.constant 0 : index
      %swap3A_136 = tpu.vector_load %arg17[%swap3A, %swap3A_135] {strides = array<i32>} : memref<40x144xf32, #tpu.memory_space<vmem>>, vector<1x16xf32>,
      %swap3A_137 = vector.shape_cast %swap3A_136 : vector<1x16xf32> to vector<16xf32>
      %swap3A_138 = vector.shape_cast %exp3A : vector<16xf32> to vector<1x16xf32>
      tpu.vector_store %arg17[%swap3A, %swap3A_135], %swap3A_138 {strides = array<i32>} : memref<40x144xf32, #tpu.memory_space<vmem>>, vector<1x16xf32>,
      %broadcast_in_dim3A_139 = arith.constant 0 : i32
      %broadcast_in_dim3A_140 = vector.broadcast %broadcast_in_dim3A_139 : i32 to vector<16xi32>
      %broadcast_in_dim3A_141 = vector.shape_cast %broadcast_in_dim3A_140 : vector<16xi32> to vector<16x1xi32>
      %gather3A_142 = vector.shape_cast %broadcast_in_dim3A_141 : vector<16x1xi32> to vector<16xi32>
      %gather3A_143 = tpu.dynamic_gather %exp3A[%gather3A_142] in [0] : vector<16xf32>, vector<16xi32> -> vector<16xf32>
      %get3A_144 = arith.index_cast %add3A_121 : i32 to index
      %get3A_145 = arith.constant 0 : index
      %get3A_146 = tpu.vector_load %arg15[%get3A_144, %get3A_145] {strides = array<i32>} : memref<40x128xf32, #tpu.memory_space<vmem>>, vector<1x16xf32>,
      %get3A_147 = vector.shape_cast %get3A_146 : vector<1x16xf32> to vector<16xf32>
      %mul3A_148 = arith.mulf %get3A_147, %gather3A_143 : vector<16xf32>
      %swap3A_149 = arith.index_cast %add3A_121 : i32 to index
      %swap3A_150 = arith.constant 16 : index
      %swap3A_151 = tpu.vector_load %arg17[%swap3A_149, %swap3A_150] {strides = array<i32>} : memref<40x144xf32, #tpu.memory_space<vmem>>, vector<1x16xf32>,
      %swap3A_152 = vector.shape_cast %swap3A_151 : vector<1x16xf32> to vector<16xf32>
      %swap3A_153 = vector.shape_cast %mul3A_148 : vector<16xf32> to vector<1x16xf32>
      tpu.vector_store %arg17[%swap3A_149, %swap3A_150], %swap3A_153 {strides = array<i32>} : memref<40x144xf32, #tpu.memory_space<vmem>>, vector<1x16xf32>,
      %broadcast_in_dim3A_154 = arith.constant 1 : i32
      %broadcast_in_dim3A_155 = vector.broadcast %broadcast_in_dim3A_154 : i32 to vector<16xi32>
      %broadcast_in_dim3A_156 = vector.shape_cast %broadcast_in_dim3A_155 : vector<16xi32> to vector<16x1xi32>
      %gather3A_157 = vector.shape_cast %broadcast_in_dim3A_156 : vector<16x1xi32> to vector<16xi32>
      %gather3A_158 = tpu.dynamic_gather %exp3A[%gather3A_157] in [0] : vector<16xf32>, vector<16xi32> -> vector<16xf32>
      %get3A_159 = arith.index_cast %add3A_121 : i32 to index
      %get3A_160 = arith.constant 16 : index
      %get3A_161 = tpu.vector_load %arg15[%get3A_159, %get3A_160] {strides = array<i32>} : memref<40x128xf32, #tpu.memory_space<vmem>>, vector<1x16xf32>,
      %get3A_162 = vector.shape_cast %get3A_161 : vector<1x16xf32> to vector<16xf32>
      %mul3A_163 = arith.mulf %get3A_162, %gather3A_158 : vector<16xf32>
      %swap3A_164 = arith.index_cast %add3A_121 : i32 to index
      %swap3A_165 = arith.constant 32 : index
      %swap3A_166 = tpu.vector_load %arg17[%swap3A_164, %swap3A_165] {strides = array<i32>} : memref<40x144xf32, #tpu.memory_space<vmem>>, vector<1x16xf32>,
      %swap3A_167 = vector.shape_cast %swap3A_166 : vector<1x16xf32> to vector<16xf32>
      %swap3A_168 = vector.shape_cast %mul3A_163 : vector<16xf32> to vector<1x16xf32>
      tpu.vector_store %arg17[%swap3A_164, %swap3A_165], %swap3A_168 {strides = array<i32>} : memref<40x144xf32, #tpu.memory_space<vmem>>, vector<1x16xf32>,
      %broadcast_in_dim3A_169 = arith.constant 2 : i32
      %broadcast_in_dim3A_170 = vector.broadcast %broadcast_in_dim3A_169 : i32 to vector<16xi32>
      %broadcast_in_dim3A_171 = vector.shape_cast %broadcast_in_dim3A_170 : vector<16xi32> to vector<16x1xi32>
      %gather3A_172 = vector.shape_cast %broadcast_in_dim3A_171 : vector<16x1xi32> to vector<16xi32>
      %gather3A_173 = tpu.dynamic_gather %exp3A[%gather3A_172] in [0] : vector<16xf32>, vector<16xi32> -> vector<16xf32>
      %get3A_174 = arith.index_cast %add3A_121 : i32 to index
      %get3A_175 = arith.constant 32 : index
      %get3A_176 = tpu.vector_load %arg15[%get3A_174, %get3A_175] {strides = array<i32>} : memref<40x128xf32, #tpu.memory_space<vmem>>, vector<1x16xf32>,
      %get3A_177 = vector.shape_cast %get3A_176 : vector<1x16xf32> to vector<16xf32>
      %mul3A_178 = arith.mulf %get3A_177, %gather3A_173 : vector<16xf32>
      %swap3A_179 = arith.index_cast %add3A_121 : i32 to index
      %swap3A_180 = arith.constant 48 : index
      %swap3A_181 = tpu.vector_load %arg17[%swap3A_179, %swap3A_180] {strides = array<i32>} : memref<40x144xf32, #tpu.memory_space<vmem>>, vector<1x16xf32>,
      %swap3A_182 = vector.shape_cast %swap3A_181 : vector<1x16xf32> to vector<16xf32>
      %swap3A_183 = vector.shape_cast %mul3A_178 : vector<16xf32> to vector<1x16xf32>
      tpu.vector_store %arg17[%swap3A_179, %swap3A_180], %swap3A_183 {strides = array<i32>} : memref<40x144xf32, #tpu.memory_space<vmem>>, vector<1x16xf32>,
      %broadcast_in_dim3A_184 = arith.constant 3 : i32
      %broadcast_in_dim3A_185 = vector.broadcast %broadcast_in_dim3A_184 : i32 to vector<16xi32>
      %broadcast_in_dim3A_186 = vector.shape_cast %broadcast_in_dim3A_185 : vector<16xi32> to vector<16x1xi32>
      %gather3A_187 = vector.shape_cast %broadcast_in_dim3A_186 : vector<16x1xi32> to vector<16xi32>
      %gather3A_188 = tpu.dynamic_gather %exp3A[%gather3A_187] in [0] : vector<16xf32>, vector<16xi32> -> vector<16xf32>
      %get3A_189 = arith.index_cast %add3A_121 : i32 to index
      %get3A_190 = arith.constant 48 : index
      %get3A_191 = tpu.vector_load %arg15[%get3A_189, %get3A_190] {strides = array<i32>} : memref<40x128xf32, #tpu.memory_space<vmem>>, vector<1x16xf32>,
      %get3A_192 = vector.shape_cast %get3A_191 : vector<1x16xf32> to vector<16xf32>
      %mul3A_193 = arith.mulf %get3A_192, %gather3A_188 : vector<16xf32>
      %swap3A_194 = arith.index_cast %add3A_121 : i32 to index
      %swap3A_195 = arith.constant 64 : index
      %swap3A_196 = tpu.vector_load %arg17[%swap3A_194, %swap3A_195] {strides = array<i32>} : memref<40x144xf32, #tpu.memory_space<vmem>>, vector<1x16xf32>,
      %swap3A_197 = vector.shape_cast %swap3A_196 : vector<1x16xf32> to vector<16xf32>
      %swap3A_198 = vector.shape_cast %mul3A_193 : vector<16xf32> to vector<1x16xf32>
      tpu.vector_store %arg17[%swap3A_194, %swap3A_195], %swap3A_198 {strides = array<i32>} : memref<40x144xf32, #tpu.memory_space<vmem>>, vector<1x16xf32>,
      %broadcast_in_dim3A_199 = arith.constant 4 : i32
      %broadcast_in_dim3A_200 = vector.broadcast %broadcast_in_dim3A_199 : i32 to vector<16xi32>
      %broadcast_in_dim3A_201 = vector.shape_cast %broadcast_in_dim3A_200 : vector<16xi32> to vector<16x1xi32>
      %gather3A_202 = vector.shape_cast %broadcast_in_dim3A_201 : vector<16x1xi32> to vector<16xi32>
      %gather3A_203 = tpu.dynamic_gather %exp3A[%gather3A_202] in [0] : vector<16xf32>, vector<16xi32> -> vector<16xf32>
      %get3A_204 = arith.index_cast %add3A_121 : i32 to index
      %get3A_205 = arith.constant 64 : index
      %get3A_206 = tpu.vector_load %arg15[%get3A_204, %get3A_205] {strides = array<i32>} : memref<40x128xf32, #tpu.memory_space<vmem>>, vector<1x16xf32>,
      %get3A_207 = vector.shape_cast %get3A_206 : vector<1x16xf32> to vector<16xf32>
      %mul3A_208 = arith.mulf %get3A_207, %gather3A_203 : vector<16xf32>
      %swap3A_209 = arith.index_cast %add3A_121 : i32 to index
      %swap3A_210 = arith.constant 80 : index
      %swap3A_211 = tpu.vector_load %arg17[%swap3A_209, %swap3A_210] {strides = array<i32>} : memref<40x144xf32, #tpu.memory_space<vmem>>, vector<1x16xf32>,
      %swap3A_212 = vector.shape_cast %swap3A_211 : vector<1x16xf32> to vector<16xf32>
      %swap3A_213 = vector.shape_cast %mul3A_208 : vector<16xf32> to vector<1x16xf32>
      tpu.vector_store %arg17[%swap3A_209, %swap3A_210], %swap3A_213 {strides = array<i32>} : memref<40x144xf32, #tpu.memory_space<vmem>>, vector<1x16xf32>,
      %broadcast_in_dim3A_214 = arith.constant 5 : i32
      %broadcast_in_dim3A_215 = vector.broadcast %broadcast_in_dim3A_214 : i32 to vector<16xi32>
      %broadcast_in_dim3A_216 = vector.shape_cast %broadcast_in_dim3A_215 : vector<16xi32> to vector<16x1xi32>
      %gather3A_217 = vector.shape_cast %broadcast_in_dim3A_216 : vector<16x1xi32> to vector<16xi32>
      %gather3A_218 = tpu.dynamic_gather %exp3A[%gather3A_217] in [0] : vector<16xf32>, vector<16xi32> -> vector<16xf32>
      %get3A_219 = arith.index_cast %add3A_121 : i32 to index
      %get3A_220 = arith.constant 80 : index
      %get3A_221 = tpu.vector_load %arg15[%get3A_219, %get3A_220] {strides = array<i32>} : memref<40x128xf32, #tpu.memory_space<vmem>>, vector<1x16xf32>,
      %get3A_222 = vector.shape_cast %get3A_221 : vector<1x16xf32> to vector<16xf32>
      %mul3A_223 = arith.mulf %get3A_222, %gather3A_218 : vector<16xf32>
      %swap3A_224 = arith.index_cast %add3A_121 : i32 to index
      %swap3A_225 = arith.constant 96 : index
      %swap3A_226 = tpu.vector_load %arg17[%swap3A_224, %swap3A_225] {strides = array<i32>} : memref<40x144xf32, #tpu.memory_space<vmem>>, vector<1x16xf32>,
      %swap3A_227 = vector.shape_cast %swap3A_226 : vector<1x16xf32> to vector<16xf32>
      %swap3A_228 = vector.shape_cast %mul3A_223 : vector<16xf32> to vector<1x16xf32>
      tpu.vector_store %arg17[%swap3A_224, %swap3A_225], %swap3A_228 {strides = array<i32>} : memref<40x144xf32, #tpu.memory_space<vmem>>, vector<1x16xf32>,
      %broadcast_in_dim3A_229 = arith.constant 6 : i32
      %broadcast_in_dim3A_230 = vector.broadcast %broadcast_in_dim3A_229 : i32 to vector<16xi32>
      %broadcast_in_dim3A_231 = vector.shape_cast %broadcast_in_dim3A_230 : vector<16xi32> to vector<16x1xi32>
      %gather3A_232 = vector.shape_cast %broadcast_in_dim3A_231 : vector<16x1xi32> to vector<16xi32>
      %gather3A_233 = tpu.dynamic_gather %exp3A[%gather3A_232] in [0] : vector<16xf32>, vector<16xi32> -> vector<16xf32>
      %get3A_234 = arith.index_cast %add3A_121 : i32 to index
      %get3A_235 = arith.constant 96 : index
      %get3A_236 = tpu.vector_load %arg15[%get3A_234, %get3A_235] {strides = array<i32>} : memref<40x128xf32, #tpu.memory_space<vmem>>, vector<1x16xf32>,
      %get3A_237 = vector.shape_cast %get3A_236 : vector<1x16xf32> to vector<16xf32>
      %mul3A_238 = arith.mulf %get3A_237, %gather3A_233 : vector<16xf32>
      %swap3A_239 = arith.index_cast %add3A_121 : i32 to index
      %swap3A_240 = arith.constant 112 : index
      %swap3A_241 = tpu.vector_load %arg17[%swap3A_239, %swap3A_240] {strides = array<i32>} : memref<40x144xf32, #tpu.memory_space<vmem>>, vector<1x16xf32>,
      %swap3A_242 = vector.shape_cast %swap3A_241 : vector<1x16xf32> to vector<16xf32>
      %swap3A_243 = vector.shape_cast %mul3A_238 : vector<16xf32> to vector<1x16xf32>
      tpu.vector_store %arg17[%swap3A_239, %swap3A_240], %swap3A_243 {strides = array<i32>} : memref<40x144xf32, #tpu.memory_space<vmem>>, vector<1x16xf32>,
      %broadcast_in_dim3A_244 = arith.constant 7 : i32
      %broadcast_in_dim3A_245 = vector.broadcast %broadcast_in_dim3A_244 : i32 to vector<16xi32>
      %broadcast_in_dim3A_246 = vector.shape_cast %broadcast_in_dim3A_245 : vector<16xi32> to vector<16x1xi32>
      %gather3A_247 = vector.shape_cast %broadcast_in_dim3A_246 : vector<16x1xi32> to vector<16xi32>
      %gather3A_248 = tpu.dynamic_gather %exp3A[%gather3A_247] in [0] : vector<16xf32>, vector<16xi32> -> vector<16xf32>
      %get3A_249 = arith.index_cast %add3A_121 : i32 to index
      %get3A_250 = arith.constant 112 : index
      %get3A_251 = tpu.vector_load %arg15[%get3A_249, %get3A_250] {strides = array<i32>} : memref<40x128xf32, #tpu.memory_space<vmem>>, vector<1x16xf32>,
      %get3A_252 = vector.shape_cast %get3A_251 : vector<1x16xf32> to vector<16xf32>
      %mul3A_253 = arith.mulf %get3A_252, %gather3A_248 : vector<16xf32>
      %swap3A_254 = arith.index_cast %add3A_121 : i32 to index
      %swap3A_255 = arith.constant 128 : index
      %swap3A_256 = tpu.vector_load %arg17[%swap3A_254, %swap3A_255] {strides = array<i32>} : memref<40x144xf32, #tpu.memory_space<vmem>>, vector<1x16xf32>,
      %swap3A_257 = vector.shape_cast %swap3A_256 : vector<1x16xf32> to vector<16xf32>
      %swap3A_258 = vector.shape_cast %mul3A_253 : vector<16xf32> to vector<1x16xf32>
      tpu.vector_store %arg17[%swap3A_254, %swap3A_255], %swap3A_258 {strides = array<i32>} : memref<40x144xf32, #tpu.memory_space<vmem>>, vector<1x16xf32>,
    }
    %scan3A_71 = arith.constant 40 : i32
    %dma_start3A_72 = arith.constant 0 : i32
    %dma_start3A_73 = arith.constant 0 : i32
    %dma_start3A_74 = tpu.memref_slice %arg21[%dma_start3A_72, %dma_start3A_73] : memref<10000x144xf32, #tpu.memory_space<vmem_shared>> -> memref<10000x144xf32, #tpu.memory_space<vmem_shared>>
    tpu.enqueue_indirect_dma source(%arg17 : memref<40x144xf32, #tpu.memory_space<vmem>>) target(%dma_start3A_74 : memref<10000x144xf32, #tpu.memory_space<vmem_shared>>) offsets(%arg7 : memref<40xi32, #tpu.memory_space<vmem>>) semaphore(%arg30 : memref<!tpu.dma_semaphore, #tpu.memory_space<semaphore_mem>>) {add = true}
    %dma_wait3A_75 = arith.constant 0 : i32
    %dma_wait3A_76 = arith.constant 0 : i32
    %dma_wait3A_77 = tpu.memref_slice %arg2[%dma_wait3A_75, %dma_wait3A_76] : memref<10000x16xf32, #tpu.memory_space<hbm>> -> memref<10000x16xf32, #tpu.memory_space<hbm>>
    tpu.wait_indirect_dma semaphore(%arg23 : memref<!tpu.dma_semaphore, #tpu.memory_space<semaphore_mem>>) src(%dma_wait3A_77 : memref<10000x16xf32, #tpu.memory_space<hbm>>) dst(%arg12 : memref<40x16xf32, #tpu.memory_space<vmem>>)
    %dma_wait3A_78 = arith.constant 0 : i32
    %dma_wait3A_79 = arith.constant 0 : i32
    %dma_wait3A_80 = tpu.memref_slice %arg2[%dma_wait3A_78, %dma_wait3A_79] : memref<10000x16xf32, #tpu.memory_space<hbm>> -> memref<10000x16xf32, #tpu.memory_space<hbm>>
    tpu.wait_indirect_dma semaphore(%arg25 : memref<!tpu.dma_semaphore, #tpu.memory_space<semaphore_mem>>) src(%dma_wait3A_80 : memref<10000x16xf32, #tpu.memory_space<hbm>>) dst(%arg14 : memref<40x16xf32, #tpu.memory_space<vmem>>)
    %dma_wait3A_81 = arith.constant 0 : i32
    %dma_wait3A_82 = arith.constant 0 : i32
    %dma_wait3A_83 = tpu.memref_slice %arg3[%dma_wait3A_81, %dma_wait3A_82] : memref<10000x128xf32, #tpu.memory_space<hbm>> -> memref<10000x128xf32, #tpu.memory_space<hbm>>
    tpu.wait_indirect_dma semaphore(%arg27 : memref<!tpu.dma_semaphore, #tpu.memory_space<semaphore_mem>>) src(%dma_wait3A_83 : memref<10000x128xf32, #tpu.memory_space<hbm>>) dst(%arg16 : memref<40x128xf32, #tpu.memory_space<vmem>>)
    %scan3A_84 = arith.constant 0 : i32
    %scan3A_85 = arith.constant 40 : i32
    %scan3A_86 = arith.addi %scan3A_84, %scan3A_85 : i32
    %scan3A_87 = arith.constant 1 : i32
    scf.for %scan3A_117 = %scan3A_84 to %scan3A_86 step %scan3A_87  : i32 {
      %mul3A_118 = arith.constant 1 : i32
      %mul3A_119 = arith.muli %scan3A_117, %mul3A_118 : i32
      %add3A_120 = arith.constant 0 : i32
      %add3A_121 = arith.addi %add3A_120, %mul3A_119 : i32
      %get3A = arith.index_cast %add3A_121 : i32 to index
      %get3A_122 = arith.constant 0 : index
      %get3A_123 = tpu.vector_load %arg12[%get3A, %get3A_122] {strides = array<i32>} : memref<40x16xf32, #tpu.memory_space<vmem>>, vector<1x16xf32>,
      %get3A_124 = vector.shape_cast %get3A_123 : vector<1x16xf32> to vector<16xf32>
      %get3A_125 = arith.index_cast %add3A_121 : i32 to index
      %get3A_126 = arith.constant 0 : index
      %get3A_127 = tpu.vector_load %arg14[%get3A_125, %get3A_126] {strides = array<i32>} : memref<40x16xf32, #tpu.memory_space<vmem>>, vector<1x16xf32>,
      %get3A_128 = vector.shape_cast %get3A_127 : vector<1x16xf32> to vector<16xf32>
      %broadcast_in_dim3A_129 = vector.shape_cast %xor3A_24 : vector<16xi32> to vector<16x1xi32>
      %gather3A = vector.shape_cast %broadcast_in_dim3A_129 : vector<16x1xi32> to vector<16xi32>
      %gather3A_130 = tpu.dynamic_gather %get3A_128[%gather3A] in [0] : vector<16xf32>, vector<16xi32> -> vector<16xf32>
      %add3A_131 = arith.addf %get3A_124, %gather3A_130 : vector<16xf32>
      %mul3A_132 = arith.constant 0.00999999977 : f32
      %mul3A_133 = vector.broadcast %mul3A_132 : f32 to vector<16xf32>
      %mul3A_134 = arith.mulf %add3A_131, %mul3A_133 : vector<16xf32>
      %max3A = arith.maximumf %add3A_131, %mul3A_134 : vector<16xf32>
      %exp3A = math.exp %max3A : vector<16xf32>
      %swap3A = arith.index_cast %add3A_121 : i32 to index
      %swap3A_135 = arith.constant 0 : index
      %swap3A_136 = tpu.vector_load %arg18[%swap3A, %swap3A_135] {strides = array<i32>} : memref<40x144xf32, #tpu.memory_space<vmem>>, vector<1x16xf32>,
      %swap3A_137 = vector.shape_cast %swap3A_136 : vector<1x16xf32> to vector<16xf32>
      %swap3A_138 = vector.shape_cast %exp3A : vector<16xf32> to vector<1x16xf32>
      tpu.vector_store %arg18[%swap3A, %swap3A_135], %swap3A_138 {strides = array<i32>} : memref<40x144xf32, #tpu.memory_space<vmem>>, vector<1x16xf32>,
      %broadcast_in_dim3A_139 = arith.constant 0 : i32
      %broadcast_in_dim3A_140 = vector.broadcast %broadcast_in_dim3A_139 : i32 to vector<16xi32>
      %broadcast_in_dim3A_141 = vector.shape_cast %broadcast_in_dim3A_140 : vector<16xi32> to vector<16x1xi32>
      %gather3A_142 = vector.shape_cast %broadcast_in_dim3A_141 : vector<16x1xi32> to vector<16xi32>
      %gather3A_143 = tpu.dynamic_gather %exp3A[%gather3A_142] in [0] : vector<16xf32>, vector<16xi32> -> vector<16xf32>
      %get3A_144 = arith.index_cast %add3A_121 : i32 to index
      %get3A_145 = arith.constant 0 : index
      %get3A_146 = tpu.vector_load %arg16[%get3A_144, %get3A_145] {strides = array<i32>} : memref<40x128xf32, #tpu.memory_space<vmem>>, vector<1x16xf32>,
      %get3A_147 = vector.shape_cast %get3A_146 : vector<1x16xf32> to vector<16xf32>
      %mul3A_148 = arith.mulf %get3A_147, %gather3A_143 : vector<16xf32>
      %swap3A_149 = arith.index_cast %add3A_121 : i32 to index
      %swap3A_150 = arith.constant 16 : index
      %swap3A_151 = tpu.vector_load %arg18[%swap3A_149, %swap3A_150] {strides = array<i32>} : memref<40x144xf32, #tpu.memory_space<vmem>>, vector<1x16xf32>,
      %swap3A_152 = vector.shape_cast %swap3A_151 : vector<1x16xf32> to vector<16xf32>
      %swap3A_153 = vector.shape_cast %mul3A_148 : vector<16xf32> to vector<1x16xf32>
      tpu.vector_store %arg18[%swap3A_149, %swap3A_150], %swap3A_153 {strides = array<i32>} : memref<40x144xf32, #tpu.memory_space<vmem>>, vector<1x16xf32>,
      %broadcast_in_dim3A_154 = arith.constant 1 : i32
      %broadcast_in_dim3A_155 = vector.broadcast %broadcast_in_dim3A_154 : i32 to vector<16xi32>
      %broadcast_in_dim3A_156 = vector.shape_cast %broadcast_in_dim3A_155 : vector<16xi32> to vector<16x1xi32>
      %gather3A_157 = vector.shape_cast %broadcast_in_dim3A_156 : vector<16x1xi32> to vector<16xi32>
      %gather3A_158 = tpu.dynamic_gather %exp3A[%gather3A_157] in [0] : vector<16xf32>, vector<16xi32> -> vector<16xf32>
      %get3A_159 = arith.index_cast %add3A_121 : i32 to index
      %get3A_160 = arith.constant 16 : index
      %get3A_161 = tpu.vector_load %arg16[%get3A_159, %get3A_160] {strides = array<i32>} : memref<40x128xf32, #tpu.memory_space<vmem>>, vector<1x16xf32>,
      %get3A_162 = vector.shape_cast %get3A_161 : vector<1x16xf32> to vector<16xf32>
      %mul3A_163 = arith.mulf %get3A_162, %gather3A_158 : vector<16xf32>
      %swap3A_164 = arith.index_cast %add3A_121 : i32 to index
      %swap3A_165 = arith.constant 32 : index
      %swap3A_166 = tpu.vector_load %arg18[%swap3A_164, %swap3A_165] {strides = array<i32>} : memref<40x144xf32, #tpu.memory_space<vmem>>, vector<1x16xf32>,
      %swap3A_167 = vector.shape_cast %swap3A_166 : vector<1x16xf32> to vector<16xf32>
      %swap3A_168 = vector.shape_cast %mul3A_163 : vector<16xf32> to vector<1x16xf32>
      tpu.vector_store %arg18[%swap3A_164, %swap3A_165], %swap3A_168 {strides = array<i32>} : memref<40x144xf32, #tpu.memory_space<vmem>>, vector<1x16xf32>,
      %broadcast_in_dim3A_169 = arith.constant 2 : i32
      %broadcast_in_dim3A_170 = vector.broadcast %broadcast_in_dim3A_169 : i32 to vector<16xi32>
      %broadcast_in_dim3A_171 = vector.shape_cast %broadcast_in_dim3A_170 : vector<16xi32> to vector<16x1xi32>
      %gather3A_172 = vector.shape_cast %broadcast_in_dim3A_171 : vector<16x1xi32> to vector<16xi32>
      %gather3A_173 = tpu.dynamic_gather %exp3A[%gather3A_172] in [0] : vector<16xf32>, vector<16xi32> -> vector<16xf32>
      %get3A_174 = arith.index_cast %add3A_121 : i32 to index
      %get3A_175 = arith.constant 32 : index
      %get3A_176 = tpu.vector_load %arg16[%get3A_174, %get3A_175] {strides = array<i32>} : memref<40x128xf32, #tpu.memory_space<vmem>>, vector<1x16xf32>,
      %get3A_177 = vector.shape_cast %get3A_176 : vector<1x16xf32> to vector<16xf32>
      %mul3A_178 = arith.mulf %get3A_177, %gather3A_173 : vector<16xf32>
      %swap3A_179 = arith.index_cast %add3A_121 : i32 to index
      %swap3A_180 = arith.constant 48 : index
      %swap3A_181 = tpu.vector_load %arg18[%swap3A_179, %swap3A_180] {strides = array<i32>} : memref<40x144xf32, #tpu.memory_space<vmem>>, vector<1x16xf32>,
      %swap3A_182 = vector.shape_cast %swap3A_181 : vector<1x16xf32> to vector<16xf32>
      %swap3A_183 = vector.shape_cast %mul3A_178 : vector<16xf32> to vector<1x16xf32>
      tpu.vector_store %arg18[%swap3A_179, %swap3A_180], %swap3A_183 {strides = array<i32>} : memref<40x144xf32, #tpu.memory_space<vmem>>, vector<1x16xf32>,
      %broadcast_in_dim3A_184 = arith.constant 3 : i32
      %broadcast_in_dim3A_185 = vector.broadcast %broadcast_in_dim3A_184 : i32 to vector<16xi32>
      %broadcast_in_dim3A_186 = vector.shape_cast %broadcast_in_dim3A_185 : vector<16xi32> to vector<16x1xi32>
      %gather3A_187 = vector.shape_cast %broadcast_in_dim3A_186 : vector<16x1xi32> to vector<16xi32>
      %gather3A_188 = tpu.dynamic_gather %exp3A[%gather3A_187] in [0] : vector<16xf32>, vector<16xi32> -> vector<16xf32>
      %get3A_189 = arith.index_cast %add3A_121 : i32 to index
      %get3A_190 = arith.constant 48 : index
      %get3A_191 = tpu.vector_load %arg16[%get3A_189, %get3A_190] {strides = array<i32>} : memref<40x128xf32, #tpu.memory_space<vmem>>, vector<1x16xf32>,
      %get3A_192 = vector.shape_cast %get3A_191 : vector<1x16xf32> to vector<16xf32>
      %mul3A_193 = arith.mulf %get3A_192, %gather3A_188 : vector<16xf32>
      %swap3A_194 = arith.index_cast %add3A_121 : i32 to index
      %swap3A_195 = arith.constant 64 : index
      %swap3A_196 = tpu.vector_load %arg18[%swap3A_194, %swap3A_195] {strides = array<i32>} : memref<40x144xf32, #tpu.memory_space<vmem>>, vector<1x16xf32>,
      %swap3A_197 = vector.shape_cast %swap3A_196 : vector<1x16xf32> to vector<16xf32>
      %swap3A_198 = vector.shape_cast %mul3A_193 : vector<16xf32> to vector<1x16xf32>
      tpu.vector_store %arg18[%swap3A_194, %swap3A_195], %swap3A_198 {strides = array<i32>} : memref<40x144xf32, #tpu.memory_space<vmem>>, vector<1x16xf32>,
      %broadcast_in_dim3A_199 = arith.constant 4 : i32
      %broadcast_in_dim3A_200 = vector.broadcast %broadcast_in_dim3A_199 : i32 to vector<16xi32>
      %broadcast_in_dim3A_201 = vector.shape_cast %broadcast_in_dim3A_200 : vector<16xi32> to vector<16x1xi32>
      %gather3A_202 = vector.shape_cast %broadcast_in_dim3A_201 : vector<16x1xi32> to vector<16xi32>
      %gather3A_203 = tpu.dynamic_gather %exp3A[%gather3A_202] in [0] : vector<16xf32>, vector<16xi32> -> vector<16xf32>
      %get3A_204 = arith.index_cast %add3A_121 : i32 to index
      %get3A_205 = arith.constant 64 : index
      %get3A_206 = tpu.vector_load %arg16[%get3A_204, %get3A_205] {strides = array<i32>} : memref<40x128xf32, #tpu.memory_space<vmem>>, vector<1x16xf32>,
      %get3A_207 = vector.shape_cast %get3A_206 : vector<1x16xf32> to vector<16xf32>
      %mul3A_208 = arith.mulf %get3A_207, %gather3A_203 : vector<16xf32>
      %swap3A_209 = arith.index_cast %add3A_121 : i32 to index
      %swap3A_210 = arith.constant 80 : index
      %swap3A_211 = tpu.vector_load %arg18[%swap3A_209, %swap3A_210] {strides = array<i32>} : memref<40x144xf32, #tpu.memory_space<vmem>>, vector<1x16xf32>,
      %swap3A_212 = vector.shape_cast %swap3A_211 : vector<1x16xf32> to vector<16xf32>
      %swap3A_213 = vector.shape_cast %mul3A_208 : vector<16xf32> to vector<1x16xf32>
      tpu.vector_store %arg18[%swap3A_209, %swap3A_210], %swap3A_213 {strides = array<i32>} : memref<40x144xf32, #tpu.memory_space<vmem>>, vector<1x16xf32>,
      %broadcast_in_dim3A_214 = arith.constant 5 : i32
      %broadcast_in_dim3A_215 = vector.broadcast %broadcast_in_dim3A_214 : i32 to vector<16xi32>
      %broadcast_in_dim3A_216 = vector.shape_cast %broadcast_in_dim3A_215 : vector<16xi32> to vector<16x1xi32>
      %gather3A_217 = vector.shape_cast %broadcast_in_dim3A_216 : vector<16x1xi32> to vector<16xi32>
      %gather3A_218 = tpu.dynamic_gather %exp3A[%gather3A_217] in [0] : vector<16xf32>, vector<16xi32> -> vector<16xf32>
      %get3A_219 = arith.index_cast %add3A_121 : i32 to index
      %get3A_220 = arith.constant 80 : index
      %get3A_221 = tpu.vector_load %arg16[%get3A_219, %get3A_220] {strides = array<i32>} : memref<40x128xf32, #tpu.memory_space<vmem>>, vector<1x16xf32>,
      %get3A_222 = vector.shape_cast %get3A_221 : vector<1x16xf32> to vector<16xf32>
      %mul3A_223 = arith.mulf %get3A_222, %gather3A_218 : vector<16xf32>
      %swap3A_224 = arith.index_cast %add3A_121 : i32 to index
      %swap3A_225 = arith.constant 96 : index
      %swap3A_226 = tpu.vector_load %arg18[%swap3A_224, %swap3A_225] {strides = array<i32>} : memref<40x144xf32, #tpu.memory_space<vmem>>, vector<1x16xf32>,
      %swap3A_227 = vector.shape_cast %swap3A_226 : vector<1x16xf32> to vector<16xf32>
      %swap3A_228 = vector.shape_cast %mul3A_223 : vector<16xf32> to vector<1x16xf32>
      tpu.vector_store %arg18[%swap3A_224, %swap3A_225], %swap3A_228 {strides = array<i32>} : memref<40x144xf32, #tpu.memory_space<vmem>>, vector<1x16xf32>,
      %broadcast_in_dim3A_229 = arith.constant 6 : i32
      %broadcast_in_dim3A_230 = vector.broadcast %broadcast_in_dim3A_229 : i32 to vector<16xi32>
      %broadcast_in_dim3A_231 = vector.shape_cast %broadcast_in_dim3A_230 : vector<16xi32> to vector<16x1xi32>
      %gather3A_232 = vector.shape_cast %broadcast_in_dim3A_231 : vector<16x1xi32> to vector<16xi32>
      %gather3A_233 = tpu.dynamic_gather %exp3A[%gather3A_232] in [0] : vector<16xf32>, vector<16xi32> -> vector<16xf32>
      %get3A_234 = arith.index_cast %add3A_121 : i32 to index
      %get3A_235 = arith.constant 96 : index
      %get3A_236 = tpu.vector_load %arg16[%get3A_234, %get3A_235] {strides = array<i32>} : memref<40x128xf32, #tpu.memory_space<vmem>>, vector<1x16xf32>,
      %get3A_237 = vector.shape_cast %get3A_236 : vector<1x16xf32> to vector<16xf32>
      %mul3A_238 = arith.mulf %get3A_237, %gather3A_233 : vector<16xf32>
      %swap3A_239 = arith.index_cast %add3A_121 : i32 to index
      %swap3A_240 = arith.constant 112 : index
      %swap3A_241 = tpu.vector_load %arg18[%swap3A_239, %swap3A_240] {strides = array<i32>} : memref<40x144xf32, #tpu.memory_space<vmem>>, vector<1x16xf32>,
      %swap3A_242 = vector.shape_cast %swap3A_241 : vector<1x16xf32> to vector<16xf32>
      %swap3A_243 = vector.shape_cast %mul3A_238 : vector<16xf32> to vector<1x16xf32>
      tpu.vector_store %arg18[%swap3A_239, %swap3A_240], %swap3A_243 {strides = array<i32>} : memref<40x144xf32, #tpu.memory_space<vmem>>, vector<1x16xf32>,
      %broadcast_in_dim3A_244 = arith.constant 7 : i32
      %broadcast_in_dim3A_245 = vector.broadcast %broadcast_in_dim3A_244 : i32 to vector<16xi32>
      %broadcast_in_dim3A_246 = vector.shape_cast %broadcast_in_dim3A_245 : vector<16xi32> to vector<16x1xi32>
      %gather3A_247 = vector.shape_cast %broadcast_in_dim3A_246 : vector<16x1xi32> to vector<16xi32>
      %gather3A_248 = tpu.dynamic_gather %exp3A[%gather3A_247] in [0] : vector<16xf32>, vector<16xi32> -> vector<16xf32>
      %get3A_249 = arith.index_cast %add3A_121 : i32 to index
      %get3A_250 = arith.constant 112 : index
      %get3A_251 = tpu.vector_load %arg16[%get3A_249, %get3A_250] {strides = array<i32>} : memref<40x128xf32, #tpu.memory_space<vmem>>, vector<1x16xf32>,
      %get3A_252 = vector.shape_cast %get3A_251 : vector<1x16xf32> to vector<16xf32>
      %mul3A_253 = arith.mulf %get3A_252, %gather3A_248 : vector<16xf32>
      %swap3A_254 = arith.index_cast %add3A_121 : i32 to index
      %swap3A_255 = arith.constant 128 : index
      %swap3A_256 = tpu.vector_load %arg18[%swap3A_254, %swap3A_255] {strides = array<i32>} : memref<40x144xf32, #tpu.memory_space<vmem>>, vector<1x16xf32>,
      %swap3A_257 = vector.shape_cast %swap3A_256 : vector<1x16xf32> to vector<16xf32>
      %swap3A_258 = vector.shape_cast %mul3A_253 : vector<16xf32> to vector<1x16xf32>
      tpu.vector_store %arg18[%swap3A_254, %swap3A_255], %swap3A_258 {strides = array<i32>} : memref<40x144xf32, #tpu.memory_space<vmem>>, vector<1x16xf32>,
    }
    %scan3A_88 = arith.constant 40 : i32
    %dma_start3A_89 = arith.constant 0 : i32
    %dma_start3A_90 = arith.constant 0 : i32
    %dma_start3A_91 = tpu.memref_slice %arg21[%dma_start3A_89, %dma_start3A_90] : memref<10000x144xf32, #tpu.memory_space<vmem_shared>> -> memref<10000x144xf32, #tpu.memory_space<vmem_shared>>
    tpu.enqueue_indirect_dma source(%arg18 : memref<40x144xf32, #tpu.memory_space<vmem>>) target(%dma_start3A_91 : memref<10000x144xf32, #tpu.memory_space<vmem_shared>>) offsets(%arg8 : memref<40xi32, #tpu.memory_space<vmem>>) semaphore(%arg31 : memref<!tpu.dma_semaphore, #tpu.memory_space<semaphore_mem>>) {add = true}
    %dma_wait3A_92 = arith.constant 0 : i32
    %dma_wait3A_93 = arith.constant 0 : i32
    %dma_wait3A_94 = tpu.memref_slice %arg21[%dma_wait3A_92, %dma_wait3A_93] : memref<10000x144xf32, #tpu.memory_space<vmem_shared>> -> memref<10000x144xf32, #tpu.memory_space<vmem_shared>>
    tpu.wait_indirect_dma semaphore(%arg30 : memref<!tpu.dma_semaphore, #tpu.memory_space<semaphore_mem>>) src(%arg17 : memref<40x144xf32, #tpu.memory_space<vmem>>) dst(%dma_wait3A_94 : memref<10000x144xf32, #tpu.memory_space<vmem_shared>>)
    %dma_wait3A_95 = arith.constant 0 : i32
    %dma_wait3A_96 = arith.constant 0 : i32
    %dma_wait3A_97 = tpu.memref_slice %arg21[%dma_wait3A_95, %dma_wait3A_96] : memref<10000x144xf32, #tpu.memory_space<vmem_shared>> -> memref<10000x144xf32, #tpu.memory_space<vmem_shared>>
    tpu.wait_indirect_dma semaphore(%arg31 : memref<!tpu.dma_semaphore, #tpu.memory_space<semaphore_mem>>) src(%arg18 : memref<40x144xf32, #tpu.memory_space<vmem>>) dst(%dma_wait3A_97 : memref<10000x144xf32, #tpu.memory_space<vmem_shared>>)
    %barrier3A_98 = arith.constant 0 : index
    tpu.barrier barrier_id(%barrier3A_98)
    %sub3A_99 = arith.constant 250 : i32
    %sub3A_100 = arith.subi %sub3A_99, %arg1 : i32
    %sub3A_101 = arith.constant 16 : i32
    %sub3A_102 = arith.constant 1 : i32
    %sub3A_103 = arith.subi %sub3A_101, %sub3A_102 : i32
    %add3A_104 = arith.addi %sub3A_100, %sub3A_103 : i32
    %div3A_105 = arith.constant 16 : i32
    %div3A_106 = arith.divsi %add3A_104, %div3A_105 : i32
    %while3A_107 = arith.constant 16 : i32
    %while3A_108 = arith.constant 0 : i32
    %while3A_109 = arith.subi %div3A_106, %while3A_108 : i32
    %while3A_110 = arith.addi %while3A_108, %while3A_109 : i32
    %while3A_111 = arith.constant 1 : i32
    %while3A_112 = arith.divsi %while3A_109, %while3A_111 : i32
    %while3A_113 = arith.muli %while3A_112, %while3A_111 : i32
    %while3A_114 = arith.addi %while3A_108, %while3A_113 : i32
    %while3A_115 = arith.constant 1 : i32
    scf.for %while3A_117 = %while3A_108 to %while3A_114 step %while3A_115  : i32 {
      %mul3A_118 = arith.muli %while3A_117, %while3A_107 : i32
      %add3A_119 = arith.addi %arg1, %mul3A_118 : i32
      %mul3A_120 = arith.constant 40 : i32
      %mul3A_121 = arith.muli %add3A_119, %mul3A_120 : i32
      %mul3A_122 = arith.constant 40 : i32
      %mul3A_123 = arith.muli %add3A_119, %mul3A_122 : i32
      "tpu.region"() ({
        %run_scoped3A = tpu.sem_alloc : memref<!tpu.dma_semaphore, #tpu.memory_space<semaphore_mem>>
        %dma_start3A_124 = arith.constant 0 : i32
        %dma_start3A_125 = tpu.memref_slice %arg6[%arg0, %mul3A_123, %dma_start3A_124] : memref<2x10000x144xf32, #tpu.memory_space<hbm>> -> memref<1x40x144xf32, #tpu.memory_space<hbm>>
        %dma_start3A_126 = tpu.memref_squeeze %dma_start3A_125 : memref<1x40x144xf32, #tpu.memory_space<hbm>> -> memref<40x144xf32, #tpu.memory_space<hbm>>
        %dma_start3A_127 = arith.constant 0 : i32
        %dma_start3A_128 = tpu.memref_slice %arg21[%mul3A_121, %dma_start3A_127] : memref<10000x144xf32, #tpu.memory_space<vmem_shared>> -> memref<40x144xf32, #tpu.memory_space<vmem_shared>>
        tpu.enqueue_dma source(%dma_start3A_128 : memref<40x144xf32, #tpu.memory_space<vmem_shared>>) target(%dma_start3A_126 : memref<40x144xf32, #tpu.memory_space<hbm>>) target_semaphore(%run_scoped3A : memref<!tpu.dma_semaphore, #tpu.memory_space<semaphore_mem>>)
        %dma_wait3A_129 = arith.constant 0 : i32
        %dma_wait3A_130 = tpu.memref_slice %arg6[%arg0, %mul3A_123, %dma_wait3A_129] : memref<2x10000x144xf32, #tpu.memory_space<hbm>> -> memref<1x40x144xf32, #tpu.memory_space<hbm>>
        %dma_wait3A_131 = tpu.memref_squeeze %dma_wait3A_130 : memref<1x40x144xf32, #tpu.memory_space<hbm>> -> memref<40x144xf32, #tpu.memory_space<hbm>>
        %dma_wait3A_132 = arith.constant 0 : i32
        %dma_wait3A_133 = tpu.memref_slice %arg21[%mul3A_121, %dma_wait3A_132] : memref<10000x144xf32, #tpu.memory_space<vmem_shared>> -> memref<40x144xf32, #tpu.memory_space<vmem_shared>>
        tpu.wait_dma2 semaphore(%run_scoped3A : memref<!tpu.dma_semaphore, #tpu.memory_space<semaphore_mem>>) src(%dma_wait3A_133 : memref<40x144xf32, #tpu.memory_space<vmem_shared>>) dst(%dma_wait3A_131 : memref<40x144xf32, #tpu.memory_space<hbm>>)
        tpu.yield
      }) : () -> ()
    }
    %while3A_116 = arith.constant 1 : i32
    scf.for %while3A_117 = %while3A_114 to %while3A_110 step %while3A_116  : i32 {
      %mul3A_118 = arith.muli %while3A_117, %while3A_107 : i32
      %add3A_119 = arith.addi %arg1, %mul3A_118 : i32
      %mul3A_120 = arith.constant 40 : i32
      %mul3A_121 = arith.muli %add3A_119, %mul3A_120 : i32
      %mul3A_122 = arith.constant 40 : i32
      %mul3A_123 = arith.muli %add3A_119, %mul3A_122 : i32
      "tpu.region"() ({
        %run_scoped3A = tpu.sem_alloc : memref<!tpu.dma_semaphore, #tpu.memory_space<semaphore_mem>>
        %dma_start3A_124 = arith.constant 0 : i32
        %dma_start3A_125 = tpu.memref_slice %arg6[%arg0, %mul3A_123, %dma_start3A_124] : memref<2x10000x144xf32, #tpu.memory_space<hbm>> -> memref<1x40x144xf32, #tpu.memory_space<hbm>>
        %dma_start3A_126 = tpu.memref_squeeze %dma_start3A_125 : memref<1x40x144xf32, #tpu.memory_space<hbm>> -> memref<40x144xf32, #tpu.memory_space<hbm>>
        %dma_start3A_127 = arith.constant 0 : i32
        %dma_start3A_128 = tpu.memref_slice %arg21[%mul3A_121, %dma_start3A_127] : memref<10000x144xf32, #tpu.memory_space<vmem_shared>> -> memref<40x144xf32, #tpu.memory_space<vmem_shared>>
        tpu.enqueue_dma source(%dma_start3A_128 : memref<40x144xf32, #tpu.memory_space<vmem_shared>>) target(%dma_start3A_126 : memref<40x144xf32, #tpu.memory_space<hbm>>) target_semaphore(%run_scoped3A : memref<!tpu.dma_semaphore, #tpu.memory_space<semaphore_mem>>)
        %dma_wait3A_129 = arith.constant 0 : i32
        %dma_wait3A_130 = tpu.memref_slice %arg6[%arg0, %mul3A_123, %dma_wait3A_129] : memref<2x10000x144xf32, #tpu.memory_space<hbm>> -> memref<1x40x144xf32, #tpu.memory_space<hbm>>
        %dma_wait3A_131 = tpu.memref_squeeze %dma_wait3A_130 : memref<1x40x144xf32, #tpu.memory_space<hbm>> -> memref<40x144xf32, #tpu.memory_space<hbm>>
        %dma_wait3A_132 = arith.constant 0 : i32
        %dma_wait3A_133 = tpu.memref_slice %arg21[%mul3A_121, %dma_wait3A_132] : memref<10000x144xf32, #tpu.memory_space<vmem_shared>> -> memref<40x144xf32, #tpu.memory_space<vmem_shared>>
        tpu.wait_dma2 semaphore(%run_scoped3A : memref<!tpu.dma_semaphore, #tpu.memory_space<semaphore_mem>>) src(%dma_wait3A_133 : memref<40x144xf32, #tpu.memory_space<vmem_shared>>) dst(%dma_wait3A_131 : memref<40x144xf32, #tpu.memory_space<hbm>>)
        tpu.yield
      }) : () -> ()
    }
    return
  }
}

module attributes {stable_mosaic.version = 14 : i64} {
  func.func @_dense1_body(%arg0: i32, %arg1: memref<2000x128xf32, #tpu.memory_space<vmem>>, %arg2: memref<2000x128xf32, #tpu.memory_space<vmem>>, %arg3: memref<128x16xf32, #tpu.memory_space<vmem>>, %arg4: memref<128x16xf32, #tpu.memory_space<vmem>>, %arg5: memref<1x16xf32, #tpu.memory_space<vmem>>, %arg6: memref<128x128xf32, #tpu.memory_space<vmem>>, %arg7: memref<128x128xf32, #tpu.memory_space<vmem>>, %arg8: memref<1x128xf32, #tpu.memory_space<vmem>>, %arg9: memref<128x128xf32, #tpu.memory_space<vmem>>, %arg10: memref<128x128xf32, #tpu.memory_space<vmem>>, %arg11: memref<1x128xf32, #tpu.memory_space<vmem>>, %arg12: memref<2000x16xf32, #tpu.memory_space<vmem>>, %arg13: memref<2000x128xf32, #tpu.memory_space<vmem>>, %arg14: memref<2000x128xf32, #tpu.memory_space<vmem>>) attributes {dimension_semantics = [#tpu.dimension_semantics<arbitrary>], iteration_bounds = array<i64: 5>, scalar_prefetch = 0 : i64, scratch_operands = 0 : i64, tpu.core_type = #tpu.core_type<tc>, window_params = [{transform_indices = @transform_0, window_bounds = array<i64: 2000, 128>}, {transform_indices = @transform_1, window_bounds = array<i64: 2000, 128>}, {pipeline_mode = #tpu.pipeline_mode<synchronous>, transform_indices = @transform_2, window_bounds = array<i64: 128, 16>}, {pipeline_mode = #tpu.pipeline_mode<synchronous>, transform_indices = @transform_3, window_bounds = array<i64: 128, 16>}, {pipeline_mode = #tpu.pipeline_mode<synchronous>, transform_indices = @transform_4, window_bounds = array<i64: 1, 16>}, {pipeline_mode = #tpu.pipeline_mode<synchronous>, transform_indices = @transform_5, window_bounds = array<i64: 128, 128>}, {pipeline_mode = #tpu.pipeline_mode<synchronous>, transform_indices = @transform_6, window_bounds = array<i64: 128, 128>}, {pipeline_mode = #tpu.pipeline_mode<synchronous>, transform_indices = @transform_7, window_bounds = array<i64: 1, 128>}, {pipeline_mode = #tpu.pipeline_mode<synchronous>, transform_indices = @transform_8, window_bounds = array<i64: 128, 128>}, {pipeline_mode = #tpu.pipeline_mode<synchronous>, transform_indices = @transform_9, window_bounds = array<i64: 128, 128>}, {pipeline_mode = #tpu.pipeline_mode<synchronous>, transform_indices = @transform_10, window_bounds = array<i64: 1, 128>}, {transform_indices = @transform_11, window_bounds = array<i64: 2000, 16>}, {transform_indices = @transform_12, window_bounds = array<i64: 2000, 128>}, {transform_indices = @transform_13, window_bounds = array<i64: 2000, 128>}]} {
    %get3A = arith.constant 0 : index
    %get3A_0 = arith.constant 0 : index
    %get3A_1 = vector.load %arg1[%get3A, %get3A_0] : memref<2000x128xf32, #tpu.memory_space<vmem>>, vector<2000x128xf32>
    %get3A_2 = arith.constant 0 : index
    %get3A_3 = arith.constant 0 : index
    %get3A_4 = vector.load %arg2[%get3A_2, %get3A_3] : memref<2000x128xf32, #tpu.memory_space<vmem>>, vector<2000x128xf32>
    %get3A_5 = arith.constant 0 : index
    %get3A_6 = arith.constant 0 : index
    %get3A_7 = vector.load %arg3[%get3A_5, %get3A_6] : memref<128x16xf32, #tpu.memory_space<vmem>>, vector<128x16xf32>
    %dot_general3A = arith.constant dense<0.000000e+00> : vector<2000x16xf32>
    %dot_general3A_8 = tpu.matmul %get3A_1, %get3A_7, %dot_general3A {dimension_numbers = #tpu.dot_dimension_numbers<[1], [0], [0], [1], [0, 0, 1, 1], [], []>, precision = #tpu.contract_precision<fp32>, transpose_lhs_hint = false} : vector<2000x128xf32>, vector<128x16xf32>, vector<2000x16xf32> -> vector<2000x16xf32>
    %get3A_9 = arith.constant 0 : index
    %get3A_10 = arith.constant 0 : index
    %get3A_11 = vector.load %arg4[%get3A_9, %get3A_10] : memref<128x16xf32, #tpu.memory_space<vmem>>, vector<128x16xf32>
    %dot_general3A_12 = arith.constant dense<0.000000e+00> : vector<2000x16xf32>
    %dot_general3A_13 = tpu.matmul %get3A_4, %get3A_11, %dot_general3A_12 {dimension_numbers = #tpu.dot_dimension_numbers<[1], [0], [0], [1], [0, 0, 1, 1], [], []>, precision = #tpu.contract_precision<fp32>, transpose_lhs_hint = false} : vector<2000x128xf32>, vector<128x16xf32>, vector<2000x16xf32> -> vector<2000x16xf32>
    %add3A = arith.addf %dot_general3A_8, %dot_general3A_13 : vector<2000x16xf32>
    %get3A_14 = arith.constant 0 : index
    %get3A_15 = arith.constant 0 : index
    %get3A_16 = vector.load %arg5[%get3A_14, %get3A_15] : memref<1x16xf32, #tpu.memory_space<vmem>>, vector<1x16xf32>
    %add3A_17 = vector.broadcast %get3A_16 : vector<1x16xf32> to vector<2000x16xf32>
    %add3A_18 = arith.addf %add3A, %add3A_17 : vector<2000x16xf32>
    %swap3A = arith.constant 0 : index
    %swap3A_19 = arith.constant 0 : index
    %swap3A_20 = vector.load %arg12[%swap3A, %swap3A_19] : memref<2000x16xf32, #tpu.memory_space<vmem>>, vector<2000x16xf32>
    tpu.vector_store %arg12[%swap3A, %swap3A_19], %add3A_18 {strides = array<i32>} : memref<2000x16xf32, #tpu.memory_space<vmem>>, vector<2000x16xf32>,
    %get3A_21 = arith.constant 0 : index
    %get3A_22 = arith.constant 0 : index
    %get3A_23 = vector.load %arg6[%get3A_21, %get3A_22] : memref<128x128xf32, #tpu.memory_space<vmem>>, vector<128x128xf32>
    %dot_general3A_24 = arith.constant dense<0.000000e+00> : vector<2000x128xf32>
    %dot_general3A_25 = tpu.matmul %get3A_1, %get3A_23, %dot_general3A_24 {dimension_numbers = #tpu.dot_dimension_numbers<[1], [0], [0], [1], [0, 0, 1, 1], [], []>, precision = #tpu.contract_precision<fp32>, transpose_lhs_hint = false} : vector<2000x128xf32>, vector<128x128xf32>, vector<2000x128xf32> -> vector<2000x128xf32>
    %get3A_26 = arith.constant 0 : index
    %get3A_27 = arith.constant 0 : index
    %get3A_28 = vector.load %arg7[%get3A_26, %get3A_27] : memref<128x128xf32, #tpu.memory_space<vmem>>, vector<128x128xf32>
    %dot_general3A_29 = arith.constant dense<0.000000e+00> : vector<2000x128xf32>
    %dot_general3A_30 = tpu.matmul %get3A_4, %get3A_28, %dot_general3A_29 {dimension_numbers = #tpu.dot_dimension_numbers<[1], [0], [0], [1], [0, 0, 1, 1], [], []>, precision = #tpu.contract_precision<fp32>, transpose_lhs_hint = false} : vector<2000x128xf32>, vector<128x128xf32>, vector<2000x128xf32> -> vector<2000x128xf32>
    %add3A_31 = arith.addf %dot_general3A_25, %dot_general3A_30 : vector<2000x128xf32>
    %get3A_32 = arith.constant 0 : index
    %get3A_33 = arith.constant 0 : index
    %get3A_34 = vector.load %arg8[%get3A_32, %get3A_33] : memref<1x128xf32, #tpu.memory_space<vmem>>, vector<1x128xf32>
    %add3A_35 = vector.broadcast %get3A_34 : vector<1x128xf32> to vector<2000x128xf32>
    %add3A_36 = arith.addf %add3A_31, %add3A_35 : vector<2000x128xf32>
    %swap3A_37 = arith.constant 0 : index
    %swap3A_38 = arith.constant 0 : index
    %swap3A_39 = vector.load %arg13[%swap3A_37, %swap3A_38] : memref<2000x128xf32, #tpu.memory_space<vmem>>, vector<2000x128xf32>
    tpu.vector_store %arg13[%swap3A_37, %swap3A_38], %add3A_36 {strides = array<i32>} : memref<2000x128xf32, #tpu.memory_space<vmem>>, vector<2000x128xf32>,
    %get3A_40 = arith.constant 0 : index
    %get3A_41 = arith.constant 0 : index
    %get3A_42 = vector.load %arg9[%get3A_40, %get3A_41] : memref<128x128xf32, #tpu.memory_space<vmem>>, vector<128x128xf32>
    %dot_general3A_43 = arith.constant dense<0.000000e+00> : vector<2000x128xf32>
    %dot_general3A_44 = tpu.matmul %get3A_1, %get3A_42, %dot_general3A_43 {dimension_numbers = #tpu.dot_dimension_numbers<[1], [0], [0], [1], [0, 0, 1, 1], [], []>, precision = #tpu.contract_precision<fp32>, transpose_lhs_hint = false} : vector<2000x128xf32>, vector<128x128xf32>, vector<2000x128xf32> -> vector<2000x128xf32>
    %get3A_45 = arith.constant 0 : index
    %get3A_46 = arith.constant 0 : index
    %get3A_47 = vector.load %arg10[%get3A_45, %get3A_46] : memref<128x128xf32, #tpu.memory_space<vmem>>, vector<128x128xf32>
    %dot_general3A_48 = arith.constant dense<0.000000e+00> : vector<2000x128xf32>
    %dot_general3A_49 = tpu.matmul %get3A_4, %get3A_47, %dot_general3A_48 {dimension_numbers = #tpu.dot_dimension_numbers<[1], [0], [0], [1], [0, 0, 1, 1], [], []>, precision = #tpu.contract_precision<fp32>, transpose_lhs_hint = false} : vector<2000x128xf32>, vector<128x128xf32>, vector<2000x128xf32> -> vector<2000x128xf32>
    %add3A_50 = arith.addf %dot_general3A_44, %dot_general3A_49 : vector<2000x128xf32>
    %get3A_51 = arith.constant 0 : index
    %get3A_52 = arith.constant 0 : index
    %get3A_53 = vector.load %arg11[%get3A_51, %get3A_52] : memref<1x128xf32, #tpu.memory_space<vmem>>, vector<1x128xf32>
    %add3A_54 = vector.broadcast %get3A_53 : vector<1x128xf32> to vector<2000x128xf32>
    %add3A_55 = arith.addf %add3A_50, %add3A_54 : vector<2000x128xf32>
    %swap3A_56 = arith.constant 0 : index
    %swap3A_57 = arith.constant 0 : index
    %swap3A_58 = vector.load %arg14[%swap3A_56, %swap3A_57] : memref<2000x128xf32, #tpu.memory_space<vmem>>, vector<2000x128xf32>
    tpu.vector_store %arg14[%swap3A_56, %swap3A_57], %add3A_55 {strides = array<i32>} : memref<2000x128xf32, #tpu.memory_space<vmem>>, vector<2000x128xf32>,
    return
  }
  func.func @transform_0(%arg0: i32) -> (i32, i32) {
    %c0_i32 = arith.constant 0 : i32
    %c0_i32_0 = arith.constant 0 : i32
    return %arg0, %c0_i32 : i32, i32
  }
  func.func @transform_1(%arg0: i32) -> (i32, i32) {
    %c0_i32 = arith.constant 0 : i32
    %c0_i32_0 = arith.constant 0 : i32
    return %arg0, %c0_i32 : i32, i32
  }
  func.func @transform_2(%arg0: i32) -> (i32, i32) {
    %c0_i32 = arith.constant 0 : i32
    %c0_i32_0 = arith.constant 0 : i32
    %c0_i32_1 = arith.constant 0 : i32
    return %c0_i32, %c0_i32_0 : i32, i32
  }
  func.func @transform_3(%arg0: i32) -> (i32, i32) {
    %c0_i32 = arith.constant 0 : i32
    %c0_i32_0 = arith.constant 0 : i32
    %c0_i32_1 = arith.constant 0 : i32
    return %c0_i32, %c0_i32_0 : i32, i32
  }
  func.func @transform_4(%arg0: i32) -> (i32, i32) {
    %c0_i32 = arith.constant 0 : i32
    %c0_i32_0 = arith.constant 0 : i32
    %c0_i32_1 = arith.constant 0 : i32
    return %c0_i32, %c0_i32_0 : i32, i32
  }
  func.func @transform_5(%arg0: i32) -> (i32, i32) {
    %c0_i32 = arith.constant 0 : i32
    %c0_i32_0 = arith.constant 0 : i32
    %c0_i32_1 = arith.constant 0 : i32
    return %c0_i32, %c0_i32_0 : i32, i32
  }
  func.func @transform_6(%arg0: i32) -> (i32, i32) {
    %c0_i32 = arith.constant 0 : i32
    %c0_i32_0 = arith.constant 0 : i32
    %c0_i32_1 = arith.constant 0 : i32
    return %c0_i32, %c0_i32_0 : i32, i32
  }
  func.func @transform_7(%arg0: i32) -> (i32, i32) {
    %c0_i32 = arith.constant 0 : i32
    %c0_i32_0 = arith.constant 0 : i32
    %c0_i32_1 = arith.constant 0 : i32
    return %c0_i32, %c0_i32_0 : i32, i32
  }
  func.func @transform_8(%arg0: i32) -> (i32, i32) {
    %c0_i32 = arith.constant 0 : i32
    %c0_i32_0 = arith.constant 0 : i32
    %c0_i32_1 = arith.constant 0 : i32
    return %c0_i32, %c0_i32_0 : i32, i32
  }
  func.func @transform_9(%arg0: i32) -> (i32, i32) {
    %c0_i32 = arith.constant 0 : i32
    %c0_i32_0 = arith.constant 0 : i32
    %c0_i32_1 = arith.constant 0 : i32
    return %c0_i32, %c0_i32_0 : i32, i32
  }
  func.func @transform_10(%arg0: i32) -> (i32, i32) {
    %c0_i32 = arith.constant 0 : i32
    %c0_i32_0 = arith.constant 0 : i32
    %c0_i32_1 = arith.constant 0 : i32
    return %c0_i32, %c0_i32_0 : i32, i32
  }
  func.func @transform_11(%arg0: i32) -> (i32, i32) {
    %c0_i32 = arith.constant 0 : i32
    %c0_i32_0 = arith.constant 0 : i32
    return %arg0, %c0_i32 : i32, i32
  }
  func.func @transform_12(%arg0: i32) -> (i32, i32) {
    %c0_i32 = arith.constant 0 : i32
    %c0_i32_0 = arith.constant 0 : i32
    return %arg0, %c0_i32 : i32, i32
  }
  func.func @transform_13(%arg0: i32) -> (i32, i32) {
    %c0_i32 = arith.constant 0 : i32
    %c0_i32_0 = arith.constant 0 : i32
    return %arg0, %c0_i32 : i32, i32
  }
}

module attributes {stable_mosaic.version = 14 : i64} {
  func.func @_ae_body(%arg0: i32, %arg1: memref<5000x128xf32, #tpu.memory_space<vmem>>, %arg2: memref<128x128xf32, #tpu.memory_space<vmem>>, %arg3: memref<1x128xf32, #tpu.memory_space<vmem>>, %arg4: memref<5000x128xf32, #tpu.memory_space<vmem>>) attributes {dimension_semantics = [#tpu.dimension_semantics<arbitrary>], iteration_bounds = array<i64: 8>, scalar_prefetch = 0 : i64, scratch_operands = 0 : i64, tpu.core_type = #tpu.core_type<tc>, window_params = [{transform_indices = @transform_0, window_bounds = array<i64: 5000, 128>}, {pipeline_mode = #tpu.pipeline_mode<synchronous>, transform_indices = @transform_1, window_bounds = array<i64: 128, 128>}, {pipeline_mode = #tpu.pipeline_mode<synchronous>, transform_indices = @transform_2, window_bounds = array<i64: 1, 128>}, {transform_indices = @transform_3, window_bounds = array<i64: 5000, 128>}]} {
    %get3A = arith.constant 0 : index
    %get3A_0 = arith.constant 0 : index
    %get3A_1 = vector.load %arg1[%get3A, %get3A_0] : memref<5000x128xf32, #tpu.memory_space<vmem>>, vector<5000x128xf32>
    %get3A_2 = arith.constant 0 : index
    %get3A_3 = arith.constant 0 : index
    %get3A_4 = vector.load %arg2[%get3A_2, %get3A_3] : memref<128x128xf32, #tpu.memory_space<vmem>>, vector<128x128xf32>
    %dot_general3A = arith.constant dense<0.000000e+00> : vector<5000x128xf32>
    %dot_general3A_5 = tpu.matmul %get3A_1, %get3A_4, %dot_general3A {dimension_numbers = #tpu.dot_dimension_numbers<[1], [0], [0], [1], [0, 0, 1, 1], [], []>, precision = #tpu.contract_precision<fp32>, transpose_lhs_hint = false} : vector<5000x128xf32>, vector<128x128xf32>, vector<5000x128xf32> -> vector<5000x128xf32>
    %get3A_6 = arith.constant 0 : index
    %get3A_7 = arith.constant 0 : index
    %get3A_8 = vector.load %arg3[%get3A_6, %get3A_7] : memref<1x128xf32, #tpu.memory_space<vmem>>, vector<1x128xf32>
    %add3A = vector.broadcast %get3A_8 : vector<1x128xf32> to vector<5000x128xf32>
    %add3A_9 = arith.addf %dot_general3A_5, %add3A : vector<5000x128xf32>
    %swap3A = arith.constant 0 : index
    %swap3A_10 = arith.constant 0 : index
    %swap3A_11 = vector.load %arg4[%swap3A, %swap3A_10] : memref<5000x128xf32, #tpu.memory_space<vmem>>, vector<5000x128xf32>
    tpu.vector_store %arg4[%swap3A, %swap3A_10], %add3A_9 {strides = array<i32>} : memref<5000x128xf32, #tpu.memory_space<vmem>>, vector<5000x128xf32>,
    return
  }
  func.func @transform_0(%arg0: i32) -> (i32, i32) {
    %c0_i32 = arith.constant 0 : i32
    %c0_i32_0 = arith.constant 0 : i32
    return %arg0, %c0_i32 : i32, i32
  }
  func.func @transform_1(%arg0: i32) -> (i32, i32) {
    %c0_i32 = arith.constant 0 : i32
    %c0_i32_0 = arith.constant 0 : i32
    %c0_i32_1 = arith.constant 0 : i32
    return %c0_i32, %c0_i32_0 : i32, i32
  }
  func.func @transform_2(%arg0: i32) -> (i32, i32) {
    %c0_i32 = arith.constant 0 : i32
    %c0_i32_0 = arith.constant 0 : i32
    %c0_i32_1 = arith.constant 0 : i32
    return %c0_i32, %c0_i32_0 : i32, i32
  }
  func.func @transform_3(%arg0: i32) -> (i32, i32) {
    %c0_i32 = arith.constant 0 : i32
    %c0_i32_0 = arith.constant 0 : i32
    return %arg0, %c0_i32 : i32, i32
  }
}

module attributes {stable_mosaic.version = 14 : i64} {
  func.func @_combine2_body(%arg0: i32, %arg1: memref<2x2000x144xf32, #tpu.memory_space<vmem>>, %arg2: memref<2000x128xf32, #tpu.memory_space<vmem>>, %arg3: memref<2000x128xf32, #tpu.memory_space<vmem>>, %arg4: memref<144x128xf32, #tpu.memory_space<vmem>>, %arg5: memref<144x128xf32, #tpu.memory_space<vmem>>, %arg6: memref<128x16xf32, #tpu.memory_space<vmem>>, %arg7: memref<128x16xf32, #tpu.memory_space<vmem>>, %arg8: memref<1x16xf32, #tpu.memory_space<vmem>>, %arg9: memref<128x128xf32, #tpu.memory_space<vmem>>, %arg10: memref<128x128xf32, #tpu.memory_space<vmem>>, %arg11: memref<1x128xf32, #tpu.memory_space<vmem>>, %arg12: memref<128x128xf32, #tpu.memory_space<vmem>>, %arg13: memref<128x128xf32, #tpu.memory_space<vmem>>, %arg14: memref<1x128xf32, #tpu.memory_space<vmem>>, %arg15: memref<2000x16xf32, #tpu.memory_space<vmem>>, %arg16: memref<2000x128xf32, #tpu.memory_space<vmem>>, %arg17: memref<2000x128xf32, #tpu.memory_space<vmem>>) attributes {dimension_semantics = [#tpu.dimension_semantics<arbitrary>], iteration_bounds = array<i64: 5>, scalar_prefetch = 0 : i64, scratch_operands = 0 : i64, tpu.core_type = #tpu.core_type<tc>, window_params = [{transform_indices = @transform_0, window_bounds = array<i64: 2, 2000, 144>}, {transform_indices = @transform_1, window_bounds = array<i64: 2000, 128>}, {transform_indices = @transform_2, window_bounds = array<i64: 2000, 128>}, {pipeline_mode = #tpu.pipeline_mode<synchronous>, transform_indices = @transform_3, window_bounds = array<i64: 144, 128>}, {pipeline_mode = #tpu.pipeline_mode<synchronous>, transform_indices = @transform_4, window_bounds = array<i64: 144, 128>}, {pipeline_mode = #tpu.pipeline_mode<synchronous>, transform_indices = @transform_5, window_bounds = array<i64: 128, 16>}, {pipeline_mode = #tpu.pipeline_mode<synchronous>, transform_indices = @transform_6, window_bounds = array<i64: 128, 16>}, {pipeline_mode = #tpu.pipeline_mode<synchronous>, transform_indices = @transform_7, window_bounds = array<i64: 1, 16>}, {pipeline_mode = #tpu.pipeline_mode<synchronous>, transform_indices = @transform_8, window_bounds = array<i64: 128, 128>}, {pipeline_mode = #tpu.pipeline_mode<synchronous>, transform_indices = @transform_9, window_bounds = array<i64: 128, 128>}, {pipeline_mode = #tpu.pipeline_mode<synchronous>, transform_indices = @transform_10, window_bounds = array<i64: 1, 128>}, {pipeline_mode = #tpu.pipeline_mode<synchronous>, transform_indices = @transform_11, window_bounds = array<i64: 128, 128>}, {pipeline_mode = #tpu.pipeline_mode<synchronous>, transform_indices = @transform_12, window_bounds = array<i64: 128, 128>}, {pipeline_mode = #tpu.pipeline_mode<synchronous>, transform_indices = @transform_13, window_bounds = array<i64: 1, 128>}, {transform_indices = @transform_14, window_bounds = array<i64: 2000, 16>}, {transform_indices = @transform_15, window_bounds = array<i64: 2000, 128>}, {transform_indices = @transform_16, window_bounds = array<i64: 2000, 128>}]} {
    %get3A = arith.constant 0 : index
    %get3A_0 = arith.constant 0 : index
    %get3A_1 = arith.constant 0 : index
    %get3A_2 = vector.load %arg1[%get3A, %get3A_0, %get3A_1] : memref<2x2000x144xf32, #tpu.memory_space<vmem>>, vector<1x2000x144xf32>
    %get3A_3 = vector.shape_cast %get3A_2 : vector<1x2000x144xf32> to vector<2000x144xf32>
    %get3A_4 = arith.constant 1 : index
    %get3A_5 = arith.constant 0 : index
    %get3A_6 = arith.constant 0 : index
    %get3A_7 = vector.load %arg1[%get3A_4, %get3A_5, %get3A_6] : memref<2x2000x144xf32, #tpu.memory_space<vmem>>, vector<1x2000x144xf32>
    %get3A_8 = vector.shape_cast %get3A_7 : vector<1x2000x144xf32> to vector<2000x144xf32>
    %add3A = arith.addf %get3A_3, %get3A_8 : vector<2000x144xf32>
    %get3A_9 = arith.constant 0 : index
    %get3A_10 = arith.constant 0 : index
    %get3A_11 = vector.load %arg4[%get3A_9, %get3A_10] : memref<144x128xf32, #tpu.memory_space<vmem>>, vector<144x128xf32>
    %dot_general3A = arith.constant dense<0.000000e+00> : vector<2000x128xf32>
    %dot_general3A_12 = tpu.matmul %add3A, %get3A_11, %dot_general3A {dimension_numbers = #tpu.dot_dimension_numbers<[1], [0], [0], [1], [0, 0, 1, 1], [], []>, precision = #tpu.contract_precision<fp32>, transpose_lhs_hint = false} : vector<2000x144xf32>, vector<144x128xf32>, vector<2000x128xf32> -> vector<2000x128xf32>
    %get3A_13 = arith.constant 0 : index
    %get3A_14 = arith.constant 0 : index
    %get3A_15 = vector.load %arg5[%get3A_13, %get3A_14] : memref<144x128xf32, #tpu.memory_space<vmem>>, vector<144x128xf32>
    %dot_general3A_16 = arith.constant dense<0.000000e+00> : vector<2000x128xf32>
    %dot_general3A_17 = tpu.matmul %add3A, %get3A_15, %dot_general3A_16 {dimension_numbers = #tpu.dot_dimension_numbers<[1], [0], [0], [1], [0, 0, 1, 1], [], []>, precision = #tpu.contract_precision<fp32>, transpose_lhs_hint = false} : vector<2000x144xf32>, vector<144x128xf32>, vector<2000x128xf32> -> vector<2000x128xf32>
    %max3A = arith.constant 1.000000e-30 : f32
    %max3A_18 = vector.broadcast %max3A : f32 to vector<2000x128xf32>
    %max3A_19 = arith.maximumf %dot_general3A_12, %max3A_18 : vector<2000x128xf32>
    %div3A = arith.divf %dot_general3A_17, %max3A_19 : vector<2000x128xf32>
    %get3A_20 = arith.constant 0 : index
    %get3A_21 = arith.constant 0 : index
    %get3A_22 = vector.load %arg3[%get3A_20, %get3A_21] : memref<2000x128xf32, #tpu.memory_space<vmem>>, vector<2000x128xf32>
    %add3A_23 = arith.addf %div3A, %get3A_22 : vector<2000x128xf32>
    %max3A_24 = arith.constant 0.000000e+00 : f32
    %max3A_25 = vector.broadcast %max3A_24 : f32 to vector<2000x128xf32>
    %max3A_26 = arith.maximumf %add3A_23, %max3A_25 : vector<2000x128xf32>
    %get3A_27 = arith.constant 0 : index
    %get3A_28 = arith.constant 0 : index
    %get3A_29 = vector.load %arg2[%get3A_27, %get3A_28] : memref<2000x128xf32, #tpu.memory_space<vmem>>, vector<2000x128xf32>
    %get3A_30 = arith.constant 0 : index
    %get3A_31 = arith.constant 0 : index
    %get3A_32 = vector.load %arg6[%get3A_30, %get3A_31] : memref<128x16xf32, #tpu.memory_space<vmem>>, vector<128x16xf32>
    %dot_general3A_33 = arith.constant dense<0.000000e+00> : vector<2000x16xf32>
    %dot_general3A_34 = tpu.matmul %get3A_29, %get3A_32, %dot_general3A_33 {dimension_numbers = #tpu.dot_dimension_numbers<[1], [0], [0], [1], [0, 0, 1, 1], [], []>, precision = #tpu.contract_precision<fp32>, transpose_lhs_hint = false} : vector<2000x128xf32>, vector<128x16xf32>, vector<2000x16xf32> -> vector<2000x16xf32>
    %get3A_35 = arith.constant 0 : index
    %get3A_36 = arith.constant 0 : index
    %get3A_37 = vector.load %arg7[%get3A_35, %get3A_36] : memref<128x16xf32, #tpu.memory_space<vmem>>, vector<128x16xf32>
    %dot_general3A_38 = arith.constant dense<0.000000e+00> : vector<2000x16xf32>
    %dot_general3A_39 = tpu.matmul %max3A_26, %get3A_37, %dot_general3A_38 {dimension_numbers = #tpu.dot_dimension_numbers<[1], [0], [0], [1], [0, 0, 1, 1], [], []>, precision = #tpu.contract_precision<fp32>, transpose_lhs_hint = false} : vector<2000x128xf32>, vector<128x16xf32>, vector<2000x16xf32> -> vector<2000x16xf32>
    %add3A_40 = arith.addf %dot_general3A_34, %dot_general3A_39 : vector<2000x16xf32>
    %get3A_41 = arith.constant 0 : index
    %get3A_42 = arith.constant 0 : index
    %get3A_43 = vector.load %arg8[%get3A_41, %get3A_42] : memref<1x16xf32, #tpu.memory_space<vmem>>, vector<1x16xf32>
    %add3A_44 = vector.broadcast %get3A_43 : vector<1x16xf32> to vector<2000x16xf32>
    %add3A_45 = arith.addf %add3A_40, %add3A_44 : vector<2000x16xf32>
    %swap3A = arith.constant 0 : index
    %swap3A_46 = arith.constant 0 : index
    %swap3A_47 = vector.load %arg15[%swap3A, %swap3A_46] : memref<2000x16xf32, #tpu.memory_space<vmem>>, vector<2000x16xf32>
    tpu.vector_store %arg15[%swap3A, %swap3A_46], %add3A_45 {strides = array<i32>} : memref<2000x16xf32, #tpu.memory_space<vmem>>, vector<2000x16xf32>,
    %get3A_48 = arith.constant 0 : index
    %get3A_49 = arith.constant 0 : index
    %get3A_50 = vector.load %arg9[%get3A_48, %get3A_49] : memref<128x128xf32, #tpu.memory_space<vmem>>, vector<128x128xf32>
    %dot_general3A_51 = arith.constant dense<0.000000e+00> : vector<2000x128xf32>
    %dot_general3A_52 = tpu.matmul %get3A_29, %get3A_50, %dot_general3A_51 {dimension_numbers = #tpu.dot_dimension_numbers<[1], [0], [0], [1], [0, 0, 1, 1], [], []>, precision = #tpu.contract_precision<fp32>, transpose_lhs_hint = false} : vector<2000x128xf32>, vector<128x128xf32>, vector<2000x128xf32> -> vector<2000x128xf32>
    %get3A_53 = arith.constant 0 : index
    %get3A_54 = arith.constant 0 : index
    %get3A_55 = vector.load %arg10[%get3A_53, %get3A_54] : memref<128x128xf32, #tpu.memory_space<vmem>>, vector<128x128xf32>
    %dot_general3A_56 = arith.constant dense<0.000000e+00> : vector<2000x128xf32>
    %dot_general3A_57 = tpu.matmul %max3A_26, %get3A_55, %dot_general3A_56 {dimension_numbers = #tpu.dot_dimension_numbers<[1], [0], [0], [1], [0, 0, 1, 1], [], []>, precision = #tpu.contract_precision<fp32>, transpose_lhs_hint = false} : vector<2000x128xf32>, vector<128x128xf32>, vector<2000x128xf32> -> vector<2000x128xf32>
    %add3A_58 = arith.addf %dot_general3A_52, %dot_general3A_57 : vector<2000x128xf32>
    %get3A_59 = arith.constant 0 : index
    %get3A_60 = arith.constant 0 : index
    %get3A_61 = vector.load %arg11[%get3A_59, %get3A_60] : memref<1x128xf32, #tpu.memory_space<vmem>>, vector<1x128xf32>
    %add3A_62 = vector.broadcast %get3A_61 : vector<1x128xf32> to vector<2000x128xf32>
    %add3A_63 = arith.addf %add3A_58, %add3A_62 : vector<2000x128xf32>
    %swap3A_64 = arith.constant 0 : index
    %swap3A_65 = arith.constant 0 : index
    %swap3A_66 = vector.load %arg16[%swap3A_64, %swap3A_65] : memref<2000x128xf32, #tpu.memory_space<vmem>>, vector<2000x128xf32>
    tpu.vector_store %arg16[%swap3A_64, %swap3A_65], %add3A_63 {strides = array<i32>} : memref<2000x128xf32, #tpu.memory_space<vmem>>, vector<2000x128xf32>,
    %get3A_67 = arith.constant 0 : index
    %get3A_68 = arith.constant 0 : index
    %get3A_69 = vector.load %arg12[%get3A_67, %get3A_68] : memref<128x128xf32, #tpu.memory_space<vmem>>, vector<128x128xf32>
    %dot_general3A_70 = arith.constant dense<0.000000e+00> : vector<2000x128xf32>
    %dot_general3A_71 = tpu.matmul %get3A_29, %get3A_69, %dot_general3A_70 {dimension_numbers = #tpu.dot_dimension_numbers<[1], [0], [0], [1], [0, 0, 1, 1], [], []>, precision = #tpu.contract_precision<fp32>, transpose_lhs_hint = false} : vector<2000x128xf32>, vector<128x128xf32>, vector<2000x128xf32> -> vector<2000x128xf32>
    %get3A_72 = arith.constant 0 : index
    %get3A_73 = arith.constant 0 : index
    %get3A_74 = vector.load %arg13[%get3A_72, %get3A_73] : memref<128x128xf32, #tpu.memory_space<vmem>>, vector<128x128xf32>
    %dot_general3A_75 = arith.constant dense<0.000000e+00> : vector<2000x128xf32>
    %dot_general3A_76 = tpu.matmul %max3A_26, %get3A_74, %dot_general3A_75 {dimension_numbers = #tpu.dot_dimension_numbers<[1], [0], [0], [1], [0, 0, 1, 1], [], []>, precision = #tpu.contract_precision<fp32>, transpose_lhs_hint = false} : vector<2000x128xf32>, vector<128x128xf32>, vector<2000x128xf32> -> vector<2000x128xf32>
    %add3A_77 = arith.addf %dot_general3A_71, %dot_general3A_76 : vector<2000x128xf32>
    %get3A_78 = arith.constant 0 : index
    %get3A_79 = arith.constant 0 : index
    %get3A_80 = vector.load %arg14[%get3A_78, %get3A_79] : memref<1x128xf32, #tpu.memory_space<vmem>>, vector<1x128xf32>
    %add3A_81 = vector.broadcast %get3A_80 : vector<1x128xf32> to vector<2000x128xf32>
    %add3A_82 = arith.addf %add3A_77, %add3A_81 : vector<2000x128xf32>
    %swap3A_83 = arith.constant 0 : index
    %swap3A_84 = arith.constant 0 : index
    %swap3A_85 = vector.load %arg17[%swap3A_83, %swap3A_84] : memref<2000x128xf32, #tpu.memory_space<vmem>>, vector<2000x128xf32>
    tpu.vector_store %arg17[%swap3A_83, %swap3A_84], %add3A_82 {strides = array<i32>} : memref<2000x128xf32, #tpu.memory_space<vmem>>, vector<2000x128xf32>,
    return
  }
  func.func @transform_0(%arg0: i32) -> (i32, i32, i32) {
    %c0_i32 = arith.constant 0 : i32
    %c0_i32_0 = arith.constant 0 : i32
    %c0_i32_1 = arith.constant 0 : i32
    return %c0_i32, %arg0, %c0_i32_0 : i32, i32, i32
  }
  func.func @transform_1(%arg0: i32) -> (i32, i32) {
    %c0_i32 = arith.constant 0 : i32
    %c0_i32_0 = arith.constant 0 : i32
    return %arg0, %c0_i32 : i32, i32
  }
  func.func @transform_2(%arg0: i32) -> (i32, i32) {
    %c0_i32 = arith.constant 0 : i32
    %c0_i32_0 = arith.constant 0 : i32
    return %arg0, %c0_i32 : i32, i32
  }
  func.func @transform_3(%arg0: i32) -> (i32, i32) {
    %c0_i32 = arith.constant 0 : i32
    %c0_i32_0 = arith.constant 0 : i32
    %c0_i32_1 = arith.constant 0 : i32
    return %c0_i32, %c0_i32_0 : i32, i32
  }
  func.func @transform_4(%arg0: i32) -> (i32, i32) {
    %c0_i32 = arith.constant 0 : i32
    %c0_i32_0 = arith.constant 0 : i32
    %c0_i32_1 = arith.constant 0 : i32
    return %c0_i32, %c0_i32_0 : i32, i32
  }
  func.func @transform_5(%arg0: i32) -> (i32, i32) {
    %c0_i32 = arith.constant 0 : i32
    %c0_i32_0 = arith.constant 0 : i32
    %c0_i32_1 = arith.constant 0 : i32
    return %c0_i32, %c0_i32_0 : i32, i32
  }
  func.func @transform_6(%arg0: i32) -> (i32, i32) {
    %c0_i32 = arith.constant 0 : i32
    %c0_i32_0 = arith.constant 0 : i32
    %c0_i32_1 = arith.constant 0 : i32
    return %c0_i32, %c0_i32_0 : i32, i32
  }
  func.func @transform_7(%arg0: i32) -> (i32, i32) {
    %c0_i32 = arith.constant 0 : i32
    %c0_i32_0 = arith.constant 0 : i32
    %c0_i32_1 = arith.constant 0 : i32
    return %c0_i32, %c0_i32_0 : i32, i32
  }
  func.func @transform_8(%arg0: i32) -> (i32, i32) {
    %c0_i32 = arith.constant 0 : i32
    %c0_i32_0 = arith.constant 0 : i32
    %c0_i32_1 = arith.constant 0 : i32
    return %c0_i32, %c0_i32_0 : i32, i32
  }
  func.func @transform_9(%arg0: i32) -> (i32, i32) {
    %c0_i32 = arith.constant 0 : i32
    %c0_i32_0 = arith.constant 0 : i32
    %c0_i32_1 = arith.constant 0 : i32
    return %c0_i32, %c0_i32_0 : i32, i32
  }
  func.func @transform_10(%arg0: i32) -> (i32, i32) {
    %c0_i32 = arith.constant 0 : i32
    %c0_i32_0 = arith.constant 0 : i32
    %c0_i32_1 = arith.constant 0 : i32
    return %c0_i32, %c0_i32_0 : i32, i32
  }
  func.func @transform_11(%arg0: i32) -> (i32, i32) {
    %c0_i32 = arith.constant 0 : i32
    %c0_i32_0 = arith.constant 0 : i32
    %c0_i32_1 = arith.constant 0 : i32
    return %c0_i32, %c0_i32_0 : i32, i32
  }
  func.func @transform_12(%arg0: i32) -> (i32, i32) {
    %c0_i32 = arith.constant 0 : i32
    %c0_i32_0 = arith.constant 0 : i32
    %c0_i32_1 = arith.constant 0 : i32
    return %c0_i32, %c0_i32_0 : i32, i32
  }
  func.func @transform_13(%arg0: i32) -> (i32, i32) {
    %c0_i32 = arith.constant 0 : i32
    %c0_i32_0 = arith.constant 0 : i32
    %c0_i32_1 = arith.constant 0 : i32
    return %c0_i32, %c0_i32_0 : i32, i32
  }
  func.func @transform_14(%arg0: i32) -> (i32, i32) {
    %c0_i32 = arith.constant 0 : i32
    %c0_i32_0 = arith.constant 0 : i32
    return %arg0, %c0_i32 : i32, i32
  }
  func.func @transform_15(%arg0: i32) -> (i32, i32) {
    %c0_i32 = arith.constant 0 : i32
    %c0_i32_0 = arith.constant 0 : i32
    return %arg0, %c0_i32 : i32, i32
  }
  func.func @transform_16(%arg0: i32) -> (i32, i32) {
    %c0_i32 = arith.constant 0 : i32
    %c0_i32_0 = arith.constant 0 : i32
    return %arg0, %c0_i32 : i32, i32
  }
}

module attributes {stable_mosaic.version = 14 : i64} {
  func.func @_final_body(%arg0: i32, %arg1: memref<2x2000x144xf32, #tpu.memory_space<vmem>>, %arg2: memref<2000x128xf32, #tpu.memory_space<vmem>>, %arg3: memref<144x128xf32, #tpu.memory_space<vmem>>, %arg4: memref<144x128xf32, #tpu.memory_space<vmem>>, %arg5: memref<2000x128xf32, #tpu.memory_space<vmem>>) attributes {dimension_semantics = [#tpu.dimension_semantics<arbitrary>], iteration_bounds = array<i64: 5>, scalar_prefetch = 0 : i64, scratch_operands = 0 : i64, tpu.core_type = #tpu.core_type<tc>, window_params = [{transform_indices = @transform_0, window_bounds = array<i64: 2, 2000, 144>}, {transform_indices = @transform_1, window_bounds = array<i64: 2000, 128>}, {pipeline_mode = #tpu.pipeline_mode<synchronous>, transform_indices = @transform_2, window_bounds = array<i64: 144, 128>}, {pipeline_mode = #tpu.pipeline_mode<synchronous>, transform_indices = @transform_3, window_bounds = array<i64: 144, 128>}, {transform_indices = @transform_4, window_bounds = array<i64: 2000, 128>}]} {
    %get3A = arith.constant 0 : index
    %get3A_0 = arith.constant 0 : index
    %get3A_1 = arith.constant 0 : index
    %get3A_2 = vector.load %arg1[%get3A, %get3A_0, %get3A_1] : memref<2x2000x144xf32, #tpu.memory_space<vmem>>, vector<1x2000x144xf32>
    %get3A_3 = vector.shape_cast %get3A_2 : vector<1x2000x144xf32> to vector<2000x144xf32>
    %get3A_4 = arith.constant 1 : index
    %get3A_5 = arith.constant 0 : index
    %get3A_6 = arith.constant 0 : index
    %get3A_7 = vector.load %arg1[%get3A_4, %get3A_5, %get3A_6] : memref<2x2000x144xf32, #tpu.memory_space<vmem>>, vector<1x2000x144xf32>
    %get3A_8 = vector.shape_cast %get3A_7 : vector<1x2000x144xf32> to vector<2000x144xf32>
    %add3A = arith.addf %get3A_3, %get3A_8 : vector<2000x144xf32>
    %get3A_9 = arith.constant 0 : index
    %get3A_10 = arith.constant 0 : index
    %get3A_11 = vector.load %arg3[%get3A_9, %get3A_10] : memref<144x128xf32, #tpu.memory_space<vmem>>, vector<144x128xf32>
    %dot_general3A = arith.constant dense<0.000000e+00> : vector<2000x128xf32>
    %dot_general3A_12 = tpu.matmul %add3A, %get3A_11, %dot_general3A {dimension_numbers = #tpu.dot_dimension_numbers<[1], [0], [0], [1], [0, 0, 1, 1], [], []>, precision = #tpu.contract_precision<fp32>, transpose_lhs_hint = false} : vector<2000x144xf32>, vector<144x128xf32>, vector<2000x128xf32> -> vector<2000x128xf32>
    %get3A_13 = arith.constant 0 : index
    %get3A_14 = arith.constant 0 : index
    %get3A_15 = vector.load %arg4[%get3A_13, %get3A_14] : memref<144x128xf32, #tpu.memory_space<vmem>>, vector<144x128xf32>
    %dot_general3A_16 = arith.constant dense<0.000000e+00> : vector<2000x128xf32>
    %dot_general3A_17 = tpu.matmul %add3A, %get3A_15, %dot_general3A_16 {dimension_numbers = #tpu.dot_dimension_numbers<[1], [0], [0], [1], [0, 0, 1, 1], [], []>, precision = #tpu.contract_precision<fp32>, transpose_lhs_hint = false} : vector<2000x144xf32>, vector<144x128xf32>, vector<2000x128xf32> -> vector<2000x128xf32>
    %max3A = arith.constant 1.000000e-30 : f32
    %max3A_18 = vector.broadcast %max3A : f32 to vector<2000x128xf32>
    %max3A_19 = arith.maximumf %dot_general3A_12, %max3A_18 : vector<2000x128xf32>
    %div3A = arith.divf %dot_general3A_17, %max3A_19 : vector<2000x128xf32>
    %get3A_20 = arith.constant 0 : index
    %get3A_21 = arith.constant 0 : index
    %get3A_22 = vector.load %arg2[%get3A_20, %get3A_21] : memref<2000x128xf32, #tpu.memory_space<vmem>>, vector<2000x128xf32>
    %add3A_23 = arith.addf %div3A, %get3A_22 : vector<2000x128xf32>
    %max3A_24 = arith.constant 0.000000e+00 : f32
    %max3A_25 = vector.broadcast %max3A_24 : f32 to vector<2000x128xf32>
    %max3A_26 = arith.maximumf %add3A_23, %max3A_25 : vector<2000x128xf32>
    %swap3A = arith.constant 0 : index
    %swap3A_27 = arith.constant 0 : index
    %swap3A_28 = vector.load %arg5[%swap3A, %swap3A_27] : memref<2000x128xf32, #tpu.memory_space<vmem>>, vector<2000x128xf32>
    tpu.vector_store %arg5[%swap3A, %swap3A_27], %max3A_26 {strides = array<i32>} : memref<2000x128xf32, #tpu.memory_space<vmem>>, vector<2000x128xf32>,
    return
  }
  func.func @transform_0(%arg0: i32) -> (i32, i32, i32) {
    %c0_i32 = arith.constant 0 : i32
    %c0_i32_0 = arith.constant 0 : i32
    %c0_i32_1 = arith.constant 0 : i32
    return %c0_i32, %arg0, %c0_i32_0 : i32, i32, i32
  }
  func.func @transform_1(%arg0: i32) -> (i32, i32) {
    %c0_i32 = arith.constant 0 : i32
    %c0_i32_0 = arith.constant 0 : i32
    return %arg0, %c0_i32 : i32, i32
  }
  func.func @transform_2(%arg0: i32) -> (i32, i32) {
    %c0_i32 = arith.constant 0 : i32
    %c0_i32_0 = arith.constant 0 : i32
    %c0_i32_1 = arith.constant 0 : i32
    return %c0_i32, %c0_i32_0 : i32, i32
  }
  func.func @transform_3(%arg0: i32) -> (i32, i32) {
    %c0_i32 = arith.constant 0 : i32
    %c0_i32_0 = arith.constant 0 : i32
    %c0_i32_1 = arith.constant 0 : i32
    return %c0_i32, %c0_i32_0 : i32, i32
  }
  func.func @transform_4(%arg0: i32) -> (i32, i32) {
    %c0_i32 = arith.constant 0 : i32
    %c0_i32_0 = arith.constant 0 : i32
    return %arg0, %c0_i32 : i32, i32
  }
}

</mosaic_0001>

<sc_bundles>
// kernel: kernel.11.cloned.1.call-start
scs
__scs_entry_jumppad:
0x0: {  	(pc) =	sbr.rel $0x88, $3  }
0x1: {  	(tag) =	ssettag $0x0;
	lr =	simm.s32 $0x1  }
0x2: {  	[smem:$0x3F92] =	sst lr;
	_ =	strace $0xD0000000  }
0x3: {  	_ = 	snop  }
0x4: {  	_ = 	snop  }
0x5: {  	_ = 	snop  }
0x6: {  	_ = 	snop  }
0x7: {  	_ = 	snop  }
__scs_overlays_trampoline_lowered:
0x8: {  	[smem:$0x3FA1] =	sst s0  }
0x9: {  	[smem:$0x3FA2] =	sst s1  }
0xa: {  	[smem:$0x3FA3] =	sst s2  }
0xb: {  	[smem:$0x3FA4] =	sst s3  }
0xc: {  	[smem:$0x3FA5] =	sst s4  }
0xd: {  	[smem:$0x3FA6] =	sst s5  }
0xe: {  	[smem:$0x3FA7] =	sst s6  }
0xf: {  	[smem:$0x3FA8] =	sst s7  }
0x10: {  	[smem:$0x3FA9] =	sst s8  }
0x11: {  	[smem:$0x3FAA] =	sst s9;
	s0 =	simm.s32 @!p0 $0x0  }
0x12: {  	s1 =	sld [smem:$0x3F90];
	s0 =	simm.s32 @p0 $0x1  }
0x13: {  	[smem:$0x3FAB] =	sst s0;
	s0 =	simm.s32 @!p1 $0x0  }
0x14: {  	s2 =	sld [smem:$0x3F8F];
	s0 =	simm.s32 @p1 $0x1  }
0x15: {  	[smem:$0x3FAC] =	sst s0;
	s0 =	simm.s32 @!p2 $0x0  }
0x16: {  	s3 =	sld [smem:$0x3FDB];
	s0 =	simm.s32 @p2 $0x1  }
0x17: {  	s4 =	simm.s32 $0x1BF5;
	[smem:$0x3FAE] =	sst s0  }
0x18: {  	s0 =	sld [smem:$0x3F91];
	_ =	swait.ge [sflag:s4], $0x0  }
0x19: {  	s7 =	sld [smem:$0x3F92]  }
0x1a: {  	s8 =	sadd.s32 $0xFFFFE003, lr  }
0x1b: {  	s9 =	sadd.s32 $0xFFFFFEF7, lr;
	s5 =	simm.s32 $0xFFFFFFFF;
	p2 =	slt.u32 s8, $0xFFFFF086  }
0x1c: {  	p1 =	slt.u32 s9, $0xF7A;
	s5 =	simm.s32 @!p2 $0x0  }
0x1d: {  	s5 =	simm.s32 @p1 $0x1;
	p0 =	seq.s32 s7, s2  }
0x1e: {  	s7 =	smul.u32 @!p0 $0xF7A, s2;
	p2 =	seq.s32 @!p0 s5, $0x0  }
0x1f: {  	s9 =	smul.u32 $0xF7A, s1;
	s8 =	simm.s32 @!p0 $0x1BF5;
	p2 =	por !p2, p0  }
0x20: {  	[sflag:s8] =	ssyncset.s32 @!p0 $0xFFFFF086;
	s6 =	sadd.s32 @!p0 s3, s7;
	s7 =	simm.s32 @!p0 $0x108  }
0x21: {  	s3 =	sadd.s32 s3, s9;
	s6 =	sadd.s32 @!p0 $0x88, s6;
	s7 =	simm.s32 @p2 $0x1082  }
0x22: {  	[simem:s7], [sflag:s8] =	dma.local @!p0 [hbm:s6], $0xF7A  }
0x23: {  	s9 =	sor.u32 $0xD0000000, s2;
	s6 =	simm.s32 $0x108;
	_ =	swait.ge @!p0 [sflag:s8], $0x0  }
0x24: {  	s3 =	sadd.s32 $0x88, s3;
	s6 =	simm.s32 @!p1 $0x1082;
	[sflag:s4] =	ssyncset.s32 $0xFFFFF086  }
0x25: {  	[simem:s6], [sflag:s4] =	dma.local [hbm:s3], $0xF7A  }
0x26: {  	[smem:$0x3F92] =	sst s1;
	(tag) =	ssettag s2;
	_ =	strace s9  }
0x27: {  	s1 =	sld [smem:$0x3FA2]  }
0x28: {  	s2 =	sld [smem:$0x3FA3]  }
0x29: {  	s4 =	sld [smem:$0x3FA5]  }
0x2a: {  	p0 =	seq.s32 s5, $0x0;
	s5 =	sld [smem:$0x3FA6]  }
0x2b: {  	s6 =	sld [smem:$0x3FA7]  }
0x2c: {  	s7 =	sld [smem:$0x3FA8]  }
0x2d: {  	s3 =	simm.s32 $0x108;
	s8 =	sld [smem:$0x3FA9]  }
0x2e: {  	s3 =	simm.s32 @!p0 $0x1082;
	s9 =	sld [smem:$0x3FAA]  }
0x2f: {  	lr =	sadd.s32 s0, s3;
	s0 =	sld [smem:$0x3FA1]  }
0x30: {  	s3 =	sld [smem:$0x3FA4]  }
0x31: {  	[smem:$0x3FAD] =	sst s10  }
0x32: {  	s10 =	sld [smem:$0x3FAB];
	_ =	sdelay $0x3  }
0x33: {  	p0 =	seq.s32 s10, $0x1;
	s10 =	sld [smem:$0x3FAD];
	_ =	sdelay $0x3  }
0x34: {  	[smem:$0x3FAD] =	sst s10  }
0x35: {  	s10 =	sld [smem:$0x3FAC];
	_ =	sdelay $0x3  }
0x36: {  	p1 =	seq.s32 s10, $0x1;
	s10 =	sld [smem:$0x3FAD];
	_ =	sdelay $0x3  }
0x37: {  	[smem:$0x3FAD] =	sst s10  }
0x38: {  	s10 =	sld [smem:$0x3FAE]  }
0x39: {  	_ = 	snop;
	(pc) =	sbr.ind lr, $3  }
0x3a: {  	_ = 	snop  }
0x3b: {  	_ = 	snop  }
0x3c: {  	p2 =	seq.s32 s10, $0x1;
	s10 =	sld [smem:$0x3FAD]  }
0x3d: {  	_ =	shalt  }
0x3e: {  	_ =	shalt  }
0x3f: {  	_ =	shalt  }
0x40: {  	_ =	shalt  }
0x41: {  	_ =	shalt  }
0x42: {  	_ =	shalt  }
0x43: {  	_ =	shalt  }
0x44: {  	_ =	shalt  }
0x45: {  	_ =	shalt  }
0x46: {  	_ =	shalt  }
0x47: {  	_ =	shalt  }
0x48: {  	_ =	shalt  }
0x49: {  	_ =	shalt  }
0x4a: {  	_ =	shalt  }
0x4b: {  	_ =	shalt  }
0x4c: {  	_ =	shalt  }
0x4d: {  	_ =	shalt  }
0x4e: {  	_ =	shalt  }
0x4f: {  	_ =	shalt  }
0x50: {  	_ =	shalt  }
0x51: {  	_ =	shalt  }
0x52: {  	_ =	shalt  }
0x53: {  	_ =	shalt  }
0x54: {  	_ =	shalt  }
0x55: {  	_ =	shalt  }
0x56: {  	_ =	shalt  }
0x57: {  	_ =	shalt  }
0x58: {  	_ =	shalt  }
0x59: {  	_ =	shalt  }
0x5a: {  	_ =	shalt  }
0x5b: {  	_ =	shalt  }
0x5c: {  	_ =	shalt  }
0x5d: {  	_ =	shalt  }
0x5e: {  	_ =	shalt  }
0x5f: {  	_ =	shalt  }
0x60: {  	_ =	shalt  }
0x61: {  	_ =	shalt  }
0x62: {  	_ =	shalt  }
0x63: {  	_ =	shalt  }
0x64: {  	_ =	shalt  }
0x65: {  	_ =	shalt  }
0x66: {  	_ =	shalt  }
0x67: {  	_ =	shalt  }
0x68: {  	_ =	shalt  }
0x69: {  	_ =	shalt  }
0x6a: {  	_ =	shalt  }
0x6b: {  	_ =	shalt  }
0x6c: {  	_ =	shalt  }
0x6d: {  	_ =	shalt  }
0x6e: {  	_ =	shalt  }
0x6f: {  	_ =	shalt  }
0x70: {  	_ =	shalt  }
0x71: {  	_ =	shalt  }
0x72: {  	_ =	shalt  }
0x73: {  	_ =	shalt  }
0x74: {  	_ =	shalt  }
0x75: {  	_ =	shalt  }
0x76: {  	_ =	shalt  }
0x77: {  	_ =	shalt  }
0x78: {  	_ =	shalt  }
0x79: {  	_ =	shalt  }
0x7a: {  	_ =	shalt  }
0x7b: {  	_ =	shalt  }
0x7c: {  	_ =	shalt  }
0x7d: {  	_ =	shalt  }
0x7e: {  	_ =	shalt  }
0x7f: {  	_ =	shalt  }
0x80: {  	_ =	shalt  }
0x81: {  	_ =	shalt  }
0x82: {  	_ =	shalt  }
0x83: {  	_ =	shalt  }
0x84: {  	_ =	shalt  }
0x85: {  	_ =	shalt  }
0x86: {  	_ =	shalt  }
0x87: {  	_ =	shalt  }
.Lfunc_end0:
.L_simem_size_0:
called_computation.1_lowered:
.L_overlay_start_0:
0x88: {  	s2 =	sld [smem:$0x3FD9]  }
0x89: {  	s3 =	sld [smem:$0x3FFE];
	_ =	sdelay $0x1  }
0x8a: {  	s1 =	srdreg.scid  }
0x8b: {  	s0 =	sand.u32 $0x1, s1  }
0x8c: {  	s17 =	sshll.u32 s0, $0xA;
	s2 =	sadd.s32 s3, s2  }
0x8d: {  	s2 =	sadd.s32 s2, s17  }
0x8e: {  	[smem:$0x3FB9] =	sst s2  }
0x8f: {  	_ = 	snop  }
0x90: {  	s2 =	sld [smem:$0x3FD0];
	(tm) =	ssettm $0x1  }
0x91: {  	s18 =	sld [smem:$0x3FFB];
	_ =	sdelay $0x3  }
0x92: {  	_ =	strace s18  }
0x93: {  	s3 =	sld [smem:$0x3FFC];
	_ =	sdelay $0x3  }
0x94: {  	_ =	strace s3  }
0x95: {  	s3 =	sld [smem:$0x3FFD];
	_ =	sdelay $0x3  }
0x96: {  	_ =	strace s3  }
0x97: {  	_ =	strace $0x8FFFFFFF  }
0x98: {  	s19 =	sld [smem:$0x3FDB];
	_ =	sdelay $0x1  }
0x99: {  	s4 =	simm.s32 $_scs_section_size  }
0x9a: {  	s5 =	simm.s32 $_size__tile_overlayer_lowered;
	s6 =	simm.s32 $_tile_overlayer_lowered  }
0x9b: {  	s22 =	simm.s32 $0x1BFF;
	s21 =	sshll.u32 s6, $0x1;
	s3 =	sadd.s32 s4, s19  }
0x9c: {  	s7 =	simm.s32 $0x0;
	s20 =	sshll.u32 s5, $0x1;
	s5 =	sadd.s32 s21, s3  }
0x9d: {  	[timem:s7], [sflag:s22] =	dma.local [hbm:s5], s20  }
0x9e: {  	_ =	swait.ge [sflag:s22], s20  }
0x9f: {  	s4 =	ssub.s32 $0x0, s20;
	[sflag:s22] =	ssyncset.done $0x0  }
0xa0: {  	[sflag:s22] =	ssyncadd.s32 s4;
	_ =	sdelay $0x1  }
0xa1: {  	s23 =	simm.s32 $0x1B8B  }
0xa2: {  	_ =	swait.ge [sflag:s23], $0x1  }
0xa3: {  	[sflag:s23] =	ssyncset.done $0x0  }
0xa4: {  	s25 =	simm.s32 $0x1B8E;
	s24 =	sld [smem:$0x3FFE];
	[sflag:s23] =	ssyncadd.s32 $0xFFFFFFFF  }
0xa5: {  	s26 =	simm.s32 $execute0_lowered;
	[smem:$0x3FD2] =	sst s25  }
0xa6: {  	s5 =	sshll.u32 s26, $0x1;
	_ =	strace $0x80000049;
	[dreg:$0x1] =	wrdreg $0xFFFFFFFF  }
0xa7: {  	s28 =	simm.s32 $_size_execute0_lowered;
	s3 =	sadd.s32 s3, s5;
	[dreg:$0x0] =	wrdreg $0x0  }
0xa8: {  	s5 =	sshll.u32 s28, $0x1;
	[dreg:$0x2] =	wrdreg s3  }
0xa9: {  	[dreg:$0x3] =	wrdreg s5  }
0xaa: {  	[dreg:$0x4] =	wrdreg $0xC0  }
0xab: {  	_ =	task [dreg:s7], $0x5FFFF  }
0xac: {  	[dreg:$0x1] =	wrdreg $0xFFFFFFFF  }
0xad: {  	[dreg:$0x0] =	wrdreg $0x60  }
0xae: {  	[dreg:$0x2] =	wrdreg s24  }
0xaf: {  	[dreg:$0x3] =	wrdreg s2  }
0xb0: {  	[dreg:$0x4] =	wrdreg $0x64A00  }
0xb1: {  	[dreg:$0x5] =	wrdreg $0x9  }
0xb2: {  	_ =	task.clear_ibuf [dreg:s7], $0x6FFFF;
	_ =	strace $0x90000049  }
0xb3: {  	s29 =	simm.s32 $0x9;
	_ =	strace $0x8000004B  }
0xb4: {  	_ =	swait.ge [sflag:s29], $0x1  }
0xb5: {  	[sflag:s29] =	ssyncadd.s32 $0xFFFFFFFF  }
0xb6: {  	_ =	strace $0x9000004B  }
0xb7: {  	_ =	sfence  }
0xb8: {  	s30 =	sld [smem:$0x0];
	_ =	sdelay $0x2  }
0xb9: {  	s31 =	sshll.u32 s1, $0xD;
	s1 =	sshrl.u32 s1, $0x2  }
0xba: {  	s3 =	sand.u32 $0x4000, s31;
	s1 =	sadd.s32 s1, s30  }
0xbb: {  	s0 =	sor.u32 s3, s0;
	s1 =	sshll.u32 s1, $0x11  }
0xbc: {  	s0 =	sor.u32 s1, s0  }
0xbd: {  	s0 =	sadd.s32 $0x8F2B, s0  }
0xbe: {  	[sflag:s0] =	ssyncadd.remote.s32 $0x1  }
0xbf: {  	_ =	sfence.sel $0xFFFF  }
0xc0: {  	[dreg:$0x0] =	wrdreg $0xFFFFFFFF;
	(pc) =	sbr.abs _section_cstart, $3  }
0xc1: {  	[dreg:$0x1] =	wrdreg $0xFFFFFFFF  }
0xc2: {  	_ =	task.clear_ibuf [dreg:s7], $0x2FFFF;
	_ =	strace $0x9FFFFFFF  }
0xc3: {  	(tm) =	ssettm $0x7FFFFFFF  }
tec
execute0_lowered:
.L_overlay_start_1:
0x0: {  	(tag) =	ssettag $0x1  }
0x1: {  	s0 =	rddreg [dreg:$0x0]  }
0x2: {  	s1 =	rddreg [dreg:$0x1]  }
0x3: {  	s2 =	rddreg [dreg:$0x2];
	s14 =	simm.s32 $0x0;
	s3 =	srdreg.scid  }
0x4: {  	s13 =	stileid.u32;
	s15 =	simm.s32 $0x7;
	s16 =	simm.s32 $0xA  }
0x5: {  	[smem:$0x7FF] =	sst s14;
	s8 =	smul.u32 $0x1680, s13;
	s6 =	sadd.s32 $0x141800, s0  }
0x6: {  	s3 =	sand.u32 $0x1, s3;
	s7 =	sadd.s32 $0x137A00, s0;
	s26 =	smul.u32 $0x5A00, s13  }
0x7: {  	s5 =	sadd.s32 $0x3800, s0;
	s11 =	ssub.s32 $0x109, s13;
	s4 =	smul.u32 $0x15F900, s3  }
0x8: {  	_ =	strace $0x8000004A;
	s9 =	sshll.u32 s3, $0x4;
	s3 =	ssub.s32 $0x2, s3  }
0x9: {  	s28 =	sshrl.u32 s11, $0x4;
	s9 =	sor.u32 s13, s9;
	s19 =	sshrl.u32 s3, $0x1  }
0xa: {  	s31 =	sshrl.u32 s26, $0x2;
	s26 =	simm.s32 $0x9;
	[dreg:$0x5] =	wrdreg s28  }
0xb: {  	s4 =	sadd.s32 s8, s4;
	s10 =	smul.u32 $0x2710, s9;
	s8 =	sadd.s32 $0x9B600, s0  }
0xc: {  	s9 =	smul.u32 $0x4E20, s9;
	s3 =	ssub.s32 s3, s19;
	s29 =	sadd.s32 s31, s2  }
0xd: {  	s19 =	simm.s32 $0x6;
	s4 =	sshrl.u32 s4, $0x3;
	s3 =	smax.u32 s3, $0x1  }
0xe: {  	[dreg:$0xf] =	wrdreg s29;
	s0 =	sadd.s32 s4, s0;
	s12 =	sshrl.u32 s10, $0x3  }
0xf: {  	s22 =	sadd.s32 s8, s9;
	s23 =	sadd.s32 $0x26E8, s10;
	[dreg:$0xe] =	wrdreg s3  }
0x10: {  	s24 =	sadd.s32 $0x28, s10;
	s10 =	sadd.s32 $0x50, s10;
	[dreg:$0x8] =	wrdreg s22  }
0x11: {  	s3 =	simm.s32 $0x3;
	s20 =	sadd.s32 s6, s12;
	[dreg:$0x9] =	wrdreg s24  }
0x12: {  	s21 =	sadd.s32 s7, s12;
	s25 =	sshrl.u32 s23, $0x3;
	[dreg:$0xa] =	wrdreg s10  }
0x13: {  	v0 =	vimm.s32 $0xFEDCBA98;
	s4 =	sshll.u32 s23, $0x1;
	s0 =	sadd.s32 $0x8800, s0;
	s22 =	simm.s32 $0xB  }
0x14: {  	v1 =	vimm.s32 $0x76543210;
	v0 =	vunpack.c.l.s4.s8 v0;
	s23 =	simm.s32 $0x50;
	s24 =	simm.s32 $0x28;
	[dreg:$0x6] =	wrdreg s20  }
0x15: {  	v3 =	vimm.s32 $0x1;
	v1 =	vunpack.c.l.s4.s8 v1;
	s12 =	simm.s32 $0x5;
	[dreg:$0x7] =	wrdreg s21;
	s30 =	sadd.s32 s6, s25  }
0x16: {  	v4 =	vimm.s32 $0x2;
	v5 =	vimm.s32 $0x3;
	v2 =	vunpack.c.0.s8.s32 v0;
	s9 =	sadd.s32 s7, s25;
	s4 =	sadd.s32 s8, s4;
	[dreg:$0x10] =	wrdreg s0  }
0x17: {  	v6 =	vimm.s32 $0x4;
	v7 =	vimm.s32 $0x5;
	v1 =	vunpack.c.0.s8.s32 v1;
	s21 =	simm.s32 $0x32A0;
	s25 =	simm.s32 $0x78;
	[dreg:$0xb] =	wrdreg s30  }
0x18: {  	v8 =	vimm.s32 $0x6;
	v9 =	vimm.s32 $0x7;
	v2 =	vand.u32 $0xF, v2;
	s0 =	simm.s32 $0x1;
	s20 =	simm.s32 $0x2;
	[dreg:$0xc] =	wrdreg s9  }
0x19: {  	v0 =	vimm.f32 $0.0e+00;
	v1 =	vcombine.low v2, v1;
	v2 =	vimm.s32 $0x0;
	[dreg:$0xd] =	wrdreg s4;
	s9 =	simm.s32 $0x4;
	s4 =	simm.s32 $0x8  }
.LBB2_1:
0x1a: {  	s10 =	simm.s32 $0x80;
	s11 =	simm.s32 $0x440  }
.LBB2_2:
0x1b: {  	p0 =	sne.s32 s11, $0x59C0;
	[tilespmem:s10+$0x4920] =	vst v0  }
0x1c: {  	[tilespmem:s10+$0x3220] =	vst v0  }
0x1d: {  	[tilespmem:s10+$0x3230] =	vst v0  }
0x1e: {  	[tilespmem:s10+$0x3240] =	vst v0  }
0x1f: {  	[tilespmem:s10+$0x3250] =	vst v0  }
0x20: {  	[tilespmem:s10+$0x3260] =	vst v0  }
0x21: {  	[tilespmem:s10+$0x3270] =	vst v0  }
0x22: {  	[tilespmem:s10+$0x3280] =	vst v0  }
0x23: {  	[tilespmem:s10+$0x3290] =	vst v0  }
0x24: {  	[tilespmem:s10+$0x32A0] =	vst v0  }
0x25: {  	[tilespmem:s10+$0x48A0] =	vst v0  }
0x26: {  	[tilespmem:s10+$0x48B0] =	vst v0  }
0x27: {  	[tilespmem:s10+$0x48C0] =	vst v0  }
.Ltmp0:
0x28: {  	[tilespmem:s10+$0x48D0] =	vst v0;
	(pc) =	sbr.rel @p0 .LBB2_2-.Ltmp0, $4  }
0x29: {  	[tilespmem:s10+$0x48E0] =	vst v0  }
0x2a: {  	[tilespmem:s10+$0x48F0] =	vst v0  }
0x2b: {  	[tilespmem:s10+$0x4900] =	vst v0  }
0x2c: {  	[tilespmem:s10+$0x4910] =	vst v0;
	s10 =	sshra.s32 s11, $0x2;
	s11 =	sadd.s32 $0x240, s11  }
0x2d: {  	[tilespmem:s10+$0x4920] =	vst v0  }
0x2e: {  	[tilespmem:s10+$0x3220] =	vst v0  }
0x2f: {  	[tilespmem:s10+$0x3230] =	vst v0  }
0x30: {  	[tilespmem:s10+$0x3240] =	vst v0  }
0x31: {  	[tilespmem:s10+$0x3250] =	vst v0  }
0x32: {  	[tilespmem:s10+$0x3260] =	vst v0  }
0x33: {  	[tilespmem:s10+$0x3270] =	vst v0  }
0x34: {  	[tilespmem:s10+$0x3280] =	vst v0  }
0x35: {  	[tilespmem:s10+$0x3290] =	vst v0  }
0x36: {  	[tilespmem:s10+$0x32A0] =	vst v0  }
0x37: {  	[tilespmem:s10+$0x48A0] =	vst v0  }
0x38: {  	[tilespmem:s10+$0x48B0] =	vst v0  }
0x39: {  	[tilespmem:s10+$0x48C0] =	vst v0  }
0x3a: {  	[tilespmem:s10+$0x48D0] =	vst v0  }
0x3b: {  	[tilespmem:s10+$0x48E0] =	vst v0  }
0x3c: {  	[tilespmem:s10+$0x48F0] =	vst v0;
	p0 =	sne.s32 s28, $0x1  }
.Ltmp1:
0x3d: {  	[tilespmem:s10+$0x4900] =	vst v0;
	(pc) =	sbr.rel @!p0 .LBB2_5-.Ltmp1, $4  }
0x3e: {  	[tilespmem:s10+$0x4910] =	vst v0  }
0x3f: {  	[spmem:s29] =	stream.linear.scatter [tilespmem:s21], [sflag:$0xB], $0x1680, $0x38;
	[tilespmem:$0x1C430] =	vst v63  }
0x40: {  	_ =	swait.ge [sflag:s22], $0x1680  }
0x41: {  	s10 =	sadd.s32 $0xFFFFFFFF, s28;
	s11 =	smov.u32 s29;
	[sflag:s22] =	ssyncset.done $0x0  }
.LBB2_4:
0x42: {  	p1 =	sne.s32 s10, $0x1;
	[sflag:s22] =	ssyncadd.s32 $0xFFFFE980;
	s11 =	sadd.s32 $0x16800, s11  }
.Ltmp2:
0x43: {  	s10 =	sadd.s32 $0xFFFFFFFF, s10;
	(pc) =	sbr.rel @p1 .LBB2_4-.Ltmp2, $4  }
0x44: {  	_ = 	snop  }
0x45: {  	[spmem:s11] =	stream.linear.scatter [tilespmem:s21], [sflag:$0xB], $0x1680, $0x38;
	[tilespmem:$0x1C430] =	vst v63  }
0x46: {  	_ =	swait.ge [sflag:s22], $0x1680  }
0x47: {  	[sflag:s22] =	ssyncset.done $0x0  }
.LBB2_5:
0x48: {  	[dreg:$0x4] =	wrdreg s14;
	[sflag:s22] =	ssyncadd.s32 $0xFFFFE980  }
0x49: {  	[bflag:$0x0] =	sbarrier.arrive $0xFFFF  }
0x4a: {  	s28 =	simm.s32 $0x0;
	s10 =	rddreg [dreg:$0x6]  }
0x4b: {  	[tilespmem:s28], [sflag:$0xB] =	stream.linear.gather [hbm4b:s10+s28], $0x28, $0x38;
	[tilespmem:$0x1C430] =	vst v63  }
0x4c: {  	_ =	swait.ge [sflag:s22], $0x28  }
0x4d: {  	[sflag:s22] =	ssyncset.done $0x0  }
0x4e: {  	s11 =	rddreg [dreg:$0x7];
	[sflag:s22] =	ssyncadd.s32 $0xFFFFFFD8  }
0x4f: {  	[tilespmem:s23], [sflag:$0xB] =	stream.linear.gather [hbm4b:s11+s28], $0x28, $0x38;
	[tilespmem:$0x1C430] =	vst v63  }
0x50: {  	_ =	swait.ge [sflag:s22], $0x28  }
0x51: {  	[sflag:s22] =	ssyncset.done $0x0  }
0x52: {  	[sflag:s22] =	ssyncadd.s32 $0xFFFFFFD8  }
0x53: {  	[tilespmem:s24], [sflag:$0xB] =	stream.linear.gather [hbm4b:s10+s28], $0x28, $0x38;
	[tilespmem:$0x1C430] =	vst v63  }
0x54: {  	_ =	swait.ge [sflag:s22], $0x28  }
0x55: {  	[sflag:s22] =	ssyncset.done $0x0  }
0x56: {  	[sflag:s22] =	ssyncadd.s32 $0xFFFFFFD8  }
0x57: {  	[tilespmem:s25], [sflag:$0xB] =	stream.linear.gather [hbm4b:s11+s28], $0x28, $0x38;
	[tilespmem:$0x1C430] =	vst v63  }
0x58: {  	_ =	swait.ge [sflag:s22], $0x28  }
0x59: {  	[sflag:s22] =	ssyncset.done $0x0  }
0x5a: {  	s13 =	simm.s32 $0xA0;
	[sflag:s22] =	ssyncadd.s32 $0xFFFFFFD8  }
0x5b: {  	[tilespmem:s13], [sflag:$0x1] =	stream.indirect.gather [hbm4b:s5+s24], $0x10, s28, s24, $0xb8;
	[tilespmem:$0x1C430] =	vst v63  }
0x5c: {  	s14 =	simm.s32 $0x5A0  }
0x5d: {  	[tilespmem:s14], [sflag:$0x3] =	stream.indirect.gather [hbm4b:s5+s24], $0x10, s23, s24, $0xb8;
	[tilespmem:$0x1C430] =	vst v63  }
0x5e: {  	s17 =	simm.s32 $0xAA0  }
0x5f: {  	[tilespmem:s17], [sflag:$0x5] =	stream.indirect.gather [hbm4b:s1+s24], $0x80, s23, s24, $0xb8;
	[tilespmem:$0x1C430] =	vst v63  }
0x60: {  	s30 =	simm.s32 $0x5FA0;
	s18 =	rddreg [dreg:$0x8]  }
0x61: {  	[tilespmem:s30], [sflag:$0x7] =	stream.linear.gather [hbm4b:s18+s28], $0x280, $0x38;
	[tilespmem:$0x1C430] =	vst v63  }
0x62: {  	s31 =	simm.s32 $0x4920;
	s29 =	simm.s32 $0x0  }
0x63: {  	[spmem:s2] =	stream.indirect.scatter.add.f32 [tilespmem:s31], [sflag:$0xA], $0x90, s24, s24, $0xb8;
	[tilespmem:$0x1C430] =	vst v63  }
.LBB2_6:
0x64: {  	_ =	swait.ge [sflag:s0], $0x280  }
0x65: {  	[sflag:s0] =	ssyncset.done $0x0  }
0x66: {  	[sflag:s0] =	ssyncadd.s32 $0xFFFFFD80  }
0x67: {  	_ =	swait.ge [sflag:s3], $0x280  }
0x68: {  	[sflag:s3] =	ssyncset.done $0x0  }
0x69: {  	[sflag:s3] =	ssyncadd.s32 $0xFFFFFD80  }
0x6a: {  	_ =	swait.ge [sflag:s12], $0x1400  }
0x6b: {  	[sflag:s12] =	ssyncset.done $0x0  }
0x6c: {  	[sflag:s12] =	ssyncadd.s32 $0xFFFFEC00  }
0x6d: {  	_ =	swait.ge [sflag:s15], $0x280  }
0x6e: {  	[sflag:s15] =	ssyncset.done $0x0  }
0x6f: {  	[sflag:s15] =	ssyncadd.s32 $0xFFFFFD80  }
0x70: {  	s30 =	smul.u32 $0x50, s29;
	_ =	swait.ge [sflag:s16], $0x1680  }
0x71: {  	s10 =	rddreg [dreg:$0x9]  }
0x72: {  	s10 =	sadd.s32 s30, s10  }
0x73: {  	[sflag:s16] =	ssyncset.done $0x0;
	s11 =	sshrl.u32 s10, $0x3  }
0x74: {  	[sflag:s16] =	ssyncadd.s32 $0xFFFFE980;
	s13 =	sadd.s32 s6, s11  }
0x75: {  	[tilespmem:s24], [sflag:$0xB] =	stream.linear.gather [hbm4b:s13+s28], $0x28, $0x38;
	[tilespmem:$0x1C430] =	vst v63  }
0x76: {  	_ =	swait.ge [sflag:s22], $0x28  }
0x77: {  	[sflag:s22] =	ssyncset.done $0x0  }
0x78: {  	s11 =	sadd.s32 s7, s11;
	[sflag:s22] =	ssyncadd.s32 $0xFFFFFFD8  }
0x79: {  	[tilespmem:s25], [sflag:$0xB] =	stream.linear.gather [hbm4b:s11+s28], $0x28, $0x38;
	[tilespmem:$0x1C430] =	vst v63  }
0x7a: {  	_ =	swait.ge [sflag:s22], $0x28  }
0x7b: {  	[sflag:s22] =	ssyncset.done $0x0  }
0x7c: {  	s18 =	simm.s32 $0x320;
	[sflag:s22] =	ssyncadd.s32 $0xFFFFFFD8  }
0x7d: {  	[tilespmem:s18], [sflag:$0x2] =	stream.indirect.gather [hbm4b:s5+s24], $0x10, s24, s24, $0xb8;
	[tilespmem:$0x1C430] =	vst v63  }
0x7e: {  	s10 =	sshll.u32 s10, $0x1;
	s13 =	simm.s32 $0x820  }
0x7f: {  	[tilespmem:s13], [sflag:$0x4] =	stream.indirect.gather [hbm4b:s5+s24], $0x10, s25, s24, $0xb8;
	[tilespmem:$0x1C430] =	vst v63  }
0x80: {  	s14 =	simm.s32 $0x1EA0;
	s10 =	sand.u32 $0x1FFFFFF0, s10  }
0x81: {  	[tilespmem:s14], [sflag:$0x6] =	stream.indirect.gather [hbm4b:s1+s24], $0x80, s25, s24, $0xb8;
	[tilespmem:$0x1C430] =	vst v63  }
0x82: {  	s17 =	simm.s32 $0x6220;
	s10 =	sadd.s32 s8, s10;
	s18 =	simm.s32 $0x0  }
0x83: {  	[tilespmem:s17], [sflag:$0x8] =	stream.linear.gather [hbm4b:s10+s28], $0x280, $0x38;
	[tilespmem:$0x1C430] =	vst v63  }
0x84: {  	v10 =	vld [tilespmem:s18+$0x5A0];
	_ =	sdelay $0x1  }
0x85: {  	v11 =	vld [tilespmem:s18+$0xA0];
	_ =	sdelay $0x1  }
0x86: {  	v12 =	vld [tilespmem:s18+$0x5FA0]  }
0x87: {  	v10 =	vperm.xlane v10, v1;
	_ =	sdelay $0x1  }
0x88: {  	v10 =	vadd.f32 v10, v11;
	_ =	sdelay $0x1  }
0x89: {  	v10 =	vadd.f32 v12, v10;
	_ =	sdelay $0x1  }
0x8a: {  	v11 =	vmul.f32 $9.999999770e-03, v10;
	_ =	sdelay $0x1  }
0x8b: {  	v10 =	vmax.f32 v10, v11  }
0x8c: {  	v10 =	vmul.f32 $1.442695020e+00, v10;
	_ =	sdelay $0x1  }
0x8d: {  	(erf) = vpow2.f32 v10;
	_ =	sdelay $0x8  }
0x8e: {  	s10 =	simm.s32 $0x32E0;
	v10 =	vpop (erf)  }
0x8f: {  	s17 =	simm.s32 $0xAE0;
	[tilespmem:s10+$0xFFFFFFC0] =	vst v10  }
0x90: {  	v11 =	vld [tilespmem:s17+$0xFFFFFFC0];
	_ =	sdelay $0x2  }
0x91: {  	v57 =	vperm.xlane v10, v2;
	_ =	sdelay $0x1  }
0x92: {  	v11 =	vmul.f32 v11, v57;
	_ =	sdelay $0x1  }
0x93: {  	[tilespmem:s10+$0xFFFFFFD0] =	vst v11  }
0x94: {  	v11 =	vld [tilespmem:s17+$0xFFFFFFD0];
	_ =	sdelay $0x2  }
0x95: {  	v58 =	vperm.xlane v10, v3;
	_ =	sdelay $0x1  }
0x96: {  	v11 =	vmul.f32 v11, v58;
	_ =	sdelay $0x1  }
0x97: {  	[tilespmem:s10+$0xFFFFFFE0] =	vst v11  }
0x98: {  	v11 =	vld [tilespmem:s17+$0xFFFFFFE0];
	_ =	sdelay $0x2  }
0x99: {  	v59 =	vperm.xlane v10, v4;
	_ =	sdelay $0x1  }
0x9a: {  	v11 =	vmul.f32 v11, v59;
	_ =	sdelay $0x1  }
0x9b: {  	[tilespmem:s10+$0xFFFFFFF0] =	vst v11  }
0x9c: {  	v11 =	vld [tilespmem:s17+$0xFFFFFFF0];
	_ =	sdelay $0x2  }
0x9d: {  	v60 =	vperm.xlane v10, v5;
	_ =	sdelay $0x1  }
0x9e: {  	v11 =	vmul.f32 v11, v60;
	_ =	sdelay $0x1  }
0x9f: {  	[tilespmem:s10+$0x0] =	vst v11  }
0xa0: {  	v11 =	vld [tilespmem:s17+$0x0];
	_ =	sdelay $0x2  }
0xa1: {  	v61 =	vperm.xlane v10, v6;
	_ =	sdelay $0x1  }
0xa2: {  	v11 =	vmul.f32 v11, v61;
	_ =	sdelay $0x1  }
0xa3: {  	[tilespmem:s10+$0x10] =	vst v11  }
0xa4: {  	v11 =	vld [tilespmem:s17+$0x10];
	_ =	sdelay $0x2  }
0xa5: {  	v62 =	vperm.xlane v10, v7;
	_ =	sdelay $0x1  }
0xa6: {  	v11 =	vmul.f32 v11, v62;
	_ =	sdelay $0x1  }
0xa7: {  	[tilespmem:s10+$0x20] =	vst v11  }
0xa8: {  	v11 =	vld [tilespmem:s17+$0x20];
	_ =	sdelay $0x2  }
0xa9: {  	v63 =	vperm.xlane v10, v8;
	_ =	sdelay $0x1  }
0xaa: {  	v11 =	vmul.f32 v11, v63;
	_ =	sdelay $0x1  }
0xab: {  	[tilespmem:s10+$0x30] =	vst v11  }
0xac: {  	v11 =	vld [tilespmem:s17+$0x30];
	_ =	sdelay $0x2  }
0xad: {  	v10 =	vperm.xlane v10, v9;
	_ =	sdelay $0x1  }
0xae: {  	s31 =	simm.s32 $0x80;
	s11 =	simm.s32 $0x40;
	s18 =	simm.s32 $0x3370;
	v10 =	vmul.f32 v11, v10  }
.LBB2_7:
0xaf: {  	s14 =	sshra.s32 s11, $0x2;
	s17 =	sadd.s32 $0x80, s17  }
0xb0: {  	[tilespmem:s10+$0x40] =	vst v10;
	s11 =	smov.u32 s31;
	s13 =	sadd.s32 $0x40, s31;
	s10 =	smov.u32 s18  }
0xb1: {  	p1 =	sne.s32 s31, $0x9C0;
	v10 =	vld [tilespmem:s14+$0x5A0];
	_ =	sdelay $0x1  }
0xb2: {  	v11 =	vld [tilespmem:s14+$0xA0];
	_ =	sdelay $0x1  }
0xb3: {  	v12 =	vld [tilespmem:s14+$0x5FA0]  }
0xb4: {  	v10 =	vperm.xlane v10, v1;
	_ =	sdelay $0x1  }
0xb5: {  	v10 =	vadd.f32 v10, v11;
	_ =	sdelay $0x1  }
0xb6: {  	v10 =	vadd.f32 v12, v10;
	_ =	sdelay $0x1  }
0xb7: {  	v11 =	vmul.f32 $9.999999770e-03, v10;
	_ =	sdelay $0x1  }
0xb8: {  	v10 =	vmax.f32 v10, v11  }
0xb9: {  	v10 =	vmul.f32 $1.442695020e+00, v10;
	_ =	sdelay $0x1  }
0xba: {  	(erf) = vpow2.f32 v10;
	_ =	sdelay $0x8  }
0xbb: {  	v10 =	vpop (erf)  }
0xbc: {  	[tilespmem:s18+$0xFFFFFFC0] =	vst v10  }
0xbd: {  	v11 =	vld [tilespmem:s17+$0xFFFFFFC0];
	_ =	sdelay $0x2  }
0xbe: {  	v12 =	vperm.xlane v10, v2;
	_ =	sdelay $0x1  }
0xbf: {  	v11 =	vmul.f32 v11, v12;
	_ =	sdelay $0x1  }
0xc0: {  	[tilespmem:s18+$0xFFFFFFD0] =	vst v11  }
0xc1: {  	v11 =	vld [tilespmem:s17+$0xFFFFFFD0];
	_ =	sdelay $0x2  }
0xc2: {  	v12 =	vperm.xlane v10, v3;
	_ =	sdelay $0x1  }
0xc3: {  	v11 =	vmul.f32 v11, v12;
	_ =	sdelay $0x1  }
0xc4: {  	[tilespmem:s18+$0xFFFFFFE0] =	vst v11  }
0xc5: {  	v11 =	vld [tilespmem:s17+$0xFFFFFFE0];
	_ =	sdelay $0x2  }
0xc6: {  	v12 =	vperm.xlane v10, v4;
	_ =	sdelay $0x1  }
0xc7: {  	v11 =	vmul.f32 v11, v12;
	_ =	sdelay $0x1  }
0xc8: {  	[tilespmem:s18+$0xFFFFFFF0] =	vst v11  }
0xc9: {  	v11 =	vld [tilespmem:s17+$0xFFFFFFF0];
	_ =	sdelay $0x2  }
0xca: {  	v12 =	vperm.xlane v10, v5;
	_ =	sdelay $0x1  }
0xcb: {  	v11 =	vmul.f32 v11, v12;
	_ =	sdelay $0x1  }
0xcc: {  	[tilespmem:s18+$0x0] =	vst v11  }
0xcd: {  	v11 =	vld [tilespmem:s17+$0x0];
	_ =	sdelay $0x2  }
0xce: {  	v12 =	vperm.xlane v10, v6;
	_ =	sdelay $0x1  }
0xcf: {  	v11 =	vmul.f32 v11, v12;
	_ =	sdelay $0x1  }
0xd0: {  	[tilespmem:s18+$0x10] =	vst v11  }
0xd1: {  	v11 =	vld [tilespmem:s17+$0x10];
	_ =	sdelay $0x2  }
0xd2: {  	v12 =	vperm.xlane v10, v7;
	_ =	sdelay $0x1  }
0xd3: {  	v11 =	vmul.f32 v11, v12;
	_ =	sdelay $0x1  }
0xd4: {  	[tilespmem:s18+$0x20] =	vst v11  }
0xd5: {  	v11 =	vld [tilespmem:s17+$0x20];
	_ =	sdelay $0x2  }
0xd6: {  	v12 =	vperm.xlane v10, v8;
	_ =	sdelay $0x1  }
0xd7: {  	v11 =	vmul.f32 v11, v12;
	_ =	sdelay $0x1  }
0xd8: {  	[tilespmem:s18+$0x30] =	vst v11  }
0xd9: {  	v11 =	vld [tilespmem:s17+$0x30];
	_ =	sdelay $0x1  }
.Ltmp3:
0xda: {  	(pc) =	sbr.rel @p1 .LBB2_7-.Ltmp3, $3  }
0xdb: {  	v10 =	vperm.xlane v10, v9;
	_ =	sdelay $0x1  }
0xdc: {  	v10 =	vmul.f32 v11, v10  }
0xdd: {  	s31 =	smov.u32 s13;
	s18 =	sadd.s32 $0x90, s18  }
0xde: {  	s11 =	sshra.s32 s11, $0x2;
	[tilespmem:s10+$0x40] =	vst v10  }
0xdf: {  	v10 =	vld [tilespmem:s11+$0x5A0];
	_ =	sdelay $0x1  }
0xe0: {  	v11 =	vld [tilespmem:s11+$0xA0];
	_ =	sdelay $0x1  }
0xe1: {  	v12 =	vld [tilespmem:s11+$0x5FA0]  }
0xe2: {  	v10 =	vperm.xlane v10, v1;
	_ =	sdelay $0x1  }
0xe3: {  	v10 =	vadd.f32 v10, v11;
	_ =	sdelay $0x1  }
0xe4: {  	v10 =	vadd.f32 v12, v10;
	_ =	sdelay $0x1  }
0xe5: {  	v11 =	vmul.f32 $9.999999770e-03, v10;
	_ =	sdelay $0x1  }
0xe6: {  	v10 =	vmax.f32 v10, v11  }
0xe7: {  	v10 =	vmul.f32 $1.442695020e+00, v10;
	_ =	sdelay $0x1  }
0xe8: {  	(erf) = vpow2.f32 v10;
	_ =	sdelay $0x8  }
0xe9: {  	v10 =	vpop (erf)  }
0xea: {  	s17 =	sadd.s32 $0x80, s17;
	[tilespmem:s18+$0xFFFFFFC0] =	vst v10  }
0xeb: {  	v11 =	vld [tilespmem:s17+$0xFFFFFFC0];
	_ =	sdelay $0x2  }
0xec: {  	v49 =	vperm.xlane v10, v2;
	_ =	sdelay $0x1  }
0xed: {  	v11 =	vmul.f32 v11, v49;
	_ =	sdelay $0x1  }
0xee: {  	[tilespmem:s18+$0xFFFFFFD0] =	vst v11  }
0xef: {  	v11 =	vld [tilespmem:s17+$0xFFFFFFD0];
	_ =	sdelay $0x2  }
0xf0: {  	v50 =	vperm.xlane v10, v3;
	_ =	sdelay $0x1  }
0xf1: {  	v11 =	vmul.f32 v11, v50;
	_ =	sdelay $0x1  }
0xf2: {  	[tilespmem:s18+$0xFFFFFFE0] =	vst v11  }
0xf3: {  	v11 =	vld [tilespmem:s17+$0xFFFFFFE0];
	_ =	sdelay $0x2  }
0xf4: {  	v51 =	vperm.xlane v10, v4;
	_ =	sdelay $0x1  }
0xf5: {  	v11 =	vmul.f32 v11, v51;
	_ =	sdelay $0x1  }
0xf6: {  	[tilespmem:s18+$0xFFFFFFF0] =	vst v11  }
0xf7: {  	v11 =	vld [tilespmem:s17+$0xFFFFFFF0];
	_ =	sdelay $0x2  }
0xf8: {  	v52 =	vperm.xlane v10, v5;
	_ =	sdelay $0x1  }
0xf9: {  	v11 =	vmul.f32 v11, v52;
	_ =	sdelay $0x1  }
0xfa: {  	[tilespmem:s18+$0x0] =	vst v11  }
0xfb: {  	v11 =	vld [tilespmem:s17+$0x0];
	_ =	sdelay $0x2  }
0xfc: {  	v53 =	vperm.xlane v10, v6;
	_ =	sdelay $0x1  }
0xfd: {  	v11 =	vmul.f32 v11, v53;
	_ =	sdelay $0x1  }
0xfe: {  	[tilespmem:s18+$0x10] =	vst v11  }
0xff: {  	v11 =	vld [tilespmem:s17+$0x10];
	_ =	sdelay $0x2  }
0x100: {  	v54 =	vperm.xlane v10, v7;
	_ =	sdelay $0x1  }
0x101: {  	v11 =	vmul.f32 v11, v54;
	_ =	sdelay $0x1  }
0x102: {  	[tilespmem:s18+$0x20] =	vst v11  }
0x103: {  	v11 =	vld [tilespmem:s17+$0x20];
	_ =	sdelay $0x2  }
0x104: {  	v55 =	vperm.xlane v10, v8;
	_ =	sdelay $0x1  }
0x105: {  	v11 =	vmul.f32 v11, v55;
	_ =	sdelay $0x1  }
0x106: {  	[tilespmem:s18+$0x30] =	vst v11  }
0x107: {  	v11 =	vld [tilespmem:s17+$0x30];
	_ =	sdelay $0x2  }
0x108: {  	v10 =	vperm.xlane v10, v9;
	_ =	sdelay $0x1  }
0x109: {  	v10 =	vmul.f32 v11, v10;
	_ =	sdelay $0x1  }
0x10a: {  	s31 =	simm.s32 $0x0;
	[tilespmem:s18+$0x40] =	vst v10  }
0x10b: {  	[spmem:s2] =	stream.indirect.scatter.add.f32 [tilespmem:s21], [sflag:$0x9], $0x90, s31, s24, $0xb8;
	[tilespmem:$0x1C430] =	vst v63  }
0x10c: {  	_ =	swait.ge [sflag:s20], $0x280  }
0x10d: {  	[sflag:s20] =	ssyncset.done $0x0  }
0x10e: {  	[sflag:s20] =	ssyncadd.s32 $0xFFFFFD80  }
0x10f: {  	_ =	swait.ge [sflag:s9], $0x280  }
0x110: {  	[sflag:s9] =	ssyncset.done $0x0  }
0x111: {  	[sflag:s9] =	ssyncadd.s32 $0xFFFFFD80  }
0x112: {  	_ =	swait.ge [sflag:s19], $0x1400  }
0x113: {  	[sflag:s19] =	ssyncset.done $0x0  }
0x114: {  	[sflag:s19] =	ssyncadd.s32 $0xFFFFEC00  }
0x115: {  	_ =	swait.ge [sflag:s4], $0x280  }
0x116: {  	[sflag:s4] =	ssyncset.done $0x0  }
0x117: {  	[sflag:s4] =	ssyncadd.s32 $0xFFFFFD80  }
0x118: {  	_ =	swait.ge [sflag:s26], $0x1680  }
0x119: {  	s13 =	rddreg [dreg:$0xa]  }
0x11a: {  	s11 =	sadd.s32 s30, s13  }
0x11b: {  	[sflag:s26] =	ssyncset.done $0x0;
	s13 =	sshrl.u32 s11, $0x3  }
0x11c: {  	[sflag:s26] =	ssyncadd.s32 $0xFFFFE980;
	s14 =	sadd.s32 s6, s13  }
0x11d: {  	[tilespmem:s31], [sflag:$0xB] =	stream.linear.gather [hbm4b:s14+s31], $0x28, $0x38;
	[tilespmem:$0x1C430] =	vst v63  }
0x11e: {  	_ =	swait.ge [sflag:s22], $0x28  }
0x11f: {  	[sflag:s22] =	ssyncset.done $0x0  }
0x120: {  	s13 =	sadd.s32 s7, s13;
	[sflag:s22] =	ssyncadd.s32 $0xFFFFFFD8  }
0x121: {  	[tilespmem:s23], [sflag:$0xB] =	stream.linear.gather [hbm4b:s13+s31], $0x28, $0x38;
	[tilespmem:$0x1C430] =	vst v63  }
0x122: {  	_ =	swait.ge [sflag:s22], $0x28  }
0x123: {  	[sflag:s22] =	ssyncset.done $0x0  }
0x124: {  	s14 =	simm.s32 $0xA0;
	[sflag:s22] =	ssyncadd.s32 $0xFFFFFFD8  }
0x125: {  	[tilespmem:s14], [sflag:$0x1] =	stream.indirect.gather [hbm4b:s5+s24], $0x10, s31, s24, $0xb8;
	[tilespmem:$0x1C430] =	vst v63  }
0x126: {  	s17 =	simm.s32 $0x5A0;
	s11 =	sshll.u32 s11, $0x1  }
0x127: {  	[tilespmem:s17], [sflag:$0x3] =	stream.indirect.gather [hbm4b:s5+s24], $0x10, s23, s24, $0xb8;
	[tilespmem:$0x1C430] =	vst v63  }
0x128: {  	s18 =	simm.s32 $0xAA0;
	s11 =	sand.u32 $0x1FFFFFE0, s11  }
0x129: {  	[tilespmem:s18], [sflag:$0x5] =	stream.indirect.gather [hbm4b:s1+s24], $0x80, s23, s24, $0xb8;
	[tilespmem:$0x1C430] =	vst v63  }
0x12a: {  	s30 =	simm.s32 $0x5FA0;
	s11 =	sadd.s32 s8, s11  }
0x12b: {  	[tilespmem:s30], [sflag:$0x7] =	stream.linear.gather [hbm4b:s11+s31], $0x280, $0x38;
	[tilespmem:$0x1C430] =	vst v63  }
0x12c: {  	s31 =	simm.s32 $0x0  }
0x12d: {  	v10 =	vld [tilespmem:s31+$0x820];
	_ =	sdelay $0x1  }
0x12e: {  	v11 =	vld [tilespmem:s31+$0x320];
	_ =	sdelay $0x1  }
0x12f: {  	v56 =	vld [tilespmem:s31+$0x6220]  }
0x130: {  	v10 =	vperm.xlane v10, v1;
	_ =	sdelay $0x1  }
0x131: {  	v10 =	vadd.f32 v10, v11;
	_ =	sdelay $0x1  }
0x132: {  	v10 =	vadd.f32 v56, v10;
	_ =	sdelay $0x1  }
0x133: {  	v11 =	vmul.f32 $9.999999770e-03, v10;
	_ =	sdelay $0x1  }
0x134: {  	v10 =	vmax.f32 v10, v11  }
0x135: {  	v10 =	vmul.f32 $1.442695020e+00, v10;
	_ =	sdelay $0x1  }
0x136: {  	(erf) = vpow2.f32 v10;
	_ =	sdelay $0x8  }
0x137: {  	s10 =	simm.s32 $0x4960;
	v10 =	vpop (erf)  }
0x138: {  	s17 =	simm.s32 $0x1EE0;
	[tilespmem:s10+$0xFFFFFFC0] =	vst v10  }
0x139: {  	v11 =	vld [tilespmem:s17+$0xFFFFFFC0];
	_ =	sdelay $0x2  }
0x13a: {  	v57 =	vperm.xlane v10, v2;
	_ =	sdelay $0x1  }
0x13b: {  	v11 =	vmul.f32 v11, v57;
	_ =	sdelay $0x1  }
0x13c: {  	[tilespmem:s10+$0xFFFFFFD0] =	vst v11  }
0x13d: {  	v11 =	vld [tilespmem:s17+$0xFFFFFFD0];
	_ =	sdelay $0x2  }
0x13e: {  	v58 =	vperm.xlane v10, v3;
	_ =	sdelay $0x1  }
0x13f: {  	v11 =	vmul.f32 v11, v58;
	_ =	sdelay $0x1  }
0x140: {  	[tilespmem:s10+$0xFFFFFFE0] =	vst v11  }
0x141: {  	v11 =	vld [tilespmem:s17+$0xFFFFFFE0];
	_ =	sdelay $0x2  }
0x142: {  	v59 =	vperm.xlane v10, v4;
	_ =	sdelay $0x1  }
0x143: {  	v11 =	vmul.f32 v11, v59;
	_ =	sdelay $0x1  }
0x144: {  	[tilespmem:s10+$0xFFFFFFF0] =	vst v11  }
0x145: {  	v11 =	vld [tilespmem:s17+$0xFFFFFFF0];
	_ =	sdelay $0x2  }
0x146: {  	v60 =	vperm.xlane v10, v5;
	_ =	sdelay $0x1  }
0x147: {  	v11 =	vmul.f32 v11, v60;
	_ =	sdelay $0x1  }
0x148: {  	[tilespmem:s10+$0x0] =	vst v11  }
0x149: {  	v11 =	vld [tilespmem:s17+$0x0];
	_ =	sdelay $0x2  }
0x14a: {  	v61 =	vperm.xlane v10, v6;
	_ =	sdelay $0x1  }
0x14b: {  	v11 =	vmul.f32 v11, v61;
	_ =	sdelay $0x1  }
0x14c: {  	[tilespmem:s10+$0x10] =	vst v11  }
0x14d: {  	v11 =	vld [tilespmem:s17+$0x10];
	_ =	sdelay $0x2  }
0x14e: {  	v62 =	vperm.xlane v10, v7;
	_ =	sdelay $0x1  }
0x14f: {  	v11 =	vmul.f32 v11, v62;
	_ =	sdelay $0x1  }
0x150: {  	[tilespmem:s10+$0x20] =	vst v11  }
0x151: {  	v11 =	vld [tilespmem:s17+$0x20];
	_ =	sdelay $0x2  }
0x152: {  	v63 =	vperm.xlane v10, v8;
	_ =	sdelay $0x1  }
0x153: {  	v11 =	vmul.f32 v11, v63;
	_ =	sdelay $0x1  }
0x154: {  	[tilespmem:s10+$0x30] =	vst v11  }
0x155: {  	v11 =	vld [tilespmem:s17+$0x30];
	_ =	sdelay $0x2  }
0x156: {  	v10 =	vperm.xlane v10, v9;
	_ =	sdelay $0x1  }
0x157: {  	s13 =	simm.s32 $0x80;
	s18 =	simm.s32 $0x49F0;
	s11 =	simm.s32 $0x40;
	v10 =	vmul.f32 v11, v10  }
.LBB2_9:
0x158: {  	s14 =	sshra.s32 s11, $0x2;
	s17 =	sadd.s32 $0x80, s17  }
0x159: {  	[tilespmem:s10+$0x40] =	vst v10;
	s11 =	smov.u32 s13;
	s30 =	sadd.s32 $0x40, s13;
	s10 =	smov.u32 s18  }
0x15a: {  	p1 =	sne.s32 s13, $0x9C0;
	v10 =	vld [tilespmem:s14+$0x820];
	_ =	sdelay $0x1  }
0x15b: {  	v11 =	vld [tilespmem:s14+$0x320];
	_ =	sdelay $0x1  }
0x15c: {  	v12 =	vld [tilespmem:s14+$0x6220]  }
0x15d: {  	v10 =	vperm.xlane v10, v1;
	_ =	sdelay $0x1  }
0x15e: {  	v10 =	vadd.f32 v10, v11;
	_ =	sdelay $0x1  }
0x15f: {  	v10 =	vadd.f32 v12, v10;
	_ =	sdelay $0x1  }
0x160: {  	v11 =	vmul.f32 $9.999999770e-03, v10;
	_ =	sdelay $0x1  }
0x161: {  	v10 =	vmax.f32 v10, v11  }
0x162: {  	v10 =	vmul.f32 $1.442695020e+00, v10;
	_ =	sdelay $0x1  }
0x163: {  	(erf) = vpow2.f32 v10;
	_ =	sdelay $0x8  }
0x164: {  	v10 =	vpop (erf)  }
0x165: {  	[tilespmem:s18+$0xFFFFFFC0] =	vst v10  }
0x166: {  	v11 =	vld [tilespmem:s17+$0xFFFFFFC0];
	_ =	sdelay $0x2  }
0x167: {  	v12 =	vperm.xlane v10, v2;
	_ =	sdelay $0x1  }
0x168: {  	v11 =	vmul.f32 v11, v12;
	_ =	sdelay $0x1  }
0x169: {  	[tilespmem:s18+$0xFFFFFFD0] =	vst v11  }
0x16a: {  	v11 =	vld [tilespmem:s17+$0xFFFFFFD0];
	_ =	sdelay $0x2  }
0x16b: {  	v12 =	vperm.xlane v10, v3;
	_ =	sdelay $0x1  }
0x16c: {  	v11 =	vmul.f32 v11, v12;
	_ =	sdelay $0x1  }
0x16d: {  	[tilespmem:s18+$0xFFFFFFE0] =	vst v11  }
0x16e: {  	v11 =	vld [tilespmem:s17+$0xFFFFFFE0];
	_ =	sdelay $0x2  }
0x16f: {  	v12 =	vperm.xlane v10, v4;
	_ =	sdelay $0x1  }
0x170: {  	v11 =	vmul.f32 v11, v12;
	_ =	sdelay $0x1  }
0x171: {  	[tilespmem:s18+$0xFFFFFFF0] =	vst v11  }
0x172: {  	v11 =	vld [tilespmem:s17+$0xFFFFFFF0];
	_ =	sdelay $0x2  }
0x173: {  	v12 =	vperm.xlane v10, v5;
	_ =	sdelay $0x1  }
0x174: {  	v11 =	vmul.f32 v11, v12;
	_ =	sdelay $0x1  }
0x175: {  	[tilespmem:s18+$0x0] =	vst v11  }
0x176: {  	v11 =	vld [tilespmem:s17+$0x0];
	_ =	sdelay $0x2  }
0x177: {  	v12 =	vperm.xlane v10, v6;
	_ =	sdelay $0x1  }
0x178: {  	v11 =	vmul.f32 v11, v12;
	_ =	sdelay $0x1  }
0x179: {  	[tilespmem:s18+$0x10] =	vst v11  }
0x17a: {  	v11 =	vld [tilespmem:s17+$0x10];
	_ =	sdelay $0x2  }
0x17b: {  	v12 =	vperm.xlane v10, v7;
	_ =	sdelay $0x1  }
0x17c: {  	v11 =	vmul.f32 v11, v12;
	_ =	sdelay $0x1  }
0x17d: {  	[tilespmem:s18+$0x20] =	vst v11  }
0x17e: {  	v11 =	vld [tilespmem:s17+$0x20];
	_ =	sdelay $0x2  }
0x17f: {  	v12 =	vperm.xlane v10, v8;
	_ =	sdelay $0x1  }
0x180: {  	v11 =	vmul.f32 v11, v12;
	_ =	sdelay $0x1  }
0x181: {  	[tilespmem:s18+$0x30] =	vst v11  }
0x182: {  	v11 =	vld [tilespmem:s17+$0x30];
	_ =	sdelay $0x1  }
.Ltmp4:
0x183: {  	(pc) =	sbr.rel @p1 .LBB2_9-.Ltmp4, $3  }
0x184: {  	v10 =	vperm.xlane v10, v9;
	_ =	sdelay $0x1  }
0x185: {  	v10 =	vmul.f32 v11, v10  }
0x186: {  	s13 =	smov.u32 s30;
	s18 =	sadd.s32 $0x90, s18  }
0x187: {  	s11 =	sshra.s32 s11, $0x2;
	[tilespmem:s10+$0x40] =	vst v10  }
0x188: {  	v10 =	vld [tilespmem:s11+$0x820];
	_ =	sdelay $0x1  }
0x189: {  	v11 =	vld [tilespmem:s11+$0x320];
	_ =	sdelay $0x1  }
0x18a: {  	v12 =	vld [tilespmem:s11+$0x6220]  }
0x18b: {  	v10 =	vperm.xlane v10, v1;
	_ =	sdelay $0x1  }
0x18c: {  	v10 =	vadd.f32 v10, v11;
	_ =	sdelay $0x1  }
0x18d: {  	v10 =	vadd.f32 v12, v10;
	_ =	sdelay $0x1  }
0x18e: {  	v11 =	vmul.f32 $9.999999770e-03, v10;
	_ =	sdelay $0x1  }
0x18f: {  	v10 =	vmax.f32 v10, v11  }
0x190: {  	v10 =	vmul.f32 $1.442695020e+00, v10;
	_ =	sdelay $0x1  }
0x191: {  	(erf) = vpow2.f32 v10;
	_ =	sdelay $0x8  }
0x192: {  	v10 =	vpop (erf)  }
0x193: {  	s30 =	sadd.s32 $0x80, s17;
	[tilespmem:s18+$0xFFFFFFC0] =	vst v10  }
0x194: {  	v11 =	vld [tilespmem:s30+$0xFFFFFFC0];
	_ =	sdelay $0x2  }
0x195: {  	v57 =	vperm.xlane v10, v2;
	_ =	sdelay $0x1  }
0x196: {  	v11 =	vmul.f32 v11, v57;
	_ =	sdelay $0x1  }
0x197: {  	[tilespmem:s18+$0xFFFFFFD0] =	vst v11  }
0x198: {  	v11 =	vld [tilespmem:s30+$0xFFFFFFD0];
	_ =	sdelay $0x2  }
0x199: {  	v58 =	vperm.xlane v10, v3;
	_ =	sdelay $0x1  }
0x19a: {  	v11 =	vmul.f32 v11, v58;
	_ =	sdelay $0x1  }
0x19b: {  	[tilespmem:s18+$0xFFFFFFE0] =	vst v11  }
0x19c: {  	v11 =	vld [tilespmem:s30+$0xFFFFFFE0];
	_ =	sdelay $0x2  }
0x19d: {  	v59 =	vperm.xlane v10, v4;
	_ =	sdelay $0x1  }
0x19e: {  	v11 =	vmul.f32 v11, v59;
	_ =	sdelay $0x1  }
0x19f: {  	[tilespmem:s18+$0xFFFFFFF0] =	vst v11  }
0x1a0: {  	v11 =	vld [tilespmem:s30+$0xFFFFFFF0];
	_ =	sdelay $0x2  }
0x1a1: {  	v60 =	vperm.xlane v10, v5;
	_ =	sdelay $0x1  }
0x1a2: {  	v11 =	vmul.f32 v11, v60;
	_ =	sdelay $0x1  }
0x1a3: {  	[tilespmem:s18+$0x0] =	vst v11  }
0x1a4: {  	v11 =	vld [tilespmem:s30+$0x0];
	_ =	sdelay $0x2  }
0x1a5: {  	v61 =	vperm.xlane v10, v6;
	_ =	sdelay $0x1  }
0x1a6: {  	v11 =	vmul.f32 v11, v61;
	_ =	sdelay $0x1  }
0x1a7: {  	[tilespmem:s18+$0x10] =	vst v11  }
0x1a8: {  	v11 =	vld [tilespmem:s30+$0x10];
	_ =	sdelay $0x2  }
0x1a9: {  	v62 =	vperm.xlane v10, v7;
	_ =	sdelay $0x1  }
0x1aa: {  	v11 =	vmul.f32 v11, v62;
	_ =	sdelay $0x1  }
0x1ab: {  	[tilespmem:s18+$0x20] =	vst v11  }
0x1ac: {  	v11 =	vld [tilespmem:s30+$0x20];
	_ =	sdelay $0x2  }
0x1ad: {  	v63 =	vperm.xlane v10, v8;
	_ =	sdelay $0x1  }
0x1ae: {  	v11 =	vmul.f32 v11, v63;
	_ =	sdelay $0x1  }
0x1af: {  	[tilespmem:s18+$0x30] =	vst v11  }
0x1b0: {  	v11 =	vld [tilespmem:s30+$0x30];
	_ =	sdelay $0x1  }
0x1b1: {  	s29 =	sadd.s32 $0x1, s29  }
0x1b2: {  	p1 =	sne.s32 s29, $0x7C;
	v10 =	vperm.xlane v10, v9  }
.Ltmp5:
0x1b3: {  	_ = 	snop;
	(pc) =	sbr.rel @p1 .LBB2_6-.Ltmp5, $3  }
0x1b4: {  	v10 =	vmul.f32 v11, v10;
	_ =	sdelay $0x1  }
0x1b5: {  	s31 =	simm.s32 $0x4920;
	[tilespmem:s18+$0x40] =	vst v10  }
0x1b6: {  	[spmem:s2] =	stream.indirect.scatter.add.f32 [tilespmem:s31], [sflag:$0xA], $0x90, s24, s24, $0xb8;
	[tilespmem:$0x1C430] =	vst v63  }
0x1b7: {  	_ =	swait.ge [sflag:s0], $0x280  }
0x1b8: {  	[sflag:s0] =	ssyncset.done $0x0  }
0x1b9: {  	[sflag:s0] =	ssyncadd.s32 $0xFFFFFD80  }
0x1ba: {  	_ =	swait.ge [sflag:s3], $0x280  }
0x1bb: {  	[sflag:s3] =	ssyncset.done $0x0  }
0x1bc: {  	[sflag:s3] =	ssyncadd.s32 $0xFFFFFD80  }
0x1bd: {  	_ =	swait.ge [sflag:s12], $0x1400  }
0x1be: {  	[sflag:s12] =	ssyncset.done $0x0  }
0x1bf: {  	[sflag:s12] =	ssyncadd.s32 $0xFFFFEC00  }
0x1c0: {  	_ =	swait.ge [sflag:s15], $0x280  }
0x1c1: {  	[sflag:s15] =	ssyncset.done $0x0  }
0x1c2: {  	[sflag:s15] =	ssyncadd.s32 $0xFFFFFD80  }
0x1c3: {  	_ =	swait.ge [sflag:s16], $0x1680  }
0x1c4: {  	[sflag:s16] =	ssyncset.done $0x0  }
0x1c5: {  	s10 =	simm.s32 $0x0;
	s11 =	rddreg [dreg:$0xb];
	[sflag:s16] =	ssyncadd.s32 $0xFFFFE980  }
0x1c6: {  	[tilespmem:s24], [sflag:$0xB] =	stream.linear.gather [hbm4b:s11+s10], $0x28, $0x38;
	[tilespmem:$0x1C430] =	vst v63  }
0x1c7: {  	_ =	swait.ge [sflag:s22], $0x28  }
0x1c8: {  	[sflag:s22] =	ssyncset.done $0x0  }
0x1c9: {  	s17 =	rddreg [dreg:$0xc];
	[sflag:s22] =	ssyncadd.s32 $0xFFFFFFD8  }
0x1ca: {  	[tilespmem:s25], [sflag:$0xB] =	stream.linear.gather [hbm4b:s17+s10], $0x28, $0x38;
	[tilespmem:$0x1C430] =	vst v63  }
0x1cb: {  	_ =	swait.ge [sflag:s22], $0x28  }
0x1cc: {  	[sflag:s22] =	ssyncset.done $0x0  }
0x1cd: {  	s18 =	simm.s32 $0x320;
	[sflag:s22] =	ssyncadd.s32 $0xFFFFFFD8  }
0x1ce: {  	[tilespmem:s18], [sflag:$0x2] =	stream.indirect.gather [hbm4b:s5+s24], $0x10, s24, s24, $0xb8;
	[tilespmem:$0x1C430] =	vst v63  }
0x1cf: {  	s28 =	simm.s32 $0x820  }
0x1d0: {  	[tilespmem:s28], [sflag:$0x4] =	stream.indirect.gather [hbm4b:s5+s24], $0x10, s25, s24, $0xb8;
	[tilespmem:$0x1C430] =	vst v63  }
0x1d1: {  	s29 =	simm.s32 $0x1EA0  }
0x1d2: {  	[tilespmem:s29], [sflag:$0x6] =	stream.indirect.gather [hbm4b:s1+s24], $0x80, s25, s24, $0xb8;
	[tilespmem:$0x1C430] =	vst v63  }
0x1d3: {  	s13 =	simm.s32 $0x6220;
	s31 =	simm.s32 $0x0;
	s30 =	rddreg [dreg:$0xd]  }
0x1d4: {  	[tilespmem:s13], [sflag:$0x8] =	stream.linear.gather [hbm4b:s30+s10], $0x280, $0x38;
	[tilespmem:$0x1C430] =	vst v63  }
0x1d5: {  	v10 =	vld [tilespmem:s31+$0x5A0];
	_ =	sdelay $0x1  }
0x1d6: {  	v11 =	vld [tilespmem:s31+$0xA0];
	_ =	sdelay $0x1  }
0x1d7: {  	v12 =	vld [tilespmem:s31+$0x5FA0]  }
0x1d8: {  	v10 =	vperm.xlane v10, v1;
	_ =	sdelay $0x1  }
0x1d9: {  	v10 =	vadd.f32 v10, v11;
	_ =	sdelay $0x1  }
0x1da: {  	v10 =	vadd.f32 v12, v10;
	_ =	sdelay $0x1  }
0x1db: {  	v11 =	vmul.f32 $9.999999770e-03, v10;
	_ =	sdelay $0x1  }
0x1dc: {  	v10 =	vmax.f32 v10, v11  }
0x1dd: {  	v10 =	vmul.f32 $1.442695020e+00, v10;
	_ =	sdelay $0x1  }
0x1de: {  	(erf) = vpow2.f32 v10;
	_ =	sdelay $0x8  }
0x1df: {  	s10 =	simm.s32 $0x32E0;
	v10 =	vpop (erf)  }
0x1e0: {  	s17 =	simm.s32 $0xAE0;
	[tilespmem:s10+$0xFFFFFFC0] =	vst v10  }
0x1e1: {  	v11 =	vld [tilespmem:s17+$0xFFFFFFC0];
	_ =	sdelay $0x2  }
0x1e2: {  	v57 =	vperm.xlane v10, v2;
	_ =	sdelay $0x1  }
0x1e3: {  	v11 =	vmul.f32 v11, v57;
	_ =	sdelay $0x1  }
0x1e4: {  	[tilespmem:s10+$0xFFFFFFD0] =	vst v11  }
0x1e5: {  	v11 =	vld [tilespmem:s17+$0xFFFFFFD0];
	_ =	sdelay $0x2  }
0x1e6: {  	v58 =	vperm.xlane v10, v3;
	_ =	sdelay $0x1  }
0x1e7: {  	v11 =	vmul.f32 v11, v58;
	_ =	sdelay $0x1  }
0x1e8: {  	[tilespmem:s10+$0xFFFFFFE0] =	vst v11  }
0x1e9: {  	v11 =	vld [tilespmem:s17+$0xFFFFFFE0];
	_ =	sdelay $0x2  }
0x1ea: {  	v59 =	vperm.xlane v10, v4;
	_ =	sdelay $0x1  }
0x1eb: {  	v11 =	vmul.f32 v11, v59;
	_ =	sdelay $0x1  }
0x1ec: {  	[tilespmem:s10+$0xFFFFFFF0] =	vst v11  }
0x1ed: {  	v11 =	vld [tilespmem:s17+$0xFFFFFFF0];
	_ =	sdelay $0x2  }
0x1ee: {  	v60 =	vperm.xlane v10, v5;
	_ =	sdelay $0x1  }
0x1ef: {  	v11 =	vmul.f32 v11, v60;
	_ =	sdelay $0x1  }
0x1f0: {  	[tilespmem:s10+$0x0] =	vst v11  }
0x1f1: {  	v11 =	vld [tilespmem:s17+$0x0];
	_ =	sdelay $0x2  }
0x1f2: {  	v61 =	vperm.xlane v10, v6;
	_ =	sdelay $0x1  }
0x1f3: {  	v11 =	vmul.f32 v11, v61;
	_ =	sdelay $0x1  }
0x1f4: {  	[tilespmem:s10+$0x10] =	vst v11  }
0x1f5: {  	v11 =	vld [tilespmem:s17+$0x10];
	_ =	sdelay $0x2  }
0x1f6: {  	v62 =	vperm.xlane v10, v7;
	_ =	sdelay $0x1  }
0x1f7: {  	v11 =	vmul.f32 v11, v62;
	_ =	sdelay $0x1  }
0x1f8: {  	[tilespmem:s10+$0x20] =	vst v11  }
0x1f9: {  	v11 =	vld [tilespmem:s17+$0x20];
	_ =	sdelay $0x2  }
0x1fa: {  	v63 =	vperm.xlane v10, v8;
	_ =	sdelay $0x1  }
0x1fb: {  	v11 =	vmul.f32 v11, v63;
	_ =	sdelay $0x1  }
0x1fc: {  	[tilespmem:s10+$0x30] =	vst v11  }
0x1fd: {  	v11 =	vld [tilespmem:s17+$0x30];
	_ =	sdelay $0x2  }
0x1fe: {  	v10 =	vperm.xlane v10, v9;
	_ =	sdelay $0x1  }
0x1ff: {  	s11 =	simm.s32 $0x40;
	s18 =	simm.s32 $0x3370;
	s13 =	simm.s32 $0x80;
	v10 =	vmul.f32 v11, v10  }
.LBB2_12:
0x200: {  	s14 =	sshra.s32 s11, $0x2;
	s17 =	sadd.s32 $0x80, s17  }
0x201: {  	[tilespmem:s10+$0x40] =	vst v10;
	s11 =	smov.u32 s13;
	s28 =	sadd.s32 $0x40, s13;
	s10 =	smov.u32 s18  }
0x202: {  	p1 =	sne.s32 s13, $0x9C0;
	v10 =	vld [tilespmem:s14+$0x5A0];
	_ =	sdelay $0x1  }
0x203: {  	v11 =	vld [tilespmem:s14+$0xA0];
	_ =	sdelay $0x1  }
0x204: {  	v12 =	vld [tilespmem:s14+$0x5FA0]  }
0x205: {  	v10 =	vperm.xlane v10, v1;
	_ =	sdelay $0x1  }
0x206: {  	v10 =	vadd.f32 v10, v11;
	_ =	sdelay $0x1  }
0x207: {  	v10 =	vadd.f32 v12, v10;
	_ =	sdelay $0x1  }
0x208: {  	v11 =	vmul.f32 $9.999999770e-03, v10;
	_ =	sdelay $0x1  }
0x209: {  	v10 =	vmax.f32 v10, v11  }
0x20a: {  	v10 =	vmul.f32 $1.442695020e+00, v10;
	_ =	sdelay $0x1  }
0x20b: {  	(erf) = vpow2.f32 v10;
	_ =	sdelay $0x8  }
0x20c: {  	v10 =	vpop (erf)  }
0x20d: {  	[tilespmem:s18+$0xFFFFFFC0] =	vst v10  }
0x20e: {  	v11 =	vld [tilespmem:s17+$0xFFFFFFC0];
	_ =	sdelay $0x2  }
0x20f: {  	v12 =	vperm.xlane v10, v2;
	_ =	sdelay $0x1  }
0x210: {  	v11 =	vmul.f32 v11, v12;
	_ =	sdelay $0x1  }
0x211: {  	[tilespmem:s18+$0xFFFFFFD0] =	vst v11  }
0x212: {  	v11 =	vld [tilespmem:s17+$0xFFFFFFD0];
	_ =	sdelay $0x2  }
0x213: {  	v12 =	vperm.xlane v10, v3;
	_ =	sdelay $0x1  }
0x214: {  	v11 =	vmul.f32 v11, v12;
	_ =	sdelay $0x1  }
0x215: {  	[tilespmem:s18+$0xFFFFFFE0] =	vst v11  }
0x216: {  	v11 =	vld [tilespmem:s17+$0xFFFFFFE0];
	_ =	sdelay $0x2  }
0x217: {  	v12 =	vperm.xlane v10, v4;
	_ =	sdelay $0x1  }
0x218: {  	v11 =	vmul.f32 v11, v12;
	_ =	sdelay $0x1  }
0x219: {  	[tilespmem:s18+$0xFFFFFFF0] =	vst v11  }
0x21a: {  	v11 =	vld [tilespmem:s17+$0xFFFFFFF0];
	_ =	sdelay $0x2  }
0x21b: {  	v12 =	vperm.xlane v10, v5;
	_ =	sdelay $0x1  }
0x21c: {  	v11 =	vmul.f32 v11, v12;
	_ =	sdelay $0x1  }
0x21d: {  	[tilespmem:s18+$0x0] =	vst v11  }
0x21e: {  	v11 =	vld [tilespmem:s17+$0x0];
	_ =	sdelay $0x2  }
0x21f: {  	v12 =	vperm.xlane v10, v6;
	_ =	sdelay $0x1  }
0x220: {  	v11 =	vmul.f32 v11, v12;
	_ =	sdelay $0x1  }
0x221: {  	[tilespmem:s18+$0x10] =	vst v11  }
0x222: {  	v11 =	vld [tilespmem:s17+$0x10];
	_ =	sdelay $0x2  }
0x223: {  	v12 =	vperm.xlane v10, v7;
	_ =	sdelay $0x1  }
0x224: {  	v11 =	vmul.f32 v11, v12;
	_ =	sdelay $0x1  }
0x225: {  	[tilespmem:s18+$0x20] =	vst v11  }
0x226: {  	v11 =	vld [tilespmem:s17+$0x20];
	_ =	sdelay $0x2  }
0x227: {  	v12 =	vperm.xlane v10, v8;
	_ =	sdelay $0x1  }
0x228: {  	v11 =	vmul.f32 v11, v12;
	_ =	sdelay $0x1  }
0x229: {  	[tilespmem:s18+$0x30] =	vst v11  }
0x22a: {  	v11 =	vld [tilespmem:s17+$0x30];
	_ =	sdelay $0x1  }
.Ltmp6:
0x22b: {  	(pc) =	sbr.rel @p1 .LBB2_12-.Ltmp6, $3  }
0x22c: {  	v10 =	vperm.xlane v10, v9;
	_ =	sdelay $0x1  }
0x22d: {  	v10 =	vmul.f32 v11, v10  }
0x22e: {  	s13 =	smov.u32 s28;
	s18 =	sadd.s32 $0x90, s18  }
0x22f: {  	s11 =	sshra.s32 s11, $0x2;
	[tilespmem:s10+$0x40] =	vst v10  }
0x230: {  	v10 =	vld [tilespmem:s11+$0x5A0];
	_ =	sdelay $0x1  }
0x231: {  	v11 =	vld [tilespmem:s11+$0xA0];
	_ =	sdelay $0x1  }
0x232: {  	v12 =	vld [tilespmem:s11+$0x5FA0]  }
0x233: {  	v10 =	vperm.xlane v10, v1;
	_ =	sdelay $0x1  }
0x234: {  	v10 =	vadd.f32 v10, v11;
	_ =	sdelay $0x1  }
0x235: {  	v10 =	vadd.f32 v12, v10;
	_ =	sdelay $0x1  }
0x236: {  	v11 =	vmul.f32 $9.999999770e-03, v10;
	_ =	sdelay $0x1  }
0x237: {  	v10 =	vmax.f32 v10, v11  }
0x238: {  	v10 =	vmul.f32 $1.442695020e+00, v10;
	_ =	sdelay $0x1  }
0x239: {  	(erf) = vpow2.f32 v10;
	_ =	sdelay $0x8  }
0x23a: {  	v10 =	vpop (erf)  }
0x23b: {  	s28 =	sadd.s32 $0x80, s17;
	[tilespmem:s18+$0xFFFFFFC0] =	vst v10  }
0x23c: {  	v11 =	vld [tilespmem:s28+$0xFFFFFFC0];
	_ =	sdelay $0x2  }
0x23d: {  	v49 =	vperm.xlane v10, v2;
	_ =	sdelay $0x1  }
0x23e: {  	v11 =	vmul.f32 v11, v49;
	_ =	sdelay $0x1  }
0x23f: {  	[tilespmem:s18+$0xFFFFFFD0] =	vst v11  }
0x240: {  	v11 =	vld [tilespmem:s28+$0xFFFFFFD0];
	_ =	sdelay $0x2  }
0x241: {  	v50 =	vperm.xlane v10, v3;
	_ =	sdelay $0x1  }
0x242: {  	v11 =	vmul.f32 v11, v50;
	_ =	sdelay $0x1  }
0x243: {  	[tilespmem:s18+$0xFFFFFFE0] =	vst v11  }
0x244: {  	v11 =	vld [tilespmem:s28+$0xFFFFFFE0];
	_ =	sdelay $0x2  }
0x245: {  	v51 =	vperm.xlane v10, v4;
	_ =	sdelay $0x1  }
0x246: {  	v11 =	vmul.f32 v11, v51;
	_ =	sdelay $0x1  }
0x247: {  	[tilespmem:s18+$0xFFFFFFF0] =	vst v11  }
0x248: {  	v11 =	vld [tilespmem:s28+$0xFFFFFFF0];
	_ =	sdelay $0x2  }
0x249: {  	v52 =	vperm.xlane v10, v5;
	_ =	sdelay $0x1  }
0x24a: {  	v11 =	vmul.f32 v11, v52;
	_ =	sdelay $0x1  }
0x24b: {  	[tilespmem:s18+$0x0] =	vst v11  }
0x24c: {  	v11 =	vld [tilespmem:s28+$0x0];
	_ =	sdelay $0x2  }
0x24d: {  	v53 =	vperm.xlane v10, v6;
	_ =	sdelay $0x1  }
0x24e: {  	v11 =	vmul.f32 v11, v53;
	_ =	sdelay $0x1  }
0x24f: {  	[tilespmem:s18+$0x10] =	vst v11  }
0x250: {  	v11 =	vld [tilespmem:s28+$0x10];
	_ =	sdelay $0x2  }
0x251: {  	v54 =	vperm.xlane v10, v7;
	_ =	sdelay $0x1  }
0x252: {  	v11 =	vmul.f32 v11, v54;
	_ =	sdelay $0x1  }
0x253: {  	[tilespmem:s18+$0x20] =	vst v11  }
0x254: {  	v11 =	vld [tilespmem:s28+$0x20];
	_ =	sdelay $0x2  }
0x255: {  	v55 =	vperm.xlane v10, v8;
	_ =	sdelay $0x1  }
0x256: {  	v11 =	vmul.f32 v11, v55;
	_ =	sdelay $0x1  }
0x257: {  	[tilespmem:s18+$0x30] =	vst v11  }
0x258: {  	v11 =	vld [tilespmem:s28+$0x30];
	_ =	sdelay $0x2  }
0x259: {  	v10 =	vperm.xlane v10, v9;
	_ =	sdelay $0x1  }
0x25a: {  	v10 =	vmul.f32 v11, v10;
	_ =	sdelay $0x1  }
0x25b: {  	s30 =	simm.s32 $0x0;
	[tilespmem:s18+$0x40] =	vst v10  }
0x25c: {  	[spmem:s2] =	stream.indirect.scatter.add.f32 [tilespmem:s21], [sflag:$0x9], $0x90, s30, s24, $0xb8;
	[tilespmem:$0x1C430] =	vst v63  }
0x25d: {  	_ =	swait.ge [sflag:s20], $0x280  }
0x25e: {  	[sflag:s20] =	ssyncset.done $0x0  }
0x25f: {  	[sflag:s20] =	ssyncadd.s32 $0xFFFFFD80  }
0x260: {  	_ =	swait.ge [sflag:s9], $0x280  }
0x261: {  	[sflag:s9] =	ssyncset.done $0x0  }
0x262: {  	[sflag:s9] =	ssyncadd.s32 $0xFFFFFD80  }
0x263: {  	_ =	swait.ge [sflag:s19], $0x1400  }
0x264: {  	[sflag:s19] =	ssyncset.done $0x0  }
0x265: {  	[sflag:s19] =	ssyncadd.s32 $0xFFFFEC00  }
0x266: {  	_ =	swait.ge [sflag:s4], $0x280  }
0x267: {  	[sflag:s4] =	ssyncset.done $0x0  }
0x268: {  	s31 =	simm.s32 $0x0;
	[sflag:s4] =	ssyncadd.s32 $0xFFFFFD80  }
0x269: {  	v10 =	vld [tilespmem:s31+$0x820];
	_ =	sdelay $0x1  }
0x26a: {  	v11 =	vld [tilespmem:s31+$0x320];
	_ =	sdelay $0x1  }
0x26b: {  	v56 =	vld [tilespmem:s31+$0x6220]  }
0x26c: {  	v10 =	vperm.xlane v10, v1;
	_ =	sdelay $0x1  }
0x26d: {  	v10 =	vadd.f32 v10, v11;
	_ =	sdelay $0x1  }
0x26e: {  	v10 =	vadd.f32 v56, v10;
	_ =	sdelay $0x1  }
0x26f: {  	v11 =	vmul.f32 $9.999999770e-03, v10;
	_ =	sdelay $0x1  }
0x270: {  	v10 =	vmax.f32 v10, v11  }
0x271: {  	v10 =	vmul.f32 $1.442695020e+00, v10;
	_ =	sdelay $0x1  }
0x272: {  	(erf) = vpow2.f32 v10;
	_ =	sdelay $0x8  }
0x273: {  	s10 =	simm.s32 $0x4960;
	v10 =	vpop (erf)  }
0x274: {  	s17 =	simm.s32 $0x1EE0;
	[tilespmem:s10+$0xFFFFFFC0] =	vst v10  }
0x275: {  	v11 =	vld [tilespmem:s17+$0xFFFFFFC0];
	_ =	sdelay $0x2  }
0x276: {  	v57 =	vperm.xlane v10, v2;
	_ =	sdelay $0x1  }
0x277: {  	v11 =	vmul.f32 v11, v57;
	_ =	sdelay $0x1  }
0x278: {  	[tilespmem:s10+$0xFFFFFFD0] =	vst v11  }
0x279: {  	v11 =	vld [tilespmem:s17+$0xFFFFFFD0];
	_ =	sdelay $0x2  }
0x27a: {  	v58 =	vperm.xlane v10, v3;
	_ =	sdelay $0x1  }
0x27b: {  	v11 =	vmul.f32 v11, v58;
	_ =	sdelay $0x1  }
0x27c: {  	[tilespmem:s10+$0xFFFFFFE0] =	vst v11  }
0x27d: {  	v11 =	vld [tilespmem:s17+$0xFFFFFFE0];
	_ =	sdelay $0x2  }
0x27e: {  	v59 =	vperm.xlane v10, v4;
	_ =	sdelay $0x1  }
0x27f: {  	v11 =	vmul.f32 v11, v59;
	_ =	sdelay $0x1  }
0x280: {  	[tilespmem:s10+$0xFFFFFFF0] =	vst v11  }
0x281: {  	v11 =	vld [tilespmem:s17+$0xFFFFFFF0];
	_ =	sdelay $0x2  }
0x282: {  	v60 =	vperm.xlane v10, v5;
	_ =	sdelay $0x1  }
0x283: {  	v11 =	vmul.f32 v11, v60;
	_ =	sdelay $0x1  }
0x284: {  	[tilespmem:s10+$0x0] =	vst v11  }
0x285: {  	v11 =	vld [tilespmem:s17+$0x0];
	_ =	sdelay $0x2  }
0x286: {  	v61 =	vperm.xlane v10, v6;
	_ =	sdelay $0x1  }
0x287: {  	v11 =	vmul.f32 v11, v61;
	_ =	sdelay $0x1  }
0x288: {  	[tilespmem:s10+$0x10] =	vst v11  }
0x289: {  	v11 =	vld [tilespmem:s17+$0x10];
	_ =	sdelay $0x2  }
0x28a: {  	v62 =	vperm.xlane v10, v7;
	_ =	sdelay $0x1  }
0x28b: {  	v11 =	vmul.f32 v11, v62;
	_ =	sdelay $0x1  }
0x28c: {  	[tilespmem:s10+$0x20] =	vst v11  }
0x28d: {  	v11 =	vld [tilespmem:s17+$0x20];
	_ =	sdelay $0x2  }
0x28e: {  	v63 =	vperm.xlane v10, v8;
	_ =	sdelay $0x1  }
0x28f: {  	v11 =	vmul.f32 v11, v63;
	_ =	sdelay $0x1  }
0x290: {  	[tilespmem:s10+$0x30] =	vst v11  }
0x291: {  	v11 =	vld [tilespmem:s17+$0x30];
	_ =	sdelay $0x2  }
0x292: {  	v10 =	vperm.xlane v10, v9  }
0x293: {  	s13 =	simm.s32 $0x80  }
0x294: {  	s11 =	simm.s32 $0x40;
	s18 =	simm.s32 $0x49F0;
	s29 =	rddreg [dreg:$0xf];
	v10 =	vmul.f32 v11, v10  }
.LBB2_14:
0x295: {  	s14 =	sshra.s32 s11, $0x2;
	s17 =	sadd.s32 $0x80, s17  }
0x296: {  	[tilespmem:s10+$0x40] =	vst v10;
	s11 =	smov.u32 s13;
	s28 =	sadd.s32 $0x40, s13;
	s10 =	smov.u32 s18  }
0x297: {  	p1 =	sne.s32 s13, $0x9C0;
	v10 =	vld [tilespmem:s14+$0x820];
	_ =	sdelay $0x1  }
0x298: {  	v11 =	vld [tilespmem:s14+$0x320];
	_ =	sdelay $0x1  }
0x299: {  	v12 =	vld [tilespmem:s14+$0x6220]  }
0x29a: {  	v10 =	vperm.xlane v10, v1;
	_ =	sdelay $0x1  }
0x29b: {  	v10 =	vadd.f32 v10, v11;
	_ =	sdelay $0x1  }
0x29c: {  	v10 =	vadd.f32 v12, v10;
	_ =	sdelay $0x1  }
0x29d: {  	v11 =	vmul.f32 $9.999999770e-03, v10;
	_ =	sdelay $0x1  }
0x29e: {  	v10 =	vmax.f32 v10, v11  }
0x29f: {  	v10 =	vmul.f32 $1.442695020e+00, v10;
	_ =	sdelay $0x1  }
0x2a0: {  	(erf) = vpow2.f32 v10;
	_ =	sdelay $0x8  }
0x2a1: {  	v10 =	vpop (erf)  }
0x2a2: {  	[tilespmem:s18+$0xFFFFFFC0] =	vst v10  }
0x2a3: {  	v11 =	vld [tilespmem:s17+$0xFFFFFFC0];
	_ =	sdelay $0x2  }
0x2a4: {  	v12 =	vperm.xlane v10, v2;
	_ =	sdelay $0x1  }
0x2a5: {  	v11 =	vmul.f32 v11, v12;
	_ =	sdelay $0x1  }
0x2a6: {  	[tilespmem:s18+$0xFFFFFFD0] =	vst v11  }
0x2a7: {  	v11 =	vld [tilespmem:s17+$0xFFFFFFD0];
	_ =	sdelay $0x2  }
0x2a8: {  	v12 =	vperm.xlane v10, v3;
	_ =	sdelay $0x1  }
0x2a9: {  	v11 =	vmul.f32 v11, v12;
	_ =	sdelay $0x1  }
0x2aa: {  	[tilespmem:s18+$0xFFFFFFE0] =	vst v11  }
0x2ab: {  	v11 =	vld [tilespmem:s17+$0xFFFFFFE0];
	_ =	sdelay $0x2  }
0x2ac: {  	v12 =	vperm.xlane v10, v4;
	_ =	sdelay $0x1  }
0x2ad: {  	v11 =	vmul.f32 v11, v12;
	_ =	sdelay $0x1  }
0x2ae: {  	[tilespmem:s18+$0xFFFFFFF0] =	vst v11  }
0x2af: {  	v11 =	vld [tilespmem:s17+$0xFFFFFFF0];
	_ =	sdelay $0x2  }
0x2b0: {  	v12 =	vperm.xlane v10, v5;
	_ =	sdelay $0x1  }
0x2b1: {  	v11 =	vmul.f32 v11, v12;
	_ =	sdelay $0x1  }
0x2b2: {  	[tilespmem:s18+$0x0] =	vst v11  }
0x2b3: {  	v11 =	vld [tilespmem:s17+$0x0];
	_ =	sdelay $0x2  }
0x2b4: {  	v12 =	vperm.xlane v10, v6;
	_ =	sdelay $0x1  }
0x2b5: {  	v11 =	vmul.f32 v11, v12;
	_ =	sdelay $0x1  }
0x2b6: {  	[tilespmem:s18+$0x10] =	vst v11  }
0x2b7: {  	v11 =	vld [tilespmem:s17+$0x10];
	_ =	sdelay $0x2  }
0x2b8: {  	v12 =	vperm.xlane v10, v7;
	_ =	sdelay $0x1  }
0x2b9: {  	v11 =	vmul.f32 v11, v12;
	_ =	sdelay $0x1  }
0x2ba: {  	[tilespmem:s18+$0x20] =	vst v11  }
0x2bb: {  	v11 =	vld [tilespmem:s17+$0x20];
	_ =	sdelay $0x2  }
0x2bc: {  	v12 =	vperm.xlane v10, v8;
	_ =	sdelay $0x1  }
0x2bd: {  	v11 =	vmul.f32 v11, v12;
	_ =	sdelay $0x1  }
0x2be: {  	[tilespmem:s18+$0x30] =	vst v11  }
0x2bf: {  	v11 =	vld [tilespmem:s17+$0x30];
	_ =	sdelay $0x1  }
.Ltmp7:
0x2c0: {  	(pc) =	sbr.rel @p1 .LBB2_14-.Ltmp7, $3  }
0x2c1: {  	v10 =	vperm.xlane v10, v9;
	_ =	sdelay $0x1  }
0x2c2: {  	v10 =	vmul.f32 v11, v10  }
0x2c3: {  	s13 =	smov.u32 s28;
	s18 =	sadd.s32 $0x90, s18  }
0x2c4: {  	s11 =	sshra.s32 s11, $0x2;
	[tilespmem:s10+$0x40] =	vst v10  }
0x2c5: {  	v10 =	vld [tilespmem:s11+$0x820];
	_ =	sdelay $0x1  }
0x2c6: {  	v11 =	vld [tilespmem:s11+$0x320];
	_ =	sdelay $0x1  }
0x2c7: {  	v12 =	vld [tilespmem:s11+$0x6220]  }
0x2c8: {  	v10 =	vperm.xlane v10, v1;
	_ =	sdelay $0x1  }
0x2c9: {  	v10 =	vadd.f32 v10, v11;
	_ =	sdelay $0x1  }
0x2ca: {  	v10 =	vadd.f32 v12, v10;
	_ =	sdelay $0x1  }
0x2cb: {  	v11 =	vmul.f32 $9.999999770e-03, v10;
	_ =	sdelay $0x1  }
0x2cc: {  	v10 =	vmax.f32 v10, v11  }
0x2cd: {  	v10 =	vmul.f32 $1.442695020e+00, v10;
	_ =	sdelay $0x1  }
0x2ce: {  	(erf) = vpow2.f32 v10;
	_ =	sdelay $0x8  }
0x2cf: {  	v10 =	vpop (erf)  }
0x2d0: {  	s17 =	sadd.s32 $0x80, s17;
	[tilespmem:s18+$0xFFFFFFC0] =	vst v10  }
0x2d1: {  	v11 =	vld [tilespmem:s17+$0xFFFFFFC0];
	_ =	sdelay $0x2  }
0x2d2: {  	v57 =	vperm.xlane v10, v2;
	_ =	sdelay $0x1  }
0x2d3: {  	v11 =	vmul.f32 v11, v57;
	_ =	sdelay $0x1  }
0x2d4: {  	[tilespmem:s18+$0xFFFFFFD0] =	vst v11  }
0x2d5: {  	v11 =	vld [tilespmem:s17+$0xFFFFFFD0];
	_ =	sdelay $0x2  }
0x2d6: {  	v58 =	vperm.xlane v10, v3;
	_ =	sdelay $0x1  }
0x2d7: {  	v11 =	vmul.f32 v11, v58;
	_ =	sdelay $0x1  }
0x2d8: {  	[tilespmem:s18+$0xFFFFFFE0] =	vst v11  }
0x2d9: {  	v11 =	vld [tilespmem:s17+$0xFFFFFFE0];
	_ =	sdelay $0x2  }
0x2da: {  	v59 =	vperm.xlane v10, v4;
	_ =	sdelay $0x1  }
0x2db: {  	v11 =	vmul.f32 v11, v59;
	_ =	sdelay $0x1  }
0x2dc: {  	[tilespmem:s18+$0xFFFFFFF0] =	vst v11  }
0x2dd: {  	v11 =	vld [tilespmem:s17+$0xFFFFFFF0];
	_ =	sdelay $0x2  }
0x2de: {  	v60 =	vperm.xlane v10, v5;
	_ =	sdelay $0x1  }
0x2df: {  	v11 =	vmul.f32 v11, v60;
	_ =	sdelay $0x1  }
0x2e0: {  	[tilespmem:s18+$0x0] =	vst v11  }
0x2e1: {  	v11 =	vld [tilespmem:s17+$0x0];
	_ =	sdelay $0x2  }
0x2e2: {  	v61 =	vperm.xlane v10, v6;
	_ =	sdelay $0x1  }
0x2e3: {  	v11 =	vmul.f32 v11, v61;
	_ =	sdelay $0x1  }
0x2e4: {  	[tilespmem:s18+$0x10] =	vst v11  }
0x2e5: {  	v11 =	vld [tilespmem:s17+$0x10];
	_ =	sdelay $0x2  }
0x2e6: {  	v62 =	vperm.xlane v10, v7;
	_ =	sdelay $0x1  }
0x2e7: {  	v11 =	vmul.f32 v11, v62;
	_ =	sdelay $0x1  }
0x2e8: {  	[tilespmem:s18+$0x20] =	vst v11  }
0x2e9: {  	v11 =	vld [tilespmem:s17+$0x20];
	_ =	sdelay $0x2  }
0x2ea: {  	v63 =	vperm.xlane v10, v8;
	_ =	sdelay $0x1  }
0x2eb: {  	v11 =	vmul.f32 v11, v63;
	_ =	sdelay $0x1  }
0x2ec: {  	[tilespmem:s18+$0x30] =	vst v11  }
0x2ed: {  	v11 =	vld [tilespmem:s17+$0x30];
	_ =	sdelay $0x2  }
0x2ee: {  	v10 =	vperm.xlane v10, v9;
	_ =	sdelay $0x1  }
0x2ef: {  	v10 =	vmul.f32 v11, v10;
	_ =	sdelay $0x1  }
0x2f0: {  	[tilespmem:s18+$0x40] =	vst v10;
	s18 =	simm.s32 $0x4920  }
0x2f1: {  	[spmem:s2] =	stream.indirect.scatter.add.f32 [tilespmem:s18], [sflag:$0xA], $0x90, s24, s24, $0xb8;
	[tilespmem:$0x1C430] =	vst v63  }
0x2f2: {  	_ =	swait.ge [sflag:s26], $0x1680  }
0x2f3: {  	[sflag:s26] =	ssyncset.done $0x0  }
0x2f4: {  	[sflag:s26] =	ssyncadd.s32 $0xFFFFE980  }
0x2f5: {  	_ =	swait.ge [sflag:s16], $0x1680  }
0x2f6: {  	[sflag:s16] =	ssyncset.done $0x0  }
0x2f7: {  	s30 =	stileid.u32;
	[sflag:s16] =	ssyncadd.s32 $0xFFFFE980  }
.Ltmp8:
0x2f8: {  	s10 =	sshll.u32 s30, $0x6;
	[bflag:$0x0] =	sbarrier.arrive $0xFFFF;
	(pc) =	sbr.rel @!p0 .LBB2_17-.Ltmp8, $4  }
0x2f9: {  	s31 =	sshrl.u32 s29, $0x3;
	s10 =	sor.u32 $0x1C0B, s10;
	s18 =	rddreg [dreg:$0x10]  }
0x2fa: {  	[hbm:s18], [sflag:s10] =	dma.local [spmem:s31], $0x2D0  }
0x2fb: {  	s28 =	rddreg [dreg:$0x5]  }
0x2fc: {  	s17 =	sadd.s32 $0x16800, s29;
	_ =	swait.ge [sflag:s22], $0x2D0;
	s11 =	sadd.s32 $0xFFFFFFFF, s28  }
.LBB2_16:
0x2fd: {  	[sflag:s22] =	ssyncset.done $0x0;
	s18 =	sadd.s32 $0x2D00, s18;
	p0 =	sne.s32 s11, $0x1  }
.Ltmp9:
0x2fe: {  	s13 =	sshrl.u32 s17, $0x3;
	[sflag:s22] =	ssyncadd.s32 $0xFFFFFD30;
	(pc) =	sbr.rel @p0 .LBB2_16-.Ltmp9, $3  }
0x2ff: {  	[hbm:s18], [sflag:s10] =	dma.local [spmem:s13], $0x2D0  }
0x300: {  	s11 =	sadd.s32 $0xFFFFFFFF, s11;
	_ =	sdelay $0x1  }
0x301: {  	s17 =	sadd.s32 $0x16800, s17;
	_ =	swait.ge [sflag:s22], $0x2D0  }
.LBB2_17:
0x302: {  	s14 =	rddreg [dreg:$0x4]  }
0x303: {  	s10 =	rddreg [dreg:$0xe];
	s14 =	sadd.s32 $0x1, s14  }
0x304: {  	p0 =	sne.s32 s14, s10  }
.Ltmp10:
0x305: {  	_ = 	snop;
	(pc) =	sbr.rel @p0 .LBB2_1-.Ltmp10, $3  }
0x306: {  	_ =	sdelay $0x1  }
0x307: {  	[sflag:s22] =	ssyncset.done $0x0  }
0x308: {  	[sflag:s22] =	ssyncadd.s32 $0xFFFFFD30  }
0x309: {  	_ =	sfence.sel $0x180000  }
0x30a: {  	[bflag:$0x0] =	sbarrier.arrive $0xFFFF  }
0x30b: {  	_ =	strace $0x9000004A  }
0x30c: {  	s0 =	stileid.u32;
	[bflag:$0x2] =	sbarrier.arrive $0xFFFF  }
0x30d: {  	p0 =	sne.s32 s0, $0x0;
	s0 =	rddreg [dreg:$0x3]  }
0x30e: {  	s0 =	sadd.s32 @!p0 $0x100000, s0  }
0x30f: {  	[sflag:s0] =	ssyncadd.tile.s32 @!p0 $0x1;
	_ =	shalt  }
.Lfunc_end2:
_tile_overlayer_lowered:
.L_overlay_start_2:
0x310: {  	(tag) =	ssettag $0x2  }
0x311: {  	s0 =	rddreg [dreg:$0x0];
	s2 =	stileid.u32  }
0x312: {  	s1 =	rddreg [dreg:$0x1];
	p0 =	sne.s32 s2, $0x0  }
0x313: {  	s3 =	rddreg [dreg:$0x2];
	[bflag:$0x3] =	sbarrier.arrive $0xFFFF;
	s2 =	simm.s32 @!p0 $0x1C0B  }
0x314: {  	[timem:s3], [sflag:s2] =	dma.local @!p0 [hbm:s0], s1  }
0x315: {  	s0 =	simm.s32 @!p0 $0xB  }
0x316: {  	_ =	swait.ge @!p0 [sflag:s0], s1  }
0x317: {  	s1 =	ssub.s32 @!p0 $0x0, s1;
	[sflag:s0] =	ssyncset.done @!p0 $0x0  }
0x318: {  	[sflag:s0] =	ssyncadd.s32 @!p0 s1  }
0x319: {  	[bflag:$0x3] =	sbarrier.arrive $0xFFFF  }
0x31a: {  	_ =	shalt  }

// kernel: kernel.8.cloned.1.call-start
scs
__scs_entry_jumppad:
0x0: {  	(pc) =	sbr.rel $0x88, $3  }
0x1: {  	(tag) =	ssettag $0x0;
	lr =	simm.s32 $0x1  }
0x2: {  	[smem:$0x3F92] =	sst lr;
	_ =	strace $0xD0000000  }
0x3: {  	_ = 	snop  }
0x4: {  	_ = 	snop  }
0x5: {  	_ = 	snop  }
0x6: {  	_ = 	snop  }
0x7: {  	_ = 	snop  }
__scs_overlays_trampoline_lowered:
0x8: {  	[smem:$0x3FA1] =	sst s0  }
0x9: {  	[smem:$0x3FA2] =	sst s1  }
0xa: {  	[smem:$0x3FA3] =	sst s2  }
0xb: {  	[smem:$0x3FA4] =	sst s3  }
0xc: {  	[smem:$0x3FA5] =	sst s4  }
0xd: {  	[smem:$0x3FA6] =	sst s5  }
0xe: {  	[smem:$0x3FA7] =	sst s6  }
0xf: {  	[smem:$0x3FA8] =	sst s7  }
0x10: {  	[smem:$0x3FA9] =	sst s8  }
0x11: {  	[smem:$0x3FAA] =	sst s9;
	s0 =	simm.s32 @!p0 $0x0  }
0x12: {  	s1 =	sld [smem:$0x3F90];
	s0 =	simm.s32 @p0 $0x1  }
0x13: {  	[smem:$0x3FAB] =	sst s0;
	s0 =	simm.s32 @!p1 $0x0  }
0x14: {  	s2 =	sld [smem:$0x3F8F];
	s0 =	simm.s32 @p1 $0x1  }
0x15: {  	[smem:$0x3FAC] =	sst s0;
	s0 =	simm.s32 @!p2 $0x0  }
0x16: {  	s3 =	sld [smem:$0x3FDB];
	s0 =	simm.s32 @p2 $0x1  }
0x17: {  	s4 =	simm.s32 $0x1BF5;
	[smem:$0x3FAE] =	sst s0  }
0x18: {  	s0 =	sld [smem:$0x3F91];
	_ =	swait.ge [sflag:s4], $0x0  }
0x19: {  	s7 =	sld [smem:$0x3F92]  }
0x1a: {  	s8 =	sadd.s32 $0xFFFFE003, lr  }
0x1b: {  	s9 =	sadd.s32 $0xFFFFFEF7, lr;
	s5 =	simm.s32 $0xFFFFFFFF;
	p2 =	slt.u32 s8, $0xFFFFF086  }
0x1c: {  	p1 =	slt.u32 s9, $0xF7A;
	s5 =	simm.s32 @!p2 $0x0  }
0x1d: {  	s5 =	simm.s32 @p1 $0x1;
	p0 =	seq.s32 s7, s2  }
0x1e: {  	s7 =	smul.u32 @!p0 $0xF7A, s2;
	p2 =	seq.s32 @!p0 s5, $0x0  }
0x1f: {  	s9 =	smul.u32 $0xF7A, s1;
	s8 =	simm.s32 @!p0 $0x1BF5;
	p2 =	por !p2, p0  }
0x20: {  	[sflag:s8] =	ssyncset.s32 @!p0 $0xFFFFF086;
	s6 =	sadd.s32 @!p0 s3, s7;
	s7 =	simm.s32 @!p0 $0x108  }
0x21: {  	s3 =	sadd.s32 s3, s9;
	s6 =	sadd.s32 @!p0 $0x88, s6;
	s7 =	simm.s32 @p2 $0x1082  }
0x22: {  	[simem:s7], [sflag:s8] =	dma.local @!p0 [hbm:s6], $0xF7A  }
0x23: {  	s9 =	sor.u32 $0xD0000000, s2;
	s6 =	simm.s32 $0x108;
	_ =	swait.ge @!p0 [sflag:s8], $0x0  }
0x24: {  	s3 =	sadd.s32 $0x88, s3;
	s6 =	simm.s32 @!p1 $0x1082;
	[sflag:s4] =	ssyncset.s32 $0xFFFFF086  }
0x25: {  	[simem:s6], [sflag:s4] =	dma.local [hbm:s3], $0xF7A  }
0x26: {  	[smem:$0x3F92] =	sst s1;
	(tag) =	ssettag s2;
	_ =	strace s9  }
0x27: {  	s1 =	sld [smem:$0x3FA2]  }
0x28: {  	s2 =	sld [smem:$0x3FA3]  }
0x29: {  	s4 =	sld [smem:$0x3FA5]  }
0x2a: {  	p0 =	seq.s32 s5, $0x0;
	s5 =	sld [smem:$0x3FA6]  }
0x2b: {  	s6 =	sld [smem:$0x3FA7]  }
0x2c: {  	s7 =	sld [smem:$0x3FA8]  }
0x2d: {  	s3 =	simm.s32 $0x108;
	s8 =	sld [smem:$0x3FA9]  }
0x2e: {  	s3 =	simm.s32 @!p0 $0x1082;
	s9 =	sld [smem:$0x3FAA]  }
0x2f: {  	lr =	sadd.s32 s0, s3;
	s0 =	sld [smem:$0x3FA1]  }
0x30: {  	s3 =	sld [smem:$0x3FA4]  }
0x31: {  	[smem:$0x3FAD] =	sst s10  }
0x32: {  	s10 =	sld [smem:$0x3FAB];
	_ =	sdelay $0x3  }
0x33: {  	p0 =	seq.s32 s10, $0x1;
	s10 =	sld [smem:$0x3FAD];
	_ =	sdelay $0x3  }
0x34: {  	[smem:$0x3FAD] =	sst s10  }
0x35: {  	s10 =	sld [smem:$0x3FAC];
	_ =	sdelay $0x3  }
0x36: {  	p1 =	seq.s32 s10, $0x1;
	s10 =	sld [smem:$0x3FAD];
	_ =	sdelay $0x3  }
0x37: {  	[smem:$0x3FAD] =	sst s10  }
0x38: {  	s10 =	sld [smem:$0x3FAE]  }
0x39: {  	_ = 	snop;
	(pc) =	sbr.ind lr, $3  }
0x3a: {  	_ = 	snop  }
0x3b: {  	_ = 	snop  }
0x3c: {  	p2 =	seq.s32 s10, $0x1;
	s10 =	sld [smem:$0x3FAD]  }
0x3d: {  	_ =	shalt  }
0x3e: {  	_ =	shalt  }
0x3f: {  	_ =	shalt  }
0x40: {  	_ =	shalt  }
0x41: {  	_ =	shalt  }
0x42: {  	_ =	shalt  }
0x43: {  	_ =	shalt  }
0x44: {  	_ =	shalt  }
0x45: {  	_ =	shalt  }
0x46: {  	_ =	shalt  }
0x47: {  	_ =	shalt  }
0x48: {  	_ =	shalt  }
0x49: {  	_ =	shalt  }
0x4a: {  	_ =	shalt  }
0x4b: {  	_ =	shalt  }
0x4c: {  	_ =	shalt  }
0x4d: {  	_ =	shalt  }
0x4e: {  	_ =	shalt  }
0x4f: {  	_ =	shalt  }
0x50: {  	_ =	shalt  }
0x51: {  	_ =	shalt  }
0x52: {  	_ =	shalt  }
0x53: {  	_ =	shalt  }
0x54: {  	_ =	shalt  }
0x55: {  	_ =	shalt  }
0x56: {  	_ =	shalt  }
0x57: {  	_ =	shalt  }
0x58: {  	_ =	shalt  }
0x59: {  	_ =	shalt  }
0x5a: {  	_ =	shalt  }
0x5b: {  	_ =	shalt  }
0x5c: {  	_ =	shalt  }
0x5d: {  	_ =	shalt  }
0x5e: {  	_ =	shalt  }
0x5f: {  	_ =	shalt  }
0x60: {  	_ =	shalt  }
0x61: {  	_ =	shalt  }
0x62: {  	_ =	shalt  }
0x63: {  	_ =	shalt  }
0x64: {  	_ =	shalt  }
0x65: {  	_ =	shalt  }
0x66: {  	_ =	shalt  }
0x67: {  	_ =	shalt  }
0x68: {  	_ =	shalt  }
0x69: {  	_ =	shalt  }
0x6a: {  	_ =	shalt  }
0x6b: {  	_ =	shalt  }
0x6c: {  	_ =	shalt  }
0x6d: {  	_ =	shalt  }
0x6e: {  	_ =	shalt  }
0x6f: {  	_ =	shalt  }
0x70: {  	_ =	shalt  }
0x71: {  	_ =	shalt  }
0x72: {  	_ =	shalt  }
0x73: {  	_ =	shalt  }
0x74: {  	_ =	shalt  }
0x75: {  	_ =	shalt  }
0x76: {  	_ =	shalt  }
0x77: {  	_ =	shalt  }
0x78: {  	_ =	shalt  }
0x79: {  	_ =	shalt  }
0x7a: {  	_ =	shalt  }
0x7b: {  	_ =	shalt  }
0x7c: {  	_ =	shalt  }
0x7d: {  	_ =	shalt  }
0x7e: {  	_ =	shalt  }
0x7f: {  	_ =	shalt  }
0x80: {  	_ =	shalt  }
0x81: {  	_ =	shalt  }
0x82: {  	_ =	shalt  }
0x83: {  	_ =	shalt  }
0x84: {  	_ =	shalt  }
0x85: {  	_ =	shalt  }
0x86: {  	_ =	shalt  }
0x87: {  	_ =	shalt  }
.Lfunc_end0:
.L_simem_size_0:
called_computation_lowered:
.L_overlay_start_0:
0x88: {  	s2 =	sld [smem:$0x3FD9]  }
0x89: {  	s3 =	sld [smem:$0x3FFE];
	_ =	sdelay $0x1  }
0x8a: {  	s1 =	srdreg.scid  }
0x8b: {  	s0 =	sand.u32 $0x1, s1  }
0x8c: {  	s17 =	sshll.u32 s0, $0xA;
	s2 =	sadd.s32 s3, s2  }
0x8d: {  	s2 =	sadd.s32 s2, s17  }
0x8e: {  	[smem:$0x3FB9] =	sst s2  }
0x8f: {  	_ = 	snop  }
0x90: {  	s2 =	sld [smem:$0x3FD0];
	(tm) =	ssettm $0x1  }
0x91: {  	s18 =	sld [smem:$0x3FFB];
	_ =	sdelay $0x3  }
0x92: {  	_ =	strace s18  }
0x93: {  	s3 =	sld [smem:$0x3FFC];
	_ =	sdelay $0x3  }
0x94: {  	_ =	strace s3  }
0x95: {  	s3 =	sld [smem:$0x3FFD];
	_ =	sdelay $0x3  }
0x96: {  	_ =	strace s3  }
0x97: {  	_ =	strace $0x8FFFFFFF  }
0x98: {  	s19 =	sld [smem:$0x3FDB];
	_ =	sdelay $0x1  }
0x99: {  	s4 =	simm.s32 $_scs_section_size  }
0x9a: {  	s5 =	simm.s32 $_size__tile_overlayer_lowered;
	s6 =	simm.s32 $_tile_overlayer_lowered  }
0x9b: {  	s22 =	simm.s32 $0x1BFF;
	s21 =	sshll.u32 s6, $0x1;
	s3 =	sadd.s32 s4, s19  }
0x9c: {  	s7 =	simm.s32 $0x0;
	s20 =	sshll.u32 s5, $0x1;
	s5 =	sadd.s32 s21, s3  }
0x9d: {  	[timem:s7], [sflag:s22] =	dma.local [hbm:s5], s20  }
0x9e: {  	_ =	swait.ge [sflag:s22], s20  }
0x9f: {  	s4 =	ssub.s32 $0x0, s20;
	[sflag:s22] =	ssyncset.done $0x0  }
0xa0: {  	[sflag:s22] =	ssyncadd.s32 s4;
	_ =	sdelay $0x1  }
0xa1: {  	s23 =	simm.s32 $0x1B8B  }
0xa2: {  	_ =	swait.ge [sflag:s23], $0x1  }
0xa3: {  	[sflag:s23] =	ssyncset.done $0x0  }
0xa4: {  	s25 =	simm.s32 $0x1B8E;
	s24 =	sld [smem:$0x3FFE];
	[sflag:s23] =	ssyncadd.s32 $0xFFFFFFFF  }
0xa5: {  	s26 =	simm.s32 $execute0_lowered;
	[smem:$0x3FD2] =	sst s25  }
0xa6: {  	s5 =	sshll.u32 s26, $0x1;
	_ =	strace $0x80000046;
	[dreg:$0x1] =	wrdreg $0xFFFFFFFF  }
0xa7: {  	s28 =	simm.s32 $_size_execute0_lowered;
	s3 =	sadd.s32 s3, s5;
	[dreg:$0x0] =	wrdreg $0x0  }
0xa8: {  	s5 =	sshll.u32 s28, $0x1;
	[dreg:$0x2] =	wrdreg s3  }
0xa9: {  	[dreg:$0x3] =	wrdreg s5  }
0xaa: {  	[dreg:$0x4] =	wrdreg $0xC0  }
0xab: {  	_ =	task [dreg:s7], $0x5FFFF  }
0xac: {  	[dreg:$0x1] =	wrdreg $0xFFFFFFFF  }
0xad: {  	[dreg:$0x0] =	wrdreg $0x60  }
0xae: {  	[dreg:$0x2] =	wrdreg s24  }
0xaf: {  	[dreg:$0x3] =	wrdreg s2  }
0xb0: {  	[dreg:$0x4] =	wrdreg $0x5FA00  }
0xb1: {  	[dreg:$0x5] =	wrdreg $0x9  }
0xb2: {  	_ =	task.clear_ibuf [dreg:s7], $0x6FFFF;
	_ =	strace $0x90000046  }
0xb3: {  	s29 =	simm.s32 $0x9;
	_ =	strace $0x80000048  }
0xb4: {  	_ =	swait.ge [sflag:s29], $0x1  }
0xb5: {  	[sflag:s29] =	ssyncadd.s32 $0xFFFFFFFF  }
0xb6: {  	_ =	strace $0x90000048  }
0xb7: {  	_ =	sfence  }
0xb8: {  	s30 =	sld [smem:$0x0];
	_ =	sdelay $0x2  }
0xb9: {  	s31 =	sshll.u32 s1, $0xD;
	s1 =	sshrl.u32 s1, $0x2  }
0xba: {  	s3 =	sand.u32 $0x4000, s31;
	s1 =	sadd.s32 s1, s30  }
0xbb: {  	s0 =	sor.u32 s3, s0;
	s1 =	sshll.u32 s1, $0x11  }
0xbc: {  	s0 =	sor.u32 s1, s0  }
0xbd: {  	s0 =	sadd.s32 $0x8F2B, s0  }
0xbe: {  	[sflag:s0] =	ssyncadd.remote.s32 $0x1  }
0xbf: {  	_ =	sfence.sel $0xFFFF  }
0xc0: {  	[dreg:$0x0] =	wrdreg $0xFFFFFFFF;
	(pc) =	sbr.abs _section_cstart, $3  }
0xc1: {  	[dreg:$0x1] =	wrdreg $0xFFFFFFFF  }
0xc2: {  	_ =	task.clear_ibuf [dreg:s7], $0x2FFFF;
	_ =	strace $0x9FFFFFFF  }
0xc3: {  	(tm) =	ssettm $0x7FFFFFFF  }
tec
execute0_lowered:
.L_overlay_start_1:
0x0: {  	(tag) =	ssettag $0x1  }
0x1: {  	s0 =	rddreg [dreg:$0x0]  }
0x2: {  	s1 =	rddreg [dreg:$0x1]  }
0x3: {  	s2 =	rddreg [dreg:$0x2];
	s13 =	simm.s32 $0x0  }
0x4: {  	s3 =	srdreg.scid;
	s10 =	stileid.u32;
	s28 =	simm.s32 $0x1  }
0x5: {  	s29 =	simm.s32 $0x3;
	s30 =	simm.s32 $0x5;
	s31 =	simm.s32 $0x8  }
0x6: {  	s14 =	simm.s32 $0x2;
	s15 =	simm.s32 $0x4;
	[smem:$0x7FF] =	sst s13  }
0x7: {  	s3 =	sand.u32 $0x1, s3;
	s8 =	smul.u32 $0x1680, s10;
	s5 =	sadd.s32 $0x2AA00, s0  }
0x8: {  	s6 =	sadd.s32 $0x39800, s0;
	s7 =	sadd.s32 $0x2FA00, s0;
	s20 =	ssub.s32 $0x109, s10  }
0x9: {  	s4 =	smul.u32 $0x15F900, s3;
	_ =	strace $0x80000047;
	s9 =	sshll.u32 s3, $0x4  }
0xa: {  	s3 =	ssub.s32 $0x2, s3;
	s17 =	sshrl.u32 s20, $0x4;
	s20 =	simm.s32 $0x50  }
0xb: {  	s18 =	sor.u32 s10, s9;
	s19 =	sshrl.u32 s3, $0x1;
	s10 =	smul.u32 $0x5A00, s10  }
0xc: {  	s9 =	simm.s32 $0x6;
	[dreg:$0x5] =	wrdreg s17;
	s4 =	sadd.s32 s8, s4  }
0xd: {  	s8 =	smul.u32 $0x2710, s18;
	s3 =	ssub.s32 s3, s19;
	s18 =	simm.s32 $0x32A0  }
0xe: {  	s19 =	simm.s32 $0x9;
	s4 =	sshrl.u32 s4, $0x3;
	s26 =	sshrl.u32 s10, $0x2  }
0xf: {  	s3 =	smax.u32 s3, $0x1;
	s10 =	simm.s32 $0x7;
	s21 =	sshrl.u32 s8, $0x3  }
0x10: {  	v0 =	vimm.s32 $0xFEDCBA98;
	s0 =	sadd.s32 s4, s0;
	[dreg:$0xa] =	wrdreg s3;
	s22 =	sadd.s32 s6, s21  }
0x11: {  	v1 =	vimm.s32 $0x76543210;
	v0 =	vunpack.c.l.s4.s8 v0;
	s23 =	sadd.s32 $0x26E8, s8;
	s4 =	sadd.s32 s7, s21;
	[dreg:$0x6] =	wrdreg s22  }
0x12: {  	v3 =	vimm.s32 $0x1;
	v1 =	vunpack.c.l.s4.s8 v1;
	s11 =	sadd.s32 $0x28, s8;
	s0 =	sadd.s32 $0x43600, s0;
	[dreg:$0x7] =	wrdreg s4  }
0x13: {  	v4 =	vimm.s32 $0x2;
	v5 =	vimm.s32 $0x3;
	v2 =	vunpack.c.0.s8.s32 v0;
	s24 =	sshrl.u32 s23, $0x3;
	s23 =	sadd.s32 s26, s2;
	[dreg:$0xc] =	wrdreg s0  }
0x14: {  	v6 =	vimm.s32 $0x4;
	v7 =	vimm.s32 $0x5;
	v1 =	vunpack.c.0.s8.s32 v1;
	s12 =	sadd.s32 $0x50, s8;
	s25 =	sadd.s32 s6, s24;
	[dreg:$0xb] =	wrdreg s23  }
0x15: {  	v8 =	vimm.s32 $0x6;
	v9 =	vimm.s32 $0x7;
	v2 =	vand.u32 $0xF, v2;
	s21 =	simm.s32 $0x28;
	s4 =	sadd.s32 s7, s24;
	[dreg:$0x8] =	wrdreg s25  }
0x16: {  	v0 =	vimm.f32 $0.0e+00;
	v1 =	vcombine.low v2, v1;
	v2 =	vimm.s32 $0x0;
	s26 =	simm.s32 $0x4920;
	s22 =	simm.s32 $0x78;
	[dreg:$0x9] =	wrdreg s4  }
.LBB2_1:
0x17: {  	s0 =	simm.s32 $0x80;
	s4 =	simm.s32 $0x440  }
.LBB2_2:
0x18: {  	p0 =	sne.s32 s4, $0x59C0;
	[tilespmem:s0+$0x4920] =	vst v0  }
0x19: {  	[tilespmem:s0+$0x3220] =	vst v0  }
0x1a: {  	[tilespmem:s0+$0x3230] =	vst v0  }
0x1b: {  	[tilespmem:s0+$0x3240] =	vst v0  }
0x1c: {  	[tilespmem:s0+$0x3250] =	vst v0  }
0x1d: {  	[tilespmem:s0+$0x3260] =	vst v0  }
0x1e: {  	[tilespmem:s0+$0x3270] =	vst v0  }
0x1f: {  	[tilespmem:s0+$0x3280] =	vst v0  }
0x20: {  	[tilespmem:s0+$0x3290] =	vst v0  }
0x21: {  	[tilespmem:s0+$0x32A0] =	vst v0  }
0x22: {  	[tilespmem:s0+$0x48A0] =	vst v0  }
0x23: {  	[tilespmem:s0+$0x48B0] =	vst v0  }
0x24: {  	[tilespmem:s0+$0x48C0] =	vst v0  }
.Ltmp0:
0x25: {  	[tilespmem:s0+$0x48D0] =	vst v0;
	(pc) =	sbr.rel @p0 .LBB2_2-.Ltmp0, $4  }
0x26: {  	[tilespmem:s0+$0x48E0] =	vst v0  }
0x27: {  	[tilespmem:s0+$0x48F0] =	vst v0  }
0x28: {  	[tilespmem:s0+$0x4900] =	vst v0  }
0x29: {  	[tilespmem:s0+$0x4910] =	vst v0;
	s0 =	sshra.s32 s4, $0x2;
	s4 =	sadd.s32 $0x240, s4  }
0x2a: {  	[tilespmem:s0+$0x4920] =	vst v0  }
0x2b: {  	[tilespmem:s0+$0x3220] =	vst v0  }
0x2c: {  	[tilespmem:s0+$0x3230] =	vst v0  }
0x2d: {  	[tilespmem:s0+$0x3240] =	vst v0  }
0x2e: {  	[tilespmem:s0+$0x3250] =	vst v0  }
0x2f: {  	[tilespmem:s0+$0x3260] =	vst v0  }
0x30: {  	[tilespmem:s0+$0x3270] =	vst v0  }
0x31: {  	[tilespmem:s0+$0x3280] =	vst v0  }
0x32: {  	[tilespmem:s0+$0x3290] =	vst v0  }
0x33: {  	[tilespmem:s0+$0x32A0] =	vst v0  }
0x34: {  	[tilespmem:s0+$0x48A0] =	vst v0  }
0x35: {  	[tilespmem:s0+$0x48B0] =	vst v0  }
0x36: {  	[tilespmem:s0+$0x48C0] =	vst v0  }
0x37: {  	[tilespmem:s0+$0x48D0] =	vst v0  }
0x38: {  	[tilespmem:s0+$0x48E0] =	vst v0  }
0x39: {  	[tilespmem:s0+$0x48F0] =	vst v0;
	p0 =	sne.s32 s17, $0x1  }
.Ltmp1:
0x3a: {  	[tilespmem:s0+$0x4900] =	vst v0;
	(pc) =	sbr.rel @!p0 .LBB2_5-.Ltmp1, $4  }
0x3b: {  	[tilespmem:s0+$0x4910] =	vst v0  }
0x3c: {  	[spmem:s23] =	stream.linear.scatter [tilespmem:s18], [sflag:$0x9], $0x1680, $0x38;
	[tilespmem:$0x1BF30] =	vst v63  }
0x3d: {  	_ =	swait.ge [sflag:s19], $0x1680  }
0x3e: {  	s0 =	sadd.s32 $0xFFFFFFFF, s17;
	s4 =	smov.u32 s23;
	[sflag:s19] =	ssyncset.done $0x0  }
.LBB2_4:
0x3f: {  	p1 =	sne.s32 s0, $0x1;
	[sflag:s19] =	ssyncadd.s32 $0xFFFFE980;
	s4 =	sadd.s32 $0x16800, s4  }
.Ltmp2:
0x40: {  	s0 =	sadd.s32 $0xFFFFFFFF, s0;
	(pc) =	sbr.rel @p1 .LBB2_4-.Ltmp2, $4  }
0x41: {  	_ = 	snop  }
0x42: {  	[spmem:s4] =	stream.linear.scatter [tilespmem:s18], [sflag:$0x9], $0x1680, $0x38;
	[tilespmem:$0x1BF30] =	vst v63  }
0x43: {  	_ =	swait.ge [sflag:s19], $0x1680  }
0x44: {  	[sflag:s19] =	ssyncset.done $0x0  }
.LBB2_5:
0x45: {  	[dreg:$0x4] =	wrdreg s13;
	[sflag:s19] =	ssyncadd.s32 $0xFFFFE980  }
0x46: {  	[bflag:$0x0] =	sbarrier.arrive $0xFFFF  }
0x47: {  	s17 =	simm.s32 $0x0;
	s0 =	rddreg [dreg:$0x6]  }
0x48: {  	[tilespmem:s17], [sflag:$0x9] =	stream.linear.gather [hbm4b:s0+s17], $0x28, $0x38;
	[tilespmem:$0x1BF30] =	vst v63  }
0x49: {  	_ =	swait.ge [sflag:s19], $0x28  }
0x4a: {  	[sflag:s19] =	ssyncset.done $0x0  }
0x4b: {  	s3 =	rddreg [dreg:$0x7];
	[sflag:s19] =	ssyncadd.s32 $0xFFFFFFD8  }
0x4c: {  	[tilespmem:s20], [sflag:$0x9] =	stream.linear.gather [hbm4b:s3+s17], $0x28, $0x38;
	[tilespmem:$0x1BF30] =	vst v63  }
0x4d: {  	_ =	swait.ge [sflag:s19], $0x28  }
0x4e: {  	[sflag:s19] =	ssyncset.done $0x0  }
0x4f: {  	[sflag:s19] =	ssyncadd.s32 $0xFFFFFFD8  }
0x50: {  	[tilespmem:s21], [sflag:$0x9] =	stream.linear.gather [hbm4b:s0+s17], $0x28, $0x38;
	[tilespmem:$0x1BF30] =	vst v63  }
0x51: {  	_ =	swait.ge [sflag:s19], $0x28  }
0x52: {  	[sflag:s19] =	ssyncset.done $0x0  }
0x53: {  	[sflag:s19] =	ssyncadd.s32 $0xFFFFFFD8  }
0x54: {  	[tilespmem:s22], [sflag:$0x9] =	stream.linear.gather [hbm4b:s3+s17], $0x28, $0x38;
	[tilespmem:$0x1BF30] =	vst v63  }
0x55: {  	_ =	swait.ge [sflag:s19], $0x28  }
0x56: {  	[sflag:s19] =	ssyncset.done $0x0  }
0x57: {  	s23 =	simm.s32 $0xA0;
	[sflag:s19] =	ssyncadd.s32 $0xFFFFFFD8  }
0x58: {  	[tilespmem:s23], [sflag:$0x1] =	stream.indirect.gather [hbm4b:s5+s21], $0x10, s17, s21, $0xb8;
	[tilespmem:$0x1BF30] =	vst v63  }
0x59: {  	s24 =	simm.s32 $0x5A0  }
0x5a: {  	[tilespmem:s24], [sflag:$0x3] =	stream.indirect.gather [hbm4b:s5+s21], $0x10, s20, s21, $0xb8;
	[tilespmem:$0x1BF30] =	vst v63  }
0x5b: {  	s25 =	simm.s32 $0xAA0  }
0x5c: {  	[tilespmem:s25], [sflag:$0x5] =	stream.indirect.gather [hbm4b:s1+s21], $0x80, s20, s21, $0xb8;
	[tilespmem:$0x1BF30] =	vst v63  }
0x5d: {  	s8 =	simm.s32 $0x0  }
0x5e: {  	[spmem:s2] =	stream.indirect.scatter.add.f32 [tilespmem:s26], [sflag:$0x8], $0x90, s21, s21, $0xb8;
	[tilespmem:$0x1BF30] =	vst v63  }
.LBB2_6:
0x5f: {  	_ =	swait.ge [sflag:s28], $0x280  }
0x60: {  	[sflag:s28] =	ssyncset.done $0x0  }
0x61: {  	[sflag:s28] =	ssyncadd.s32 $0xFFFFFD80  }
0x62: {  	_ =	swait.ge [sflag:s29], $0x280  }
0x63: {  	[sflag:s29] =	ssyncset.done $0x0  }
0x64: {  	[sflag:s29] =	ssyncadd.s32 $0xFFFFFD80  }
0x65: {  	_ =	swait.ge [sflag:s30], $0x1400  }
0x66: {  	s16 =	smul.u32 $0x50, s8;
	[sflag:s30] =	ssyncset.done $0x0  }
0x67: {  	[sflag:s30] =	ssyncadd.s32 $0xFFFFEC00  }
0x68: {  	s0 =	sadd.s32 s16, s11;
	_ =	swait.ge [sflag:s31], $0x1680  }
0x69: {  	s0 =	sshrl.u32 s0, $0x3;
	[sflag:s31] =	ssyncset.done $0x0  }
0x6a: {  	s3 =	sadd.s32 s6, s0;
	[sflag:s31] =	ssyncadd.s32 $0xFFFFE980  }
0x6b: {  	[tilespmem:s21], [sflag:$0x9] =	stream.linear.gather [hbm4b:s3+s17], $0x28, $0x38;
	[tilespmem:$0x1BF30] =	vst v63  }
0x6c: {  	_ =	swait.ge [sflag:s19], $0x28  }
0x6d: {  	[sflag:s19] =	ssyncset.done $0x0  }
0x6e: {  	s0 =	sadd.s32 s7, s0;
	[sflag:s19] =	ssyncadd.s32 $0xFFFFFFD8  }
0x6f: {  	[tilespmem:s22], [sflag:$0x9] =	stream.linear.gather [hbm4b:s0+s17], $0x28, $0x38;
	[tilespmem:$0x1BF30] =	vst v63  }
0x70: {  	_ =	swait.ge [sflag:s19], $0x28  }
0x71: {  	[sflag:s19] =	ssyncset.done $0x0  }
0x72: {  	s13 =	simm.s32 $0x320;
	[sflag:s19] =	ssyncadd.s32 $0xFFFFFFD8  }
0x73: {  	[tilespmem:s13], [sflag:$0x2] =	stream.indirect.gather [hbm4b:s5+s21], $0x10, s21, s21, $0xb8;
	[tilespmem:$0x1BF30] =	vst v63  }
0x74: {  	s23 =	simm.s32 $0x820  }
0x75: {  	[tilespmem:s23], [sflag:$0x4] =	stream.indirect.gather [hbm4b:s5+s21], $0x10, s22, s21, $0xb8;
	[tilespmem:$0x1BF30] =	vst v63  }
0x76: {  	s24 =	simm.s32 $0x1EA0;
	s25 =	simm.s32 $0x0  }
0x77: {  	[tilespmem:s24], [sflag:$0x6] =	stream.indirect.gather [hbm4b:s1+s21], $0x80, s22, s21, $0xb8;
	[tilespmem:$0x1BF30] =	vst v63  }
0x78: {  	v10 =	vld [tilespmem:s25+$0x5A0];
	_ =	sdelay $0x1  }
0x79: {  	v11 =	vld [tilespmem:s25+$0xA0];
	_ =	sdelay $0x2  }
0x7a: {  	v10 =	vperm.xlane v10, v1;
	_ =	sdelay $0x1  }
0x7b: {  	v10 =	vadd.f32 v10, v11;
	_ =	sdelay $0x1  }
0x7c: {  	v11 =	vmul.f32 $9.999999770e-03, v10;
	_ =	sdelay $0x1  }
0x7d: {  	v10 =	vmax.f32 v10, v11  }
0x7e: {  	v10 =	vmul.f32 $1.442695020e+00, v10;
	_ =	sdelay $0x1  }
0x7f: {  	(erf) = vpow2.f32 v10;
	_ =	sdelay $0x8  }
0x80: {  	s24 =	simm.s32 $0x32E0;
	v10 =	vpop (erf)  }
0x81: {  	s4 =	simm.s32 $0xAE0;
	[tilespmem:s24+$0xFFFFFFC0] =	vst v10  }
0x82: {  	v11 =	vld [tilespmem:s4+$0xFFFFFFC0];
	_ =	sdelay $0x2  }
0x83: {  	v12 =	vperm.xlane v10, v2;
	_ =	sdelay $0x1  }
0x84: {  	v11 =	vmul.f32 v11, v12;
	_ =	sdelay $0x1  }
0x85: {  	[tilespmem:s24+$0xFFFFFFD0] =	vst v11  }
0x86: {  	v11 =	vld [tilespmem:s4+$0xFFFFFFD0];
	_ =	sdelay $0x2  }
0x87: {  	v58 =	vperm.xlane v10, v3;
	_ =	sdelay $0x1  }
0x88: {  	v11 =	vmul.f32 v11, v58;
	_ =	sdelay $0x1  }
0x89: {  	[tilespmem:s24+$0xFFFFFFE0] =	vst v11  }
0x8a: {  	v11 =	vld [tilespmem:s4+$0xFFFFFFE0];
	_ =	sdelay $0x2  }
0x8b: {  	v59 =	vperm.xlane v10, v4;
	_ =	sdelay $0x1  }
0x8c: {  	v11 =	vmul.f32 v11, v59;
	_ =	sdelay $0x1  }
0x8d: {  	[tilespmem:s24+$0xFFFFFFF0] =	vst v11  }
0x8e: {  	v11 =	vld [tilespmem:s4+$0xFFFFFFF0];
	_ =	sdelay $0x2  }
0x8f: {  	v60 =	vperm.xlane v10, v5;
	_ =	sdelay $0x1  }
0x90: {  	v11 =	vmul.f32 v11, v60;
	_ =	sdelay $0x1  }
0x91: {  	[tilespmem:s24+$0x0] =	vst v11  }
0x92: {  	v11 =	vld [tilespmem:s4+$0x0];
	_ =	sdelay $0x2  }
0x93: {  	v61 =	vperm.xlane v10, v6;
	_ =	sdelay $0x1  }
0x94: {  	v11 =	vmul.f32 v11, v61;
	_ =	sdelay $0x1  }
0x95: {  	[tilespmem:s24+$0x10] =	vst v11  }
0x96: {  	v11 =	vld [tilespmem:s4+$0x10];
	_ =	sdelay $0x2  }
0x97: {  	v62 =	vperm.xlane v10, v7;
	_ =	sdelay $0x1  }
0x98: {  	v11 =	vmul.f32 v11, v62;
	_ =	sdelay $0x1  }
0x99: {  	[tilespmem:s24+$0x20] =	vst v11  }
0x9a: {  	v11 =	vld [tilespmem:s4+$0x20];
	_ =	sdelay $0x2  }
0x9b: {  	v63 =	vperm.xlane v10, v8;
	_ =	sdelay $0x1  }
0x9c: {  	v11 =	vmul.f32 v11, v63;
	_ =	sdelay $0x1  }
0x9d: {  	[tilespmem:s24+$0x30] =	vst v11  }
0x9e: {  	v11 =	vld [tilespmem:s4+$0x30];
	_ =	sdelay $0x2  }
0x9f: {  	v10 =	vperm.xlane v10, v9;
	_ =	sdelay $0x1  }
0xa0: {  	s0 =	simm.s32 $0x80;
	s23 =	simm.s32 $0x3370;
	s25 =	simm.s32 $0x40;
	v10 =	vmul.f32 v11, v10  }
.LBB2_7:
0xa1: {  	s13 =	sshra.s32 s25, $0x2;
	s4 =	sadd.s32 $0x80, s4  }
0xa2: {  	[tilespmem:s24+$0x40] =	vst v10;
	s25 =	smov.u32 s0;
	s3 =	sadd.s32 $0x40, s0;
	s24 =	smov.u32 s23  }
0xa3: {  	p1 =	sne.s32 s0, $0x9C0;
	v10 =	vld [tilespmem:s13+$0x5A0];
	_ =	sdelay $0x1  }
0xa4: {  	v11 =	vld [tilespmem:s13+$0xA0];
	_ =	sdelay $0x2  }
0xa5: {  	v10 =	vperm.xlane v10, v1;
	_ =	sdelay $0x1  }
0xa6: {  	v10 =	vadd.f32 v10, v11;
	_ =	sdelay $0x1  }
0xa7: {  	v11 =	vmul.f32 $9.999999770e-03, v10;
	_ =	sdelay $0x1  }
0xa8: {  	v10 =	vmax.f32 v10, v11  }
0xa9: {  	v10 =	vmul.f32 $1.442695020e+00, v10;
	_ =	sdelay $0x1  }
0xaa: {  	(erf) = vpow2.f32 v10;
	_ =	sdelay $0x8  }
0xab: {  	v10 =	vpop (erf)  }
0xac: {  	[tilespmem:s23+$0xFFFFFFC0] =	vst v10  }
0xad: {  	v11 =	vld [tilespmem:s4+$0xFFFFFFC0];
	_ =	sdelay $0x2  }
0xae: {  	v12 =	vperm.xlane v10, v2;
	_ =	sdelay $0x1  }
0xaf: {  	v11 =	vmul.f32 v11, v12;
	_ =	sdelay $0x1  }
0xb0: {  	[tilespmem:s23+$0xFFFFFFD0] =	vst v11  }
0xb1: {  	v11 =	vld [tilespmem:s4+$0xFFFFFFD0];
	_ =	sdelay $0x2  }
0xb2: {  	v12 =	vperm.xlane v10, v3;
	_ =	sdelay $0x1  }
0xb3: {  	v11 =	vmul.f32 v11, v12;
	_ =	sdelay $0x1  }
0xb4: {  	[tilespmem:s23+$0xFFFFFFE0] =	vst v11  }
0xb5: {  	v11 =	vld [tilespmem:s4+$0xFFFFFFE0];
	_ =	sdelay $0x2  }
0xb6: {  	v12 =	vperm.xlane v10, v4;
	_ =	sdelay $0x1  }
0xb7: {  	v11 =	vmul.f32 v11, v12;
	_ =	sdelay $0x1  }
0xb8: {  	[tilespmem:s23+$0xFFFFFFF0] =	vst v11  }
0xb9: {  	v11 =	vld [tilespmem:s4+$0xFFFFFFF0];
	_ =	sdelay $0x2  }
0xba: {  	v12 =	vperm.xlane v10, v5;
	_ =	sdelay $0x1  }
0xbb: {  	v11 =	vmul.f32 v11, v12;
	_ =	sdelay $0x1  }
0xbc: {  	[tilespmem:s23+$0x0] =	vst v11  }
0xbd: {  	v11 =	vld [tilespmem:s4+$0x0];
	_ =	sdelay $0x2  }
0xbe: {  	v12 =	vperm.xlane v10, v6;
	_ =	sdelay $0x1  }
0xbf: {  	v11 =	vmul.f32 v11, v12;
	_ =	sdelay $0x1  }
0xc0: {  	[tilespmem:s23+$0x10] =	vst v11  }
0xc1: {  	v11 =	vld [tilespmem:s4+$0x10];
	_ =	sdelay $0x2  }
0xc2: {  	v12 =	vperm.xlane v10, v7;
	_ =	sdelay $0x1  }
0xc3: {  	v11 =	vmul.f32 v11, v12;
	_ =	sdelay $0x1  }
0xc4: {  	[tilespmem:s23+$0x20] =	vst v11  }
0xc5: {  	v11 =	vld [tilespmem:s4+$0x20];
	_ =	sdelay $0x2  }
0xc6: {  	v12 =	vperm.xlane v10, v8;
	_ =	sdelay $0x1  }
0xc7: {  	v11 =	vmul.f32 v11, v12;
	_ =	sdelay $0x1  }
0xc8: {  	[tilespmem:s23+$0x30] =	vst v11  }
0xc9: {  	v11 =	vld [tilespmem:s4+$0x30];
	_ =	sdelay $0x1  }
.Ltmp3:
0xca: {  	(pc) =	sbr.rel @p1 .LBB2_7-.Ltmp3, $3  }
0xcb: {  	v10 =	vperm.xlane v10, v9;
	_ =	sdelay $0x1  }
0xcc: {  	v10 =	vmul.f32 v11, v10  }
0xcd: {  	s0 =	smov.u32 s3;
	s23 =	sadd.s32 $0x90, s23  }
0xce: {  	s0 =	sshra.s32 s25, $0x2;
	[tilespmem:s24+$0x40] =	vst v10  }
0xcf: {  	v10 =	vld [tilespmem:s0+$0x5A0];
	_ =	sdelay $0x1  }
0xd0: {  	v11 =	vld [tilespmem:s0+$0xA0];
	_ =	sdelay $0x2  }
0xd1: {  	v10 =	vperm.xlane v10, v1;
	_ =	sdelay $0x1  }
0xd2: {  	v10 =	vadd.f32 v10, v11;
	_ =	sdelay $0x1  }
0xd3: {  	v11 =	vmul.f32 $9.999999770e-03, v10;
	_ =	sdelay $0x1  }
0xd4: {  	v10 =	vmax.f32 v10, v11  }
0xd5: {  	v10 =	vmul.f32 $1.442695020e+00, v10;
	_ =	sdelay $0x1  }
0xd6: {  	(erf) = vpow2.f32 v10;
	_ =	sdelay $0x8  }
0xd7: {  	v10 =	vpop (erf)  }
0xd8: {  	s24 =	sadd.s32 $0x80, s4;
	[tilespmem:s23+$0xFFFFFFC0] =	vst v10  }
0xd9: {  	v11 =	vld [tilespmem:s24+$0xFFFFFFC0];
	_ =	sdelay $0x2  }
0xda: {  	v12 =	vperm.xlane v10, v2;
	_ =	sdelay $0x1  }
0xdb: {  	v11 =	vmul.f32 v11, v12;
	_ =	sdelay $0x1  }
0xdc: {  	[tilespmem:s23+$0xFFFFFFD0] =	vst v11  }
0xdd: {  	v11 =	vld [tilespmem:s24+$0xFFFFFFD0];
	_ =	sdelay $0x2  }
0xde: {  	v51 =	vperm.xlane v10, v3;
	_ =	sdelay $0x1  }
0xdf: {  	v11 =	vmul.f32 v11, v51;
	_ =	sdelay $0x1  }
0xe0: {  	[tilespmem:s23+$0xFFFFFFE0] =	vst v11  }
0xe1: {  	v11 =	vld [tilespmem:s24+$0xFFFFFFE0];
	_ =	sdelay $0x2  }
0xe2: {  	v52 =	vperm.xlane v10, v4;
	_ =	sdelay $0x1  }
0xe3: {  	v11 =	vmul.f32 v11, v52;
	_ =	sdelay $0x1  }
0xe4: {  	[tilespmem:s23+$0xFFFFFFF0] =	vst v11  }
0xe5: {  	v11 =	vld [tilespmem:s24+$0xFFFFFFF0];
	_ =	sdelay $0x2  }
0xe6: {  	v53 =	vperm.xlane v10, v5;
	_ =	sdelay $0x1  }
0xe7: {  	v11 =	vmul.f32 v11, v53;
	_ =	sdelay $0x1  }
0xe8: {  	[tilespmem:s23+$0x0] =	vst v11  }
0xe9: {  	v11 =	vld [tilespmem:s24+$0x0];
	_ =	sdelay $0x2  }
0xea: {  	v54 =	vperm.xlane v10, v6;
	_ =	sdelay $0x1  }
0xeb: {  	v11 =	vmul.f32 v11, v54;
	_ =	sdelay $0x1  }
0xec: {  	[tilespmem:s23+$0x10] =	vst v11  }
0xed: {  	v11 =	vld [tilespmem:s24+$0x10];
	_ =	sdelay $0x2  }
0xee: {  	v55 =	vperm.xlane v10, v7;
	_ =	sdelay $0x1  }
0xef: {  	v11 =	vmul.f32 v11, v55;
	_ =	sdelay $0x1  }
0xf0: {  	[tilespmem:s23+$0x20] =	vst v11  }
0xf1: {  	v11 =	vld [tilespmem:s24+$0x20];
	_ =	sdelay $0x2  }
0xf2: {  	v56 =	vperm.xlane v10, v8;
	_ =	sdelay $0x1  }
0xf3: {  	v11 =	vmul.f32 v11, v56;
	_ =	sdelay $0x1  }
0xf4: {  	[tilespmem:s23+$0x30] =	vst v11  }
0xf5: {  	v11 =	vld [tilespmem:s24+$0x30];
	_ =	sdelay $0x2  }
0xf6: {  	v10 =	vperm.xlane v10, v9;
	_ =	sdelay $0x1  }
0xf7: {  	v10 =	vmul.f32 v11, v10;
	_ =	sdelay $0x1  }
0xf8: {  	s25 =	simm.s32 $0x0;
	[tilespmem:s23+$0x40] =	vst v10  }
0xf9: {  	[spmem:s2] =	stream.indirect.scatter.add.f32 [tilespmem:s18], [sflag:$0x7], $0x90, s25, s21, $0xb8;
	[tilespmem:$0x1BF30] =	vst v63  }
0xfa: {  	_ =	swait.ge [sflag:s14], $0x280  }
0xfb: {  	[sflag:s14] =	ssyncset.done $0x0  }
0xfc: {  	[sflag:s14] =	ssyncadd.s32 $0xFFFFFD80  }
0xfd: {  	_ =	swait.ge [sflag:s15], $0x280  }
0xfe: {  	[sflag:s15] =	ssyncset.done $0x0  }
0xff: {  	[sflag:s15] =	ssyncadd.s32 $0xFFFFFD80  }
0x100: {  	_ =	swait.ge [sflag:s9], $0x1400  }
0x101: {  	[sflag:s9] =	ssyncset.done $0x0  }
0x102: {  	[sflag:s9] =	ssyncadd.s32 $0xFFFFEC00  }
0x103: {  	s3 =	sadd.s32 s16, s12;
	_ =	swait.ge [sflag:s10], $0x1680  }
0x104: {  	s3 =	sshrl.u32 s3, $0x3;
	[sflag:s10] =	ssyncset.done $0x0  }
0x105: {  	s13 =	sadd.s32 s6, s3;
	[sflag:s10] =	ssyncadd.s32 $0xFFFFE980  }
0x106: {  	[tilespmem:s25], [sflag:$0x9] =	stream.linear.gather [hbm4b:s13+s25], $0x28, $0x38;
	[tilespmem:$0x1BF30] =	vst v63  }
0x107: {  	_ =	swait.ge [sflag:s19], $0x28  }
0x108: {  	[sflag:s19] =	ssyncset.done $0x0  }
0x109: {  	s3 =	sadd.s32 s7, s3;
	[sflag:s19] =	ssyncadd.s32 $0xFFFFFFD8  }
0x10a: {  	[tilespmem:s20], [sflag:$0x9] =	stream.linear.gather [hbm4b:s3+s25], $0x28, $0x38;
	[tilespmem:$0x1BF30] =	vst v63  }
0x10b: {  	_ =	swait.ge [sflag:s19], $0x28  }
0x10c: {  	[sflag:s19] =	ssyncset.done $0x0  }
0x10d: {  	s16 =	simm.s32 $0xA0;
	[sflag:s19] =	ssyncadd.s32 $0xFFFFFFD8  }
0x10e: {  	[tilespmem:s16], [sflag:$0x1] =	stream.indirect.gather [hbm4b:s5+s21], $0x10, s25, s21, $0xb8;
	[tilespmem:$0x1BF30] =	vst v63  }
0x10f: {  	s23 =	simm.s32 $0x5A0  }
0x110: {  	[tilespmem:s23], [sflag:$0x3] =	stream.indirect.gather [hbm4b:s5+s21], $0x10, s20, s21, $0xb8;
	[tilespmem:$0x1BF30] =	vst v63  }
0x111: {  	s24 =	simm.s32 $0xAA0;
	s25 =	simm.s32 $0x0  }
0x112: {  	[tilespmem:s24], [sflag:$0x5] =	stream.indirect.gather [hbm4b:s1+s21], $0x80, s20, s21, $0xb8;
	[tilespmem:$0x1BF30] =	vst v63  }
0x113: {  	v10 =	vld [tilespmem:s25+$0x820];
	_ =	sdelay $0x1  }
0x114: {  	v11 =	vld [tilespmem:s25+$0x320];
	_ =	sdelay $0x2  }
0x115: {  	v10 =	vperm.xlane v10, v1;
	_ =	sdelay $0x1  }
0x116: {  	v10 =	vadd.f32 v10, v11;
	_ =	sdelay $0x1  }
0x117: {  	v11 =	vmul.f32 $9.999999770e-03, v10;
	_ =	sdelay $0x1  }
0x118: {  	v10 =	vmax.f32 v10, v11  }
0x119: {  	v10 =	vmul.f32 $1.442695020e+00, v10;
	_ =	sdelay $0x1  }
0x11a: {  	(erf) = vpow2.f32 v10;
	_ =	sdelay $0x8  }
0x11b: {  	s23 =	simm.s32 $0x4960;
	v10 =	vpop (erf)  }
0x11c: {  	s4 =	simm.s32 $0x1EE0;
	[tilespmem:s23+$0xFFFFFFC0] =	vst v10  }
0x11d: {  	v11 =	vld [tilespmem:s4+$0xFFFFFFC0];
	_ =	sdelay $0x2  }
0x11e: {  	v57 =	vperm.xlane v10, v2;
	_ =	sdelay $0x1  }
0x11f: {  	v11 =	vmul.f32 v11, v57;
	_ =	sdelay $0x1  }
0x120: {  	[tilespmem:s23+$0xFFFFFFD0] =	vst v11  }
0x121: {  	v11 =	vld [tilespmem:s4+$0xFFFFFFD0];
	_ =	sdelay $0x2  }
0x122: {  	v58 =	vperm.xlane v10, v3;
	_ =	sdelay $0x1  }
0x123: {  	v11 =	vmul.f32 v11, v58;
	_ =	sdelay $0x1  }
0x124: {  	[tilespmem:s23+$0xFFFFFFE0] =	vst v11  }
0x125: {  	v11 =	vld [tilespmem:s4+$0xFFFFFFE0];
	_ =	sdelay $0x2  }
0x126: {  	v59 =	vperm.xlane v10, v4;
	_ =	sdelay $0x1  }
0x127: {  	v11 =	vmul.f32 v11, v59;
	_ =	sdelay $0x1  }
0x128: {  	[tilespmem:s23+$0xFFFFFFF0] =	vst v11  }
0x129: {  	v11 =	vld [tilespmem:s4+$0xFFFFFFF0];
	_ =	sdelay $0x2  }
0x12a: {  	v60 =	vperm.xlane v10, v5;
	_ =	sdelay $0x1  }
0x12b: {  	v11 =	vmul.f32 v11, v60;
	_ =	sdelay $0x1  }
0x12c: {  	[tilespmem:s23+$0x0] =	vst v11  }
0x12d: {  	v11 =	vld [tilespmem:s4+$0x0];
	_ =	sdelay $0x2  }
0x12e: {  	v61 =	vperm.xlane v10, v6;
	_ =	sdelay $0x1  }
0x12f: {  	v11 =	vmul.f32 v11, v61;
	_ =	sdelay $0x1  }
0x130: {  	[tilespmem:s23+$0x10] =	vst v11  }
0x131: {  	v11 =	vld [tilespmem:s4+$0x10];
	_ =	sdelay $0x2  }
0x132: {  	v62 =	vperm.xlane v10, v7;
	_ =	sdelay $0x1  }
0x133: {  	v11 =	vmul.f32 v11, v62;
	_ =	sdelay $0x1  }
0x134: {  	[tilespmem:s23+$0x20] =	vst v11  }
0x135: {  	v11 =	vld [tilespmem:s4+$0x20];
	_ =	sdelay $0x2  }
0x136: {  	v63 =	vperm.xlane v10, v8;
	_ =	sdelay $0x1  }
0x137: {  	v11 =	vmul.f32 v11, v63;
	_ =	sdelay $0x1  }
0x138: {  	[tilespmem:s23+$0x30] =	vst v11  }
0x139: {  	v11 =	vld [tilespmem:s4+$0x30];
	_ =	sdelay $0x2  }
0x13a: {  	v10 =	vperm.xlane v10, v9;
	_ =	sdelay $0x1  }
0x13b: {  	s3 =	simm.s32 $0x80;
	s16 =	simm.s32 $0x49F0;
	s24 =	simm.s32 $0x40;
	v10 =	vmul.f32 v11, v10  }
.LBB2_9:
0x13c: {  	s13 =	sshra.s32 s24, $0x2;
	s4 =	sadd.s32 $0x80, s4  }
0x13d: {  	[tilespmem:s23+$0x40] =	vst v10;
	s24 =	smov.u32 s3;
	s0 =	sadd.s32 $0x40, s3;
	s23 =	smov.u32 s16  }
0x13e: {  	p1 =	sne.s32 s3, $0x9C0;
	v10 =	vld [tilespmem:s13+$0x820];
	_ =	sdelay $0x1  }
0x13f: {  	v11 =	vld [tilespmem:s13+$0x320];
	_ =	sdelay $0x2  }
0x140: {  	v10 =	vperm.xlane v10, v1;
	_ =	sdelay $0x1  }
0x141: {  	v10 =	vadd.f32 v10, v11;
	_ =	sdelay $0x1  }
0x142: {  	v11 =	vmul.f32 $9.999999770e-03, v10;
	_ =	sdelay $0x1  }
0x143: {  	v10 =	vmax.f32 v10, v11  }
0x144: {  	v10 =	vmul.f32 $1.442695020e+00, v10;
	_ =	sdelay $0x1  }
0x145: {  	(erf) = vpow2.f32 v10;
	_ =	sdelay $0x8  }
0x146: {  	v10 =	vpop (erf)  }
0x147: {  	[tilespmem:s16+$0xFFFFFFC0] =	vst v10  }
0x148: {  	v11 =	vld [tilespmem:s4+$0xFFFFFFC0];
	_ =	sdelay $0x2  }
0x149: {  	v12 =	vperm.xlane v10, v2;
	_ =	sdelay $0x1  }
0x14a: {  	v11 =	vmul.f32 v11, v12;
	_ =	sdelay $0x1  }
0x14b: {  	[tilespmem:s16+$0xFFFFFFD0] =	vst v11  }
0x14c: {  	v11 =	vld [tilespmem:s4+$0xFFFFFFD0];
	_ =	sdelay $0x2  }
0x14d: {  	v12 =	vperm.xlane v10, v3;
	_ =	sdelay $0x1  }
0x14e: {  	v11 =	vmul.f32 v11, v12;
	_ =	sdelay $0x1  }
0x14f: {  	[tilespmem:s16+$0xFFFFFFE0] =	vst v11  }
0x150: {  	v11 =	vld [tilespmem:s4+$0xFFFFFFE0];
	_ =	sdelay $0x2  }
0x151: {  	v12 =	vperm.xlane v10, v4;
	_ =	sdelay $0x1  }
0x152: {  	v11 =	vmul.f32 v11, v12;
	_ =	sdelay $0x1  }
0x153: {  	[tilespmem:s16+$0xFFFFFFF0] =	vst v11  }
0x154: {  	v11 =	vld [tilespmem:s4+$0xFFFFFFF0];
	_ =	sdelay $0x2  }
0x155: {  	v12 =	vperm.xlane v10, v5;
	_ =	sdelay $0x1  }
0x156: {  	v11 =	vmul.f32 v11, v12;
	_ =	sdelay $0x1  }
0x157: {  	[tilespmem:s16+$0x0] =	vst v11  }
0x158: {  	v11 =	vld [tilespmem:s4+$0x0];
	_ =	sdelay $0x2  }
0x159: {  	v12 =	vperm.xlane v10, v6;
	_ =	sdelay $0x1  }
0x15a: {  	v11 =	vmul.f32 v11, v12;
	_ =	sdelay $0x1  }
0x15b: {  	[tilespmem:s16+$0x10] =	vst v11  }
0x15c: {  	v11 =	vld [tilespmem:s4+$0x10];
	_ =	sdelay $0x2  }
0x15d: {  	v12 =	vperm.xlane v10, v7;
	_ =	sdelay $0x1  }
0x15e: {  	v11 =	vmul.f32 v11, v12;
	_ =	sdelay $0x1  }
0x15f: {  	[tilespmem:s16+$0x20] =	vst v11  }
0x160: {  	v11 =	vld [tilespmem:s4+$0x20];
	_ =	sdelay $0x2  }
0x161: {  	v12 =	vperm.xlane v10, v8;
	_ =	sdelay $0x1  }
0x162: {  	v11 =	vmul.f32 v11, v12;
	_ =	sdelay $0x1  }
0x163: {  	[tilespmem:s16+$0x30] =	vst v11  }
0x164: {  	v11 =	vld [tilespmem:s4+$0x30];
	_ =	sdelay $0x1  }
.Ltmp4:
0x165: {  	(pc) =	sbr.rel @p1 .LBB2_9-.Ltmp4, $3  }
0x166: {  	v10 =	vperm.xlane v10, v9;
	_ =	sdelay $0x1  }
0x167: {  	v10 =	vmul.f32 v11, v10  }
0x168: {  	s3 =	smov.u32 s0;
	s16 =	sadd.s32 $0x90, s16  }
0x169: {  	s0 =	sshra.s32 s24, $0x2;
	[tilespmem:s23+$0x40] =	vst v10  }
0x16a: {  	v10 =	vld [tilespmem:s0+$0x820];
	_ =	sdelay $0x1  }
0x16b: {  	v11 =	vld [tilespmem:s0+$0x320];
	_ =	sdelay $0x2  }
0x16c: {  	v10 =	vperm.xlane v10, v1;
	_ =	sdelay $0x1  }
0x16d: {  	v10 =	vadd.f32 v10, v11;
	_ =	sdelay $0x1  }
0x16e: {  	v11 =	vmul.f32 $9.999999770e-03, v10;
	_ =	sdelay $0x1  }
0x16f: {  	v10 =	vmax.f32 v10, v11  }
0x170: {  	v10 =	vmul.f32 $1.442695020e+00, v10;
	_ =	sdelay $0x1  }
0x171: {  	(erf) = vpow2.f32 v10;
	_ =	sdelay $0x8  }
0x172: {  	v10 =	vpop (erf)  }
0x173: {  	s25 =	sadd.s32 $0x80, s4;
	[tilespmem:s16+$0xFFFFFFC0] =	vst v10  }
0x174: {  	v11 =	vld [tilespmem:s25+$0xFFFFFFC0];
	_ =	sdelay $0x2  }
0x175: {  	v12 =	vperm.xlane v10, v2;
	_ =	sdelay $0x1  }
0x176: {  	v11 =	vmul.f32 v11, v12;
	_ =	sdelay $0x1  }
0x177: {  	[tilespmem:s16+$0xFFFFFFD0] =	vst v11  }
0x178: {  	v11 =	vld [tilespmem:s25+$0xFFFFFFD0];
	_ =	sdelay $0x2  }
0x179: {  	v58 =	vperm.xlane v10, v3;
	_ =	sdelay $0x1  }
0x17a: {  	v11 =	vmul.f32 v11, v58;
	_ =	sdelay $0x1  }
0x17b: {  	[tilespmem:s16+$0xFFFFFFE0] =	vst v11  }
0x17c: {  	v11 =	vld [tilespmem:s25+$0xFFFFFFE0];
	_ =	sdelay $0x2  }
0x17d: {  	v59 =	vperm.xlane v10, v4;
	_ =	sdelay $0x1  }
0x17e: {  	v11 =	vmul.f32 v11, v59;
	_ =	sdelay $0x1  }
0x17f: {  	[tilespmem:s16+$0xFFFFFFF0] =	vst v11  }
0x180: {  	v11 =	vld [tilespmem:s25+$0xFFFFFFF0];
	_ =	sdelay $0x2  }
0x181: {  	v60 =	vperm.xlane v10, v5;
	_ =	sdelay $0x1  }
0x182: {  	v11 =	vmul.f32 v11, v60;
	_ =	sdelay $0x1  }
0x183: {  	[tilespmem:s16+$0x0] =	vst v11  }
0x184: {  	v11 =	vld [tilespmem:s25+$0x0];
	_ =	sdelay $0x2  }
0x185: {  	v61 =	vperm.xlane v10, v6;
	_ =	sdelay $0x1  }
0x186: {  	v11 =	vmul.f32 v11, v61;
	_ =	sdelay $0x1  }
0x187: {  	[tilespmem:s16+$0x10] =	vst v11  }
0x188: {  	v11 =	vld [tilespmem:s25+$0x10];
	_ =	sdelay $0x2  }
0x189: {  	v62 =	vperm.xlane v10, v7;
	_ =	sdelay $0x1  }
0x18a: {  	v11 =	vmul.f32 v11, v62;
	_ =	sdelay $0x1  }
0x18b: {  	[tilespmem:s16+$0x20] =	vst v11  }
0x18c: {  	v11 =	vld [tilespmem:s25+$0x20];
	_ =	sdelay $0x2  }
0x18d: {  	v63 =	vperm.xlane v10, v8;
	_ =	sdelay $0x1  }
0x18e: {  	v11 =	vmul.f32 v11, v63;
	_ =	sdelay $0x1  }
0x18f: {  	[tilespmem:s16+$0x30] =	vst v11  }
0x190: {  	v11 =	vld [tilespmem:s25+$0x30];
	_ =	sdelay $0x1  }
0x191: {  	s8 =	sadd.s32 $0x1, s8  }
0x192: {  	p1 =	sne.s32 s8, $0x7C;
	v10 =	vperm.xlane v10, v9  }
.Ltmp5:
0x193: {  	_ = 	snop;
	(pc) =	sbr.rel @p1 .LBB2_6-.Ltmp5, $3  }
0x194: {  	v10 =	vmul.f32 v11, v10;
	_ =	sdelay $0x1  }
0x195: {  	[tilespmem:s16+$0x40] =	vst v10  }
0x196: {  	[spmem:s2] =	stream.indirect.scatter.add.f32 [tilespmem:s26], [sflag:$0x8], $0x90, s21, s21, $0xb8;
	[tilespmem:$0x1BF30] =	vst v63  }
0x197: {  	_ =	swait.ge [sflag:s28], $0x280  }
0x198: {  	[sflag:s28] =	ssyncset.done $0x0  }
0x199: {  	[sflag:s28] =	ssyncadd.s32 $0xFFFFFD80  }
0x19a: {  	_ =	swait.ge [sflag:s29], $0x280  }
0x19b: {  	[sflag:s29] =	ssyncset.done $0x0  }
0x19c: {  	[sflag:s29] =	ssyncadd.s32 $0xFFFFFD80  }
0x19d: {  	_ =	swait.ge [sflag:s30], $0x1400  }
0x19e: {  	[sflag:s30] =	ssyncset.done $0x0  }
0x19f: {  	[sflag:s30] =	ssyncadd.s32 $0xFFFFEC00  }
0x1a0: {  	_ =	swait.ge [sflag:s31], $0x1680  }
0x1a1: {  	[sflag:s31] =	ssyncset.done $0x0  }
0x1a2: {  	s0 =	simm.s32 $0x0;
	s3 =	rddreg [dreg:$0x8];
	[sflag:s31] =	ssyncadd.s32 $0xFFFFE980  }
0x1a3: {  	[tilespmem:s21], [sflag:$0x9] =	stream.linear.gather [hbm4b:s3+s0], $0x28, $0x38;
	[tilespmem:$0x1BF30] =	vst v63  }
0x1a4: {  	_ =	swait.ge [sflag:s19], $0x28  }
0x1a5: {  	[sflag:s19] =	ssyncset.done $0x0  }
0x1a6: {  	s16 =	rddreg [dreg:$0x9];
	[sflag:s19] =	ssyncadd.s32 $0xFFFFFFD8  }
0x1a7: {  	[tilespmem:s22], [sflag:$0x9] =	stream.linear.gather [hbm4b:s16+s0], $0x28, $0x38;
	[tilespmem:$0x1BF30] =	vst v63  }
0x1a8: {  	_ =	swait.ge [sflag:s19], $0x28  }
0x1a9: {  	[sflag:s19] =	ssyncset.done $0x0  }
0x1aa: {  	s17 =	simm.s32 $0x320;
	[sflag:s19] =	ssyncadd.s32 $0xFFFFFFD8  }
0x1ab: {  	[tilespmem:s17], [sflag:$0x2] =	stream.indirect.gather [hbm4b:s5+s21], $0x10, s21, s21, $0xb8;
	[tilespmem:$0x1BF30] =	vst v63  }
0x1ac: {  	s23 =	simm.s32 $0x820  }
0x1ad: {  	[tilespmem:s23], [sflag:$0x4] =	stream.indirect.gather [hbm4b:s5+s21], $0x10, s22, s21, $0xb8;
	[tilespmem:$0x1BF30] =	vst v63  }
0x1ae: {  	s24 =	simm.s32 $0x1EA0;
	s25 =	simm.s32 $0x0  }
0x1af: {  	[tilespmem:s24], [sflag:$0x6] =	stream.indirect.gather [hbm4b:s1+s21], $0x80, s22, s21, $0xb8;
	[tilespmem:$0x1BF30] =	vst v63  }
0x1b0: {  	v10 =	vld [tilespmem:s25+$0x5A0];
	_ =	sdelay $0x1  }
0x1b1: {  	v11 =	vld [tilespmem:s25+$0xA0];
	_ =	sdelay $0x2  }
0x1b2: {  	v10 =	vperm.xlane v10, v1;
	_ =	sdelay $0x1  }
0x1b3: {  	v10 =	vadd.f32 v10, v11;
	_ =	sdelay $0x1  }
0x1b4: {  	v11 =	vmul.f32 $9.999999770e-03, v10;
	_ =	sdelay $0x1  }
0x1b5: {  	v10 =	vmax.f32 v10, v11  }
0x1b6: {  	v10 =	vmul.f32 $1.442695020e+00, v10;
	_ =	sdelay $0x1  }
0x1b7: {  	(erf) = vpow2.f32 v10;
	_ =	sdelay $0x8  }
0x1b8: {  	s16 =	simm.s32 $0x32E0;
	v10 =	vpop (erf)  }
0x1b9: {  	s4 =	simm.s32 $0xAE0;
	[tilespmem:s16+$0xFFFFFFC0] =	vst v10  }
0x1ba: {  	v11 =	vld [tilespmem:s4+$0xFFFFFFC0];
	_ =	sdelay $0x2  }
0x1bb: {  	v12 =	vperm.xlane v10, v2;
	_ =	sdelay $0x1  }
0x1bc: {  	v11 =	vmul.f32 v11, v12;
	_ =	sdelay $0x1  }
0x1bd: {  	[tilespmem:s16+$0xFFFFFFD0] =	vst v11  }
0x1be: {  	v11 =	vld [tilespmem:s4+$0xFFFFFFD0];
	_ =	sdelay $0x2  }
0x1bf: {  	v58 =	vperm.xlane v10, v3;
	_ =	sdelay $0x1  }
0x1c0: {  	v11 =	vmul.f32 v11, v58;
	_ =	sdelay $0x1  }
0x1c1: {  	[tilespmem:s16+$0xFFFFFFE0] =	vst v11  }
0x1c2: {  	v11 =	vld [tilespmem:s4+$0xFFFFFFE0];
	_ =	sdelay $0x2  }
0x1c3: {  	v59 =	vperm.xlane v10, v4;
	_ =	sdelay $0x1  }
0x1c4: {  	v11 =	vmul.f32 v11, v59;
	_ =	sdelay $0x1  }
0x1c5: {  	[tilespmem:s16+$0xFFFFFFF0] =	vst v11  }
0x1c6: {  	v11 =	vld [tilespmem:s4+$0xFFFFFFF0];
	_ =	sdelay $0x2  }
0x1c7: {  	v60 =	vperm.xlane v10, v5;
	_ =	sdelay $0x1  }
0x1c8: {  	v11 =	vmul.f32 v11, v60;
	_ =	sdelay $0x1  }
0x1c9: {  	[tilespmem:s16+$0x0] =	vst v11  }
0x1ca: {  	v11 =	vld [tilespmem:s4+$0x0];
	_ =	sdelay $0x2  }
0x1cb: {  	v61 =	vperm.xlane v10, v6;
	_ =	sdelay $0x1  }
0x1cc: {  	v11 =	vmul.f32 v11, v61;
	_ =	sdelay $0x1  }
0x1cd: {  	[tilespmem:s16+$0x10] =	vst v11  }
0x1ce: {  	v11 =	vld [tilespmem:s4+$0x10];
	_ =	sdelay $0x2  }
0x1cf: {  	v62 =	vperm.xlane v10, v7;
	_ =	sdelay $0x1  }
0x1d0: {  	v11 =	vmul.f32 v11, v62;
	_ =	sdelay $0x1  }
0x1d1: {  	[tilespmem:s16+$0x20] =	vst v11  }
0x1d2: {  	v11 =	vld [tilespmem:s4+$0x20];
	_ =	sdelay $0x2  }
0x1d3: {  	v63 =	vperm.xlane v10, v8;
	_ =	sdelay $0x1  }
0x1d4: {  	v11 =	vmul.f32 v11, v63;
	_ =	sdelay $0x1  }
0x1d5: {  	[tilespmem:s16+$0x30] =	vst v11  }
0x1d6: {  	v11 =	vld [tilespmem:s4+$0x30];
	_ =	sdelay $0x2  }
0x1d7: {  	v10 =	vperm.xlane v10, v9;
	_ =	sdelay $0x1  }
0x1d8: {  	s8 =	simm.s32 $0x3370;
	s3 =	simm.s32 $0x80;
	s17 =	simm.s32 $0x40;
	v10 =	vmul.f32 v11, v10  }
.LBB2_12:
0x1d9: {  	s13 =	sshra.s32 s17, $0x2;
	s4 =	sadd.s32 $0x80, s4  }
0x1da: {  	[tilespmem:s16+$0x40] =	vst v10;
	s17 =	smov.u32 s3;
	s0 =	sadd.s32 $0x40, s3;
	s16 =	smov.u32 s8  }
0x1db: {  	p1 =	sne.s32 s3, $0x9C0;
	v10 =	vld [tilespmem:s13+$0x5A0];
	_ =	sdelay $0x1  }
0x1dc: {  	v11 =	vld [tilespmem:s13+$0xA0];
	_ =	sdelay $0x2  }
0x1dd: {  	v10 =	vperm.xlane v10, v1;
	_ =	sdelay $0x1  }
0x1de: {  	v10 =	vadd.f32 v10, v11;
	_ =	sdelay $0x1  }
0x1df: {  	v11 =	vmul.f32 $9.999999770e-03, v10;
	_ =	sdelay $0x1  }
0x1e0: {  	v10 =	vmax.f32 v10, v11  }
0x1e1: {  	v10 =	vmul.f32 $1.442695020e+00, v10;
	_ =	sdelay $0x1  }
0x1e2: {  	(erf) = vpow2.f32 v10;
	_ =	sdelay $0x8  }
0x1e3: {  	v10 =	vpop (erf)  }
0x1e4: {  	[tilespmem:s8+$0xFFFFFFC0] =	vst v10  }
0x1e5: {  	v11 =	vld [tilespmem:s4+$0xFFFFFFC0];
	_ =	sdelay $0x2  }
0x1e6: {  	v12 =	vperm.xlane v10, v2;
	_ =	sdelay $0x1  }
0x1e7: {  	v11 =	vmul.f32 v11, v12;
	_ =	sdelay $0x1  }
0x1e8: {  	[tilespmem:s8+$0xFFFFFFD0] =	vst v11  }
0x1e9: {  	v11 =	vld [tilespmem:s4+$0xFFFFFFD0];
	_ =	sdelay $0x2  }
0x1ea: {  	v12 =	vperm.xlane v10, v3;
	_ =	sdelay $0x1  }
0x1eb: {  	v11 =	vmul.f32 v11, v12;
	_ =	sdelay $0x1  }
0x1ec: {  	[tilespmem:s8+$0xFFFFFFE0] =	vst v11  }
0x1ed: {  	v11 =	vld [tilespmem:s4+$0xFFFFFFE0];
	_ =	sdelay $0x2  }
0x1ee: {  	v12 =	vperm.xlane v10, v4;
	_ =	sdelay $0x1  }
0x1ef: {  	v11 =	vmul.f32 v11, v12;
	_ =	sdelay $0x1  }
0x1f0: {  	[tilespmem:s8+$0xFFFFFFF0] =	vst v11  }
0x1f1: {  	v11 =	vld [tilespmem:s4+$0xFFFFFFF0];
	_ =	sdelay $0x2  }
0x1f2: {  	v12 =	vperm.xlane v10, v5;
	_ =	sdelay $0x1  }
0x1f3: {  	v11 =	vmul.f32 v11, v12;
	_ =	sdelay $0x1  }
0x1f4: {  	[tilespmem:s8+$0x0] =	vst v11  }
0x1f5: {  	v11 =	vld [tilespmem:s4+$0x0];
	_ =	sdelay $0x2  }
0x1f6: {  	v12 =	vperm.xlane v10, v6;
	_ =	sdelay $0x1  }
0x1f7: {  	v11 =	vmul.f32 v11, v12;
	_ =	sdelay $0x1  }
0x1f8: {  	[tilespmem:s8+$0x10] =	vst v11  }
0x1f9: {  	v11 =	vld [tilespmem:s4+$0x10];
	_ =	sdelay $0x2  }
0x1fa: {  	v12 =	vperm.xlane v10, v7;
	_ =	sdelay $0x1  }
0x1fb: {  	v11 =	vmul.f32 v11, v12;
	_ =	sdelay $0x1  }
0x1fc: {  	[tilespmem:s8+$0x20] =	vst v11  }
0x1fd: {  	v11 =	vld [tilespmem:s4+$0x20];
	_ =	sdelay $0x2  }
0x1fe: {  	v12 =	vperm.xlane v10, v8;
	_ =	sdelay $0x1  }
0x1ff: {  	v11 =	vmul.f32 v11, v12;
	_ =	sdelay $0x1  }
0x200: {  	[tilespmem:s8+$0x30] =	vst v11  }
0x201: {  	v11 =	vld [tilespmem:s4+$0x30];
	_ =	sdelay $0x1  }
.Ltmp6:
0x202: {  	(pc) =	sbr.rel @p1 .LBB2_12-.Ltmp6, $3  }
0x203: {  	v10 =	vperm.xlane v10, v9;
	_ =	sdelay $0x1  }
0x204: {  	v10 =	vmul.f32 v11, v10  }
0x205: {  	s3 =	smov.u32 s0;
	s8 =	sadd.s32 $0x90, s8  }
0x206: {  	s0 =	sshra.s32 s17, $0x2;
	[tilespmem:s16+$0x40] =	vst v10  }
0x207: {  	v10 =	vld [tilespmem:s0+$0x5A0];
	_ =	sdelay $0x1  }
0x208: {  	v11 =	vld [tilespmem:s0+$0xA0];
	_ =	sdelay $0x2  }
0x209: {  	v10 =	vperm.xlane v10, v1;
	_ =	sdelay $0x1  }
0x20a: {  	v10 =	vadd.f32 v10, v11;
	_ =	sdelay $0x1  }
0x20b: {  	v11 =	vmul.f32 $9.999999770e-03, v10;
	_ =	sdelay $0x1  }
0x20c: {  	v10 =	vmax.f32 v10, v11  }
0x20d: {  	v10 =	vmul.f32 $1.442695020e+00, v10;
	_ =	sdelay $0x1  }
0x20e: {  	(erf) = vpow2.f32 v10;
	_ =	sdelay $0x8  }
0x20f: {  	v10 =	vpop (erf)  }
0x210: {  	s23 =	sadd.s32 $0x80, s4;
	[tilespmem:s8+$0xFFFFFFC0] =	vst v10  }
0x211: {  	v11 =	vld [tilespmem:s23+$0xFFFFFFC0];
	_ =	sdelay $0x2  }
0x212: {  	v12 =	vperm.xlane v10, v2;
	_ =	sdelay $0x1  }
0x213: {  	v11 =	vmul.f32 v11, v12;
	_ =	sdelay $0x1  }
0x214: {  	[tilespmem:s8+$0xFFFFFFD0] =	vst v11  }
0x215: {  	v11 =	vld [tilespmem:s23+$0xFFFFFFD0];
	_ =	sdelay $0x2  }
0x216: {  	v51 =	vperm.xlane v10, v3;
	_ =	sdelay $0x1  }
0x217: {  	v11 =	vmul.f32 v11, v51;
	_ =	sdelay $0x1  }
0x218: {  	[tilespmem:s8+$0xFFFFFFE0] =	vst v11  }
0x219: {  	v11 =	vld [tilespmem:s23+$0xFFFFFFE0];
	_ =	sdelay $0x2  }
0x21a: {  	v52 =	vperm.xlane v10, v4;
	_ =	sdelay $0x1  }
0x21b: {  	v11 =	vmul.f32 v11, v52;
	_ =	sdelay $0x1  }
0x21c: {  	[tilespmem:s8+$0xFFFFFFF0] =	vst v11  }
0x21d: {  	v11 =	vld [tilespmem:s23+$0xFFFFFFF0];
	_ =	sdelay $0x2  }
0x21e: {  	v53 =	vperm.xlane v10, v5;
	_ =	sdelay $0x1  }
0x21f: {  	v11 =	vmul.f32 v11, v53;
	_ =	sdelay $0x1  }
0x220: {  	[tilespmem:s8+$0x0] =	vst v11  }
0x221: {  	v11 =	vld [tilespmem:s23+$0x0];
	_ =	sdelay $0x2  }
0x222: {  	v54 =	vperm.xlane v10, v6;
	_ =	sdelay $0x1  }
0x223: {  	v11 =	vmul.f32 v11, v54;
	_ =	sdelay $0x1  }
0x224: {  	[tilespmem:s8+$0x10] =	vst v11  }
0x225: {  	v11 =	vld [tilespmem:s23+$0x10];
	_ =	sdelay $0x2  }
0x226: {  	v55 =	vperm.xlane v10, v7;
	_ =	sdelay $0x1  }
0x227: {  	v11 =	vmul.f32 v11, v55;
	_ =	sdelay $0x1  }
0x228: {  	[tilespmem:s8+$0x20] =	vst v11  }
0x229: {  	v11 =	vld [tilespmem:s23+$0x20];
	_ =	sdelay $0x2  }
0x22a: {  	v56 =	vperm.xlane v10, v8;
	_ =	sdelay $0x1  }
0x22b: {  	v11 =	vmul.f32 v11, v56;
	_ =	sdelay $0x1  }
0x22c: {  	[tilespmem:s8+$0x30] =	vst v11  }
0x22d: {  	v11 =	vld [tilespmem:s23+$0x30];
	_ =	sdelay $0x2  }
0x22e: {  	v10 =	vperm.xlane v10, v9;
	_ =	sdelay $0x1  }
0x22f: {  	v10 =	vmul.f32 v11, v10;
	_ =	sdelay $0x1  }
0x230: {  	s24 =	simm.s32 $0x0;
	[tilespmem:s8+$0x40] =	vst v10  }
0x231: {  	[spmem:s2] =	stream.indirect.scatter.add.f32 [tilespmem:s18], [sflag:$0x7], $0x90, s24, s21, $0xb8;
	[tilespmem:$0x1BF30] =	vst v63  }
0x232: {  	_ =	swait.ge [sflag:s14], $0x280  }
0x233: {  	[sflag:s14] =	ssyncset.done $0x0  }
0x234: {  	[sflag:s14] =	ssyncadd.s32 $0xFFFFFD80  }
0x235: {  	_ =	swait.ge [sflag:s15], $0x280  }
0x236: {  	[sflag:s15] =	ssyncset.done $0x0  }
0x237: {  	[sflag:s15] =	ssyncadd.s32 $0xFFFFFD80  }
0x238: {  	_ =	swait.ge [sflag:s9], $0x1400  }
0x239: {  	[sflag:s9] =	ssyncset.done $0x0  }
0x23a: {  	s25 =	simm.s32 $0x0;
	[sflag:s9] =	ssyncadd.s32 $0xFFFFEC00  }
0x23b: {  	v10 =	vld [tilespmem:s25+$0x820];
	_ =	sdelay $0x1  }
0x23c: {  	v11 =	vld [tilespmem:s25+$0x320];
	_ =	sdelay $0x2  }
0x23d: {  	v10 =	vperm.xlane v10, v1;
	_ =	sdelay $0x1  }
0x23e: {  	v10 =	vadd.f32 v10, v11;
	_ =	sdelay $0x1  }
0x23f: {  	v11 =	vmul.f32 $9.999999770e-03, v10;
	_ =	sdelay $0x1  }
0x240: {  	v10 =	vmax.f32 v10, v11  }
0x241: {  	v10 =	vmul.f32 $1.442695020e+00, v10;
	_ =	sdelay $0x1  }
0x242: {  	(erf) = vpow2.f32 v10;
	_ =	sdelay $0x8  }
0x243: {  	s16 =	simm.s32 $0x4960;
	v10 =	vpop (erf)  }
0x244: {  	s4 =	simm.s32 $0x1EE0;
	[tilespmem:s16+$0xFFFFFFC0] =	vst v10  }
0x245: {  	v11 =	vld [tilespmem:s4+$0xFFFFFFC0];
	_ =	sdelay $0x2  }
0x246: {  	v57 =	vperm.xlane v10, v2;
	_ =	sdelay $0x1  }
0x247: {  	v11 =	vmul.f32 v11, v57;
	_ =	sdelay $0x1  }
0x248: {  	[tilespmem:s16+$0xFFFFFFD0] =	vst v11  }
0x249: {  	v11 =	vld [tilespmem:s4+$0xFFFFFFD0];
	_ =	sdelay $0x2  }
0x24a: {  	v58 =	vperm.xlane v10, v3;
	_ =	sdelay $0x1  }
0x24b: {  	v11 =	vmul.f32 v11, v58;
	_ =	sdelay $0x1  }
0x24c: {  	[tilespmem:s16+$0xFFFFFFE0] =	vst v11  }
0x24d: {  	v11 =	vld [tilespmem:s4+$0xFFFFFFE0];
	_ =	sdelay $0x2  }
0x24e: {  	v59 =	vperm.xlane v10, v4;
	_ =	sdelay $0x1  }
0x24f: {  	v11 =	vmul.f32 v11, v59;
	_ =	sdelay $0x1  }
0x250: {  	[tilespmem:s16+$0xFFFFFFF0] =	vst v11  }
0x251: {  	v11 =	vld [tilespmem:s4+$0xFFFFFFF0];
	_ =	sdelay $0x2  }
0x252: {  	v60 =	vperm.xlane v10, v5;
	_ =	sdelay $0x1  }
0x253: {  	v11 =	vmul.f32 v11, v60;
	_ =	sdelay $0x1  }
0x254: {  	[tilespmem:s16+$0x0] =	vst v11  }
0x255: {  	v11 =	vld [tilespmem:s4+$0x0];
	_ =	sdelay $0x2  }
0x256: {  	v61 =	vperm.xlane v10, v6;
	_ =	sdelay $0x1  }
0x257: {  	v11 =	vmul.f32 v11, v61;
	_ =	sdelay $0x1  }
0x258: {  	[tilespmem:s16+$0x10] =	vst v11  }
0x259: {  	v11 =	vld [tilespmem:s4+$0x10];
	_ =	sdelay $0x2  }
0x25a: {  	v62 =	vperm.xlane v10, v7;
	_ =	sdelay $0x1  }
0x25b: {  	v11 =	vmul.f32 v11, v62;
	_ =	sdelay $0x1  }
0x25c: {  	[tilespmem:s16+$0x20] =	vst v11  }
0x25d: {  	v11 =	vld [tilespmem:s4+$0x20];
	_ =	sdelay $0x2  }
0x25e: {  	v63 =	vperm.xlane v10, v8;
	_ =	sdelay $0x1  }
0x25f: {  	v11 =	vmul.f32 v11, v63;
	_ =	sdelay $0x1  }
0x260: {  	[tilespmem:s16+$0x30] =	vst v11  }
0x261: {  	v11 =	vld [tilespmem:s4+$0x30];
	_ =	sdelay $0x2  }
0x262: {  	v10 =	vperm.xlane v10, v9  }
0x263: {  	s17 =	simm.s32 $0x40  }
0x264: {  	s3 =	simm.s32 $0x80;
	s8 =	simm.s32 $0x49F0;
	s23 =	rddreg [dreg:$0xb];
	v10 =	vmul.f32 v11, v10  }
.LBB2_14:
0x265: {  	s13 =	sshra.s32 s17, $0x2;
	s4 =	sadd.s32 $0x80, s4  }
0x266: {  	[tilespmem:s16+$0x40] =	vst v10;
	s17 =	smov.u32 s3;
	s0 =	sadd.s32 $0x40, s3;
	s16 =	smov.u32 s8  }
0x267: {  	p1 =	sne.s32 s3, $0x9C0;
	v10 =	vld [tilespmem:s13+$0x820];
	_ =	sdelay $0x1  }
0x268: {  	v11 =	vld [tilespmem:s13+$0x320];
	_ =	sdelay $0x2  }
0x269: {  	v10 =	vperm.xlane v10, v1;
	_ =	sdelay $0x1  }
0x26a: {  	v10 =	vadd.f32 v10, v11;
	_ =	sdelay $0x1  }
0x26b: {  	v11 =	vmul.f32 $9.999999770e-03, v10;
	_ =	sdelay $0x1  }
0x26c: {  	v10 =	vmax.f32 v10, v11  }
0x26d: {  	v10 =	vmul.f32 $1.442695020e+00, v10;
	_ =	sdelay $0x1  }
0x26e: {  	(erf) = vpow2.f32 v10;
	_ =	sdelay $0x8  }
0x26f: {  	v10 =	vpop (erf)  }
0x270: {  	[tilespmem:s8+$0xFFFFFFC0] =	vst v10  }
0x271: {  	v11 =	vld [tilespmem:s4+$0xFFFFFFC0];
	_ =	sdelay $0x2  }
0x272: {  	v12 =	vperm.xlane v10, v2;
	_ =	sdelay $0x1  }
0x273: {  	v11 =	vmul.f32 v11, v12;
	_ =	sdelay $0x1  }
0x274: {  	[tilespmem:s8+$0xFFFFFFD0] =	vst v11  }
0x275: {  	v11 =	vld [tilespmem:s4+$0xFFFFFFD0];
	_ =	sdelay $0x2  }
0x276: {  	v12 =	vperm.xlane v10, v3;
	_ =	sdelay $0x1  }
0x277: {  	v11 =	vmul.f32 v11, v12;
	_ =	sdelay $0x1  }
0x278: {  	[tilespmem:s8+$0xFFFFFFE0] =	vst v11  }
0x279: {  	v11 =	vld [tilespmem:s4+$0xFFFFFFE0];
	_ =	sdelay $0x2  }
0x27a: {  	v12 =	vperm.xlane v10, v4;
	_ =	sdelay $0x1  }
0x27b: {  	v11 =	vmul.f32 v11, v12;
	_ =	sdelay $0x1  }
0x27c: {  	[tilespmem:s8+$0xFFFFFFF0] =	vst v11  }
0x27d: {  	v11 =	vld [tilespmem:s4+$0xFFFFFFF0];
	_ =	sdelay $0x2  }
0x27e: {  	v12 =	vperm.xlane v10, v5;
	_ =	sdelay $0x1  }
0x27f: {  	v11 =	vmul.f32 v11, v12;
	_ =	sdelay $0x1  }
0x280: {  	[tilespmem:s8+$0x0] =	vst v11  }
0x281: {  	v11 =	vld [tilespmem:s4+$0x0];
	_ =	sdelay $0x2  }
0x282: {  	v12 =	vperm.xlane v10, v6;
	_ =	sdelay $0x1  }
0x283: {  	v11 =	vmul.f32 v11, v12;
	_ =	sdelay $0x1  }
0x284: {  	[tilespmem:s8+$0x10] =	vst v11  }
0x285: {  	v11 =	vld [tilespmem:s4+$0x10];
	_ =	sdelay $0x2  }
0x286: {  	v12 =	vperm.xlane v10, v7;
	_ =	sdelay $0x1  }
0x287: {  	v11 =	vmul.f32 v11, v12;
	_ =	sdelay $0x1  }
0x288: {  	[tilespmem:s8+$0x20] =	vst v11  }
0x289: {  	v11 =	vld [tilespmem:s4+$0x20];
	_ =	sdelay $0x2  }
0x28a: {  	v12 =	vperm.xlane v10, v8;
	_ =	sdelay $0x1  }
0x28b: {  	v11 =	vmul.f32 v11, v12;
	_ =	sdelay $0x1  }
0x28c: {  	[tilespmem:s8+$0x30] =	vst v11  }
0x28d: {  	v11 =	vld [tilespmem:s4+$0x30];
	_ =	sdelay $0x1  }
.Ltmp7:
0x28e: {  	(pc) =	sbr.rel @p1 .LBB2_14-.Ltmp7, $3  }
0x28f: {  	v10 =	vperm.xlane v10, v9;
	_ =	sdelay $0x1  }
0x290: {  	v10 =	vmul.f32 v11, v10  }
0x291: {  	s3 =	smov.u32 s0;
	s8 =	sadd.s32 $0x90, s8  }
0x292: {  	s0 =	sshra.s32 s17, $0x2;
	[tilespmem:s16+$0x40] =	vst v10  }
0x293: {  	v10 =	vld [tilespmem:s0+$0x820];
	_ =	sdelay $0x1  }
0x294: {  	v11 =	vld [tilespmem:s0+$0x320];
	_ =	sdelay $0x2  }
0x295: {  	v10 =	vperm.xlane v10, v1;
	_ =	sdelay $0x1  }
0x296: {  	v10 =	vadd.f32 v10, v11;
	_ =	sdelay $0x1  }
0x297: {  	v11 =	vmul.f32 $9.999999770e-03, v10;
	_ =	sdelay $0x1  }
0x298: {  	v10 =	vmax.f32 v10, v11  }
0x299: {  	v10 =	vmul.f32 $1.442695020e+00, v10;
	_ =	sdelay $0x1  }
0x29a: {  	(erf) = vpow2.f32 v10;
	_ =	sdelay $0x8  }
0x29b: {  	v10 =	vpop (erf)  }
0x29c: {  	s24 =	sadd.s32 $0x80, s4;
	[tilespmem:s8+$0xFFFFFFC0] =	vst v10  }
0x29d: {  	v11 =	vld [tilespmem:s24+$0xFFFFFFC0];
	_ =	sdelay $0x2  }
0x29e: {  	v12 =	vperm.xlane v10, v2;
	_ =	sdelay $0x1  }
0x29f: {  	v11 =	vmul.f32 v11, v12;
	_ =	sdelay $0x1  }
0x2a0: {  	[tilespmem:s8+$0xFFFFFFD0] =	vst v11  }
0x2a1: {  	v11 =	vld [tilespmem:s24+$0xFFFFFFD0];
	_ =	sdelay $0x2  }
0x2a2: {  	v58 =	vperm.xlane v10, v3;
	_ =	sdelay $0x1  }
0x2a3: {  	v11 =	vmul.f32 v11, v58;
	_ =	sdelay $0x1  }
0x2a4: {  	[tilespmem:s8+$0xFFFFFFE0] =	vst v11  }
0x2a5: {  	v11 =	vld [tilespmem:s24+$0xFFFFFFE0];
	_ =	sdelay $0x2  }
0x2a6: {  	v59 =	vperm.xlane v10, v4;
	_ =	sdelay $0x1  }
0x2a7: {  	v11 =	vmul.f32 v11, v59;
	_ =	sdelay $0x1  }
0x2a8: {  	[tilespmem:s8+$0xFFFFFFF0] =	vst v11  }
0x2a9: {  	v11 =	vld [tilespmem:s24+$0xFFFFFFF0];
	_ =	sdelay $0x2  }
0x2aa: {  	v60 =	vperm.xlane v10, v5;
	_ =	sdelay $0x1  }
0x2ab: {  	v11 =	vmul.f32 v11, v60;
	_ =	sdelay $0x1  }
0x2ac: {  	[tilespmem:s8+$0x0] =	vst v11  }
0x2ad: {  	v11 =	vld [tilespmem:s24+$0x0];
	_ =	sdelay $0x2  }
0x2ae: {  	v61 =	vperm.xlane v10, v6;
	_ =	sdelay $0x1  }
0x2af: {  	v11 =	vmul.f32 v11, v61;
	_ =	sdelay $0x1  }
0x2b0: {  	[tilespmem:s8+$0x10] =	vst v11  }
0x2b1: {  	v11 =	vld [tilespmem:s24+$0x10];
	_ =	sdelay $0x2  }
0x2b2: {  	v62 =	vperm.xlane v10, v7;
	_ =	sdelay $0x1  }
0x2b3: {  	v11 =	vmul.f32 v11, v62;
	_ =	sdelay $0x1  }
0x2b4: {  	[tilespmem:s8+$0x20] =	vst v11  }
0x2b5: {  	v11 =	vld [tilespmem:s24+$0x20];
	_ =	sdelay $0x2  }
0x2b6: {  	v63 =	vperm.xlane v10, v8;
	_ =	sdelay $0x1  }
0x2b7: {  	v11 =	vmul.f32 v11, v63;
	_ =	sdelay $0x1  }
0x2b8: {  	[tilespmem:s8+$0x30] =	vst v11  }
0x2b9: {  	v11 =	vld [tilespmem:s24+$0x30];
	_ =	sdelay $0x2  }
0x2ba: {  	v10 =	vperm.xlane v10, v9;
	_ =	sdelay $0x1  }
0x2bb: {  	v10 =	vmul.f32 v11, v10;
	_ =	sdelay $0x1  }
0x2bc: {  	[tilespmem:s8+$0x40] =	vst v10  }
0x2bd: {  	[spmem:s2] =	stream.indirect.scatter.add.f32 [tilespmem:s26], [sflag:$0x8], $0x90, s21, s21, $0xb8;
	[tilespmem:$0x1BF30] =	vst v63  }
0x2be: {  	_ =	swait.ge [sflag:s10], $0x1680  }
0x2bf: {  	[sflag:s10] =	ssyncset.done $0x0  }
0x2c0: {  	[sflag:s10] =	ssyncadd.s32 $0xFFFFE980  }
0x2c1: {  	_ =	swait.ge [sflag:s31], $0x1680  }
0x2c2: {  	[sflag:s31] =	ssyncset.done $0x0  }
0x2c3: {  	s25 =	stileid.u32;
	[sflag:s31] =	ssyncadd.s32 $0xFFFFE980  }
.Ltmp8:
0x2c4: {  	s0 =	sshll.u32 s25, $0x6;
	[bflag:$0x0] =	sbarrier.arrive $0xFFFF;
	(pc) =	sbr.rel @!p0 .LBB2_17-.Ltmp8, $4  }
0x2c5: {  	s3 =	sshrl.u32 s23, $0x3;
	s0 =	sor.u32 $0x1C09, s0;
	s16 =	rddreg [dreg:$0xc]  }
0x2c6: {  	[hbm:s16], [sflag:s0] =	dma.local [spmem:s3], $0x2D0  }
0x2c7: {  	s17 =	rddreg [dreg:$0x5]  }
0x2c8: {  	s8 =	sadd.s32 $0x16800, s23;
	_ =	swait.ge [sflag:s19], $0x2D0;
	s4 =	sadd.s32 $0xFFFFFFFF, s17  }
.LBB2_16:
0x2c9: {  	[sflag:s19] =	ssyncset.done $0x0;
	s16 =	sadd.s32 $0x2D00, s16;
	p0 =	sne.s32 s4, $0x1  }
.Ltmp9:
0x2ca: {  	s3 =	sshrl.u32 s8, $0x3;
	[sflag:s19] =	ssyncadd.s32 $0xFFFFFD30;
	(pc) =	sbr.rel @p0 .LBB2_16-.Ltmp9, $3  }
0x2cb: {  	[hbm:s16], [sflag:s0] =	dma.local [spmem:s3], $0x2D0  }
0x2cc: {  	s4 =	sadd.s32 $0xFFFFFFFF, s4;
	_ =	sdelay $0x1  }
0x2cd: {  	s8 =	sadd.s32 $0x16800, s8;
	_ =	swait.ge [sflag:s19], $0x2D0  }
.LBB2_17:
0x2ce: {  	s13 =	rddreg [dreg:$0x4]  }
0x2cf: {  	s0 =	rddreg [dreg:$0xa];
	s13 =	sadd.s32 $0x1, s13  }
0x2d0: {  	p0 =	sne.s32 s13, s0  }
.Ltmp10:
0x2d1: {  	_ = 	snop;
	(pc) =	sbr.rel @p0 .LBB2_1-.Ltmp10, $3  }
0x2d2: {  	_ =	sdelay $0x1  }
0x2d3: {  	[sflag:s19] =	ssyncset.done $0x0  }
0x2d4: {  	[sflag:s19] =	ssyncadd.s32 $0xFFFFFD30  }
0x2d5: {  	_ =	sfence.sel $0x180000  }
0x2d6: {  	[bflag:$0x0] =	sbarrier.arrive $0xFFFF  }
0x2d7: {  	_ =	strace $0x90000047  }
0x2d8: {  	s0 =	stileid.u32;
	[bflag:$0x2] =	sbarrier.arrive $0xFFFF  }
0x2d9: {  	p0 =	sne.s32 s0, $0x0;
	s0 =	rddreg [dreg:$0x3]  }
0x2da: {  	s0 =	sadd.s32 @!p0 $0x100000, s0  }
0x2db: {  	[sflag:s0] =	ssyncadd.tile.s32 @!p0 $0x1;
	_ =	shalt  }
.Lfunc_end2:
_tile_overlayer_lowered:
.L_overlay_start_2:
0x2dc: {  	(tag) =	ssettag $0x2  }
0x2dd: {  	s0 =	rddreg [dreg:$0x0];
	s2 =	stileid.u32  }
0x2de: {  	s1 =	rddreg [dreg:$0x1];
	p0 =	sne.s32 s2, $0x0  }
0x2df: {  	s3 =	rddreg [dreg:$0x2];
	[bflag:$0x3] =	sbarrier.arrive $0xFFFF;
	s2 =	simm.s32 @!p0 $0x1C09  }
0x2e0: {  	[timem:s3], [sflag:s2] =	dma.local @!p0 [hbm:s0], s1  }
0x2e1: {  	s0 =	simm.s32 @!p0 $0x9  }
0x2e2: {  	_ =	swait.ge @!p0 [sflag:s0], s1  }
0x2e3: {  	s1 =	ssub.s32 @!p0 $0x0, s1;
	[sflag:s0] =	ssyncset.done @!p0 $0x0  }
0x2e4: {  	[sflag:s0] =	ssyncadd.s32 @!p0 s1  }
0x2e5: {  	[bflag:$0x3] =	sbarrier.arrive $0xFFFF  }
0x2e6: {  	_ =	shalt  }

</sc_bundles>
